<compile_context>
chip_gen: v7x
topology: tpu7x:2x2x1
jax: 0.10.2.dev20260603
libtpu: 0.0.44.dev20260713+nightly
codegen_flags: <defaults>
</compile_context>

<pallas_src>
import jax
import jax.numpy as jnp
from jax import lax
from jax.experimental import pallas as pl
from jax.experimental.pallas import tpu as pltpu
from jax.experimental.pallas import tpu_sc as plsc

N_USERS = 1000000
N_ITEMS = 1000000
EMBED_DIM = 16
BATCH = 16384
LAM = 1.0

NC = 2
NS = 16
L = 16
NW = NC * NS
BPW = BATCH // NW
NCHUNK = 4
CHUNK = BPW // NCHUNK
NGROUP = BPW // L

_LN2 = 0.69314718
_SQRT2 = 1.4142135


def _ln(x):
    xi = lax.bitcast_convert_type(x, jnp.int32)
    e = lax.shift_right_arithmetic(xi, 23) - 127
    mi = jnp.bitwise_or(jnp.bitwise_and(xi, 0x007FFFFF), 0x3F800000)
    m = lax.bitcast_convert_type(mi, jnp.float32)
    big = m > _SQRT2
    m = jnp.where(big, m * 0.5, m)
    e = jnp.where(big, e + 1, e)
    ef = e.astype(jnp.float32)
    s = (m - 1.0) / (m + 1.0)
    z = s * s
    p = 2.0 * s * (1.0 + z * (1.0 / 3.0 + z * (0.2 + z * (1.0 / 7.0 + z * (1.0 / 9.0)))))
    return ef * _LN2 + p


def _sigmoid(g):
    return 1.0 / (1.0 + jnp.exp(-g))


def _sc_body(users_hbm, pos_hbm, neg_hbm, utab_hbm, itab_hbm,
             mu_hbm, mi_hbm,
             pos_out, neg_out, reg_out,
             u_idx, p_idx, n_idx,
             us_idx, ps_idx, ns_idx,
             u_rows, p_rows, n_rows,
             mu_rows, mp_rows, mn_rows,
             pos_v, neg_v, reg_v, sem):
    wid = lax.axis_index("s") * NC + lax.axis_index("c")
    base = wid * BPW

    for j in range(NCHUNK):
        off = base + j * CHUNK
        pltpu.sync_copy(users_hbm.at[pl.ds(off, CHUNK)], u_idx.at[j])
        pltpu.sync_copy(pos_hbm.at[pl.ds(off, CHUNK)], p_idx.at[j])
        pltpu.sync_copy(neg_hbm.at[pl.ds(off, CHUNK)], n_idx.at[j])

    for j in range(NCHUNK):
        for r in range(CHUNK // L):
            sl = pl.ds(r * L, L)
            us_idx[j, sl] = lax.shift_right_logical(u_idx[j, sl], 4)
            ps_idx[j, sl] = lax.shift_right_logical(p_idx[j, sl], 4)
            ns_idx[j, sl] = lax.shift_right_logical(n_idx[j, sl], 4)

    copies = []
    for j in range(NCHUNK):
        copies.append(pltpu.async_copy(utab_hbm.at[u_idx.at[j]], u_rows.at[j], sem))
        copies.append(pltpu.async_copy(itab_hbm.at[p_idx.at[j]], p_rows.at[j], sem))
        copies.append(pltpu.async_copy(itab_hbm.at[n_idx.at[j]], n_rows.at[j], sem))
        copies.append(pltpu.async_copy(mu_hbm.at[us_idx.at[j]], mu_rows.at[j], sem))
        copies.append(pltpu.async_copy(mi_hbm.at[ps_idx.at[j]], mp_rows.at[j], sem))
        copies.append(pltpu.async_copy(mi_hbm.at[ns_idx.at[j]], mn_rows.at[j], sem))
    for c in copies:
        c.wait()

    iota = lax.iota(jnp.int32, L)

    def group(g, racc):
        c = lax.shift_right_logical(g, 3)
        rr = jnp.bitwise_and(g, 7) * L + iota
        cvec = jnp.zeros((L,), jnp.int32) + c

        accp = jnp.zeros((L,), jnp.float32)
        accn = jnp.zeros((L,), jnp.float32)
        for d in range(EMBED_DIM):
            dvec = jnp.full((L,), d, jnp.int32)
            u = plsc.load_gather(u_rows, [cvec, rr, dvec])
            p = plsc.load_gather(p_rows, [cvec, rr, dvec])
            n = plsc.load_gather(n_rows, [cvec, rr, dvec])
            dp = u - p
            dn = u - n
            accp = accp + dp * dp
            accn = accn + dn * dn

        iu = plsc.load_gather(u_idx, [cvec, rr])
        ip = plsc.load_gather(p_idx, [cvec, rr])
        in_ = plsc.load_gather(n_idx, [cvec, rr])
        mu = plsc.load_gather(mu_rows, [cvec, rr, jnp.bitwise_and(iu, 15)])
        mp = plsc.load_gather(mp_rows, [cvec, rr, jnp.bitwise_and(ip, 15)])
        mn = plsc.load_gather(mn_rows, [cvec, rr, jnp.bitwise_and(in_, 15)])

        lmu = _ln(jnp.maximum(mu, 0.0) + 1.0)
        lmp = _ln(jnp.maximum(mp, 0.0) + 1.0)
        lmn = _ln(jnp.maximum(mn, 0.0) + 1.0)
        dpos = LAM * _ln(accp + 0.01)
        dneg = LAM * _ln(accn + 0.01)

        sp = _sigmoid(lmu * lmp - dpos)
        sn = _sigmoid(lmu * lmn - dneg)

        pos_v[pl.ds(g * L, L)] = sp
        neg_v[pl.ds(g * L, L)] = sn

        return racc + mu * mu + mp * mp + mn * mn * (1.0 / BATCH)

    racc = lax.fori_loop(0, NGROUP, group, jnp.zeros((L,), jnp.float32))

    reg_v[...] = jnp.zeros((L,), jnp.float32) + jnp.sum(racc)

    pltpu.sync_copy(pos_v, pos_out.at[pl.ds(base, BPW)])
    pltpu.sync_copy(neg_v, neg_out.at[pl.ds(base, BPW)])
    pltpu.sync_copy(reg_v, reg_out.at[wid])


@jax.jit
def _run(users, pos, neg, user_table, item_table, mass_u, mass_i):
    mesh = plsc.VectorSubcoreMesh(core_axis_name="c", subcore_axis_name="s")
    k = pl.kernel(
        _sc_body,
        out_type=[
            jax.ShapeDtypeStruct((BATCH,), jnp.float32),
            jax.ShapeDtypeStruct((BATCH,), jnp.float32),
            jax.ShapeDtypeStruct((NW, L), jnp.float32),
        ],
        mesh=mesh,
        compiler_params=pltpu.CompilerParams(
            needs_layout_passes=False, use_tc_tiling_on_sc=False),
        scratch_types=[
            pltpu.VMEM((NCHUNK, CHUNK), jnp.int32),
            pltpu.VMEM((NCHUNK, CHUNK), jnp.int32),
            pltpu.VMEM((NCHUNK, CHUNK), jnp.int32),
            pltpu.VMEM((NCHUNK, CHUNK), jnp.int32),
            pltpu.VMEM((NCHUNK, CHUNK), jnp.int32),
            pltpu.VMEM((NCHUNK, CHUNK), jnp.int32),
            pltpu.VMEM((NCHUNK, CHUNK, EMBED_DIM), jnp.float32),
            pltpu.VMEM((NCHUNK, CHUNK, EMBED_DIM), jnp.float32),
            pltpu.VMEM((NCHUNK, CHUNK, EMBED_DIM), jnp.float32),
            pltpu.VMEM((NCHUNK, CHUNK, L), jnp.float32),
            pltpu.VMEM((NCHUNK, CHUNK, L), jnp.float32),
            pltpu.VMEM((NCHUNK, CHUNK, L), jnp.float32),
            pltpu.VMEM((BPW,), jnp.float32),
            pltpu.VMEM((BPW,), jnp.float32),
            pltpu.VMEM((L,), jnp.float32),
            pltpu.SemaphoreType.DMA,
        ],
    )
    mu2 = mass_u.reshape(N_USERS // L, L)
    mi2 = mass_i.reshape(N_ITEMS // L, L)
    pos_s, neg_s, regp = k(users, pos, neg, user_table, item_table,
                           mu2, mi2)
    reg_loss = 0.5 * jnp.sum(regp[:, 0])
    return pos_s.reshape(BATCH, 1), neg_s.reshape(BATCH, 1), reg_loss


def kernel(users, pos, neg, user_table, item_table, mass_u, mass_i):
    return _run(users.astype(jnp.int32), pos.astype(jnp.int32),
                neg.astype(jnp.int32), user_table, item_table,
                mass_u, mass_i)

# --- scband reference (transcript-rebuilt; emitter-appended) ---
"""Pipeline reference for scband-basic-model-22385369546772 (READ-ONLY COPY).

The authoritative reference and input builder live on the scoring server;
editing this copy changes nothing except your own understanding.
"""

import jax, jax.numpy as jnp
import numpy as np

N_USERS = 1000000
N_ITEMS = 1000000
EMBED_DIM = 16
BATCH = 16384
LAM = 1.0


def setup_inputs(seed: int = 0) -> dict:
    key = jax.random.key(seed)
    k1, k2, k3, k4, k5, k6, k7 = jax.random.split(key, 7)
    users = jax.random.randint(k1, (BATCH,), 0, N_USERS)
    pos = jax.random.randint(k2, (BATCH,), 0, N_ITEMS)
    neg = jax.random.randint(k3, (BATCH,), 0, N_ITEMS)
    user_table = jax.random.normal(k4, (N_USERS, EMBED_DIM), dtype=jnp.float32) * 0.1
    item_table = jax.random.normal(k5, (N_ITEMS, EMBED_DIM), dtype=jnp.float32) * 0.1
    mass_u = jax.random.normal(k6, (N_USERS, 1), dtype=jnp.float32) * 0.1
    mass_i = jax.random.normal(k7, (N_ITEMS, 1), dtype=jnp.float32) * 0.1
    return {"users": users, "pos": pos, "neg": neg,
            "user_table": user_table, "item_table": item_table,
            "mass_u": mass_u, "mass_i": mass_i}


def reference(users, pos, neg, user_table, item_table, mass_u, mass_i):
    # embedding lookups (gather)
    users_emb = jnp.take(user_table, users, axis=0)
    pos_emb = jnp.take(item_table, pos, axis=0)
    neg_emb = jnp.take(item_table, neg, axis=0)

    def l2_dist(x, y):
        mat = x - y
        dist = jnp.log(jnp.sum(mat * mat, axis=1) + 0.01)
        return LAM * dist

    def gravity(u_emb, i_emb, u_idx, i_idx):
        # mass_mode == 'both'
        mass = (jnp.log(jax.nn.relu(jnp.take(mass_u, u_idx, axis=0)) + 1.0)
                * jnp.log(jax.nn.relu(jnp.take(mass_i, i_idx, axis=0)) + 1.0))
        dist = l2_dist(u_emb, i_emb)  # dist_mode == 'l2'
        g = mass - dist.reshape(-1, 1)
        return jax.nn.sigmoid(g)  # loss_mode != 'brp_gra'

    pos_scores = gravity(users_emb, pos_emb, users, pos)
    neg_scores = gravity(users_emb, neg_emb, users, neg)

    mass_user = jnp.take(mass_u, users, axis=0)
    mass_pos = jnp.take(mass_i, pos, axis=0)
    mass_neg = jnp.take(mass_i, neg, axis=0)
    B = float(users.shape[0])
    # faithful to torch operator precedence: only mass_neg norm divided by B
    reg_loss = 0.5 * (jnp.sum(mass_user ** 2) + jnp.sum(mass_pos ** 2)
                      + jnp.sum(mass_neg ** 2) / B)
    return (pos_scores, neg_scores, reg_loss)

if __name__ == "__main__":
    import jax
    _d = setup_inputs()
    print(jax.jit(kernel)(*tuple(_d.values())))

</pallas_src>

<mosaic_0001>
#map = affine_map<(d0, d1) -> (0)>
#map1 = affine_map<(d0, d1) -> (0, 0)>
module attributes {stable_mosaic.version = 14 : i64} {
  func.func @_sc_body(%arg0: i32, %arg1: i32, %arg2: memref<16384xi32, #tpu.memory_space<hbm>>, %arg3: memref<16384xi32, #tpu.memory_space<hbm>>, %arg4: memref<16384xi32, #tpu.memory_space<hbm>>, %arg5: memref<1000000x16xf32, #tpu.memory_space<hbm>>, %arg6: memref<1000000x16xf32, #tpu.memory_space<hbm>>, %arg7: memref<62500x16xf32, #tpu.memory_space<hbm>>, %arg8: memref<62500x16xf32, #tpu.memory_space<hbm>>, %arg9: memref<16384xf32, #tpu.memory_space<hbm>>, %arg10: memref<16384xf32, #tpu.memory_space<hbm>>, %arg11: memref<32x16xf32, #tpu.memory_space<hbm>>, %arg12: memref<4x128xi32, #tpu.memory_space<vmem>>, %arg13: memref<4x128xi32, #tpu.memory_space<vmem>>, %arg14: memref<4x128xi32, #tpu.memory_space<vmem>>, %arg15: memref<4x128xi32, #tpu.memory_space<vmem>>, %arg16: memref<4x128xi32, #tpu.memory_space<vmem>>, %arg17: memref<4x128xi32, #tpu.memory_space<vmem>>, %arg18: memref<4x128x16xf32, #tpu.memory_space<vmem>>, %arg19: memref<4x128x16xf32, #tpu.memory_space<vmem>>, %arg20: memref<4x128x16xf32, #tpu.memory_space<vmem>>, %arg21: memref<4x128x16xf32, #tpu.memory_space<vmem>>, %arg22: memref<4x128x16xf32, #tpu.memory_space<vmem>>, %arg23: memref<4x128x16xf32, #tpu.memory_space<vmem>>, %arg24: memref<512xf32, #tpu.memory_space<vmem>>, %arg25: memref<512xf32, #tpu.memory_space<vmem>>, %arg26: memref<16xf32, #tpu.memory_space<vmem>>, %arg27: memref<!tpu.dma_semaphore, #tpu.memory_space<semaphore_mem>>) attributes {dimension_semantics = [#tpu.dimension_semantics<core_parallel>, #tpu.dimension_semantics<subcore_parallel>], iteration_bounds = array<i64: 2, 16>, scalar_prefetch = 0 : i64, scratch_operands = 16 : i64, tpu.core_type = #tpu.core_type<sc_vector_subcore>, window_params = [{transform_indices = #map}, {transform_indices = #map}, {transform_indices = #map}, {transform_indices = #map1}, {transform_indices = #map1}, {transform_indices = #map1}, {transform_indices = #map1}, {transform_indices = #map}, {transform_indices = #map}, {transform_indices = #map1}]} {
    %mul3A = arith.constant 2 : i32
    %mul3A_0 = arith.muli %arg1, %mul3A : i32
    %add3A = arith.addi %mul3A_0, %arg0 : i32
    %mul3A_1 = arith.constant 512 : i32
    %mul3A_2 = arith.muli %add3A, %mul3A_1 : i32
    %add3A_3 = arith.constant 0 : i32
    %add3A_4 = arith.addi %mul3A_2, %add3A_3 : i32
    %run_scoped3A = arith.constant 0 : i32
    "tpu.region"() ({
      %run_scoped3A_1664 = tpu.sem_alloc : memref<!tpu.dma_semaphore, #tpu.memory_space<semaphore_mem>>
      %dma_start3A_1665 = arith.constant 0 : i32
      %dma_start3A_1666 = tpu.memref_slice %arg12[%run_scoped3A, %dma_start3A_1665] : memref<4x128xi32, #tpu.memory_space<vmem>> -> memref<1x128xi32, #tpu.memory_space<vmem>>
      %dma_start3A_1667 = tpu.memref_squeeze %dma_start3A_1666 : memref<1x128xi32, #tpu.memory_space<vmem>> -> memref<128xi32, #tpu.memory_space<vmem>>
      %dma_start3A_1668 = tpu.memref_slice %arg2[%add3A_4] : memref<16384xi32, #tpu.memory_space<hbm>> -> memref<128xi32, #tpu.memory_space<hbm>>
      %dma_start3A_1669 = arith.constant 0 : i32
      %dma_start3A_1670 = tpu.memref_slice %arg12[%run_scoped3A, %dma_start3A_1669] : memref<4x128xi32, #tpu.memory_space<vmem>> -> memref<1x128xi32, #tpu.memory_space<vmem>>
      %dma_start3A_1671 = tpu.memref_squeeze %dma_start3A_1670 : memref<1x128xi32, #tpu.memory_space<vmem>> -> memref<128xi32, #tpu.memory_space<vmem>>
      %dma_start3A_1672 = tpu.memref_slice %arg2[%add3A_4] : memref<16384xi32, #tpu.memory_space<hbm>> -> memref<128xi32, #tpu.memory_space<hbm>>
      tpu.enqueue_dma source(%dma_start3A_1672 : memref<128xi32, #tpu.memory_space<hbm>>) target(%dma_start3A_1671 : memref<128xi32, #tpu.memory_space<vmem>>) target_semaphore(%run_scoped3A_1664 : memref<!tpu.dma_semaphore, #tpu.memory_space<semaphore_mem>>)
      %dma_wait3A_1673 = arith.constant 0 : i32
      %dma_wait3A_1674 = tpu.memref_slice %arg12[%run_scoped3A, %dma_wait3A_1673] : memref<4x128xi32, #tpu.memory_space<vmem>> -> memref<1x128xi32, #tpu.memory_space<vmem>>
      %dma_wait3A_1675 = tpu.memref_squeeze %dma_wait3A_1674 : memref<1x128xi32, #tpu.memory_space<vmem>> -> memref<128xi32, #tpu.memory_space<vmem>>
      %dma_wait3A_1676 = tpu.memref_slice %arg2[%add3A_4] : memref<16384xi32, #tpu.memory_space<hbm>> -> memref<128xi32, #tpu.memory_space<hbm>>
      %dma_wait3A_1677 = arith.constant 0 : i32
      %dma_wait3A_1678 = tpu.memref_slice %arg12[%run_scoped3A, %dma_wait3A_1677] : memref<4x128xi32, #tpu.memory_space<vmem>> -> memref<1x128xi32, #tpu.memory_space<vmem>>
      %dma_wait3A_1679 = tpu.memref_squeeze %dma_wait3A_1678 : memref<1x128xi32, #tpu.memory_space<vmem>> -> memref<128xi32, #tpu.memory_space<vmem>>
      %dma_wait3A_1680 = tpu.memref_slice %arg2[%add3A_4] : memref<16384xi32, #tpu.memory_space<hbm>> -> memref<128xi32, #tpu.memory_space<hbm>>
      tpu.wait_dma2 semaphore(%run_scoped3A_1664 : memref<!tpu.dma_semaphore, #tpu.memory_space<semaphore_mem>>) src(%dma_wait3A_1680 : memref<128xi32, #tpu.memory_space<hbm>>) dst(%dma_wait3A_1679 : memref<128xi32, #tpu.memory_space<vmem>>)
      tpu.yield
    }) : () -> ()
    %run_scoped3A_5 = arith.constant 0 : i32
    "tpu.region"() ({
      %run_scoped3A_1664 = tpu.sem_alloc : memref<!tpu.dma_semaphore, #tpu.memory_space<semaphore_mem>>
      %dma_start3A_1665 = arith.constant 0 : i32
      %dma_start3A_1666 = tpu.memref_slice %arg13[%run_scoped3A_5, %dma_start3A_1665] : memref<4x128xi32, #tpu.memory_space<vmem>> -> memref<1x128xi32, #tpu.memory_space<vmem>>
      %dma_start3A_1667 = tpu.memref_squeeze %dma_start3A_1666 : memref<1x128xi32, #tpu.memory_space<vmem>> -> memref<128xi32, #tpu.memory_space<vmem>>
      %dma_start3A_1668 = tpu.memref_slice %arg3[%add3A_4] : memref<16384xi32, #tpu.memory_space<hbm>> -> memref<128xi32, #tpu.memory_space<hbm>>
      %dma_start3A_1669 = arith.constant 0 : i32
      %dma_start3A_1670 = tpu.memref_slice %arg13[%run_scoped3A_5, %dma_start3A_1669] : memref<4x128xi32, #tpu.memory_space<vmem>> -> memref<1x128xi32, #tpu.memory_space<vmem>>
      %dma_start3A_1671 = tpu.memref_squeeze %dma_start3A_1670 : memref<1x128xi32, #tpu.memory_space<vmem>> -> memref<128xi32, #tpu.memory_space<vmem>>
      %dma_start3A_1672 = tpu.memref_slice %arg3[%add3A_4] : memref<16384xi32, #tpu.memory_space<hbm>> -> memref<128xi32, #tpu.memory_space<hbm>>
      tpu.enqueue_dma source(%dma_start3A_1672 : memref<128xi32, #tpu.memory_space<hbm>>) target(%dma_start3A_1671 : memref<128xi32, #tpu.memory_space<vmem>>) target_semaphore(%run_scoped3A_1664 : memref<!tpu.dma_semaphore, #tpu.memory_space<semaphore_mem>>)
      %dma_wait3A_1673 = arith.constant 0 : i32
      %dma_wait3A_1674 = tpu.memref_slice %arg13[%run_scoped3A_5, %dma_wait3A_1673] : memref<4x128xi32, #tpu.memory_space<vmem>> -> memref<1x128xi32, #tpu.memory_space<vmem>>
      %dma_wait3A_1675 = tpu.memref_squeeze %dma_wait3A_1674 : memref<1x128xi32, #tpu.memory_space<vmem>> -> memref<128xi32, #tpu.memory_space<vmem>>
      %dma_wait3A_1676 = tpu.memref_slice %arg3[%add3A_4] : memref<16384xi32, #tpu.memory_space<hbm>> -> memref<128xi32, #tpu.memory_space<hbm>>
      %dma_wait3A_1677 = arith.constant 0 : i32
      %dma_wait3A_1678 = tpu.memref_slice %arg13[%run_scoped3A_5, %dma_wait3A_1677] : memref<4x128xi32, #tpu.memory_space<vmem>> -> memref<1x128xi32, #tpu.memory_space<vmem>>
      %dma_wait3A_1679 = tpu.memref_squeeze %dma_wait3A_1678 : memref<1x128xi32, #tpu.memory_space<vmem>> -> memref<128xi32, #tpu.memory_space<vmem>>
      %dma_wait3A_1680 = tpu.memref_slice %arg3[%add3A_4] : memref<16384xi32, #tpu.memory_space<hbm>> -> memref<128xi32, #tpu.memory_space<hbm>>
      tpu.wait_dma2 semaphore(%run_scoped3A_1664 : memref<!tpu.dma_semaphore, #tpu.memory_space<semaphore_mem>>) src(%dma_wait3A_1680 : memref<128xi32, #tpu.memory_space<hbm>>) dst(%dma_wait3A_1679 : memref<128xi32, #tpu.memory_space<vmem>>)
      tpu.yield
    }) : () -> ()
    %run_scoped3A_6 = arith.constant 0 : i32
    "tpu.region"() ({
      %run_scoped3A_1664 = tpu.sem_alloc : memref<!tpu.dma_semaphore, #tpu.memory_space<semaphore_mem>>
      %dma_start3A_1665 = arith.constant 0 : i32
      %dma_start3A_1666 = tpu.memref_slice %arg14[%run_scoped3A_6, %dma_start3A_1665] : memref<4x128xi32, #tpu.memory_space<vmem>> -> memref<1x128xi32, #tpu.memory_space<vmem>>
      %dma_start3A_1667 = tpu.memref_squeeze %dma_start3A_1666 : memref<1x128xi32, #tpu.memory_space<vmem>> -> memref<128xi32, #tpu.memory_space<vmem>>
      %dma_start3A_1668 = tpu.memref_slice %arg4[%add3A_4] : memref<16384xi32, #tpu.memory_space<hbm>> -> memref<128xi32, #tpu.memory_space<hbm>>
      %dma_start3A_1669 = arith.constant 0 : i32
      %dma_start3A_1670 = tpu.memref_slice %arg14[%run_scoped3A_6, %dma_start3A_1669] : memref<4x128xi32, #tpu.memory_space<vmem>> -> memref<1x128xi32, #tpu.memory_space<vmem>>
      %dma_start3A_1671 = tpu.memref_squeeze %dma_start3A_1670 : memref<1x128xi32, #tpu.memory_space<vmem>> -> memref<128xi32, #tpu.memory_space<vmem>>
      %dma_start3A_1672 = tpu.memref_slice %arg4[%add3A_4] : memref<16384xi32, #tpu.memory_space<hbm>> -> memref<128xi32, #tpu.memory_space<hbm>>
      tpu.enqueue_dma source(%dma_start3A_1672 : memref<128xi32, #tpu.memory_space<hbm>>) target(%dma_start3A_1671 : memref<128xi32, #tpu.memory_space<vmem>>) target_semaphore(%run_scoped3A_1664 : memref<!tpu.dma_semaphore, #tpu.memory_space<semaphore_mem>>)
      %dma_wait3A_1673 = arith.constant 0 : i32
      %dma_wait3A_1674 = tpu.memref_slice %arg14[%run_scoped3A_6, %dma_wait3A_1673] : memref<4x128xi32, #tpu.memory_space<vmem>> -> memref<1x128xi32, #tpu.memory_space<vmem>>
      %dma_wait3A_1675 = tpu.memref_squeeze %dma_wait3A_1674 : memref<1x128xi32, #tpu.memory_space<vmem>> -> memref<128xi32, #tpu.memory_space<vmem>>
      %dma_wait3A_1676 = tpu.memref_slice %arg4[%add3A_4] : memref<16384xi32, #tpu.memory_space<hbm>> -> memref<128xi32, #tpu.memory_space<hbm>>
      %dma_wait3A_1677 = arith.constant 0 : i32
      %dma_wait3A_1678 = tpu.memref_slice %arg14[%run_scoped3A_6, %dma_wait3A_1677] : memref<4x128xi32, #tpu.memory_space<vmem>> -> memref<1x128xi32, #tpu.memory_space<vmem>>
      %dma_wait3A_1679 = tpu.memref_squeeze %dma_wait3A_1678 : memref<1x128xi32, #tpu.memory_space<vmem>> -> memref<128xi32, #tpu.memory_space<vmem>>
      %dma_wait3A_1680 = tpu.memref_slice %arg4[%add3A_4] : memref<16384xi32, #tpu.memory_space<hbm>> -> memref<128xi32, #tpu.memory_space<hbm>>
      tpu.wait_dma2 semaphore(%run_scoped3A_1664 : memref<!tpu.dma_semaphore, #tpu.memory_space<semaphore_mem>>) src(%dma_wait3A_1680 : memref<128xi32, #tpu.memory_space<hbm>>) dst(%dma_wait3A_1679 : memref<128xi32, #tpu.memory_space<vmem>>)
      tpu.yield
    }) : () -> ()
    %add3A_7 = arith.constant 128 : i32
    %add3A_8 = arith.addi %mul3A_2, %add3A_7 : i32
    %run_scoped3A_9 = arith.constant 1 : i32
    "tpu.region"() ({
      %run_scoped3A_1664 = tpu.sem_alloc : memref<!tpu.dma_semaphore, #tpu.memory_space<semaphore_mem>>
      %dma_start3A_1665 = arith.constant 0 : i32
      %dma_start3A_1666 = tpu.memref_slice %arg12[%run_scoped3A_9, %dma_start3A_1665] : memref<4x128xi32, #tpu.memory_space<vmem>> -> memref<1x128xi32, #tpu.memory_space<vmem>>
      %dma_start3A_1667 = tpu.memref_squeeze %dma_start3A_1666 : memref<1x128xi32, #tpu.memory_space<vmem>> -> memref<128xi32, #tpu.memory_space<vmem>>
      %dma_start3A_1668 = tpu.memref_slice %arg2[%add3A_8] : memref<16384xi32, #tpu.memory_space<hbm>> -> memref<128xi32, #tpu.memory_space<hbm>>
      %dma_start3A_1669 = arith.constant 0 : i32
      %dma_start3A_1670 = tpu.memref_slice %arg12[%run_scoped3A_9, %dma_start3A_1669] : memref<4x128xi32, #tpu.memory_space<vmem>> -> memref<1x128xi32, #tpu.memory_space<vmem>>
      %dma_start3A_1671 = tpu.memref_squeeze %dma_start3A_1670 : memref<1x128xi32, #tpu.memory_space<vmem>> -> memref<128xi32, #tpu.memory_space<vmem>>
      %dma_start3A_1672 = tpu.memref_slice %arg2[%add3A_8] : memref<16384xi32, #tpu.memory_space<hbm>> -> memref<128xi32, #tpu.memory_space<hbm>>
      tpu.enqueue_dma source(%dma_start3A_1672 : memref<128xi32, #tpu.memory_space<hbm>>) target(%dma_start3A_1671 : memref<128xi32, #tpu.memory_space<vmem>>) target_semaphore(%run_scoped3A_1664 : memref<!tpu.dma_semaphore, #tpu.memory_space<semaphore_mem>>)
      %dma_wait3A_1673 = arith.constant 0 : i32
      %dma_wait3A_1674 = tpu.memref_slice %arg12[%run_scoped3A_9, %dma_wait3A_1673] : memref<4x128xi32, #tpu.memory_space<vmem>> -> memref<1x128xi32, #tpu.memory_space<vmem>>
      %dma_wait3A_1675 = tpu.memref_squeeze %dma_wait3A_1674 : memref<1x128xi32, #tpu.memory_space<vmem>> -> memref<128xi32, #tpu.memory_space<vmem>>
      %dma_wait3A_1676 = tpu.memref_slice %arg2[%add3A_8] : memref<16384xi32, #tpu.memory_space<hbm>> -> memref<128xi32, #tpu.memory_space<hbm>>
      %dma_wait3A_1677 = arith.constant 0 : i32
      %dma_wait3A_1678 = tpu.memref_slice %arg12[%run_scoped3A_9, %dma_wait3A_1677] : memref<4x128xi32, #tpu.memory_space<vmem>> -> memref<1x128xi32, #tpu.memory_space<vmem>>
      %dma_wait3A_1679 = tpu.memref_squeeze %dma_wait3A_1678 : memref<1x128xi32, #tpu.memory_space<vmem>> -> memref<128xi32, #tpu.memory_space<vmem>>
      %dma_wait3A_1680 = tpu.memref_slice %arg2[%add3A_8] : memref<16384xi32, #tpu.memory_space<hbm>> -> memref<128xi32, #tpu.memory_space<hbm>>
      tpu.wait_dma2 semaphore(%run_scoped3A_1664 : memref<!tpu.dma_semaphore, #tpu.memory_space<semaphore_mem>>) src(%dma_wait3A_1680 : memref<128xi32, #tpu.memory_space<hbm>>) dst(%dma_wait3A_1679 : memref<128xi32, #tpu.memory_space<vmem>>)
      tpu.yield
    }) : () -> ()
    %run_scoped3A_10 = arith.constant 1 : i32
    "tpu.region"() ({
      %run_scoped3A_1664 = tpu.sem_alloc : memref<!tpu.dma_semaphore, #tpu.memory_space<semaphore_mem>>
      %dma_start3A_1665 = arith.constant 0 : i32
      %dma_start3A_1666 = tpu.memref_slice %arg13[%run_scoped3A_10, %dma_start3A_1665] : memref<4x128xi32, #tpu.memory_space<vmem>> -> memref<1x128xi32, #tpu.memory_space<vmem>>
      %dma_start3A_1667 = tpu.memref_squeeze %dma_start3A_1666 : memref<1x128xi32, #tpu.memory_space<vmem>> -> memref<128xi32, #tpu.memory_space<vmem>>
      %dma_start3A_1668 = tpu.memref_slice %arg3[%add3A_8] : memref<16384xi32, #tpu.memory_space<hbm>> -> memref<128xi32, #tpu.memory_space<hbm>>
      %dma_start3A_1669 = arith.constant 0 : i32
      %dma_start3A_1670 = tpu.memref_slice %arg13[%run_scoped3A_10, %dma_start3A_1669] : memref<4x128xi32, #tpu.memory_space<vmem>> -> memref<1x128xi32, #tpu.memory_space<vmem>>
      %dma_start3A_1671 = tpu.memref_squeeze %dma_start3A_1670 : memref<1x128xi32, #tpu.memory_space<vmem>> -> memref<128xi32, #tpu.memory_space<vmem>>
      %dma_start3A_1672 = tpu.memref_slice %arg3[%add3A_8] : memref<16384xi32, #tpu.memory_space<hbm>> -> memref<128xi32, #tpu.memory_space<hbm>>
      tpu.enqueue_dma source(%dma_start3A_1672 : memref<128xi32, #tpu.memory_space<hbm>>) target(%dma_start3A_1671 : memref<128xi32, #tpu.memory_space<vmem>>) target_semaphore(%run_scoped3A_1664 : memref<!tpu.dma_semaphore, #tpu.memory_space<semaphore_mem>>)
      %dma_wait3A_1673 = arith.constant 0 : i32
      %dma_wait3A_1674 = tpu.memref_slice %arg13[%run_scoped3A_10, %dma_wait3A_1673] : memref<4x128xi32, #tpu.memory_space<vmem>> -> memref<1x128xi32, #tpu.memory_space<vmem>>
      %dma_wait3A_1675 = tpu.memref_squeeze %dma_wait3A_1674 : memref<1x128xi32, #tpu.memory_space<vmem>> -> memref<128xi32, #tpu.memory_space<vmem>>
      %dma_wait3A_1676 = tpu.memref_slice %arg3[%add3A_8] : memref<16384xi32, #tpu.memory_space<hbm>> -> memref<128xi32, #tpu.memory_space<hbm>>
      %dma_wait3A_1677 = arith.constant 0 : i32
      %dma_wait3A_1678 = tpu.memref_slice %arg13[%run_scoped3A_10, %dma_wait3A_1677] : memref<4x128xi32, #tpu.memory_space<vmem>> -> memref<1x128xi32, #tpu.memory_space<vmem>>
      %dma_wait3A_1679 = tpu.memref_squeeze %dma_wait3A_1678 : memref<1x128xi32, #tpu.memory_space<vmem>> -> memref<128xi32, #tpu.memory_space<vmem>>
      %dma_wait3A_1680 = tpu.memref_slice %arg3[%add3A_8] : memref<16384xi32, #tpu.memory_space<hbm>> -> memref<128xi32, #tpu.memory_space<hbm>>
      tpu.wait_dma2 semaphore(%run_scoped3A_1664 : memref<!tpu.dma_semaphore, #tpu.memory_space<semaphore_mem>>) src(%dma_wait3A_1680 : memref<128xi32, #tpu.memory_space<hbm>>) dst(%dma_wait3A_1679 : memref<128xi32, #tpu.memory_space<vmem>>)
      tpu.yield
    }) : () -> ()
    %run_scoped3A_11 = arith.constant 1 : i32
    "tpu.region"() ({
      %run_scoped3A_1664 = tpu.sem_alloc : memref<!tpu.dma_semaphore, #tpu.memory_space<semaphore_mem>>
      %dma_start3A_1665 = arith.constant 0 : i32
      %dma_start3A_1666 = tpu.memref_slice %arg14[%run_scoped3A_11, %dma_start3A_1665] : memref<4x128xi32, #tpu.memory_space<vmem>> -> memref<1x128xi32, #tpu.memory_space<vmem>>
      %dma_start3A_1667 = tpu.memref_squeeze %dma_start3A_1666 : memref<1x128xi32, #tpu.memory_space<vmem>> -> memref<128xi32, #tpu.memory_space<vmem>>
      %dma_start3A_1668 = tpu.memref_slice %arg4[%add3A_8] : memref<16384xi32, #tpu.memory_space<hbm>> -> memref<128xi32, #tpu.memory_space<hbm>>
      %dma_start3A_1669 = arith.constant 0 : i32
      %dma_start3A_1670 = tpu.memref_slice %arg14[%run_scoped3A_11, %dma_start3A_1669] : memref<4x128xi32, #tpu.memory_space<vmem>> -> memref<1x128xi32, #tpu.memory_space<vmem>>
      %dma_start3A_1671 = tpu.memref_squeeze %dma_start3A_1670 : memref<1x128xi32, #tpu.memory_space<vmem>> -> memref<128xi32, #tpu.memory_space<vmem>>
      %dma_start3A_1672 = tpu.memref_slice %arg4[%add3A_8] : memref<16384xi32, #tpu.memory_space<hbm>> -> memref<128xi32, #tpu.memory_space<hbm>>
      tpu.enqueue_dma source(%dma_start3A_1672 : memref<128xi32, #tpu.memory_space<hbm>>) target(%dma_start3A_1671 : memref<128xi32, #tpu.memory_space<vmem>>) target_semaphore(%run_scoped3A_1664 : memref<!tpu.dma_semaphore, #tpu.memory_space<semaphore_mem>>)
      %dma_wait3A_1673 = arith.constant 0 : i32
      %dma_wait3A_1674 = tpu.memref_slice %arg14[%run_scoped3A_11, %dma_wait3A_1673] : memref<4x128xi32, #tpu.memory_space<vmem>> -> memref<1x128xi32, #tpu.memory_space<vmem>>
      %dma_wait3A_1675 = tpu.memref_squeeze %dma_wait3A_1674 : memref<1x128xi32, #tpu.memory_space<vmem>> -> memref<128xi32, #tpu.memory_space<vmem>>
      %dma_wait3A_1676 = tpu.memref_slice %arg4[%add3A_8] : memref<16384xi32, #tpu.memory_space<hbm>> -> memref<128xi32, #tpu.memory_space<hbm>>
      %dma_wait3A_1677 = arith.constant 0 : i32
      %dma_wait3A_1678 = tpu.memref_slice %arg14[%run_scoped3A_11, %dma_wait3A_1677] : memref<4x128xi32, #tpu.memory_space<vmem>> -> memref<1x128xi32, #tpu.memory_space<vmem>>
      %dma_wait3A_1679 = tpu.memref_squeeze %dma_wait3A_1678 : memref<1x128xi32, #tpu.memory_space<vmem>> -> memref<128xi32, #tpu.memory_space<vmem>>
      %dma_wait3A_1680 = tpu.memref_slice %arg4[%add3A_8] : memref<16384xi32, #tpu.memory_space<hbm>> -> memref<128xi32, #tpu.memory_space<hbm>>
      tpu.wait_dma2 semaphore(%run_scoped3A_1664 : memref<!tpu.dma_semaphore, #tpu.memory_space<semaphore_mem>>) src(%dma_wait3A_1680 : memref<128xi32, #tpu.memory_space<hbm>>) dst(%dma_wait3A_1679 : memref<128xi32, #tpu.memory_space<vmem>>)
      tpu.yield
    }) : () -> ()
    %add3A_12 = arith.constant 256 : i32
    %add3A_13 = arith.addi %mul3A_2, %add3A_12 : i32
    %run_scoped3A_14 = arith.constant 2 : i32
    "tpu.region"() ({
      %run_scoped3A_1664 = tpu.sem_alloc : memref<!tpu.dma_semaphore, #tpu.memory_space<semaphore_mem>>
      %dma_start3A_1665 = arith.constant 0 : i32
      %dma_start3A_1666 = tpu.memref_slice %arg12[%run_scoped3A_14, %dma_start3A_1665] : memref<4x128xi32, #tpu.memory_space<vmem>> -> memref<1x128xi32, #tpu.memory_space<vmem>>
      %dma_start3A_1667 = tpu.memref_squeeze %dma_start3A_1666 : memref<1x128xi32, #tpu.memory_space<vmem>> -> memref<128xi32, #tpu.memory_space<vmem>>
      %dma_start3A_1668 = tpu.memref_slice %arg2[%add3A_13] : memref<16384xi32, #tpu.memory_space<hbm>> -> memref<128xi32, #tpu.memory_space<hbm>>
      %dma_start3A_1669 = arith.constant 0 : i32
      %dma_start3A_1670 = tpu.memref_slice %arg12[%run_scoped3A_14, %dma_start3A_1669] : memref<4x128xi32, #tpu.memory_space<vmem>> -> memref<1x128xi32, #tpu.memory_space<vmem>>
      %dma_start3A_1671 = tpu.memref_squeeze %dma_start3A_1670 : memref<1x128xi32, #tpu.memory_space<vmem>> -> memref<128xi32, #tpu.memory_space<vmem>>
      %dma_start3A_1672 = tpu.memref_slice %arg2[%add3A_13] : memref<16384xi32, #tpu.memory_space<hbm>> -> memref<128xi32, #tpu.memory_space<hbm>>
      tpu.enqueue_dma source(%dma_start3A_1672 : memref<128xi32, #tpu.memory_space<hbm>>) target(%dma_start3A_1671 : memref<128xi32, #tpu.memory_space<vmem>>) target_semaphore(%run_scoped3A_1664 : memref<!tpu.dma_semaphore, #tpu.memory_space<semaphore_mem>>)
      %dma_wait3A_1673 = arith.constant 0 : i32
      %dma_wait3A_1674 = tpu.memref_slice %arg12[%run_scoped3A_14, %dma_wait3A_1673] : memref<4x128xi32, #tpu.memory_space<vmem>> -> memref<1x128xi32, #tpu.memory_space<vmem>>
      %dma_wait3A_1675 = tpu.memref_squeeze %dma_wait3A_1674 : memref<1x128xi32, #tpu.memory_space<vmem>> -> memref<128xi32, #tpu.memory_space<vmem>>
      %dma_wait3A_1676 = tpu.memref_slice %arg2[%add3A_13] : memref<16384xi32, #tpu.memory_space<hbm>> -> memref<128xi32, #tpu.memory_space<hbm>>
      %dma_wait3A_1677 = arith.constant 0 : i32
      %dma_wait3A_1678 = tpu.memref_slice %arg12[%run_scoped3A_14, %dma_wait3A_1677] : memref<4x128xi32, #tpu.memory_space<vmem>> -> memref<1x128xi32, #tpu.memory_space<vmem>>
      %dma_wait3A_1679 = tpu.memref_squeeze %dma_wait3A_1678 : memref<1x128xi32, #tpu.memory_space<vmem>> -> memref<128xi32, #tpu.memory_space<vmem>>
      %dma_wait3A_1680 = tpu.memref_slice %arg2[%add3A_13] : memref<16384xi32, #tpu.memory_space<hbm>> -> memref<128xi32, #tpu.memory_space<hbm>>
      tpu.wait_dma2 semaphore(%run_scoped3A_1664 : memref<!tpu.dma_semaphore, #tpu.memory_space<semaphore_mem>>) src(%dma_wait3A_1680 : memref<128xi32, #tpu.memory_space<hbm>>) dst(%dma_wait3A_1679 : memref<128xi32, #tpu.memory_space<vmem>>)
      tpu.yield
    }) : () -> ()
    %run_scoped3A_15 = arith.constant 2 : i32
    "tpu.region"() ({
      %run_scoped3A_1664 = tpu.sem_alloc : memref<!tpu.dma_semaphore, #tpu.memory_space<semaphore_mem>>
      %dma_start3A_1665 = arith.constant 0 : i32
      %dma_start3A_1666 = tpu.memref_slice %arg13[%run_scoped3A_15, %dma_start3A_1665] : memref<4x128xi32, #tpu.memory_space<vmem>> -> memref<1x128xi32, #tpu.memory_space<vmem>>
      %dma_start3A_1667 = tpu.memref_squeeze %dma_start3A_1666 : memref<1x128xi32, #tpu.memory_space<vmem>> -> memref<128xi32, #tpu.memory_space<vmem>>
      %dma_start3A_1668 = tpu.memref_slice %arg3[%add3A_13] : memref<16384xi32, #tpu.memory_space<hbm>> -> memref<128xi32, #tpu.memory_space<hbm>>
      %dma_start3A_1669 = arith.constant 0 : i32
      %dma_start3A_1670 = tpu.memref_slice %arg13[%run_scoped3A_15, %dma_start3A_1669] : memref<4x128xi32, #tpu.memory_space<vmem>> -> memref<1x128xi32, #tpu.memory_space<vmem>>
      %dma_start3A_1671 = tpu.memref_squeeze %dma_start3A_1670 : memref<1x128xi32, #tpu.memory_space<vmem>> -> memref<128xi32, #tpu.memory_space<vmem>>
      %dma_start3A_1672 = tpu.memref_slice %arg3[%add3A_13] : memref<16384xi32, #tpu.memory_space<hbm>> -> memref<128xi32, #tpu.memory_space<hbm>>
      tpu.enqueue_dma source(%dma_start3A_1672 : memref<128xi32, #tpu.memory_space<hbm>>) target(%dma_start3A_1671 : memref<128xi32, #tpu.memory_space<vmem>>) target_semaphore(%run_scoped3A_1664 : memref<!tpu.dma_semaphore, #tpu.memory_space<semaphore_mem>>)
      %dma_wait3A_1673 = arith.constant 0 : i32
      %dma_wait3A_1674 = tpu.memref_slice %arg13[%run_scoped3A_15, %dma_wait3A_1673] : memref<4x128xi32, #tpu.memory_space<vmem>> -> memref<1x128xi32, #tpu.memory_space<vmem>>
      %dma_wait3A_1675 = tpu.memref_squeeze %dma_wait3A_1674 : memref<1x128xi32, #tpu.memory_space<vmem>> -> memref<128xi32, #tpu.memory_space<vmem>>
      %dma_wait3A_1676 = tpu.memref_slice %arg3[%add3A_13] : memref<16384xi32, #tpu.memory_space<hbm>> -> memref<128xi32, #tpu.memory_space<hbm>>
      %dma_wait3A_1677 = arith.constant 0 : i32
      %dma_wait3A_1678 = tpu.memref_slice %arg13[%run_scoped3A_15, %dma_wait3A_1677] : memref<4x128xi32, #tpu.memory_space<vmem>> -> memref<1x128xi32, #tpu.memory_space<vmem>>
      %dma_wait3A_1679 = tpu.memref_squeeze %dma_wait3A_1678 : memref<1x128xi32, #tpu.memory_space<vmem>> -> memref<128xi32, #tpu.memory_space<vmem>>
      %dma_wait3A_1680 = tpu.memref_slice %arg3[%add3A_13] : memref<16384xi32, #tpu.memory_space<hbm>> -> memref<128xi32, #tpu.memory_space<hbm>>
      tpu.wait_dma2 semaphore(%run_scoped3A_1664 : memref<!tpu.dma_semaphore, #tpu.memory_space<semaphore_mem>>) src(%dma_wait3A_1680 : memref<128xi32, #tpu.memory_space<hbm>>) dst(%dma_wait3A_1679 : memref<128xi32, #tpu.memory_space<vmem>>)
      tpu.yield
    }) : () -> ()
    %run_scoped3A_16 = arith.constant 2 : i32
    "tpu.region"() ({
      %run_scoped3A_1664 = tpu.sem_alloc : memref<!tpu.dma_semaphore, #tpu.memory_space<semaphore_mem>>
      %dma_start3A_1665 = arith.constant 0 : i32
      %dma_start3A_1666 = tpu.memref_slice %arg14[%run_scoped3A_16, %dma_start3A_1665] : memref<4x128xi32, #tpu.memory_space<vmem>> -> memref<1x128xi32, #tpu.memory_space<vmem>>
      %dma_start3A_1667 = tpu.memref_squeeze %dma_start3A_1666 : memref<1x128xi32, #tpu.memory_space<vmem>> -> memref<128xi32, #tpu.memory_space<vmem>>
      %dma_start3A_1668 = tpu.memref_slice %arg4[%add3A_13] : memref<16384xi32, #tpu.memory_space<hbm>> -> memref<128xi32, #tpu.memory_space<hbm>>
      %dma_start3A_1669 = arith.constant 0 : i32
      %dma_start3A_1670 = tpu.memref_slice %arg14[%run_scoped3A_16, %dma_start3A_1669] : memref<4x128xi32, #tpu.memory_space<vmem>> -> memref<1x128xi32, #tpu.memory_space<vmem>>
      %dma_start3A_1671 = tpu.memref_squeeze %dma_start3A_1670 : memref<1x128xi32, #tpu.memory_space<vmem>> -> memref<128xi32, #tpu.memory_space<vmem>>
      %dma_start3A_1672 = tpu.memref_slice %arg4[%add3A_13] : memref<16384xi32, #tpu.memory_space<hbm>> -> memref<128xi32, #tpu.memory_space<hbm>>
      tpu.enqueue_dma source(%dma_start3A_1672 : memref<128xi32, #tpu.memory_space<hbm>>) target(%dma_start3A_1671 : memref<128xi32, #tpu.memory_space<vmem>>) target_semaphore(%run_scoped3A_1664 : memref<!tpu.dma_semaphore, #tpu.memory_space<semaphore_mem>>)
      %dma_wait3A_1673 = arith.constant 0 : i32
      %dma_wait3A_1674 = tpu.memref_slice %arg14[%run_scoped3A_16, %dma_wait3A_1673] : memref<4x128xi32, #tpu.memory_space<vmem>> -> memref<1x128xi32, #tpu.memory_space<vmem>>
      %dma_wait3A_1675 = tpu.memref_squeeze %dma_wait3A_1674 : memref<1x128xi32, #tpu.memory_space<vmem>> -> memref<128xi32, #tpu.memory_space<vmem>>
      %dma_wait3A_1676 = tpu.memref_slice %arg4[%add3A_13] : memref<16384xi32, #tpu.memory_space<hbm>> -> memref<128xi32, #tpu.memory_space<hbm>>
      %dma_wait3A_1677 = arith.constant 0 : i32
      %dma_wait3A_1678 = tpu.memref_slice %arg14[%run_scoped3A_16, %dma_wait3A_1677] : memref<4x128xi32, #tpu.memory_space<vmem>> -> memref<1x128xi32, #tpu.memory_space<vmem>>
      %dma_wait3A_1679 = tpu.memref_squeeze %dma_wait3A_1678 : memref<1x128xi32, #tpu.memory_space<vmem>> -> memref<128xi32, #tpu.memory_space<vmem>>
      %dma_wait3A_1680 = tpu.memref_slice %arg4[%add3A_13] : memref<16384xi32, #tpu.memory_space<hbm>> -> memref<128xi32, #tpu.memory_space<hbm>>
      tpu.wait_dma2 semaphore(%run_scoped3A_1664 : memref<!tpu.dma_semaphore, #tpu.memory_space<semaphore_mem>>) src(%dma_wait3A_1680 : memref<128xi32, #tpu.memory_space<hbm>>) dst(%dma_wait3A_1679 : memref<128xi32, #tpu.memory_space<vmem>>)
      tpu.yield
    }) : () -> ()
    %add3A_17 = arith.constant 384 : i32
    %add3A_18 = arith.addi %mul3A_2, %add3A_17 : i32
    %run_scoped3A_19 = arith.constant 3 : i32
    "tpu.region"() ({
      %run_scoped3A_1664 = tpu.sem_alloc : memref<!tpu.dma_semaphore, #tpu.memory_space<semaphore_mem>>
      %dma_start3A_1665 = arith.constant 0 : i32
      %dma_start3A_1666 = tpu.memref_slice %arg12[%run_scoped3A_19, %dma_start3A_1665] : memref<4x128xi32, #tpu.memory_space<vmem>> -> memref<1x128xi32, #tpu.memory_space<vmem>>
      %dma_start3A_1667 = tpu.memref_squeeze %dma_start3A_1666 : memref<1x128xi32, #tpu.memory_space<vmem>> -> memref<128xi32, #tpu.memory_space<vmem>>
      %dma_start3A_1668 = tpu.memref_slice %arg2[%add3A_18] : memref<16384xi32, #tpu.memory_space<hbm>> -> memref<128xi32, #tpu.memory_space<hbm>>
      %dma_start3A_1669 = arith.constant 0 : i32
      %dma_start3A_1670 = tpu.memref_slice %arg12[%run_scoped3A_19, %dma_start3A_1669] : memref<4x128xi32, #tpu.memory_space<vmem>> -> memref<1x128xi32, #tpu.memory_space<vmem>>
      %dma_start3A_1671 = tpu.memref_squeeze %dma_start3A_1670 : memref<1x128xi32, #tpu.memory_space<vmem>> -> memref<128xi32, #tpu.memory_space<vmem>>
      %dma_start3A_1672 = tpu.memref_slice %arg2[%add3A_18] : memref<16384xi32, #tpu.memory_space<hbm>> -> memref<128xi32, #tpu.memory_space<hbm>>
      tpu.enqueue_dma source(%dma_start3A_1672 : memref<128xi32, #tpu.memory_space<hbm>>) target(%dma_start3A_1671 : memref<128xi32, #tpu.memory_space<vmem>>) target_semaphore(%run_scoped3A_1664 : memref<!tpu.dma_semaphore, #tpu.memory_space<semaphore_mem>>)
      %dma_wait3A_1673 = arith.constant 0 : i32
      %dma_wait3A_1674 = tpu.memref_slice %arg12[%run_scoped3A_19, %dma_wait3A_1673] : memref<4x128xi32, #tpu.memory_space<vmem>> -> memref<1x128xi32, #tpu.memory_space<vmem>>
      %dma_wait3A_1675 = tpu.memref_squeeze %dma_wait3A_1674 : memref<1x128xi32, #tpu.memory_space<vmem>> -> memref<128xi32, #tpu.memory_space<vmem>>
      %dma_wait3A_1676 = tpu.memref_slice %arg2[%add3A_18] : memref<16384xi32, #tpu.memory_space<hbm>> -> memref<128xi32, #tpu.memory_space<hbm>>
      %dma_wait3A_1677 = arith.constant 0 : i32
      %dma_wait3A_1678 = tpu.memref_slice %arg12[%run_scoped3A_19, %dma_wait3A_1677] : memref<4x128xi32, #tpu.memory_space<vmem>> -> memref<1x128xi32, #tpu.memory_space<vmem>>
      %dma_wait3A_1679 = tpu.memref_squeeze %dma_wait3A_1678 : memref<1x128xi32, #tpu.memory_space<vmem>> -> memref<128xi32, #tpu.memory_space<vmem>>
      %dma_wait3A_1680 = tpu.memref_slice %arg2[%add3A_18] : memref<16384xi32, #tpu.memory_space<hbm>> -> memref<128xi32, #tpu.memory_space<hbm>>
      tpu.wait_dma2 semaphore(%run_scoped3A_1664 : memref<!tpu.dma_semaphore, #tpu.memory_space<semaphore_mem>>) src(%dma_wait3A_1680 : memref<128xi32, #tpu.memory_space<hbm>>) dst(%dma_wait3A_1679 : memref<128xi32, #tpu.memory_space<vmem>>)
      tpu.yield
    }) : () -> ()
    %run_scoped3A_20 = arith.constant 3 : i32
    "tpu.region"() ({
      %run_scoped3A_1664 = tpu.sem_alloc : memref<!tpu.dma_semaphore, #tpu.memory_space<semaphore_mem>>
      %dma_start3A_1665 = arith.constant 0 : i32
      %dma_start3A_1666 = tpu.memref_slice %arg13[%run_scoped3A_20, %dma_start3A_1665] : memref<4x128xi32, #tpu.memory_space<vmem>> -> memref<1x128xi32, #tpu.memory_space<vmem>>
      %dma_start3A_1667 = tpu.memref_squeeze %dma_start3A_1666 : memref<1x128xi32, #tpu.memory_space<vmem>> -> memref<128xi32, #tpu.memory_space<vmem>>
      %dma_start3A_1668 = tpu.memref_slice %arg3[%add3A_18] : memref<16384xi32, #tpu.memory_space<hbm>> -> memref<128xi32, #tpu.memory_space<hbm>>
      %dma_start3A_1669 = arith.constant 0 : i32
      %dma_start3A_1670 = tpu.memref_slice %arg13[%run_scoped3A_20, %dma_start3A_1669] : memref<4x128xi32, #tpu.memory_space<vmem>> -> memref<1x128xi32, #tpu.memory_space<vmem>>
      %dma_start3A_1671 = tpu.memref_squeeze %dma_start3A_1670 : memref<1x128xi32, #tpu.memory_space<vmem>> -> memref<128xi32, #tpu.memory_space<vmem>>
      %dma_start3A_1672 = tpu.memref_slice %arg3[%add3A_18] : memref<16384xi32, #tpu.memory_space<hbm>> -> memref<128xi32, #tpu.memory_space<hbm>>
      tpu.enqueue_dma source(%dma_start3A_1672 : memref<128xi32, #tpu.memory_space<hbm>>) target(%dma_start3A_1671 : memref<128xi32, #tpu.memory_space<vmem>>) target_semaphore(%run_scoped3A_1664 : memref<!tpu.dma_semaphore, #tpu.memory_space<semaphore_mem>>)
      %dma_wait3A_1673 = arith.constant 0 : i32
      %dma_wait3A_1674 = tpu.memref_slice %arg13[%run_scoped3A_20, %dma_wait3A_1673] : memref<4x128xi32, #tpu.memory_space<vmem>> -> memref<1x128xi32, #tpu.memory_space<vmem>>
      %dma_wait3A_1675 = tpu.memref_squeeze %dma_wait3A_1674 : memref<1x128xi32, #tpu.memory_space<vmem>> -> memref<128xi32, #tpu.memory_space<vmem>>
      %dma_wait3A_1676 = tpu.memref_slice %arg3[%add3A_18] : memref<16384xi32, #tpu.memory_space<hbm>> -> memref<128xi32, #tpu.memory_space<hbm>>
      %dma_wait3A_1677 = arith.constant 0 : i32
      %dma_wait3A_1678 = tpu.memref_slice %arg13[%run_scoped3A_20, %dma_wait3A_1677] : memref<4x128xi32, #tpu.memory_space<vmem>> -> memref<1x128xi32, #tpu.memory_space<vmem>>
      %dma_wait3A_1679 = tpu.memref_squeeze %dma_wait3A_1678 : memref<1x128xi32, #tpu.memory_space<vmem>> -> memref<128xi32, #tpu.memory_space<vmem>>
      %dma_wait3A_1680 = tpu.memref_slice %arg3[%add3A_18] : memref<16384xi32, #tpu.memory_space<hbm>> -> memref<128xi32, #tpu.memory_space<hbm>>
      tpu.wait_dma2 semaphore(%run_scoped3A_1664 : memref<!tpu.dma_semaphore, #tpu.memory_space<semaphore_mem>>) src(%dma_wait3A_1680 : memref<128xi32, #tpu.memory_space<hbm>>) dst(%dma_wait3A_1679 : memref<128xi32, #tpu.memory_space<vmem>>)
      tpu.yield
    }) : () -> ()
    %run_scoped3A_21 = arith.constant 3 : i32
    "tpu.region"() ({
      %run_scoped3A_1664 = tpu.sem_alloc : memref<!tpu.dma_semaphore, #tpu.memory_space<semaphore_mem>>
      %dma_start3A_1665 = arith.constant 0 : i32
      %dma_start3A_1666 = tpu.memref_slice %arg14[%run_scoped3A_21, %dma_start3A_1665] : memref<4x128xi32, #tpu.memory_space<vmem>> -> memref<1x128xi32, #tpu.memory_space<vmem>>
      %dma_start3A_1667 = tpu.memref_squeeze %dma_start3A_1666 : memref<1x128xi32, #tpu.memory_space<vmem>> -> memref<128xi32, #tpu.memory_space<vmem>>
      %dma_start3A_1668 = tpu.memref_slice %arg4[%add3A_18] : memref<16384xi32, #tpu.memory_space<hbm>> -> memref<128xi32, #tpu.memory_space<hbm>>
      %dma_start3A_1669 = arith.constant 0 : i32
      %dma_start3A_1670 = tpu.memref_slice %arg14[%run_scoped3A_21, %dma_start3A_1669] : memref<4x128xi32, #tpu.memory_space<vmem>> -> memref<1x128xi32, #tpu.memory_space<vmem>>
      %dma_start3A_1671 = tpu.memref_squeeze %dma_start3A_1670 : memref<1x128xi32, #tpu.memory_space<vmem>> -> memref<128xi32, #tpu.memory_space<vmem>>
      %dma_start3A_1672 = tpu.memref_slice %arg4[%add3A_18] : memref<16384xi32, #tpu.memory_space<hbm>> -> memref<128xi32, #tpu.memory_space<hbm>>
      tpu.enqueue_dma source(%dma_start3A_1672 : memref<128xi32, #tpu.memory_space<hbm>>) target(%dma_start3A_1671 : memref<128xi32, #tpu.memory_space<vmem>>) target_semaphore(%run_scoped3A_1664 : memref<!tpu.dma_semaphore, #tpu.memory_space<semaphore_mem>>)
      %dma_wait3A_1673 = arith.constant 0 : i32
      %dma_wait3A_1674 = tpu.memref_slice %arg14[%run_scoped3A_21, %dma_wait3A_1673] : memref<4x128xi32, #tpu.memory_space<vmem>> -> memref<1x128xi32, #tpu.memory_space<vmem>>
      %dma_wait3A_1675 = tpu.memref_squeeze %dma_wait3A_1674 : memref<1x128xi32, #tpu.memory_space<vmem>> -> memref<128xi32, #tpu.memory_space<vmem>>
      %dma_wait3A_1676 = tpu.memref_slice %arg4[%add3A_18] : memref<16384xi32, #tpu.memory_space<hbm>> -> memref<128xi32, #tpu.memory_space<hbm>>
      %dma_wait3A_1677 = arith.constant 0 : i32
      %dma_wait3A_1678 = tpu.memref_slice %arg14[%run_scoped3A_21, %dma_wait3A_1677] : memref<4x128xi32, #tpu.memory_space<vmem>> -> memref<1x128xi32, #tpu.memory_space<vmem>>
      %dma_wait3A_1679 = tpu.memref_squeeze %dma_wait3A_1678 : memref<1x128xi32, #tpu.memory_space<vmem>> -> memref<128xi32, #tpu.memory_space<vmem>>
      %dma_wait3A_1680 = tpu.memref_slice %arg4[%add3A_18] : memref<16384xi32, #tpu.memory_space<hbm>> -> memref<128xi32, #tpu.memory_space<hbm>>
      tpu.wait_dma2 semaphore(%run_scoped3A_1664 : memref<!tpu.dma_semaphore, #tpu.memory_space<semaphore_mem>>) src(%dma_wait3A_1680 : memref<128xi32, #tpu.memory_space<hbm>>) dst(%dma_wait3A_1679 : memref<128xi32, #tpu.memory_space<vmem>>)
      tpu.yield
    }) : () -> ()
    %get3A = arith.constant 0 : i32
    %get3A_22 = arith.index_cast %get3A : i32 to index
    %get3A_23 = arith.constant 0 : index
    %get3A_24 = tpu.vector_load %arg12[%get3A_22, %get3A_23] {strides = array<i32>} : memref<4x128xi32, #tpu.memory_space<vmem>>, vector<16xi32>,
    %shift_right_logical3A = arith.constant 4 : i32
    %shift_right_logical3A_25 = vector.broadcast %shift_right_logical3A : i32 to vector<16xi32>
    %shift_right_logical3A_26 = arith.shrui %get3A_24, %shift_right_logical3A_25 : vector<16xi32>
    %swap3A = arith.constant 0 : i32
    %swap3A_27 = arith.index_cast %swap3A : i32 to index
    %swap3A_28 = arith.constant 0 : index
    %swap3A_29 = tpu.vector_load %arg15[%swap3A_27, %swap3A_28] {strides = array<i32>} : memref<4x128xi32, #tpu.memory_space<vmem>>, vector<16xi32>,
    tpu.vector_store %arg15[%swap3A_27, %swap3A_28], %shift_right_logical3A_26 {strides = array<i32>} : memref<4x128xi32, #tpu.memory_space<vmem>>, vector<16xi32>,
    %get3A_30 = arith.constant 0 : i32
    %get3A_31 = arith.index_cast %get3A_30 : i32 to index
    %get3A_32 = arith.constant 0 : index
    %get3A_33 = tpu.vector_load %arg13[%get3A_31, %get3A_32] {strides = array<i32>} : memref<4x128xi32, #tpu.memory_space<vmem>>, vector<16xi32>,
    %shift_right_logical3A_34 = arith.constant 4 : i32
    %shift_right_logical3A_35 = vector.broadcast %shift_right_logical3A_34 : i32 to vector<16xi32>
    %shift_right_logical3A_36 = arith.shrui %get3A_33, %shift_right_logical3A_35 : vector<16xi32>
    %swap3A_37 = arith.constant 0 : i32
    %swap3A_38 = arith.index_cast %swap3A_37 : i32 to index
    %swap3A_39 = arith.constant 0 : index
    %swap3A_40 = tpu.vector_load %arg16[%swap3A_38, %swap3A_39] {strides = array<i32>} : memref<4x128xi32, #tpu.memory_space<vmem>>, vector<16xi32>,
    tpu.vector_store %arg16[%swap3A_38, %swap3A_39], %shift_right_logical3A_36 {strides = array<i32>} : memref<4x128xi32, #tpu.memory_space<vmem>>, vector<16xi32>,
    %get3A_41 = arith.constant 0 : i32
    %get3A_42 = arith.index_cast %get3A_41 : i32 to index
    %get3A_43 = arith.constant 0 : index
    %get3A_44 = tpu.vector_load %arg14[%get3A_42, %get3A_43] {strides = array<i32>} : memref<4x128xi32, #tpu.memory_space<vmem>>, vector<16xi32>,
    %shift_right_logical3A_45 = arith.constant 4 : i32
    %shift_right_logical3A_46 = vector.broadcast %shift_right_logical3A_45 : i32 to vector<16xi32>
    %shift_right_logical3A_47 = arith.shrui %get3A_44, %shift_right_logical3A_46 : vector<16xi32>
    %swap3A_48 = arith.constant 0 : i32
    %swap3A_49 = arith.index_cast %swap3A_48 : i32 to index
    %swap3A_50 = arith.constant 0 : index
    %swap3A_51 = tpu.vector_load %arg17[%swap3A_49, %swap3A_50] {strides = array<i32>} : memref<4x128xi32, #tpu.memory_space<vmem>>, vector<16xi32>,
    tpu.vector_store %arg17[%swap3A_49, %swap3A_50], %shift_right_logical3A_47 {strides = array<i32>} : memref<4x128xi32, #tpu.memory_space<vmem>>, vector<16xi32>,
    %get3A_52 = arith.constant 0 : i32
    %get3A_53 = arith.index_cast %get3A_52 : i32 to index
    %get3A_54 = arith.constant 16 : index
    %get3A_55 = tpu.vector_load %arg12[%get3A_53, %get3A_54] {strides = array<i32>} : memref<4x128xi32, #tpu.memory_space<vmem>>, vector<16xi32>,
    %shift_right_logical3A_56 = arith.constant 4 : i32
    %shift_right_logical3A_57 = vector.broadcast %shift_right_logical3A_56 : i32 to vector<16xi32>
    %shift_right_logical3A_58 = arith.shrui %get3A_55, %shift_right_logical3A_57 : vector<16xi32>
    %swap3A_59 = arith.constant 0 : i32
    %swap3A_60 = arith.index_cast %swap3A_59 : i32 to index
    %swap3A_61 = arith.constant 16 : index
    %swap3A_62 = tpu.vector_load %arg15[%swap3A_60, %swap3A_61] {strides = array<i32>} : memref<4x128xi32, #tpu.memory_space<vmem>>, vector<16xi32>,
    tpu.vector_store %arg15[%swap3A_60, %swap3A_61], %shift_right_logical3A_58 {strides = array<i32>} : memref<4x128xi32, #tpu.memory_space<vmem>>, vector<16xi32>,
    %get3A_63 = arith.constant 0 : i32
    %get3A_64 = arith.index_cast %get3A_63 : i32 to index
    %get3A_65 = arith.constant 16 : index
    %get3A_66 = tpu.vector_load %arg13[%get3A_64, %get3A_65] {strides = array<i32>} : memref<4x128xi32, #tpu.memory_space<vmem>>, vector<16xi32>,
    %shift_right_logical3A_67 = arith.constant 4 : i32
    %shift_right_logical3A_68 = vector.broadcast %shift_right_logical3A_67 : i32 to vector<16xi32>
    %shift_right_logical3A_69 = arith.shrui %get3A_66, %shift_right_logical3A_68 : vector<16xi32>
    %swap3A_70 = arith.constant 0 : i32
    %swap3A_71 = arith.index_cast %swap3A_70 : i32 to index
    %swap3A_72 = arith.constant 16 : index
    %swap3A_73 = tpu.vector_load %arg16[%swap3A_71, %swap3A_72] {strides = array<i32>} : memref<4x128xi32, #tpu.memory_space<vmem>>, vector<16xi32>,
    tpu.vector_store %arg16[%swap3A_71, %swap3A_72], %shift_right_logical3A_69 {strides = array<i32>} : memref<4x128xi32, #tpu.memory_space<vmem>>, vector<16xi32>,
    %get3A_74 = arith.constant 0 : i32
    %get3A_75 = arith.index_cast %get3A_74 : i32 to index
    %get3A_76 = arith.constant 16 : index
    %get3A_77 = tpu.vector_load %arg14[%get3A_75, %get3A_76] {strides = array<i32>} : memref<4x128xi32, #tpu.memory_space<vmem>>, vector<16xi32>,
    %shift_right_logical3A_78 = arith.constant 4 : i32
    %shift_right_logical3A_79 = vector.broadcast %shift_right_logical3A_78 : i32 to vector<16xi32>
    %shift_right_logical3A_80 = arith.shrui %get3A_77, %shift_right_logical3A_79 : vector<16xi32>
    %swap3A_81 = arith.constant 0 : i32
    %swap3A_82 = arith.index_cast %swap3A_81 : i32 to index
    %swap3A_83 = arith.constant 16 : index
    %swap3A_84 = tpu.vector_load %arg17[%swap3A_82, %swap3A_83] {strides = array<i32>} : memref<4x128xi32, #tpu.memory_space<vmem>>, vector<16xi32>,
    tpu.vector_store %arg17[%swap3A_82, %swap3A_83], %shift_right_logical3A_80 {strides = array<i32>} : memref<4x128xi32, #tpu.memory_space<vmem>>, vector<16xi32>,
    %get3A_85 = arith.constant 0 : i32
    %get3A_86 = arith.index_cast %get3A_85 : i32 to index
    %get3A_87 = arith.constant 32 : index
    %get3A_88 = tpu.vector_load %arg12[%get3A_86, %get3A_87] {strides = array<i32>} : memref<4x128xi32, #tpu.memory_space<vmem>>, vector<16xi32>,
    %shift_right_logical3A_89 = arith.constant 4 : i32
    %shift_right_logical3A_90 = vector.broadcast %shift_right_logical3A_89 : i32 to vector<16xi32>
    %shift_right_logical3A_91 = arith.shrui %get3A_88, %shift_right_logical3A_90 : vector<16xi32>
    %swap3A_92 = arith.constant 0 : i32
    %swap3A_93 = arith.index_cast %swap3A_92 : i32 to index
    %swap3A_94 = arith.constant 32 : index
    %swap3A_95 = tpu.vector_load %arg15[%swap3A_93, %swap3A_94] {strides = array<i32>} : memref<4x128xi32, #tpu.memory_space<vmem>>, vector<16xi32>,
    tpu.vector_store %arg15[%swap3A_93, %swap3A_94], %shift_right_logical3A_91 {strides = array<i32>} : memref<4x128xi32, #tpu.memory_space<vmem>>, vector<16xi32>,
    %get3A_96 = arith.constant 0 : i32
    %get3A_97 = arith.index_cast %get3A_96 : i32 to index
    %get3A_98 = arith.constant 32 : index
    %get3A_99 = tpu.vector_load %arg13[%get3A_97, %get3A_98] {strides = array<i32>} : memref<4x128xi32, #tpu.memory_space<vmem>>, vector<16xi32>,
    %shift_right_logical3A_100 = arith.constant 4 : i32
    %shift_right_logical3A_101 = vector.broadcast %shift_right_logical3A_100 : i32 to vector<16xi32>
    %shift_right_logical3A_102 = arith.shrui %get3A_99, %shift_right_logical3A_101 : vector<16xi32>
    %swap3A_103 = arith.constant 0 : i32
    %swap3A_104 = arith.index_cast %swap3A_103 : i32 to index
    %swap3A_105 = arith.constant 32 : index
    %swap3A_106 = tpu.vector_load %arg16[%swap3A_104, %swap3A_105] {strides = array<i32>} : memref<4x128xi32, #tpu.memory_space<vmem>>, vector<16xi32>,
    tpu.vector_store %arg16[%swap3A_104, %swap3A_105], %shift_right_logical3A_102 {strides = array<i32>} : memref<4x128xi32, #tpu.memory_space<vmem>>, vector<16xi32>,
    %get3A_107 = arith.constant 0 : i32
    %get3A_108 = arith.index_cast %get3A_107 : i32 to index
    %get3A_109 = arith.constant 32 : index
    %get3A_110 = tpu.vector_load %arg14[%get3A_108, %get3A_109] {strides = array<i32>} : memref<4x128xi32, #tpu.memory_space<vmem>>, vector<16xi32>,
    %shift_right_logical3A_111 = arith.constant 4 : i32
    %shift_right_logical3A_112 = vector.broadcast %shift_right_logical3A_111 : i32 to vector<16xi32>
    %shift_right_logical3A_113 = arith.shrui %get3A_110, %shift_right_logical3A_112 : vector<16xi32>
    %swap3A_114 = arith.constant 0 : i32
    %swap3A_115 = arith.index_cast %swap3A_114 : i32 to index
    %swap3A_116 = arith.constant 32 : index
    %swap3A_117 = tpu.vector_load %arg17[%swap3A_115, %swap3A_116] {strides = array<i32>} : memref<4x128xi32, #tpu.memory_space<vmem>>, vector<16xi32>,
    tpu.vector_store %arg17[%swap3A_115, %swap3A_116], %shift_right_logical3A_113 {strides = array<i32>} : memref<4x128xi32, #tpu.memory_space<vmem>>, vector<16xi32>,
    %get3A_118 = arith.constant 0 : i32
    %get3A_119 = arith.index_cast %get3A_118 : i32 to index
    %get3A_120 = arith.constant 48 : index
    %get3A_121 = tpu.vector_load %arg12[%get3A_119, %get3A_120] {strides = array<i32>} : memref<4x128xi32, #tpu.memory_space<vmem>>, vector<16xi32>,
    %shift_right_logical3A_122 = arith.constant 4 : i32
    %shift_right_logical3A_123 = vector.broadcast %shift_right_logical3A_122 : i32 to vector<16xi32>
    %shift_right_logical3A_124 = arith.shrui %get3A_121, %shift_right_logical3A_123 : vector<16xi32>
    %swap3A_125 = arith.constant 0 : i32
    %swap3A_126 = arith.index_cast %swap3A_125 : i32 to index
    %swap3A_127 = arith.constant 48 : index
    %swap3A_128 = tpu.vector_load %arg15[%swap3A_126, %swap3A_127] {strides = array<i32>} : memref<4x128xi32, #tpu.memory_space<vmem>>, vector<16xi32>,
    tpu.vector_store %arg15[%swap3A_126, %swap3A_127], %shift_right_logical3A_124 {strides = array<i32>} : memref<4x128xi32, #tpu.memory_space<vmem>>, vector<16xi32>,
    %get3A_129 = arith.constant 0 : i32
    %get3A_130 = arith.index_cast %get3A_129 : i32 to index
    %get3A_131 = arith.constant 48 : index
    %get3A_132 = tpu.vector_load %arg13[%get3A_130, %get3A_131] {strides = array<i32>} : memref<4x128xi32, #tpu.memory_space<vmem>>, vector<16xi32>,
    %shift_right_logical3A_133 = arith.constant 4 : i32
    %shift_right_logical3A_134 = vector.broadcast %shift_right_logical3A_133 : i32 to vector<16xi32>
    %shift_right_logical3A_135 = arith.shrui %get3A_132, %shift_right_logical3A_134 : vector<16xi32>
    %swap3A_136 = arith.constant 0 : i32
    %swap3A_137 = arith.index_cast %swap3A_136 : i32 to index
    %swap3A_138 = arith.constant 48 : index
    %swap3A_139 = tpu.vector_load %arg16[%swap3A_137, %swap3A_138] {strides = array<i32>} : memref<4x128xi32, #tpu.memory_space<vmem>>, vector<16xi32>,
    tpu.vector_store %arg16[%swap3A_137, %swap3A_138], %shift_right_logical3A_135 {strides = array<i32>} : memref<4x128xi32, #tpu.memory_space<vmem>>, vector<16xi32>,
    %get3A_140 = arith.constant 0 : i32
    %get3A_141 = arith.index_cast %get3A_140 : i32 to index
    %get3A_142 = arith.constant 48 : index
    %get3A_143 = tpu.vector_load %arg14[%get3A_141, %get3A_142] {strides = array<i32>} : memref<4x128xi32, #tpu.memory_space<vmem>>, vector<16xi32>,
    %shift_right_logical3A_144 = arith.constant 4 : i32
    %shift_right_logical3A_145 = vector.broadcast %shift_right_logical3A_144 : i32 to vector<16xi32>
    %shift_right_logical3A_146 = arith.shrui %get3A_143, %shift_right_logical3A_145 : vector<16xi32>
    %swap3A_147 = arith.constant 0 : i32
    %swap3A_148 = arith.index_cast %swap3A_147 : i32 to index
    %swap3A_149 = arith.constant 48 : index
    %swap3A_150 = tpu.vector_load %arg17[%swap3A_148, %swap3A_149] {strides = array<i32>} : memref<4x128xi32, #tpu.memory_space<vmem>>, vector<16xi32>,
    tpu.vector_store %arg17[%swap3A_148, %swap3A_149], %shift_right_logical3A_146 {strides = array<i32>} : memref<4x128xi32, #tpu.memory_space<vmem>>, vector<16xi32>,
    %get3A_151 = arith.constant 0 : i32
    %get3A_152 = arith.index_cast %get3A_151 : i32 to index
    %get3A_153 = arith.constant 64 : index
    %get3A_154 = tpu.vector_load %arg12[%get3A_152, %get3A_153] {strides = array<i32>} : memref<4x128xi32, #tpu.memory_space<vmem>>, vector<16xi32>,
    %shift_right_logical3A_155 = arith.constant 4 : i32
    %shift_right_logical3A_156 = vector.broadcast %shift_right_logical3A_155 : i32 to vector<16xi32>
    %shift_right_logical3A_157 = arith.shrui %get3A_154, %shift_right_logical3A_156 : vector<16xi32>
    %swap3A_158 = arith.constant 0 : i32
    %swap3A_159 = arith.index_cast %swap3A_158 : i32 to index
    %swap3A_160 = arith.constant 64 : index
    %swap3A_161 = tpu.vector_load %arg15[%swap3A_159, %swap3A_160] {strides = array<i32>} : memref<4x128xi32, #tpu.memory_space<vmem>>, vector<16xi32>,
    tpu.vector_store %arg15[%swap3A_159, %swap3A_160], %shift_right_logical3A_157 {strides = array<i32>} : memref<4x128xi32, #tpu.memory_space<vmem>>, vector<16xi32>,
    %get3A_162 = arith.constant 0 : i32
    %get3A_163 = arith.index_cast %get3A_162 : i32 to index
    %get3A_164 = arith.constant 64 : index
    %get3A_165 = tpu.vector_load %arg13[%get3A_163, %get3A_164] {strides = array<i32>} : memref<4x128xi32, #tpu.memory_space<vmem>>, vector<16xi32>,
    %shift_right_logical3A_166 = arith.constant 4 : i32
    %shift_right_logical3A_167 = vector.broadcast %shift_right_logical3A_166 : i32 to vector<16xi32>
    %shift_right_logical3A_168 = arith.shrui %get3A_165, %shift_right_logical3A_167 : vector<16xi32>
    %swap3A_169 = arith.constant 0 : i32
    %swap3A_170 = arith.index_cast %swap3A_169 : i32 to index
    %swap3A_171 = arith.constant 64 : index
    %swap3A_172 = tpu.vector_load %arg16[%swap3A_170, %swap3A_171] {strides = array<i32>} : memref<4x128xi32, #tpu.memory_space<vmem>>, vector<16xi32>,
    tpu.vector_store %arg16[%swap3A_170, %swap3A_171], %shift_right_logical3A_168 {strides = array<i32>} : memref<4x128xi32, #tpu.memory_space<vmem>>, vector<16xi32>,
    %get3A_173 = arith.constant 0 : i32
    %get3A_174 = arith.index_cast %get3A_173 : i32 to index
    %get3A_175 = arith.constant 64 : index
    %get3A_176 = tpu.vector_load %arg14[%get3A_174, %get3A_175] {strides = array<i32>} : memref<4x128xi32, #tpu.memory_space<vmem>>, vector<16xi32>,
    %shift_right_logical3A_177 = arith.constant 4 : i32
    %shift_right_logical3A_178 = vector.broadcast %shift_right_logical3A_177 : i32 to vector<16xi32>
    %shift_right_logical3A_179 = arith.shrui %get3A_176, %shift_right_logical3A_178 : vector<16xi32>
    %swap3A_180 = arith.constant 0 : i32
    %swap3A_181 = arith.index_cast %swap3A_180 : i32 to index
    %swap3A_182 = arith.constant 64 : index
    %swap3A_183 = tpu.vector_load %arg17[%swap3A_181, %swap3A_182] {strides = array<i32>} : memref<4x128xi32, #tpu.memory_space<vmem>>, vector<16xi32>,
    tpu.vector_store %arg17[%swap3A_181, %swap3A_182], %shift_right_logical3A_179 {strides = array<i32>} : memref<4x128xi32, #tpu.memory_space<vmem>>, vector<16xi32>,
    %get3A_184 = arith.constant 0 : i32
    %get3A_185 = arith.index_cast %get3A_184 : i32 to index
    %get3A_186 = arith.constant 80 : index
    %get3A_187 = tpu.vector_load %arg12[%get3A_185, %get3A_186] {strides = array<i32>} : memref<4x128xi32, #tpu.memory_space<vmem>>, vector<16xi32>,
    %shift_right_logical3A_188 = arith.constant 4 : i32
    %shift_right_logical3A_189 = vector.broadcast %shift_right_logical3A_188 : i32 to vector<16xi32>
    %shift_right_logical3A_190 = arith.shrui %get3A_187, %shift_right_logical3A_189 : vector<16xi32>
    %swap3A_191 = arith.constant 0 : i32
    %swap3A_192 = arith.index_cast %swap3A_191 : i32 to index
    %swap3A_193 = arith.constant 80 : index
    %swap3A_194 = tpu.vector_load %arg15[%swap3A_192, %swap3A_193] {strides = array<i32>} : memref<4x128xi32, #tpu.memory_space<vmem>>, vector<16xi32>,
    tpu.vector_store %arg15[%swap3A_192, %swap3A_193], %shift_right_logical3A_190 {strides = array<i32>} : memref<4x128xi32, #tpu.memory_space<vmem>>, vector<16xi32>,
    %get3A_195 = arith.constant 0 : i32
    %get3A_196 = arith.index_cast %get3A_195 : i32 to index
    %get3A_197 = arith.constant 80 : index
    %get3A_198 = tpu.vector_load %arg13[%get3A_196, %get3A_197] {strides = array<i32>} : memref<4x128xi32, #tpu.memory_space<vmem>>, vector<16xi32>,
    %shift_right_logical3A_199 = arith.constant 4 : i32
    %shift_right_logical3A_200 = vector.broadcast %shift_right_logical3A_199 : i32 to vector<16xi32>
    %shift_right_logical3A_201 = arith.shrui %get3A_198, %shift_right_logical3A_200 : vector<16xi32>
    %swap3A_202 = arith.constant 0 : i32
    %swap3A_203 = arith.index_cast %swap3A_202 : i32 to index
    %swap3A_204 = arith.constant 80 : index
    %swap3A_205 = tpu.vector_load %arg16[%swap3A_203, %swap3A_204] {strides = array<i32>} : memref<4x128xi32, #tpu.memory_space<vmem>>, vector<16xi32>,
    tpu.vector_store %arg16[%swap3A_203, %swap3A_204], %shift_right_logical3A_201 {strides = array<i32>} : memref<4x128xi32, #tpu.memory_space<vmem>>, vector<16xi32>,
    %get3A_206 = arith.constant 0 : i32
    %get3A_207 = arith.index_cast %get3A_206 : i32 to index
    %get3A_208 = arith.constant 80 : index
    %get3A_209 = tpu.vector_load %arg14[%get3A_207, %get3A_208] {strides = array<i32>} : memref<4x128xi32, #tpu.memory_space<vmem>>, vector<16xi32>,
    %shift_right_logical3A_210 = arith.constant 4 : i32
    %shift_right_logical3A_211 = vector.broadcast %shift_right_logical3A_210 : i32 to vector<16xi32>
    %shift_right_logical3A_212 = arith.shrui %get3A_209, %shift_right_logical3A_211 : vector<16xi32>
    %swap3A_213 = arith.constant 0 : i32
    %swap3A_214 = arith.index_cast %swap3A_213 : i32 to index
    %swap3A_215 = arith.constant 80 : index
    %swap3A_216 = tpu.vector_load %arg17[%swap3A_214, %swap3A_215] {strides = array<i32>} : memref<4x128xi32, #tpu.memory_space<vmem>>, vector<16xi32>,
    tpu.vector_store %arg17[%swap3A_214, %swap3A_215], %shift_right_logical3A_212 {strides = array<i32>} : memref<4x128xi32, #tpu.memory_space<vmem>>, vector<16xi32>,
    %get3A_217 = arith.constant 0 : i32
    %get3A_218 = arith.index_cast %get3A_217 : i32 to index
    %get3A_219 = arith.constant 96 : index
    %get3A_220 = tpu.vector_load %arg12[%get3A_218, %get3A_219] {strides = array<i32>} : memref<4x128xi32, #tpu.memory_space<vmem>>, vector<16xi32>,
    %shift_right_logical3A_221 = arith.constant 4 : i32
    %shift_right_logical3A_222 = vector.broadcast %shift_right_logical3A_221 : i32 to vector<16xi32>
    %shift_right_logical3A_223 = arith.shrui %get3A_220, %shift_right_logical3A_222 : vector<16xi32>
    %swap3A_224 = arith.constant 0 : i32
    %swap3A_225 = arith.index_cast %swap3A_224 : i32 to index
    %swap3A_226 = arith.constant 96 : index
    %swap3A_227 = tpu.vector_load %arg15[%swap3A_225, %swap3A_226] {strides = array<i32>} : memref<4x128xi32, #tpu.memory_space<vmem>>, vector<16xi32>,
    tpu.vector_store %arg15[%swap3A_225, %swap3A_226], %shift_right_logical3A_223 {strides = array<i32>} : memref<4x128xi32, #tpu.memory_space<vmem>>, vector<16xi32>,
    %get3A_228 = arith.constant 0 : i32
    %get3A_229 = arith.index_cast %get3A_228 : i32 to index
    %get3A_230 = arith.constant 96 : index
    %get3A_231 = tpu.vector_load %arg13[%get3A_229, %get3A_230] {strides = array<i32>} : memref<4x128xi32, #tpu.memory_space<vmem>>, vector<16xi32>,
    %shift_right_logical3A_232 = arith.constant 4 : i32
    %shift_right_logical3A_233 = vector.broadcast %shift_right_logical3A_232 : i32 to vector<16xi32>
    %shift_right_logical3A_234 = arith.shrui %get3A_231, %shift_right_logical3A_233 : vector<16xi32>
    %swap3A_235 = arith.constant 0 : i32
    %swap3A_236 = arith.index_cast %swap3A_235 : i32 to index
    %swap3A_237 = arith.constant 96 : index
    %swap3A_238 = tpu.vector_load %arg16[%swap3A_236, %swap3A_237] {strides = array<i32>} : memref<4x128xi32, #tpu.memory_space<vmem>>, vector<16xi32>,
    tpu.vector_store %arg16[%swap3A_236, %swap3A_237], %shift_right_logical3A_234 {strides = array<i32>} : memref<4x128xi32, #tpu.memory_space<vmem>>, vector<16xi32>,
    %get3A_239 = arith.constant 0 : i32
    %get3A_240 = arith.index_cast %get3A_239 : i32 to index
    %get3A_241 = arith.constant 96 : index
    %get3A_242 = tpu.vector_load %arg14[%get3A_240, %get3A_241] {strides = array<i32>} : memref<4x128xi32, #tpu.memory_space<vmem>>, vector<16xi32>,
    %shift_right_logical3A_243 = arith.constant 4 : i32
    %shift_right_logical3A_244 = vector.broadcast %shift_right_logical3A_243 : i32 to vector<16xi32>
    %shift_right_logical3A_245 = arith.shrui %get3A_242, %shift_right_logical3A_244 : vector<16xi32>
    %swap3A_246 = arith.constant 0 : i32
    %swap3A_247 = arith.index_cast %swap3A_246 : i32 to index
    %swap3A_248 = arith.constant 96 : index
    %swap3A_249 = tpu.vector_load %arg17[%swap3A_247, %swap3A_248] {strides = array<i32>} : memref<4x128xi32, #tpu.memory_space<vmem>>, vector<16xi32>,
    tpu.vector_store %arg17[%swap3A_247, %swap3A_248], %shift_right_logical3A_245 {strides = array<i32>} : memref<4x128xi32, #tpu.memory_space<vmem>>, vector<16xi32>,
    %get3A_250 = arith.constant 0 : i32
    %get3A_251 = arith.index_cast %get3A_250 : i32 to index
    %get3A_252 = arith.constant 112 : index
    %get3A_253 = tpu.vector_load %arg12[%get3A_251, %get3A_252] {strides = array<i32>} : memref<4x128xi32, #tpu.memory_space<vmem>>, vector<16xi32>,
    %shift_right_logical3A_254 = arith.constant 4 : i32
    %shift_right_logical3A_255 = vector.broadcast %shift_right_logical3A_254 : i32 to vector<16xi32>
    %shift_right_logical3A_256 = arith.shrui %get3A_253, %shift_right_logical3A_255 : vector<16xi32>
    %swap3A_257 = arith.constant 0 : i32
    %swap3A_258 = arith.index_cast %swap3A_257 : i32 to index
    %swap3A_259 = arith.constant 112 : index
    %swap3A_260 = tpu.vector_load %arg15[%swap3A_258, %swap3A_259] {strides = array<i32>} : memref<4x128xi32, #tpu.memory_space<vmem>>, vector<16xi32>,
    tpu.vector_store %arg15[%swap3A_258, %swap3A_259], %shift_right_logical3A_256 {strides = array<i32>} : memref<4x128xi32, #tpu.memory_space<vmem>>, vector<16xi32>,
    %get3A_261 = arith.constant 0 : i32
    %get3A_262 = arith.index_cast %get3A_261 : i32 to index
    %get3A_263 = arith.constant 112 : index
    %get3A_264 = tpu.vector_load %arg13[%get3A_262, %get3A_263] {strides = array<i32>} : memref<4x128xi32, #tpu.memory_space<vmem>>, vector<16xi32>,
    %shift_right_logical3A_265 = arith.constant 4 : i32
    %shift_right_logical3A_266 = vector.broadcast %shift_right_logical3A_265 : i32 to vector<16xi32>
    %shift_right_logical3A_267 = arith.shrui %get3A_264, %shift_right_logical3A_266 : vector<16xi32>
    %swap3A_268 = arith.constant 0 : i32
    %swap3A_269 = arith.index_cast %swap3A_268 : i32 to index
    %swap3A_270 = arith.constant 112 : index
    %swap3A_271 = tpu.vector_load %arg16[%swap3A_269, %swap3A_270] {strides = array<i32>} : memref<4x128xi32, #tpu.memory_space<vmem>>, vector<16xi32>,
    tpu.vector_store %arg16[%swap3A_269, %swap3A_270], %shift_right_logical3A_267 {strides = array<i32>} : memref<4x128xi32, #tpu.memory_space<vmem>>, vector<16xi32>,
    %get3A_272 = arith.constant 0 : i32
    %get3A_273 = arith.index_cast %get3A_272 : i32 to index
    %get3A_274 = arith.constant 112 : index
    %get3A_275 = tpu.vector_load %arg14[%get3A_273, %get3A_274] {strides = array<i32>} : memref<4x128xi32, #tpu.memory_space<vmem>>, vector<16xi32>,
    %shift_right_logical3A_276 = arith.constant 4 : i32
    %shift_right_logical3A_277 = vector.broadcast %shift_right_logical3A_276 : i32 to vector<16xi32>
    %shift_right_logical3A_278 = arith.shrui %get3A_275, %shift_right_logical3A_277 : vector<16xi32>
    %swap3A_279 = arith.constant 0 : i32
    %swap3A_280 = arith.index_cast %swap3A_279 : i32 to index
    %swap3A_281 = arith.constant 112 : index
    %swap3A_282 = tpu.vector_load %arg17[%swap3A_280, %swap3A_281] {strides = array<i32>} : memref<4x128xi32, #tpu.memory_space<vmem>>, vector<16xi32>,
    tpu.vector_store %arg17[%swap3A_280, %swap3A_281], %shift_right_logical3A_278 {strides = array<i32>} : memref<4x128xi32, #tpu.memory_space<vmem>>, vector<16xi32>,
    %get3A_283 = arith.constant 1 : i32
    %get3A_284 = arith.index_cast %get3A_283 : i32 to index
    %get3A_285 = arith.constant 0 : index
    %get3A_286 = tpu.vector_load %arg12[%get3A_284, %get3A_285] {strides = array<i32>} : memref<4x128xi32, #tpu.memory_space<vmem>>, vector<16xi32>,
    %shift_right_logical3A_287 = arith.constant 4 : i32
    %shift_right_logical3A_288 = vector.broadcast %shift_right_logical3A_287 : i32 to vector<16xi32>
    %shift_right_logical3A_289 = arith.shrui %get3A_286, %shift_right_logical3A_288 : vector<16xi32>
    %swap3A_290 = arith.constant 1 : i32
    %swap3A_291 = arith.index_cast %swap3A_290 : i32 to index
    %swap3A_292 = arith.constant 0 : index
    %swap3A_293 = tpu.vector_load %arg15[%swap3A_291, %swap3A_292] {strides = array<i32>} : memref<4x128xi32, #tpu.memory_space<vmem>>, vector<16xi32>,
    tpu.vector_store %arg15[%swap3A_291, %swap3A_292], %shift_right_logical3A_289 {strides = array<i32>} : memref<4x128xi32, #tpu.memory_space<vmem>>, vector<16xi32>,
    %get3A_294 = arith.constant 1 : i32
    %get3A_295 = arith.index_cast %get3A_294 : i32 to index
    %get3A_296 = arith.constant 0 : index
    %get3A_297 = tpu.vector_load %arg13[%get3A_295, %get3A_296] {strides = array<i32>} : memref<4x128xi32, #tpu.memory_space<vmem>>, vector<16xi32>,
    %shift_right_logical3A_298 = arith.constant 4 : i32
    %shift_right_logical3A_299 = vector.broadcast %shift_right_logical3A_298 : i32 to vector<16xi32>
    %shift_right_logical3A_300 = arith.shrui %get3A_297, %shift_right_logical3A_299 : vector<16xi32>
    %swap3A_301 = arith.constant 1 : i32
    %swap3A_302 = arith.index_cast %swap3A_301 : i32 to index
    %swap3A_303 = arith.constant 0 : index
    %swap3A_304 = tpu.vector_load %arg16[%swap3A_302, %swap3A_303] {strides = array<i32>} : memref<4x128xi32, #tpu.memory_space<vmem>>, vector<16xi32>,
    tpu.vector_store %arg16[%swap3A_302, %swap3A_303], %shift_right_logical3A_300 {strides = array<i32>} : memref<4x128xi32, #tpu.memory_space<vmem>>, vector<16xi32>,
    %get3A_305 = arith.constant 1 : i32
    %get3A_306 = arith.index_cast %get3A_305 : i32 to index
    %get3A_307 = arith.constant 0 : index
    %get3A_308 = tpu.vector_load %arg14[%get3A_306, %get3A_307] {strides = array<i32>} : memref<4x128xi32, #tpu.memory_space<vmem>>, vector<16xi32>,
    %shift_right_logical3A_309 = arith.constant 4 : i32
    %shift_right_logical3A_310 = vector.broadcast %shift_right_logical3A_309 : i32 to vector<16xi32>
    %shift_right_logical3A_311 = arith.shrui %get3A_308, %shift_right_logical3A_310 : vector<16xi32>
    %swap3A_312 = arith.constant 1 : i32
    %swap3A_313 = arith.index_cast %swap3A_312 : i32 to index
    %swap3A_314 = arith.constant 0 : index
    %swap3A_315 = tpu.vector_load %arg17[%swap3A_313, %swap3A_314] {strides = array<i32>} : memref<4x128xi32, #tpu.memory_space<vmem>>, vector<16xi32>,
    tpu.vector_store %arg17[%swap3A_313, %swap3A_314], %shift_right_logical3A_311 {strides = array<i32>} : memref<4x128xi32, #tpu.memory_space<vmem>>, vector<16xi32>,
    %get3A_316 = arith.constant 1 : i32
    %get3A_317 = arith.index_cast %get3A_316 : i32 to index
    %get3A_318 = arith.constant 16 : index
    %get3A_319 = tpu.vector_load %arg12[%get3A_317, %get3A_318] {strides = array<i32>} : memref<4x128xi32, #tpu.memory_space<vmem>>, vector<16xi32>,
    %shift_right_logical3A_320 = arith.constant 4 : i32
    %shift_right_logical3A_321 = vector.broadcast %shift_right_logical3A_320 : i32 to vector<16xi32>
    %shift_right_logical3A_322 = arith.shrui %get3A_319, %shift_right_logical3A_321 : vector<16xi32>
    %swap3A_323 = arith.constant 1 : i32
    %swap3A_324 = arith.index_cast %swap3A_323 : i32 to index
    %swap3A_325 = arith.constant 16 : index
    %swap3A_326 = tpu.vector_load %arg15[%swap3A_324, %swap3A_325] {strides = array<i32>} : memref<4x128xi32, #tpu.memory_space<vmem>>, vector<16xi32>,
    tpu.vector_store %arg15[%swap3A_324, %swap3A_325], %shift_right_logical3A_322 {strides = array<i32>} : memref<4x128xi32, #tpu.memory_space<vmem>>, vector<16xi32>,
    %get3A_327 = arith.constant 1 : i32
    %get3A_328 = arith.index_cast %get3A_327 : i32 to index
    %get3A_329 = arith.constant 16 : index
    %get3A_330 = tpu.vector_load %arg13[%get3A_328, %get3A_329] {strides = array<i32>} : memref<4x128xi32, #tpu.memory_space<vmem>>, vector<16xi32>,
    %shift_right_logical3A_331 = arith.constant 4 : i32
    %shift_right_logical3A_332 = vector.broadcast %shift_right_logical3A_331 : i32 to vector<16xi32>
    %shift_right_logical3A_333 = arith.shrui %get3A_330, %shift_right_logical3A_332 : vector<16xi32>
    %swap3A_334 = arith.constant 1 : i32
    %swap3A_335 = arith.index_cast %swap3A_334 : i32 to index
    %swap3A_336 = arith.constant 16 : index
    %swap3A_337 = tpu.vector_load %arg16[%swap3A_335, %swap3A_336] {strides = array<i32>} : memref<4x128xi32, #tpu.memory_space<vmem>>, vector<16xi32>,
    tpu.vector_store %arg16[%swap3A_335, %swap3A_336], %shift_right_logical3A_333 {strides = array<i32>} : memref<4x128xi32, #tpu.memory_space<vmem>>, vector<16xi32>,
    %get3A_338 = arith.constant 1 : i32
    %get3A_339 = arith.index_cast %get3A_338 : i32 to index
    %get3A_340 = arith.constant 16 : index
    %get3A_341 = tpu.vector_load %arg14[%get3A_339, %get3A_340] {strides = array<i32>} : memref<4x128xi32, #tpu.memory_space<vmem>>, vector<16xi32>,
    %shift_right_logical3A_342 = arith.constant 4 : i32
    %shift_right_logical3A_343 = vector.broadcast %shift_right_logical3A_342 : i32 to vector<16xi32>
    %shift_right_logical3A_344 = arith.shrui %get3A_341, %shift_right_logical3A_343 : vector<16xi32>
    %swap3A_345 = arith.constant 1 : i32
    %swap3A_346 = arith.index_cast %swap3A_345 : i32 to index
    %swap3A_347 = arith.constant 16 : index
    %swap3A_348 = tpu.vector_load %arg17[%swap3A_346, %swap3A_347] {strides = array<i32>} : memref<4x128xi32, #tpu.memory_space<vmem>>, vector<16xi32>,
    tpu.vector_store %arg17[%swap3A_346, %swap3A_347], %shift_right_logical3A_344 {strides = array<i32>} : memref<4x128xi32, #tpu.memory_space<vmem>>, vector<16xi32>,
    %get3A_349 = arith.constant 1 : i32
    %get3A_350 = arith.index_cast %get3A_349 : i32 to index
    %get3A_351 = arith.constant 32 : index
    %get3A_352 = tpu.vector_load %arg12[%get3A_350, %get3A_351] {strides = array<i32>} : memref<4x128xi32, #tpu.memory_space<vmem>>, vector<16xi32>,
    %shift_right_logical3A_353 = arith.constant 4 : i32
    %shift_right_logical3A_354 = vector.broadcast %shift_right_logical3A_353 : i32 to vector<16xi32>
    %shift_right_logical3A_355 = arith.shrui %get3A_352, %shift_right_logical3A_354 : vector<16xi32>
    %swap3A_356 = arith.constant 1 : i32
    %swap3A_357 = arith.index_cast %swap3A_356 : i32 to index
    %swap3A_358 = arith.constant 32 : index
    %swap3A_359 = tpu.vector_load %arg15[%swap3A_357, %swap3A_358] {strides = array<i32>} : memref<4x128xi32, #tpu.memory_space<vmem>>, vector<16xi32>,
    tpu.vector_store %arg15[%swap3A_357, %swap3A_358], %shift_right_logical3A_355 {strides = array<i32>} : memref<4x128xi32, #tpu.memory_space<vmem>>, vector<16xi32>,
    %get3A_360 = arith.constant 1 : i32
    %get3A_361 = arith.index_cast %get3A_360 : i32 to index
    %get3A_362 = arith.constant 32 : index
    %get3A_363 = tpu.vector_load %arg13[%get3A_361, %get3A_362] {strides = array<i32>} : memref<4x128xi32, #tpu.memory_space<vmem>>, vector<16xi32>,
    %shift_right_logical3A_364 = arith.constant 4 : i32
    %shift_right_logical3A_365 = vector.broadcast %shift_right_logical3A_364 : i32 to vector<16xi32>
    %shift_right_logical3A_366 = arith.shrui %get3A_363, %shift_right_logical3A_365 : vector<16xi32>
    %swap3A_367 = arith.constant 1 : i32
    %swap3A_368 = arith.index_cast %swap3A_367 : i32 to index
    %swap3A_369 = arith.constant 32 : index
    %swap3A_370 = tpu.vector_load %arg16[%swap3A_368, %swap3A_369] {strides = array<i32>} : memref<4x128xi32, #tpu.memory_space<vmem>>, vector<16xi32>,
    tpu.vector_store %arg16[%swap3A_368, %swap3A_369], %shift_right_logical3A_366 {strides = array<i32>} : memref<4x128xi32, #tpu.memory_space<vmem>>, vector<16xi32>,
    %get3A_371 = arith.constant 1 : i32
    %get3A_372 = arith.index_cast %get3A_371 : i32 to index
    %get3A_373 = arith.constant 32 : index
    %get3A_374 = tpu.vector_load %arg14[%get3A_372, %get3A_373] {strides = array<i32>} : memref<4x128xi32, #tpu.memory_space<vmem>>, vector<16xi32>,
    %shift_right_logical3A_375 = arith.constant 4 : i32
    %shift_right_logical3A_376 = vector.broadcast %shift_right_logical3A_375 : i32 to vector<16xi32>
    %shift_right_logical3A_377 = arith.shrui %get3A_374, %shift_right_logical3A_376 : vector<16xi32>
    %swap3A_378 = arith.constant 1 : i32
    %swap3A_379 = arith.index_cast %swap3A_378 : i32 to index
    %swap3A_380 = arith.constant 32 : index
    %swap3A_381 = tpu.vector_load %arg17[%swap3A_379, %swap3A_380] {strides = array<i32>} : memref<4x128xi32, #tpu.memory_space<vmem>>, vector<16xi32>,
    tpu.vector_store %arg17[%swap3A_379, %swap3A_380], %shift_right_logical3A_377 {strides = array<i32>} : memref<4x128xi32, #tpu.memory_space<vmem>>, vector<16xi32>,
    %get3A_382 = arith.constant 1 : i32
    %get3A_383 = arith.index_cast %get3A_382 : i32 to index
    %get3A_384 = arith.constant 48 : index
    %get3A_385 = tpu.vector_load %arg12[%get3A_383, %get3A_384] {strides = array<i32>} : memref<4x128xi32, #tpu.memory_space<vmem>>, vector<16xi32>,
    %shift_right_logical3A_386 = arith.constant 4 : i32
    %shift_right_logical3A_387 = vector.broadcast %shift_right_logical3A_386 : i32 to vector<16xi32>
    %shift_right_logical3A_388 = arith.shrui %get3A_385, %shift_right_logical3A_387 : vector<16xi32>
    %swap3A_389 = arith.constant 1 : i32
    %swap3A_390 = arith.index_cast %swap3A_389 : i32 to index
    %swap3A_391 = arith.constant 48 : index
    %swap3A_392 = tpu.vector_load %arg15[%swap3A_390, %swap3A_391] {strides = array<i32>} : memref<4x128xi32, #tpu.memory_space<vmem>>, vector<16xi32>,
    tpu.vector_store %arg15[%swap3A_390, %swap3A_391], %shift_right_logical3A_388 {strides = array<i32>} : memref<4x128xi32, #tpu.memory_space<vmem>>, vector<16xi32>,
    %get3A_393 = arith.constant 1 : i32
    %get3A_394 = arith.index_cast %get3A_393 : i32 to index
    %get3A_395 = arith.constant 48 : index
    %get3A_396 = tpu.vector_load %arg13[%get3A_394, %get3A_395] {strides = array<i32>} : memref<4x128xi32, #tpu.memory_space<vmem>>, vector<16xi32>,
    %shift_right_logical3A_397 = arith.constant 4 : i32
    %shift_right_logical3A_398 = vector.broadcast %shift_right_logical3A_397 : i32 to vector<16xi32>
    %shift_right_logical3A_399 = arith.shrui %get3A_396, %shift_right_logical3A_398 : vector<16xi32>
    %swap3A_400 = arith.constant 1 : i32
    %swap3A_401 = arith.index_cast %swap3A_400 : i32 to index
    %swap3A_402 = arith.constant 48 : index
    %swap3A_403 = tpu.vector_load %arg16[%swap3A_401, %swap3A_402] {strides = array<i32>} : memref<4x128xi32, #tpu.memory_space<vmem>>, vector<16xi32>,
    tpu.vector_store %arg16[%swap3A_401, %swap3A_402], %shift_right_logical3A_399 {strides = array<i32>} : memref<4x128xi32, #tpu.memory_space<vmem>>, vector<16xi32>,
    %get3A_404 = arith.constant 1 : i32
    %get3A_405 = arith.index_cast %get3A_404 : i32 to index
    %get3A_406 = arith.constant 48 : index
    %get3A_407 = tpu.vector_load %arg14[%get3A_405, %get3A_406] {strides = array<i32>} : memref<4x128xi32, #tpu.memory_space<vmem>>, vector<16xi32>,
    %shift_right_logical3A_408 = arith.constant 4 : i32
    %shift_right_logical3A_409 = vector.broadcast %shift_right_logical3A_408 : i32 to vector<16xi32>
    %shift_right_logical3A_410 = arith.shrui %get3A_407, %shift_right_logical3A_409 : vector<16xi32>
    %swap3A_411 = arith.constant 1 : i32
    %swap3A_412 = arith.index_cast %swap3A_411 : i32 to index
    %swap3A_413 = arith.constant 48 : index
    %swap3A_414 = tpu.vector_load %arg17[%swap3A_412, %swap3A_413] {strides = array<i32>} : memref<4x128xi32, #tpu.memory_space<vmem>>, vector<16xi32>,
    tpu.vector_store %arg17[%swap3A_412, %swap3A_413], %shift_right_logical3A_410 {strides = array<i32>} : memref<4x128xi32, #tpu.memory_space<vmem>>, vector<16xi32>,
    %get3A_415 = arith.constant 1 : i32
    %get3A_416 = arith.index_cast %get3A_415 : i32 to index
    %get3A_417 = arith.constant 64 : index
    %get3A_418 = tpu.vector_load %arg12[%get3A_416, %get3A_417] {strides = array<i32>} : memref<4x128xi32, #tpu.memory_space<vmem>>, vector<16xi32>,
    %shift_right_logical3A_419 = arith.constant 4 : i32
    %shift_right_logical3A_420 = vector.broadcast %shift_right_logical3A_419 : i32 to vector<16xi32>
    %shift_right_logical3A_421 = arith.shrui %get3A_418, %shift_right_logical3A_420 : vector<16xi32>
    %swap3A_422 = arith.constant 1 : i32
    %swap3A_423 = arith.index_cast %swap3A_422 : i32 to index
    %swap3A_424 = arith.constant 64 : index
    %swap3A_425 = tpu.vector_load %arg15[%swap3A_423, %swap3A_424] {strides = array<i32>} : memref<4x128xi32, #tpu.memory_space<vmem>>, vector<16xi32>,
    tpu.vector_store %arg15[%swap3A_423, %swap3A_424], %shift_right_logical3A_421 {strides = array<i32>} : memref<4x128xi32, #tpu.memory_space<vmem>>, vector<16xi32>,
    %get3A_426 = arith.constant 1 : i32
    %get3A_427 = arith.index_cast %get3A_426 : i32 to index
    %get3A_428 = arith.constant 64 : index
    %get3A_429 = tpu.vector_load %arg13[%get3A_427, %get3A_428] {strides = array<i32>} : memref<4x128xi32, #tpu.memory_space<vmem>>, vector<16xi32>,
    %shift_right_logical3A_430 = arith.constant 4 : i32
    %shift_right_logical3A_431 = vector.broadcast %shift_right_logical3A_430 : i32 to vector<16xi32>
    %shift_right_logical3A_432 = arith.shrui %get3A_429, %shift_right_logical3A_431 : vector<16xi32>
    %swap3A_433 = arith.constant 1 : i32
    %swap3A_434 = arith.index_cast %swap3A_433 : i32 to index
    %swap3A_435 = arith.constant 64 : index
    %swap3A_436 = tpu.vector_load %arg16[%swap3A_434, %swap3A_435] {strides = array<i32>} : memref<4x128xi32, #tpu.memory_space<vmem>>, vector<16xi32>,
    tpu.vector_store %arg16[%swap3A_434, %swap3A_435], %shift_right_logical3A_432 {strides = array<i32>} : memref<4x128xi32, #tpu.memory_space<vmem>>, vector<16xi32>,
    %get3A_437 = arith.constant 1 : i32
    %get3A_438 = arith.index_cast %get3A_437 : i32 to index
    %get3A_439 = arith.constant 64 : index
    %get3A_440 = tpu.vector_load %arg14[%get3A_438, %get3A_439] {strides = array<i32>} : memref<4x128xi32, #tpu.memory_space<vmem>>, vector<16xi32>,
    %shift_right_logical3A_441 = arith.constant 4 : i32
    %shift_right_logical3A_442 = vector.broadcast %shift_right_logical3A_441 : i32 to vector<16xi32>
    %shift_right_logical3A_443 = arith.shrui %get3A_440, %shift_right_logical3A_442 : vector<16xi32>
    %swap3A_444 = arith.constant 1 : i32
    %swap3A_445 = arith.index_cast %swap3A_444 : i32 to index
    %swap3A_446 = arith.constant 64 : index
    %swap3A_447 = tpu.vector_load %arg17[%swap3A_445, %swap3A_446] {strides = array<i32>} : memref<4x128xi32, #tpu.memory_space<vmem>>, vector<16xi32>,
    tpu.vector_store %arg17[%swap3A_445, %swap3A_446], %shift_right_logical3A_443 {strides = array<i32>} : memref<4x128xi32, #tpu.memory_space<vmem>>, vector<16xi32>,
    %get3A_448 = arith.constant 1 : i32
    %get3A_449 = arith.index_cast %get3A_448 : i32 to index
    %get3A_450 = arith.constant 80 : index
    %get3A_451 = tpu.vector_load %arg12[%get3A_449, %get3A_450] {strides = array<i32>} : memref<4x128xi32, #tpu.memory_space<vmem>>, vector<16xi32>,
    %shift_right_logical3A_452 = arith.constant 4 : i32
    %shift_right_logical3A_453 = vector.broadcast %shift_right_logical3A_452 : i32 to vector<16xi32>
    %shift_right_logical3A_454 = arith.shrui %get3A_451, %shift_right_logical3A_453 : vector<16xi32>
    %swap3A_455 = arith.constant 1 : i32
    %swap3A_456 = arith.index_cast %swap3A_455 : i32 to index
    %swap3A_457 = arith.constant 80 : index
    %swap3A_458 = tpu.vector_load %arg15[%swap3A_456, %swap3A_457] {strides = array<i32>} : memref<4x128xi32, #tpu.memory_space<vmem>>, vector<16xi32>,
    tpu.vector_store %arg15[%swap3A_456, %swap3A_457], %shift_right_logical3A_454 {strides = array<i32>} : memref<4x128xi32, #tpu.memory_space<vmem>>, vector<16xi32>,
    %get3A_459 = arith.constant 1 : i32
    %get3A_460 = arith.index_cast %get3A_459 : i32 to index
    %get3A_461 = arith.constant 80 : index
    %get3A_462 = tpu.vector_load %arg13[%get3A_460, %get3A_461] {strides = array<i32>} : memref<4x128xi32, #tpu.memory_space<vmem>>, vector<16xi32>,
    %shift_right_logical3A_463 = arith.constant 4 : i32
    %shift_right_logical3A_464 = vector.broadcast %shift_right_logical3A_463 : i32 to vector<16xi32>
    %shift_right_logical3A_465 = arith.shrui %get3A_462, %shift_right_logical3A_464 : vector<16xi32>
    %swap3A_466 = arith.constant 1 : i32
    %swap3A_467 = arith.index_cast %swap3A_466 : i32 to index
    %swap3A_468 = arith.constant 80 : index
    %swap3A_469 = tpu.vector_load %arg16[%swap3A_467, %swap3A_468] {strides = array<i32>} : memref<4x128xi32, #tpu.memory_space<vmem>>, vector<16xi32>,
    tpu.vector_store %arg16[%swap3A_467, %swap3A_468], %shift_right_logical3A_465 {strides = array<i32>} : memref<4x128xi32, #tpu.memory_space<vmem>>, vector<16xi32>,
    %get3A_470 = arith.constant 1 : i32
    %get3A_471 = arith.index_cast %get3A_470 : i32 to index
    %get3A_472 = arith.constant 80 : index
    %get3A_473 = tpu.vector_load %arg14[%get3A_471, %get3A_472] {strides = array<i32>} : memref<4x128xi32, #tpu.memory_space<vmem>>, vector<16xi32>,
    %shift_right_logical3A_474 = arith.constant 4 : i32
    %shift_right_logical3A_475 = vector.broadcast %shift_right_logical3A_474 : i32 to vector<16xi32>
    %shift_right_logical3A_476 = arith.shrui %get3A_473, %shift_right_logical3A_475 : vector<16xi32>
    %swap3A_477 = arith.constant 1 : i32
    %swap3A_478 = arith.index_cast %swap3A_477 : i32 to index
    %swap3A_479 = arith.constant 80 : index
    %swap3A_480 = tpu.vector_load %arg17[%swap3A_478, %swap3A_479] {strides = array<i32>} : memref<4x128xi32, #tpu.memory_space<vmem>>, vector<16xi32>,
    tpu.vector_store %arg17[%swap3A_478, %swap3A_479], %shift_right_logical3A_476 {strides = array<i32>} : memref<4x128xi32, #tpu.memory_space<vmem>>, vector<16xi32>,
    %get3A_481 = arith.constant 1 : i32
    %get3A_482 = arith.index_cast %get3A_481 : i32 to index
    %get3A_483 = arith.constant 96 : index
    %get3A_484 = tpu.vector_load %arg12[%get3A_482, %get3A_483] {strides = array<i32>} : memref<4x128xi32, #tpu.memory_space<vmem>>, vector<16xi32>,
    %shift_right_logical3A_485 = arith.constant 4 : i32
    %shift_right_logical3A_486 = vector.broadcast %shift_right_logical3A_485 : i32 to vector<16xi32>
    %shift_right_logical3A_487 = arith.shrui %get3A_484, %shift_right_logical3A_486 : vector<16xi32>
    %swap3A_488 = arith.constant 1 : i32
    %swap3A_489 = arith.index_cast %swap3A_488 : i32 to index
    %swap3A_490 = arith.constant 96 : index
    %swap3A_491 = tpu.vector_load %arg15[%swap3A_489, %swap3A_490] {strides = array<i32>} : memref<4x128xi32, #tpu.memory_space<vmem>>, vector<16xi32>,
    tpu.vector_store %arg15[%swap3A_489, %swap3A_490], %shift_right_logical3A_487 {strides = array<i32>} : memref<4x128xi32, #tpu.memory_space<vmem>>, vector<16xi32>,
    %get3A_492 = arith.constant 1 : i32
    %get3A_493 = arith.index_cast %get3A_492 : i32 to index
    %get3A_494 = arith.constant 96 : index
    %get3A_495 = tpu.vector_load %arg13[%get3A_493, %get3A_494] {strides = array<i32>} : memref<4x128xi32, #tpu.memory_space<vmem>>, vector<16xi32>,
    %shift_right_logical3A_496 = arith.constant 4 : i32
    %shift_right_logical3A_497 = vector.broadcast %shift_right_logical3A_496 : i32 to vector<16xi32>
    %shift_right_logical3A_498 = arith.shrui %get3A_495, %shift_right_logical3A_497 : vector<16xi32>
    %swap3A_499 = arith.constant 1 : i32
    %swap3A_500 = arith.index_cast %swap3A_499 : i32 to index
    %swap3A_501 = arith.constant 96 : index
    %swap3A_502 = tpu.vector_load %arg16[%swap3A_500, %swap3A_501] {strides = array<i32>} : memref<4x128xi32, #tpu.memory_space<vmem>>, vector<16xi32>,
    tpu.vector_store %arg16[%swap3A_500, %swap3A_501], %shift_right_logical3A_498 {strides = array<i32>} : memref<4x128xi32, #tpu.memory_space<vmem>>, vector<16xi32>,
    %get3A_503 = arith.constant 1 : i32
    %get3A_504 = arith.index_cast %get3A_503 : i32 to index
    %get3A_505 = arith.constant 96 : index
    %get3A_506 = tpu.vector_load %arg14[%get3A_504, %get3A_505] {strides = array<i32>} : memref<4x128xi32, #tpu.memory_space<vmem>>, vector<16xi32>,
    %shift_right_logical3A_507 = arith.constant 4 : i32
    %shift_right_logical3A_508 = vector.broadcast %shift_right_logical3A_507 : i32 to vector<16xi32>
    %shift_right_logical3A_509 = arith.shrui %get3A_506, %shift_right_logical3A_508 : vector<16xi32>
    %swap3A_510 = arith.constant 1 : i32
    %swap3A_511 = arith.index_cast %swap3A_510 : i32 to index
    %swap3A_512 = arith.constant 96 : index
    %swap3A_513 = tpu.vector_load %arg17[%swap3A_511, %swap3A_512] {strides = array<i32>} : memref<4x128xi32, #tpu.memory_space<vmem>>, vector<16xi32>,
    tpu.vector_store %arg17[%swap3A_511, %swap3A_512], %shift_right_logical3A_509 {strides = array<i32>} : memref<4x128xi32, #tpu.memory_space<vmem>>, vector<16xi32>,
    %get3A_514 = arith.constant 1 : i32
    %get3A_515 = arith.index_cast %get3A_514 : i32 to index
    %get3A_516 = arith.constant 112 : index
    %get3A_517 = tpu.vector_load %arg12[%get3A_515, %get3A_516] {strides = array<i32>} : memref<4x128xi32, #tpu.memory_space<vmem>>, vector<16xi32>,
    %shift_right_logical3A_518 = arith.constant 4 : i32
    %shift_right_logical3A_519 = vector.broadcast %shift_right_logical3A_518 : i32 to vector<16xi32>
    %shift_right_logical3A_520 = arith.shrui %get3A_517, %shift_right_logical3A_519 : vector<16xi32>
    %swap3A_521 = arith.constant 1 : i32
    %swap3A_522 = arith.index_cast %swap3A_521 : i32 to index
    %swap3A_523 = arith.constant 112 : index
    %swap3A_524 = tpu.vector_load %arg15[%swap3A_522, %swap3A_523] {strides = array<i32>} : memref<4x128xi32, #tpu.memory_space<vmem>>, vector<16xi32>,
    tpu.vector_store %arg15[%swap3A_522, %swap3A_523], %shift_right_logical3A_520 {strides = array<i32>} : memref<4x128xi32, #tpu.memory_space<vmem>>, vector<16xi32>,
    %get3A_525 = arith.constant 1 : i32
    %get3A_526 = arith.index_cast %get3A_525 : i32 to index
    %get3A_527 = arith.constant 112 : index
    %get3A_528 = tpu.vector_load %arg13[%get3A_526, %get3A_527] {strides = array<i32>} : memref<4x128xi32, #tpu.memory_space<vmem>>, vector<16xi32>,
    %shift_right_logical3A_529 = arith.constant 4 : i32
    %shift_right_logical3A_530 = vector.broadcast %shift_right_logical3A_529 : i32 to vector<16xi32>
    %shift_right_logical3A_531 = arith.shrui %get3A_528, %shift_right_logical3A_530 : vector<16xi32>
    %swap3A_532 = arith.constant 1 : i32
    %swap3A_533 = arith.index_cast %swap3A_532 : i32 to index
    %swap3A_534 = arith.constant 112 : index
    %swap3A_535 = tpu.vector_load %arg16[%swap3A_533, %swap3A_534] {strides = array<i32>} : memref<4x128xi32, #tpu.memory_space<vmem>>, vector<16xi32>,
    tpu.vector_store %arg16[%swap3A_533, %swap3A_534], %shift_right_logical3A_531 {strides = array<i32>} : memref<4x128xi32, #tpu.memory_space<vmem>>, vector<16xi32>,
    %get3A_536 = arith.constant 1 : i32
    %get3A_537 = arith.index_cast %get3A_536 : i32 to index
    %get3A_538 = arith.constant 112 : index
    %get3A_539 = tpu.vector_load %arg14[%get3A_537, %get3A_538] {strides = array<i32>} : memref<4x128xi32, #tpu.memory_space<vmem>>, vector<16xi32>,
    %shift_right_logical3A_540 = arith.constant 4 : i32
    %shift_right_logical3A_541 = vector.broadcast %shift_right_logical3A_540 : i32 to vector<16xi32>
    %shift_right_logical3A_542 = arith.shrui %get3A_539, %shift_right_logical3A_541 : vector<16xi32>
    %swap3A_543 = arith.constant 1 : i32
    %swap3A_544 = arith.index_cast %swap3A_543 : i32 to index
    %swap3A_545 = arith.constant 112 : index
    %swap3A_546 = tpu.vector_load %arg17[%swap3A_544, %swap3A_545] {strides = array<i32>} : memref<4x128xi32, #tpu.memory_space<vmem>>, vector<16xi32>,
    tpu.vector_store %arg17[%swap3A_544, %swap3A_545], %shift_right_logical3A_542 {strides = array<i32>} : memref<4x128xi32, #tpu.memory_space<vmem>>, vector<16xi32>,
    %get3A_547 = arith.constant 2 : i32
    %get3A_548 = arith.index_cast %get3A_547 : i32 to index
    %get3A_549 = arith.constant 0 : index
    %get3A_550 = tpu.vector_load %arg12[%get3A_548, %get3A_549] {strides = array<i32>} : memref<4x128xi32, #tpu.memory_space<vmem>>, vector<16xi32>,
    %shift_right_logical3A_551 = arith.constant 4 : i32
    %shift_right_logical3A_552 = vector.broadcast %shift_right_logical3A_551 : i32 to vector<16xi32>
    %shift_right_logical3A_553 = arith.shrui %get3A_550, %shift_right_logical3A_552 : vector<16xi32>
    %swap3A_554 = arith.constant 2 : i32
    %swap3A_555 = arith.index_cast %swap3A_554 : i32 to index
    %swap3A_556 = arith.constant 0 : index
    %swap3A_557 = tpu.vector_load %arg15[%swap3A_555, %swap3A_556] {strides = array<i32>} : memref<4x128xi32, #tpu.memory_space<vmem>>, vector<16xi32>,
    tpu.vector_store %arg15[%swap3A_555, %swap3A_556], %shift_right_logical3A_553 {strides = array<i32>} : memref<4x128xi32, #tpu.memory_space<vmem>>, vector<16xi32>,
    %get3A_558 = arith.constant 2 : i32
    %get3A_559 = arith.index_cast %get3A_558 : i32 to index
    %get3A_560 = arith.constant 0 : index
    %get3A_561 = tpu.vector_load %arg13[%get3A_559, %get3A_560] {strides = array<i32>} : memref<4x128xi32, #tpu.memory_space<vmem>>, vector<16xi32>,
    %shift_right_logical3A_562 = arith.constant 4 : i32
    %shift_right_logical3A_563 = vector.broadcast %shift_right_logical3A_562 : i32 to vector<16xi32>
    %shift_right_logical3A_564 = arith.shrui %get3A_561, %shift_right_logical3A_563 : vector<16xi32>
    %swap3A_565 = arith.constant 2 : i32
    %swap3A_566 = arith.index_cast %swap3A_565 : i32 to index
    %swap3A_567 = arith.constant 0 : index
    %swap3A_568 = tpu.vector_load %arg16[%swap3A_566, %swap3A_567] {strides = array<i32>} : memref<4x128xi32, #tpu.memory_space<vmem>>, vector<16xi32>,
    tpu.vector_store %arg16[%swap3A_566, %swap3A_567], %shift_right_logical3A_564 {strides = array<i32>} : memref<4x128xi32, #tpu.memory_space<vmem>>, vector<16xi32>,
    %get3A_569 = arith.constant 2 : i32
    %get3A_570 = arith.index_cast %get3A_569 : i32 to index
    %get3A_571 = arith.constant 0 : index
    %get3A_572 = tpu.vector_load %arg14[%get3A_570, %get3A_571] {strides = array<i32>} : memref<4x128xi32, #tpu.memory_space<vmem>>, vector<16xi32>,
    %shift_right_logical3A_573 = arith.constant 4 : i32
    %shift_right_logical3A_574 = vector.broadcast %shift_right_logical3A_573 : i32 to vector<16xi32>
    %shift_right_logical3A_575 = arith.shrui %get3A_572, %shift_right_logical3A_574 : vector<16xi32>
    %swap3A_576 = arith.constant 2 : i32
    %swap3A_577 = arith.index_cast %swap3A_576 : i32 to index
    %swap3A_578 = arith.constant 0 : index
    %swap3A_579 = tpu.vector_load %arg17[%swap3A_577, %swap3A_578] {strides = array<i32>} : memref<4x128xi32, #tpu.memory_space<vmem>>, vector<16xi32>,
    tpu.vector_store %arg17[%swap3A_577, %swap3A_578], %shift_right_logical3A_575 {strides = array<i32>} : memref<4x128xi32, #tpu.memory_space<vmem>>, vector<16xi32>,
    %get3A_580 = arith.constant 2 : i32
    %get3A_581 = arith.index_cast %get3A_580 : i32 to index
    %get3A_582 = arith.constant 16 : index
    %get3A_583 = tpu.vector_load %arg12[%get3A_581, %get3A_582] {strides = array<i32>} : memref<4x128xi32, #tpu.memory_space<vmem>>, vector<16xi32>,
    %shift_right_logical3A_584 = arith.constant 4 : i32
    %shift_right_logical3A_585 = vector.broadcast %shift_right_logical3A_584 : i32 to vector<16xi32>
    %shift_right_logical3A_586 = arith.shrui %get3A_583, %shift_right_logical3A_585 : vector<16xi32>
    %swap3A_587 = arith.constant 2 : i32
    %swap3A_588 = arith.index_cast %swap3A_587 : i32 to index
    %swap3A_589 = arith.constant 16 : index
    %swap3A_590 = tpu.vector_load %arg15[%swap3A_588, %swap3A_589] {strides = array<i32>} : memref<4x128xi32, #tpu.memory_space<vmem>>, vector<16xi32>,
    tpu.vector_store %arg15[%swap3A_588, %swap3A_589], %shift_right_logical3A_586 {strides = array<i32>} : memref<4x128xi32, #tpu.memory_space<vmem>>, vector<16xi32>,
    %get3A_591 = arith.constant 2 : i32
    %get3A_592 = arith.index_cast %get3A_591 : i32 to index
    %get3A_593 = arith.constant 16 : index
    %get3A_594 = tpu.vector_load %arg13[%get3A_592, %get3A_593] {strides = array<i32>} : memref<4x128xi32, #tpu.memory_space<vmem>>, vector<16xi32>,
    %shift_right_logical3A_595 = arith.constant 4 : i32
    %shift_right_logical3A_596 = vector.broadcast %shift_right_logical3A_595 : i32 to vector<16xi32>
    %shift_right_logical3A_597 = arith.shrui %get3A_594, %shift_right_logical3A_596 : vector<16xi32>
    %swap3A_598 = arith.constant 2 : i32
    %swap3A_599 = arith.index_cast %swap3A_598 : i32 to index
    %swap3A_600 = arith.constant 16 : index
    %swap3A_601 = tpu.vector_load %arg16[%swap3A_599, %swap3A_600] {strides = array<i32>} : memref<4x128xi32, #tpu.memory_space<vmem>>, vector<16xi32>,
    tpu.vector_store %arg16[%swap3A_599, %swap3A_600], %shift_right_logical3A_597 {strides = array<i32>} : memref<4x128xi32, #tpu.memory_space<vmem>>, vector<16xi32>,
    %get3A_602 = arith.constant 2 : i32
    %get3A_603 = arith.index_cast %get3A_602 : i32 to index
    %get3A_604 = arith.constant 16 : index
    %get3A_605 = tpu.vector_load %arg14[%get3A_603, %get3A_604] {strides = array<i32>} : memref<4x128xi32, #tpu.memory_space<vmem>>, vector<16xi32>,
    %shift_right_logical3A_606 = arith.constant 4 : i32
    %shift_right_logical3A_607 = vector.broadcast %shift_right_logical3A_606 : i32 to vector<16xi32>
    %shift_right_logical3A_608 = arith.shrui %get3A_605, %shift_right_logical3A_607 : vector<16xi32>
    %swap3A_609 = arith.constant 2 : i32
    %swap3A_610 = arith.index_cast %swap3A_609 : i32 to index
    %swap3A_611 = arith.constant 16 : index
    %swap3A_612 = tpu.vector_load %arg17[%swap3A_610, %swap3A_611] {strides = array<i32>} : memref<4x128xi32, #tpu.memory_space<vmem>>, vector<16xi32>,
    tpu.vector_store %arg17[%swap3A_610, %swap3A_611], %shift_right_logical3A_608 {strides = array<i32>} : memref<4x128xi32, #tpu.memory_space<vmem>>, vector<16xi32>,
    %get3A_613 = arith.constant 2 : i32
    %get3A_614 = arith.index_cast %get3A_613 : i32 to index
    %get3A_615 = arith.constant 32 : index
    %get3A_616 = tpu.vector_load %arg12[%get3A_614, %get3A_615] {strides = array<i32>} : memref<4x128xi32, #tpu.memory_space<vmem>>, vector<16xi32>,
    %shift_right_logical3A_617 = arith.constant 4 : i32
    %shift_right_logical3A_618 = vector.broadcast %shift_right_logical3A_617 : i32 to vector<16xi32>
    %shift_right_logical3A_619 = arith.shrui %get3A_616, %shift_right_logical3A_618 : vector<16xi32>
    %swap3A_620 = arith.constant 2 : i32
    %swap3A_621 = arith.index_cast %swap3A_620 : i32 to index
    %swap3A_622 = arith.constant 32 : index
    %swap3A_623 = tpu.vector_load %arg15[%swap3A_621, %swap3A_622] {strides = array<i32>} : memref<4x128xi32, #tpu.memory_space<vmem>>, vector<16xi32>,
    tpu.vector_store %arg15[%swap3A_621, %swap3A_622], %shift_right_logical3A_619 {strides = array<i32>} : memref<4x128xi32, #tpu.memory_space<vmem>>, vector<16xi32>,
    %get3A_624 = arith.constant 2 : i32
    %get3A_625 = arith.index_cast %get3A_624 : i32 to index
    %get3A_626 = arith.constant 32 : index
    %get3A_627 = tpu.vector_load %arg13[%get3A_625, %get3A_626] {strides = array<i32>} : memref<4x128xi32, #tpu.memory_space<vmem>>, vector<16xi32>,
    %shift_right_logical3A_628 = arith.constant 4 : i32
    %shift_right_logical3A_629 = vector.broadcast %shift_right_logical3A_628 : i32 to vector<16xi32>
    %shift_right_logical3A_630 = arith.shrui %get3A_627, %shift_right_logical3A_629 : vector<16xi32>
    %swap3A_631 = arith.constant 2 : i32
    %swap3A_632 = arith.index_cast %swap3A_631 : i32 to index
    %swap3A_633 = arith.constant 32 : index
    %swap3A_634 = tpu.vector_load %arg16[%swap3A_632, %swap3A_633] {strides = array<i32>} : memref<4x128xi32, #tpu.memory_space<vmem>>, vector<16xi32>,
    tpu.vector_store %arg16[%swap3A_632, %swap3A_633], %shift_right_logical3A_630 {strides = array<i32>} : memref<4x128xi32, #tpu.memory_space<vmem>>, vector<16xi32>,
    %get3A_635 = arith.constant 2 : i32
    %get3A_636 = arith.index_cast %get3A_635 : i32 to index
    %get3A_637 = arith.constant 32 : index
    %get3A_638 = tpu.vector_load %arg14[%get3A_636, %get3A_637] {strides = array<i32>} : memref<4x128xi32, #tpu.memory_space<vmem>>, vector<16xi32>,
    %shift_right_logical3A_639 = arith.constant 4 : i32
    %shift_right_logical3A_640 = vector.broadcast %shift_right_logical3A_639 : i32 to vector<16xi32>
    %shift_right_logical3A_641 = arith.shrui %get3A_638, %shift_right_logical3A_640 : vector<16xi32>
    %swap3A_642 = arith.constant 2 : i32
    %swap3A_643 = arith.index_cast %swap3A_642 : i32 to index
    %swap3A_644 = arith.constant 32 : index
    %swap3A_645 = tpu.vector_load %arg17[%swap3A_643, %swap3A_644] {strides = array<i32>} : memref<4x128xi32, #tpu.memory_space<vmem>>, vector<16xi32>,
    tpu.vector_store %arg17[%swap3A_643, %swap3A_644], %shift_right_logical3A_641 {strides = array<i32>} : memref<4x128xi32, #tpu.memory_space<vmem>>, vector<16xi32>,
    %get3A_646 = arith.constant 2 : i32
    %get3A_647 = arith.index_cast %get3A_646 : i32 to index
    %get3A_648 = arith.constant 48 : index
    %get3A_649 = tpu.vector_load %arg12[%get3A_647, %get3A_648] {strides = array<i32>} : memref<4x128xi32, #tpu.memory_space<vmem>>, vector<16xi32>,
    %shift_right_logical3A_650 = arith.constant 4 : i32
    %shift_right_logical3A_651 = vector.broadcast %shift_right_logical3A_650 : i32 to vector<16xi32>
    %shift_right_logical3A_652 = arith.shrui %get3A_649, %shift_right_logical3A_651 : vector<16xi32>
    %swap3A_653 = arith.constant 2 : i32
    %swap3A_654 = arith.index_cast %swap3A_653 : i32 to index
    %swap3A_655 = arith.constant 48 : index
    %swap3A_656 = tpu.vector_load %arg15[%swap3A_654, %swap3A_655] {strides = array<i32>} : memref<4x128xi32, #tpu.memory_space<vmem>>, vector<16xi32>,
    tpu.vector_store %arg15[%swap3A_654, %swap3A_655], %shift_right_logical3A_652 {strides = array<i32>} : memref<4x128xi32, #tpu.memory_space<vmem>>, vector<16xi32>,
    %get3A_657 = arith.constant 2 : i32
    %get3A_658 = arith.index_cast %get3A_657 : i32 to index
    %get3A_659 = arith.constant 48 : index
    %get3A_660 = tpu.vector_load %arg13[%get3A_658, %get3A_659] {strides = array<i32>} : memref<4x128xi32, #tpu.memory_space<vmem>>, vector<16xi32>,
    %shift_right_logical3A_661 = arith.constant 4 : i32
    %shift_right_logical3A_662 = vector.broadcast %shift_right_logical3A_661 : i32 to vector<16xi32>
    %shift_right_logical3A_663 = arith.shrui %get3A_660, %shift_right_logical3A_662 : vector<16xi32>
    %swap3A_664 = arith.constant 2 : i32
    %swap3A_665 = arith.index_cast %swap3A_664 : i32 to index
    %swap3A_666 = arith.constant 48 : index
    %swap3A_667 = tpu.vector_load %arg16[%swap3A_665, %swap3A_666] {strides = array<i32>} : memref<4x128xi32, #tpu.memory_space<vmem>>, vector<16xi32>,
    tpu.vector_store %arg16[%swap3A_665, %swap3A_666], %shift_right_logical3A_663 {strides = array<i32>} : memref<4x128xi32, #tpu.memory_space<vmem>>, vector<16xi32>,
    %get3A_668 = arith.constant 2 : i32
    %get3A_669 = arith.index_cast %get3A_668 : i32 to index
    %get3A_670 = arith.constant 48 : index
    %get3A_671 = tpu.vector_load %arg14[%get3A_669, %get3A_670] {strides = array<i32>} : memref<4x128xi32, #tpu.memory_space<vmem>>, vector<16xi32>,
    %shift_right_logical3A_672 = arith.constant 4 : i32
    %shift_right_logical3A_673 = vector.broadcast %shift_right_logical3A_672 : i32 to vector<16xi32>
    %shift_right_logical3A_674 = arith.shrui %get3A_671, %shift_right_logical3A_673 : vector<16xi32>
    %swap3A_675 = arith.constant 2 : i32
    %swap3A_676 = arith.index_cast %swap3A_675 : i32 to index
    %swap3A_677 = arith.constant 48 : index
    %swap3A_678 = tpu.vector_load %arg17[%swap3A_676, %swap3A_677] {strides = array<i32>} : memref<4x128xi32, #tpu.memory_space<vmem>>, vector<16xi32>,
    tpu.vector_store %arg17[%swap3A_676, %swap3A_677], %shift_right_logical3A_674 {strides = array<i32>} : memref<4x128xi32, #tpu.memory_space<vmem>>, vector<16xi32>,
    %get3A_679 = arith.constant 2 : i32
    %get3A_680 = arith.index_cast %get3A_679 : i32 to index
    %get3A_681 = arith.constant 64 : index
    %get3A_682 = tpu.vector_load %arg12[%get3A_680, %get3A_681] {strides = array<i32>} : memref<4x128xi32, #tpu.memory_space<vmem>>, vector<16xi32>,
    %shift_right_logical3A_683 = arith.constant 4 : i32
    %shift_right_logical3A_684 = vector.broadcast %shift_right_logical3A_683 : i32 to vector<16xi32>
    %shift_right_logical3A_685 = arith.shrui %get3A_682, %shift_right_logical3A_684 : vector<16xi32>
    %swap3A_686 = arith.constant 2 : i32
    %swap3A_687 = arith.index_cast %swap3A_686 : i32 to index
    %swap3A_688 = arith.constant 64 : index
    %swap3A_689 = tpu.vector_load %arg15[%swap3A_687, %swap3A_688] {strides = array<i32>} : memref<4x128xi32, #tpu.memory_space<vmem>>, vector<16xi32>,
    tpu.vector_store %arg15[%swap3A_687, %swap3A_688], %shift_right_logical3A_685 {strides = array<i32>} : memref<4x128xi32, #tpu.memory_space<vmem>>, vector<16xi32>,
    %get3A_690 = arith.constant 2 : i32
    %get3A_691 = arith.index_cast %get3A_690 : i32 to index
    %get3A_692 = arith.constant 64 : index
    %get3A_693 = tpu.vector_load %arg13[%get3A_691, %get3A_692] {strides = array<i32>} : memref<4x128xi32, #tpu.memory_space<vmem>>, vector<16xi32>,
    %shift_right_logical3A_694 = arith.constant 4 : i32
    %shift_right_logical3A_695 = vector.broadcast %shift_right_logical3A_694 : i32 to vector<16xi32>
    %shift_right_logical3A_696 = arith.shrui %get3A_693, %shift_right_logical3A_695 : vector<16xi32>
    %swap3A_697 = arith.constant 2 : i32
    %swap3A_698 = arith.index_cast %swap3A_697 : i32 to index
    %swap3A_699 = arith.constant 64 : index
    %swap3A_700 = tpu.vector_load %arg16[%swap3A_698, %swap3A_699] {strides = array<i32>} : memref<4x128xi32, #tpu.memory_space<vmem>>, vector<16xi32>,
    tpu.vector_store %arg16[%swap3A_698, %swap3A_699], %shift_right_logical3A_696 {strides = array<i32>} : memref<4x128xi32, #tpu.memory_space<vmem>>, vector<16xi32>,
    %get3A_701 = arith.constant 2 : i32
    %get3A_702 = arith.index_cast %get3A_701 : i32 to index
    %get3A_703 = arith.constant 64 : index
    %get3A_704 = tpu.vector_load %arg14[%get3A_702, %get3A_703] {strides = array<i32>} : memref<4x128xi32, #tpu.memory_space<vmem>>, vector<16xi32>,
    %shift_right_logical3A_705 = arith.constant 4 : i32
    %shift_right_logical3A_706 = vector.broadcast %shift_right_logical3A_705 : i32 to vector<16xi32>
    %shift_right_logical3A_707 = arith.shrui %get3A_704, %shift_right_logical3A_706 : vector<16xi32>
    %swap3A_708 = arith.constant 2 : i32
    %swap3A_709 = arith.index_cast %swap3A_708 : i32 to index
    %swap3A_710 = arith.constant 64 : index
    %swap3A_711 = tpu.vector_load %arg17[%swap3A_709, %swap3A_710] {strides = array<i32>} : memref<4x128xi32, #tpu.memory_space<vmem>>, vector<16xi32>,
    tpu.vector_store %arg17[%swap3A_709, %swap3A_710], %shift_right_logical3A_707 {strides = array<i32>} : memref<4x128xi32, #tpu.memory_space<vmem>>, vector<16xi32>,
    %get3A_712 = arith.constant 2 : i32
    %get3A_713 = arith.index_cast %get3A_712 : i32 to index
    %get3A_714 = arith.constant 80 : index
    %get3A_715 = tpu.vector_load %arg12[%get3A_713, %get3A_714] {strides = array<i32>} : memref<4x128xi32, #tpu.memory_space<vmem>>, vector<16xi32>,
    %shift_right_logical3A_716 = arith.constant 4 : i32
    %shift_right_logical3A_717 = vector.broadcast %shift_right_logical3A_716 : i32 to vector<16xi32>
    %shift_right_logical3A_718 = arith.shrui %get3A_715, %shift_right_logical3A_717 : vector<16xi32>
    %swap3A_719 = arith.constant 2 : i32
    %swap3A_720 = arith.index_cast %swap3A_719 : i32 to index
    %swap3A_721 = arith.constant 80 : index
    %swap3A_722 = tpu.vector_load %arg15[%swap3A_720, %swap3A_721] {strides = array<i32>} : memref<4x128xi32, #tpu.memory_space<vmem>>, vector<16xi32>,
    tpu.vector_store %arg15[%swap3A_720, %swap3A_721], %shift_right_logical3A_718 {strides = array<i32>} : memref<4x128xi32, #tpu.memory_space<vmem>>, vector<16xi32>,
    %get3A_723 = arith.constant 2 : i32
    %get3A_724 = arith.index_cast %get3A_723 : i32 to index
    %get3A_725 = arith.constant 80 : index
    %get3A_726 = tpu.vector_load %arg13[%get3A_724, %get3A_725] {strides = array<i32>} : memref<4x128xi32, #tpu.memory_space<vmem>>, vector<16xi32>,
    %shift_right_logical3A_727 = arith.constant 4 : i32
    %shift_right_logical3A_728 = vector.broadcast %shift_right_logical3A_727 : i32 to vector<16xi32>
    %shift_right_logical3A_729 = arith.shrui %get3A_726, %shift_right_logical3A_728 : vector<16xi32>
    %swap3A_730 = arith.constant 2 : i32
    %swap3A_731 = arith.index_cast %swap3A_730 : i32 to index
    %swap3A_732 = arith.constant 80 : index
    %swap3A_733 = tpu.vector_load %arg16[%swap3A_731, %swap3A_732] {strides = array<i32>} : memref<4x128xi32, #tpu.memory_space<vmem>>, vector<16xi32>,
    tpu.vector_store %arg16[%swap3A_731, %swap3A_732], %shift_right_logical3A_729 {strides = array<i32>} : memref<4x128xi32, #tpu.memory_space<vmem>>, vector<16xi32>,
    %get3A_734 = arith.constant 2 : i32
    %get3A_735 = arith.index_cast %get3A_734 : i32 to index
    %get3A_736 = arith.constant 80 : index
    %get3A_737 = tpu.vector_load %arg14[%get3A_735, %get3A_736] {strides = array<i32>} : memref<4x128xi32, #tpu.memory_space<vmem>>, vector<16xi32>,
    %shift_right_logical3A_738 = arith.constant 4 : i32
    %shift_right_logical3A_739 = vector.broadcast %shift_right_logical3A_738 : i32 to vector<16xi32>
    %shift_right_logical3A_740 = arith.shrui %get3A_737, %shift_right_logical3A_739 : vector<16xi32>
    %swap3A_741 = arith.constant 2 : i32
    %swap3A_742 = arith.index_cast %swap3A_741 : i32 to index
    %swap3A_743 = arith.constant 80 : index
    %swap3A_744 = tpu.vector_load %arg17[%swap3A_742, %swap3A_743] {strides = array<i32>} : memref<4x128xi32, #tpu.memory_space<vmem>>, vector<16xi32>,
    tpu.vector_store %arg17[%swap3A_742, %swap3A_743], %shift_right_logical3A_740 {strides = array<i32>} : memref<4x128xi32, #tpu.memory_space<vmem>>, vector<16xi32>,
    %get3A_745 = arith.constant 2 : i32
    %get3A_746 = arith.index_cast %get3A_745 : i32 to index
    %get3A_747 = arith.constant 96 : index
    %get3A_748 = tpu.vector_load %arg12[%get3A_746, %get3A_747] {strides = array<i32>} : memref<4x128xi32, #tpu.memory_space<vmem>>, vector<16xi32>,
    %shift_right_logical3A_749 = arith.constant 4 : i32
    %shift_right_logical3A_750 = vector.broadcast %shift_right_logical3A_749 : i32 to vector<16xi32>
    %shift_right_logical3A_751 = arith.shrui %get3A_748, %shift_right_logical3A_750 : vector<16xi32>
    %swap3A_752 = arith.constant 2 : i32
    %swap3A_753 = arith.index_cast %swap3A_752 : i32 to index
    %swap3A_754 = arith.constant 96 : index
    %swap3A_755 = tpu.vector_load %arg15[%swap3A_753, %swap3A_754] {strides = array<i32>} : memref<4x128xi32, #tpu.memory_space<vmem>>, vector<16xi32>,
    tpu.vector_store %arg15[%swap3A_753, %swap3A_754], %shift_right_logical3A_751 {strides = array<i32>} : memref<4x128xi32, #tpu.memory_space<vmem>>, vector<16xi32>,
    %get3A_756 = arith.constant 2 : i32
    %get3A_757 = arith.index_cast %get3A_756 : i32 to index
    %get3A_758 = arith.constant 96 : index
    %get3A_759 = tpu.vector_load %arg13[%get3A_757, %get3A_758] {strides = array<i32>} : memref<4x128xi32, #tpu.memory_space<vmem>>, vector<16xi32>,
    %shift_right_logical3A_760 = arith.constant 4 : i32
    %shift_right_logical3A_761 = vector.broadcast %shift_right_logical3A_760 : i32 to vector<16xi32>
    %shift_right_logical3A_762 = arith.shrui %get3A_759, %shift_right_logical3A_761 : vector<16xi32>
    %swap3A_763 = arith.constant 2 : i32
    %swap3A_764 = arith.index_cast %swap3A_763 : i32 to index
    %swap3A_765 = arith.constant 96 : index
    %swap3A_766 = tpu.vector_load %arg16[%swap3A_764, %swap3A_765] {strides = array<i32>} : memref<4x128xi32, #tpu.memory_space<vmem>>, vector<16xi32>,
    tpu.vector_store %arg16[%swap3A_764, %swap3A_765], %shift_right_logical3A_762 {strides = array<i32>} : memref<4x128xi32, #tpu.memory_space<vmem>>, vector<16xi32>,
    %get3A_767 = arith.constant 2 : i32
    %get3A_768 = arith.index_cast %get3A_767 : i32 to index
    %get3A_769 = arith.constant 96 : index
    %get3A_770 = tpu.vector_load %arg14[%get3A_768, %get3A_769] {strides = array<i32>} : memref<4x128xi32, #tpu.memory_space<vmem>>, vector<16xi32>,
    %shift_right_logical3A_771 = arith.constant 4 : i32
    %shift_right_logical3A_772 = vector.broadcast %shift_right_logical3A_771 : i32 to vector<16xi32>
    %shift_right_logical3A_773 = arith.shrui %get3A_770, %shift_right_logical3A_772 : vector<16xi32>
    %swap3A_774 = arith.constant 2 : i32
    %swap3A_775 = arith.index_cast %swap3A_774 : i32 to index
    %swap3A_776 = arith.constant 96 : index
    %swap3A_777 = tpu.vector_load %arg17[%swap3A_775, %swap3A_776] {strides = array<i32>} : memref<4x128xi32, #tpu.memory_space<vmem>>, vector<16xi32>,
    tpu.vector_store %arg17[%swap3A_775, %swap3A_776], %shift_right_logical3A_773 {strides = array<i32>} : memref<4x128xi32, #tpu.memory_space<vmem>>, vector<16xi32>,
    %get3A_778 = arith.constant 2 : i32
    %get3A_779 = arith.index_cast %get3A_778 : i32 to index
    %get3A_780 = arith.constant 112 : index
    %get3A_781 = tpu.vector_load %arg12[%get3A_779, %get3A_780] {strides = array<i32>} : memref<4x128xi32, #tpu.memory_space<vmem>>, vector<16xi32>,
    %shift_right_logical3A_782 = arith.constant 4 : i32
    %shift_right_logical3A_783 = vector.broadcast %shift_right_logical3A_782 : i32 to vector<16xi32>
    %shift_right_logical3A_784 = arith.shrui %get3A_781, %shift_right_logical3A_783 : vector<16xi32>
    %swap3A_785 = arith.constant 2 : i32
    %swap3A_786 = arith.index_cast %swap3A_785 : i32 to index
    %swap3A_787 = arith.constant 112 : index
    %swap3A_788 = tpu.vector_load %arg15[%swap3A_786, %swap3A_787] {strides = array<i32>} : memref<4x128xi32, #tpu.memory_space<vmem>>, vector<16xi32>,
    tpu.vector_store %arg15[%swap3A_786, %swap3A_787], %shift_right_logical3A_784 {strides = array<i32>} : memref<4x128xi32, #tpu.memory_space<vmem>>, vector<16xi32>,
    %get3A_789 = arith.constant 2 : i32
    %get3A_790 = arith.index_cast %get3A_789 : i32 to index
    %get3A_791 = arith.constant 112 : index
    %get3A_792 = tpu.vector_load %arg13[%get3A_790, %get3A_791] {strides = array<i32>} : memref<4x128xi32, #tpu.memory_space<vmem>>, vector<16xi32>,
    %shift_right_logical3A_793 = arith.constant 4 : i32
    %shift_right_logical3A_794 = vector.broadcast %shift_right_logical3A_793 : i32 to vector<16xi32>
    %shift_right_logical3A_795 = arith.shrui %get3A_792, %shift_right_logical3A_794 : vector<16xi32>
    %swap3A_796 = arith.constant 2 : i32
    %swap3A_797 = arith.index_cast %swap3A_796 : i32 to index
    %swap3A_798 = arith.constant 112 : index
    %swap3A_799 = tpu.vector_load %arg16[%swap3A_797, %swap3A_798] {strides = array<i32>} : memref<4x128xi32, #tpu.memory_space<vmem>>, vector<16xi32>,
    tpu.vector_store %arg16[%swap3A_797, %swap3A_798], %shift_right_logical3A_795 {strides = array<i32>} : memref<4x128xi32, #tpu.memory_space<vmem>>, vector<16xi32>,
    %get3A_800 = arith.constant 2 : i32
    %get3A_801 = arith.index_cast %get3A_800 : i32 to index
    %get3A_802 = arith.constant 112 : index
    %get3A_803 = tpu.vector_load %arg14[%get3A_801, %get3A_802] {strides = array<i32>} : memref<4x128xi32, #tpu.memory_space<vmem>>, vector<16xi32>,
    %shift_right_logical3A_804 = arith.constant 4 : i32
    %shift_right_logical3A_805 = vector.broadcast %shift_right_logical3A_804 : i32 to vector<16xi32>
    %shift_right_logical3A_806 = arith.shrui %get3A_803, %shift_right_logical3A_805 : vector<16xi32>
    %swap3A_807 = arith.constant 2 : i32
    %swap3A_808 = arith.index_cast %swap3A_807 : i32 to index
    %swap3A_809 = arith.constant 112 : index
    %swap3A_810 = tpu.vector_load %arg17[%swap3A_808, %swap3A_809] {strides = array<i32>} : memref<4x128xi32, #tpu.memory_space<vmem>>, vector<16xi32>,
    tpu.vector_store %arg17[%swap3A_808, %swap3A_809], %shift_right_logical3A_806 {strides = array<i32>} : memref<4x128xi32, #tpu.memory_space<vmem>>, vector<16xi32>,
    %get3A_811 = arith.constant 3 : i32
    %get3A_812 = arith.index_cast %get3A_811 : i32 to index
    %get3A_813 = arith.constant 0 : index
    %get3A_814 = tpu.vector_load %arg12[%get3A_812, %get3A_813] {strides = array<i32>} : memref<4x128xi32, #tpu.memory_space<vmem>>, vector<16xi32>,
    %shift_right_logical3A_815 = arith.constant 4 : i32
    %shift_right_logical3A_816 = vector.broadcast %shift_right_logical3A_815 : i32 to vector<16xi32>
    %shift_right_logical3A_817 = arith.shrui %get3A_814, %shift_right_logical3A_816 : vector<16xi32>
    %swap3A_818 = arith.constant 3 : i32
    %swap3A_819 = arith.index_cast %swap3A_818 : i32 to index
    %swap3A_820 = arith.constant 0 : index
    %swap3A_821 = tpu.vector_load %arg15[%swap3A_819, %swap3A_820] {strides = array<i32>} : memref<4x128xi32, #tpu.memory_space<vmem>>, vector<16xi32>,
    tpu.vector_store %arg15[%swap3A_819, %swap3A_820], %shift_right_logical3A_817 {strides = array<i32>} : memref<4x128xi32, #tpu.memory_space<vmem>>, vector<16xi32>,
    %get3A_822 = arith.constant 3 : i32
    %get3A_823 = arith.index_cast %get3A_822 : i32 to index
    %get3A_824 = arith.constant 0 : index
    %get3A_825 = tpu.vector_load %arg13[%get3A_823, %get3A_824] {strides = array<i32>} : memref<4x128xi32, #tpu.memory_space<vmem>>, vector<16xi32>,
    %shift_right_logical3A_826 = arith.constant 4 : i32
    %shift_right_logical3A_827 = vector.broadcast %shift_right_logical3A_826 : i32 to vector<16xi32>
    %shift_right_logical3A_828 = arith.shrui %get3A_825, %shift_right_logical3A_827 : vector<16xi32>
    %swap3A_829 = arith.constant 3 : i32
    %swap3A_830 = arith.index_cast %swap3A_829 : i32 to index
    %swap3A_831 = arith.constant 0 : index
    %swap3A_832 = tpu.vector_load %arg16[%swap3A_830, %swap3A_831] {strides = array<i32>} : memref<4x128xi32, #tpu.memory_space<vmem>>, vector<16xi32>,
    tpu.vector_store %arg16[%swap3A_830, %swap3A_831], %shift_right_logical3A_828 {strides = array<i32>} : memref<4x128xi32, #tpu.memory_space<vmem>>, vector<16xi32>,
    %get3A_833 = arith.constant 3 : i32
    %get3A_834 = arith.index_cast %get3A_833 : i32 to index
    %get3A_835 = arith.constant 0 : index
    %get3A_836 = tpu.vector_load %arg14[%get3A_834, %get3A_835] {strides = array<i32>} : memref<4x128xi32, #tpu.memory_space<vmem>>, vector<16xi32>,
    %shift_right_logical3A_837 = arith.constant 4 : i32
    %shift_right_logical3A_838 = vector.broadcast %shift_right_logical3A_837 : i32 to vector<16xi32>
    %shift_right_logical3A_839 = arith.shrui %get3A_836, %shift_right_logical3A_838 : vector<16xi32>
    %swap3A_840 = arith.constant 3 : i32
    %swap3A_841 = arith.index_cast %swap3A_840 : i32 to index
    %swap3A_842 = arith.constant 0 : index
    %swap3A_843 = tpu.vector_load %arg17[%swap3A_841, %swap3A_842] {strides = array<i32>} : memref<4x128xi32, #tpu.memory_space<vmem>>, vector<16xi32>,
    tpu.vector_store %arg17[%swap3A_841, %swap3A_842], %shift_right_logical3A_839 {strides = array<i32>} : memref<4x128xi32, #tpu.memory_space<vmem>>, vector<16xi32>,
    %get3A_844 = arith.constant 3 : i32
    %get3A_845 = arith.index_cast %get3A_844 : i32 to index
    %get3A_846 = arith.constant 16 : index
    %get3A_847 = tpu.vector_load %arg12[%get3A_845, %get3A_846] {strides = array<i32>} : memref<4x128xi32, #tpu.memory_space<vmem>>, vector<16xi32>,
    %shift_right_logical3A_848 = arith.constant 4 : i32
    %shift_right_logical3A_849 = vector.broadcast %shift_right_logical3A_848 : i32 to vector<16xi32>
    %shift_right_logical3A_850 = arith.shrui %get3A_847, %shift_right_logical3A_849 : vector<16xi32>
    %swap3A_851 = arith.constant 3 : i32
    %swap3A_852 = arith.index_cast %swap3A_851 : i32 to index
    %swap3A_853 = arith.constant 16 : index
    %swap3A_854 = tpu.vector_load %arg15[%swap3A_852, %swap3A_853] {strides = array<i32>} : memref<4x128xi32, #tpu.memory_space<vmem>>, vector<16xi32>,
    tpu.vector_store %arg15[%swap3A_852, %swap3A_853], %shift_right_logical3A_850 {strides = array<i32>} : memref<4x128xi32, #tpu.memory_space<vmem>>, vector<16xi32>,
    %get3A_855 = arith.constant 3 : i32
    %get3A_856 = arith.index_cast %get3A_855 : i32 to index
    %get3A_857 = arith.constant 16 : index
    %get3A_858 = tpu.vector_load %arg13[%get3A_856, %get3A_857] {strides = array<i32>} : memref<4x128xi32, #tpu.memory_space<vmem>>, vector<16xi32>,
    %shift_right_logical3A_859 = arith.constant 4 : i32
    %shift_right_logical3A_860 = vector.broadcast %shift_right_logical3A_859 : i32 to vector<16xi32>
    %shift_right_logical3A_861 = arith.shrui %get3A_858, %shift_right_logical3A_860 : vector<16xi32>
    %swap3A_862 = arith.constant 3 : i32
    %swap3A_863 = arith.index_cast %swap3A_862 : i32 to index
    %swap3A_864 = arith.constant 16 : index
    %swap3A_865 = tpu.vector_load %arg16[%swap3A_863, %swap3A_864] {strides = array<i32>} : memref<4x128xi32, #tpu.memory_space<vmem>>, vector<16xi32>,
    tpu.vector_store %arg16[%swap3A_863, %swap3A_864], %shift_right_logical3A_861 {strides = array<i32>} : memref<4x128xi32, #tpu.memory_space<vmem>>, vector<16xi32>,
    %get3A_866 = arith.constant 3 : i32
    %get3A_867 = arith.index_cast %get3A_866 : i32 to index
    %get3A_868 = arith.constant 16 : index
    %get3A_869 = tpu.vector_load %arg14[%get3A_867, %get3A_868] {strides = array<i32>} : memref<4x128xi32, #tpu.memory_space<vmem>>, vector<16xi32>,
    %shift_right_logical3A_870 = arith.constant 4 : i32
    %shift_right_logical3A_871 = vector.broadcast %shift_right_logical3A_870 : i32 to vector<16xi32>
    %shift_right_logical3A_872 = arith.shrui %get3A_869, %shift_right_logical3A_871 : vector<16xi32>
    %swap3A_873 = arith.constant 3 : i32
    %swap3A_874 = arith.index_cast %swap3A_873 : i32 to index
    %swap3A_875 = arith.constant 16 : index
    %swap3A_876 = tpu.vector_load %arg17[%swap3A_874, %swap3A_875] {strides = array<i32>} : memref<4x128xi32, #tpu.memory_space<vmem>>, vector<16xi32>,
    tpu.vector_store %arg17[%swap3A_874, %swap3A_875], %shift_right_logical3A_872 {strides = array<i32>} : memref<4x128xi32, #tpu.memory_space<vmem>>, vector<16xi32>,
    %get3A_877 = arith.constant 3 : i32
    %get3A_878 = arith.index_cast %get3A_877 : i32 to index
    %get3A_879 = arith.constant 32 : index
    %get3A_880 = tpu.vector_load %arg12[%get3A_878, %get3A_879] {strides = array<i32>} : memref<4x128xi32, #tpu.memory_space<vmem>>, vector<16xi32>,
    %shift_right_logical3A_881 = arith.constant 4 : i32
    %shift_right_logical3A_882 = vector.broadcast %shift_right_logical3A_881 : i32 to vector<16xi32>
    %shift_right_logical3A_883 = arith.shrui %get3A_880, %shift_right_logical3A_882 : vector<16xi32>
    %swap3A_884 = arith.constant 3 : i32
    %swap3A_885 = arith.index_cast %swap3A_884 : i32 to index
    %swap3A_886 = arith.constant 32 : index
    %swap3A_887 = tpu.vector_load %arg15[%swap3A_885, %swap3A_886] {strides = array<i32>} : memref<4x128xi32, #tpu.memory_space<vmem>>, vector<16xi32>,
    tpu.vector_store %arg15[%swap3A_885, %swap3A_886], %shift_right_logical3A_883 {strides = array<i32>} : memref<4x128xi32, #tpu.memory_space<vmem>>, vector<16xi32>,
    %get3A_888 = arith.constant 3 : i32
    %get3A_889 = arith.index_cast %get3A_888 : i32 to index
    %get3A_890 = arith.constant 32 : index
    %get3A_891 = tpu.vector_load %arg13[%get3A_889, %get3A_890] {strides = array<i32>} : memref<4x128xi32, #tpu.memory_space<vmem>>, vector<16xi32>,
    %shift_right_logical3A_892 = arith.constant 4 : i32
    %shift_right_logical3A_893 = vector.broadcast %shift_right_logical3A_892 : i32 to vector<16xi32>
    %shift_right_logical3A_894 = arith.shrui %get3A_891, %shift_right_logical3A_893 : vector<16xi32>
    %swap3A_895 = arith.constant 3 : i32
    %swap3A_896 = arith.index_cast %swap3A_895 : i32 to index
    %swap3A_897 = arith.constant 32 : index
    %swap3A_898 = tpu.vector_load %arg16[%swap3A_896, %swap3A_897] {strides = array<i32>} : memref<4x128xi32, #tpu.memory_space<vmem>>, vector<16xi32>,
    tpu.vector_store %arg16[%swap3A_896, %swap3A_897], %shift_right_logical3A_894 {strides = array<i32>} : memref<4x128xi32, #tpu.memory_space<vmem>>, vector<16xi32>,
    %get3A_899 = arith.constant 3 : i32
    %get3A_900 = arith.index_cast %get3A_899 : i32 to index
    %get3A_901 = arith.constant 32 : index
    %get3A_902 = tpu.vector_load %arg14[%get3A_900, %get3A_901] {strides = array<i32>} : memref<4x128xi32, #tpu.memory_space<vmem>>, vector<16xi32>,
    %shift_right_logical3A_903 = arith.constant 4 : i32
    %shift_right_logical3A_904 = vector.broadcast %shift_right_logical3A_903 : i32 to vector<16xi32>
    %shift_right_logical3A_905 = arith.shrui %get3A_902, %shift_right_logical3A_904 : vector<16xi32>
    %swap3A_906 = arith.constant 3 : i32
    %swap3A_907 = arith.index_cast %swap3A_906 : i32 to index
    %swap3A_908 = arith.constant 32 : index
    %swap3A_909 = tpu.vector_load %arg17[%swap3A_907, %swap3A_908] {strides = array<i32>} : memref<4x128xi32, #tpu.memory_space<vmem>>, vector<16xi32>,
    tpu.vector_store %arg17[%swap3A_907, %swap3A_908], %shift_right_logical3A_905 {strides = array<i32>} : memref<4x128xi32, #tpu.memory_space<vmem>>, vector<16xi32>,
    %get3A_910 = arith.constant 3 : i32
    %get3A_911 = arith.index_cast %get3A_910 : i32 to index
    %get3A_912 = arith.constant 48 : index
    %get3A_913 = tpu.vector_load %arg12[%get3A_911, %get3A_912] {strides = array<i32>} : memref<4x128xi32, #tpu.memory_space<vmem>>, vector<16xi32>,
    %shift_right_logical3A_914 = arith.constant 4 : i32
    %shift_right_logical3A_915 = vector.broadcast %shift_right_logical3A_914 : i32 to vector<16xi32>
    %shift_right_logical3A_916 = arith.shrui %get3A_913, %shift_right_logical3A_915 : vector<16xi32>
    %swap3A_917 = arith.constant 3 : i32
    %swap3A_918 = arith.index_cast %swap3A_917 : i32 to index
    %swap3A_919 = arith.constant 48 : index
    %swap3A_920 = tpu.vector_load %arg15[%swap3A_918, %swap3A_919] {strides = array<i32>} : memref<4x128xi32, #tpu.memory_space<vmem>>, vector<16xi32>,
    tpu.vector_store %arg15[%swap3A_918, %swap3A_919], %shift_right_logical3A_916 {strides = array<i32>} : memref<4x128xi32, #tpu.memory_space<vmem>>, vector<16xi32>,
    %get3A_921 = arith.constant 3 : i32
    %get3A_922 = arith.index_cast %get3A_921 : i32 to index
    %get3A_923 = arith.constant 48 : index
    %get3A_924 = tpu.vector_load %arg13[%get3A_922, %get3A_923] {strides = array<i32>} : memref<4x128xi32, #tpu.memory_space<vmem>>, vector<16xi32>,
    %shift_right_logical3A_925 = arith.constant 4 : i32
    %shift_right_logical3A_926 = vector.broadcast %shift_right_logical3A_925 : i32 to vector<16xi32>
    %shift_right_logical3A_927 = arith.shrui %get3A_924, %shift_right_logical3A_926 : vector<16xi32>
    %swap3A_928 = arith.constant 3 : i32
    %swap3A_929 = arith.index_cast %swap3A_928 : i32 to index
    %swap3A_930 = arith.constant 48 : index
    %swap3A_931 = tpu.vector_load %arg16[%swap3A_929, %swap3A_930] {strides = array<i32>} : memref<4x128xi32, #tpu.memory_space<vmem>>, vector<16xi32>,
    tpu.vector_store %arg16[%swap3A_929, %swap3A_930], %shift_right_logical3A_927 {strides = array<i32>} : memref<4x128xi32, #tpu.memory_space<vmem>>, vector<16xi32>,
    %get3A_932 = arith.constant 3 : i32
    %get3A_933 = arith.index_cast %get3A_932 : i32 to index
    %get3A_934 = arith.constant 48 : index
    %get3A_935 = tpu.vector_load %arg14[%get3A_933, %get3A_934] {strides = array<i32>} : memref<4x128xi32, #tpu.memory_space<vmem>>, vector<16xi32>,
    %shift_right_logical3A_936 = arith.constant 4 : i32
    %shift_right_logical3A_937 = vector.broadcast %shift_right_logical3A_936 : i32 to vector<16xi32>
    %shift_right_logical3A_938 = arith.shrui %get3A_935, %shift_right_logical3A_937 : vector<16xi32>
    %swap3A_939 = arith.constant 3 : i32
    %swap3A_940 = arith.index_cast %swap3A_939 : i32 to index
    %swap3A_941 = arith.constant 48 : index
    %swap3A_942 = tpu.vector_load %arg17[%swap3A_940, %swap3A_941] {strides = array<i32>} : memref<4x128xi32, #tpu.memory_space<vmem>>, vector<16xi32>,
    tpu.vector_store %arg17[%swap3A_940, %swap3A_941], %shift_right_logical3A_938 {strides = array<i32>} : memref<4x128xi32, #tpu.memory_space<vmem>>, vector<16xi32>,
    %get3A_943 = arith.constant 3 : i32
    %get3A_944 = arith.index_cast %get3A_943 : i32 to index
    %get3A_945 = arith.constant 64 : index
    %get3A_946 = tpu.vector_load %arg12[%get3A_944, %get3A_945] {strides = array<i32>} : memref<4x128xi32, #tpu.memory_space<vmem>>, vector<16xi32>,
    %shift_right_logical3A_947 = arith.constant 4 : i32
    %shift_right_logical3A_948 = vector.broadcast %shift_right_logical3A_947 : i32 to vector<16xi32>
    %shift_right_logical3A_949 = arith.shrui %get3A_946, %shift_right_logical3A_948 : vector<16xi32>
    %swap3A_950 = arith.constant 3 : i32
    %swap3A_951 = arith.index_cast %swap3A_950 : i32 to index
    %swap3A_952 = arith.constant 64 : index
    %swap3A_953 = tpu.vector_load %arg15[%swap3A_951, %swap3A_952] {strides = array<i32>} : memref<4x128xi32, #tpu.memory_space<vmem>>, vector<16xi32>,
    tpu.vector_store %arg15[%swap3A_951, %swap3A_952], %shift_right_logical3A_949 {strides = array<i32>} : memref<4x128xi32, #tpu.memory_space<vmem>>, vector<16xi32>,
    %get3A_954 = arith.constant 3 : i32
    %get3A_955 = arith.index_cast %get3A_954 : i32 to index
    %get3A_956 = arith.constant 64 : index
    %get3A_957 = tpu.vector_load %arg13[%get3A_955, %get3A_956] {strides = array<i32>} : memref<4x128xi32, #tpu.memory_space<vmem>>, vector<16xi32>,
    %shift_right_logical3A_958 = arith.constant 4 : i32
    %shift_right_logical3A_959 = vector.broadcast %shift_right_logical3A_958 : i32 to vector<16xi32>
    %shift_right_logical3A_960 = arith.shrui %get3A_957, %shift_right_logical3A_959 : vector<16xi32>
    %swap3A_961 = arith.constant 3 : i32
    %swap3A_962 = arith.index_cast %swap3A_961 : i32 to index
    %swap3A_963 = arith.constant 64 : index
    %swap3A_964 = tpu.vector_load %arg16[%swap3A_962, %swap3A_963] {strides = array<i32>} : memref<4x128xi32, #tpu.memory_space<vmem>>, vector<16xi32>,
    tpu.vector_store %arg16[%swap3A_962, %swap3A_963], %shift_right_logical3A_960 {strides = array<i32>} : memref<4x128xi32, #tpu.memory_space<vmem>>, vector<16xi32>,
    %get3A_965 = arith.constant 3 : i32
    %get3A_966 = arith.index_cast %get3A_965 : i32 to index
    %get3A_967 = arith.constant 64 : index
    %get3A_968 = tpu.vector_load %arg14[%get3A_966, %get3A_967] {strides = array<i32>} : memref<4x128xi32, #tpu.memory_space<vmem>>, vector<16xi32>,
    %shift_right_logical3A_969 = arith.constant 4 : i32
    %shift_right_logical3A_970 = vector.broadcast %shift_right_logical3A_969 : i32 to vector<16xi32>
    %shift_right_logical3A_971 = arith.shrui %get3A_968, %shift_right_logical3A_970 : vector<16xi32>
    %swap3A_972 = arith.constant 3 : i32
    %swap3A_973 = arith.index_cast %swap3A_972 : i32 to index
    %swap3A_974 = arith.constant 64 : index
    %swap3A_975 = tpu.vector_load %arg17[%swap3A_973, %swap3A_974] {strides = array<i32>} : memref<4x128xi32, #tpu.memory_space<vmem>>, vector<16xi32>,
    tpu.vector_store %arg17[%swap3A_973, %swap3A_974], %shift_right_logical3A_971 {strides = array<i32>} : memref<4x128xi32, #tpu.memory_space<vmem>>, vector<16xi32>,
    %get3A_976 = arith.constant 3 : i32
    %get3A_977 = arith.index_cast %get3A_976 : i32 to index
    %get3A_978 = arith.constant 80 : index
    %get3A_979 = tpu.vector_load %arg12[%get3A_977, %get3A_978] {strides = array<i32>} : memref<4x128xi32, #tpu.memory_space<vmem>>, vector<16xi32>,
    %shift_right_logical3A_980 = arith.constant 4 : i32
    %shift_right_logical3A_981 = vector.broadcast %shift_right_logical3A_980 : i32 to vector<16xi32>
    %shift_right_logical3A_982 = arith.shrui %get3A_979, %shift_right_logical3A_981 : vector<16xi32>
    %swap3A_983 = arith.constant 3 : i32
    %swap3A_984 = arith.index_cast %swap3A_983 : i32 to index
    %swap3A_985 = arith.constant 80 : index
    %swap3A_986 = tpu.vector_load %arg15[%swap3A_984, %swap3A_985] {strides = array<i32>} : memref<4x128xi32, #tpu.memory_space<vmem>>, vector<16xi32>,
    tpu.vector_store %arg15[%swap3A_984, %swap3A_985], %shift_right_logical3A_982 {strides = array<i32>} : memref<4x128xi32, #tpu.memory_space<vmem>>, vector<16xi32>,
    %get3A_987 = arith.constant 3 : i32
    %get3A_988 = arith.index_cast %get3A_987 : i32 to index
    %get3A_989 = arith.constant 80 : index
    %get3A_990 = tpu.vector_load %arg13[%get3A_988, %get3A_989] {strides = array<i32>} : memref<4x128xi32, #tpu.memory_space<vmem>>, vector<16xi32>,
    %shift_right_logical3A_991 = arith.constant 4 : i32
    %shift_right_logical3A_992 = vector.broadcast %shift_right_logical3A_991 : i32 to vector<16xi32>
    %shift_right_logical3A_993 = arith.shrui %get3A_990, %shift_right_logical3A_992 : vector<16xi32>
    %swap3A_994 = arith.constant 3 : i32
    %swap3A_995 = arith.index_cast %swap3A_994 : i32 to index
    %swap3A_996 = arith.constant 80 : index
    %swap3A_997 = tpu.vector_load %arg16[%swap3A_995, %swap3A_996] {strides = array<i32>} : memref<4x128xi32, #tpu.memory_space<vmem>>, vector<16xi32>,
    tpu.vector_store %arg16[%swap3A_995, %swap3A_996], %shift_right_logical3A_993 {strides = array<i32>} : memref<4x128xi32, #tpu.memory_space<vmem>>, vector<16xi32>,
    %get3A_998 = arith.constant 3 : i32
    %get3A_999 = arith.index_cast %get3A_998 : i32 to index
    %get3A_1000 = arith.constant 80 : index
    %get3A_1001 = tpu.vector_load %arg14[%get3A_999, %get3A_1000] {strides = array<i32>} : memref<4x128xi32, #tpu.memory_space<vmem>>, vector<16xi32>,
    %shift_right_logical3A_1002 = arith.constant 4 : i32
    %shift_right_logical3A_1003 = vector.broadcast %shift_right_logical3A_1002 : i32 to vector<16xi32>
    %shift_right_logical3A_1004 = arith.shrui %get3A_1001, %shift_right_logical3A_1003 : vector<16xi32>
    %swap3A_1005 = arith.constant 3 : i32
    %swap3A_1006 = arith.index_cast %swap3A_1005 : i32 to index
    %swap3A_1007 = arith.constant 80 : index
    %swap3A_1008 = tpu.vector_load %arg17[%swap3A_1006, %swap3A_1007] {strides = array<i32>} : memref<4x128xi32, #tpu.memory_space<vmem>>, vector<16xi32>,
    tpu.vector_store %arg17[%swap3A_1006, %swap3A_1007], %shift_right_logical3A_1004 {strides = array<i32>} : memref<4x128xi32, #tpu.memory_space<vmem>>, vector<16xi32>,
    %get3A_1009 = arith.constant 3 : i32
    %get3A_1010 = arith.index_cast %get3A_1009 : i32 to index
    %get3A_1011 = arith.constant 96 : index
    %get3A_1012 = tpu.vector_load %arg12[%get3A_1010, %get3A_1011] {strides = array<i32>} : memref<4x128xi32, #tpu.memory_space<vmem>>, vector<16xi32>,
    %shift_right_logical3A_1013 = arith.constant 4 : i32
    %shift_right_logical3A_1014 = vector.broadcast %shift_right_logical3A_1013 : i32 to vector<16xi32>
    %shift_right_logical3A_1015 = arith.shrui %get3A_1012, %shift_right_logical3A_1014 : vector<16xi32>
    %swap3A_1016 = arith.constant 3 : i32
    %swap3A_1017 = arith.index_cast %swap3A_1016 : i32 to index
    %swap3A_1018 = arith.constant 96 : index
    %swap3A_1019 = tpu.vector_load %arg15[%swap3A_1017, %swap3A_1018] {strides = array<i32>} : memref<4x128xi32, #tpu.memory_space<vmem>>, vector<16xi32>,
    tpu.vector_store %arg15[%swap3A_1017, %swap3A_1018], %shift_right_logical3A_1015 {strides = array<i32>} : memref<4x128xi32, #tpu.memory_space<vmem>>, vector<16xi32>,
    %get3A_1020 = arith.constant 3 : i32
    %get3A_1021 = arith.index_cast %get3A_1020 : i32 to index
    %get3A_1022 = arith.constant 96 : index
    %get3A_1023 = tpu.vector_load %arg13[%get3A_1021, %get3A_1022] {strides = array<i32>} : memref<4x128xi32, #tpu.memory_space<vmem>>, vector<16xi32>,
    %shift_right_logical3A_1024 = arith.constant 4 : i32
    %shift_right_logical3A_1025 = vector.broadcast %shift_right_logical3A_1024 : i32 to vector<16xi32>
    %shift_right_logical3A_1026 = arith.shrui %get3A_1023, %shift_right_logical3A_1025 : vector<16xi32>
    %swap3A_1027 = arith.constant 3 : i32
    %swap3A_1028 = arith.index_cast %swap3A_1027 : i32 to index
    %swap3A_1029 = arith.constant 96 : index
    %swap3A_1030 = tpu.vector_load %arg16[%swap3A_1028, %swap3A_1029] {strides = array<i32>} : memref<4x128xi32, #tpu.memory_space<vmem>>, vector<16xi32>,
    tpu.vector_store %arg16[%swap3A_1028, %swap3A_1029], %shift_right_logical3A_1026 {strides = array<i32>} : memref<4x128xi32, #tpu.memory_space<vmem>>, vector<16xi32>,
    %get3A_1031 = arith.constant 3 : i32
    %get3A_1032 = arith.index_cast %get3A_1031 : i32 to index
    %get3A_1033 = arith.constant 96 : index
    %get3A_1034 = tpu.vector_load %arg14[%get3A_1032, %get3A_1033] {strides = array<i32>} : memref<4x128xi32, #tpu.memory_space<vmem>>, vector<16xi32>,
    %shift_right_logical3A_1035 = arith.constant 4 : i32
    %shift_right_logical3A_1036 = vector.broadcast %shift_right_logical3A_1035 : i32 to vector<16xi32>
    %shift_right_logical3A_1037 = arith.shrui %get3A_1034, %shift_right_logical3A_1036 : vector<16xi32>
    %swap3A_1038 = arith.constant 3 : i32
    %swap3A_1039 = arith.index_cast %swap3A_1038 : i32 to index
    %swap3A_1040 = arith.constant 96 : index
    %swap3A_1041 = tpu.vector_load %arg17[%swap3A_1039, %swap3A_1040] {strides = array<i32>} : memref<4x128xi32, #tpu.memory_space<vmem>>, vector<16xi32>,
    tpu.vector_store %arg17[%swap3A_1039, %swap3A_1040], %shift_right_logical3A_1037 {strides = array<i32>} : memref<4x128xi32, #tpu.memory_space<vmem>>, vector<16xi32>,
    %get3A_1042 = arith.constant 3 : i32
    %get3A_1043 = arith.index_cast %get3A_1042 : i32 to index
    %get3A_1044 = arith.constant 112 : index
    %get3A_1045 = tpu.vector_load %arg12[%get3A_1043, %get3A_1044] {strides = array<i32>} : memref<4x128xi32, #tpu.memory_space<vmem>>, vector<16xi32>,
    %shift_right_logical3A_1046 = arith.constant 4 : i32
    %shift_right_logical3A_1047 = vector.broadcast %shift_right_logical3A_1046 : i32 to vector<16xi32>
    %shift_right_logical3A_1048 = arith.shrui %get3A_1045, %shift_right_logical3A_1047 : vector<16xi32>
    %swap3A_1049 = arith.constant 3 : i32
    %swap3A_1050 = arith.index_cast %swap3A_1049 : i32 to index
    %swap3A_1051 = arith.constant 112 : index
    %swap3A_1052 = tpu.vector_load %arg15[%swap3A_1050, %swap3A_1051] {strides = array<i32>} : memref<4x128xi32, #tpu.memory_space<vmem>>, vector<16xi32>,
    tpu.vector_store %arg15[%swap3A_1050, %swap3A_1051], %shift_right_logical3A_1048 {strides = array<i32>} : memref<4x128xi32, #tpu.memory_space<vmem>>, vector<16xi32>,
    %get3A_1053 = arith.constant 3 : i32
    %get3A_1054 = arith.index_cast %get3A_1053 : i32 to index
    %get3A_1055 = arith.constant 112 : index
    %get3A_1056 = tpu.vector_load %arg13[%get3A_1054, %get3A_1055] {strides = array<i32>} : memref<4x128xi32, #tpu.memory_space<vmem>>, vector<16xi32>,
    %shift_right_logical3A_1057 = arith.constant 4 : i32
    %shift_right_logical3A_1058 = vector.broadcast %shift_right_logical3A_1057 : i32 to vector<16xi32>
    %shift_right_logical3A_1059 = arith.shrui %get3A_1056, %shift_right_logical3A_1058 : vector<16xi32>
    %swap3A_1060 = arith.constant 3 : i32
    %swap3A_1061 = arith.index_cast %swap3A_1060 : i32 to index
    %swap3A_1062 = arith.constant 112 : index
    %swap3A_1063 = tpu.vector_load %arg16[%swap3A_1061, %swap3A_1062] {strides = array<i32>} : memref<4x128xi32, #tpu.memory_space<vmem>>, vector<16xi32>,
    tpu.vector_store %arg16[%swap3A_1061, %swap3A_1062], %shift_right_logical3A_1059 {strides = array<i32>} : memref<4x128xi32, #tpu.memory_space<vmem>>, vector<16xi32>,
    %get3A_1064 = arith.constant 3 : i32
    %get3A_1065 = arith.index_cast %get3A_1064 : i32 to index
    %get3A_1066 = arith.constant 112 : index
    %get3A_1067 = tpu.vector_load %arg14[%get3A_1065, %get3A_1066] {strides = array<i32>} : memref<4x128xi32, #tpu.memory_space<vmem>>, vector<16xi32>,
    %shift_right_logical3A_1068 = arith.constant 4 : i32
    %shift_right_logical3A_1069 = vector.broadcast %shift_right_logical3A_1068 : i32 to vector<16xi32>
    %shift_right_logical3A_1070 = arith.shrui %get3A_1067, %shift_right_logical3A_1069 : vector<16xi32>
    %swap3A_1071 = arith.constant 3 : i32
    %swap3A_1072 = arith.index_cast %swap3A_1071 : i32 to index
    %swap3A_1073 = arith.constant 112 : index
    %swap3A_1074 = tpu.vector_load %arg17[%swap3A_1072, %swap3A_1073] {strides = array<i32>} : memref<4x128xi32, #tpu.memory_space<vmem>>, vector<16xi32>,
    tpu.vector_store %arg17[%swap3A_1072, %swap3A_1073], %shift_right_logical3A_1070 {strides = array<i32>} : memref<4x128xi32, #tpu.memory_space<vmem>>, vector<16xi32>,
    %dma_start3A = arith.constant 0 : i32
    %dma_start3A_1075 = arith.constant 0 : i32
    %dma_start3A_1076 = arith.constant 0 : i32
    %dma_start3A_1077 = arith.constant 0 : i32
    %dma_start3A_1078 = tpu.memref_slice %arg18[%dma_start3A_1075, %dma_start3A_1076, %dma_start3A_1077] : memref<4x128x16xf32, #tpu.memory_space<vmem>> -> memref<1x128x16xf32, #tpu.memory_space<vmem>>
    %dma_start3A_1079 = tpu.memref_squeeze %dma_start3A_1078 : memref<1x128x16xf32, #tpu.memory_space<vmem>> -> memref<128x16xf32, #tpu.memory_space<vmem>>
    %dma_start3A_1080 = arith.constant 0 : i32
    %dma_start3A_1081 = tpu.memref_slice %arg12[%dma_start3A, %dma_start3A_1080] : memref<4x128xi32, #tpu.memory_space<vmem>> -> memref<1x128xi32, #tpu.memory_space<vmem>>
    %dma_start3A_1082 = tpu.memref_squeeze %dma_start3A_1081 : memref<1x128xi32, #tpu.memory_space<vmem>> -> memref<128xi32, #tpu.memory_space<vmem>>
    %dma_start3A_1083 = arith.constant 0 : i32
    %dma_start3A_1084 = arith.constant 0 : i32
    %dma_start3A_1085 = tpu.memref_slice %arg5[%dma_start3A_1083, %dma_start3A_1084] : memref<1000000x16xf32, #tpu.memory_space<hbm>> -> memref<1000000x16xf32, #tpu.memory_space<hbm>>
    tpu.enqueue_indirect_dma source(%dma_start3A_1085 : memref<1000000x16xf32, #tpu.memory_space<hbm>>) target(%dma_start3A_1079 : memref<128x16xf32, #tpu.memory_space<vmem>>) offsets(%dma_start3A_1082 : memref<128xi32, #tpu.memory_space<vmem>>) semaphore(%arg27 : memref<!tpu.dma_semaphore, #tpu.memory_space<semaphore_mem>>)
    %dma_start3A_1086 = arith.constant 0 : i32
    %dma_start3A_1087 = arith.constant 0 : i32
    %dma_start3A_1088 = arith.constant 0 : i32
    %dma_start3A_1089 = arith.constant 0 : i32
    %dma_start3A_1090 = tpu.memref_slice %arg19[%dma_start3A_1087, %dma_start3A_1088, %dma_start3A_1089] : memref<4x128x16xf32, #tpu.memory_space<vmem>> -> memref<1x128x16xf32, #tpu.memory_space<vmem>>
    %dma_start3A_1091 = tpu.memref_squeeze %dma_start3A_1090 : memref<1x128x16xf32, #tpu.memory_space<vmem>> -> memref<128x16xf32, #tpu.memory_space<vmem>>
    %dma_start3A_1092 = arith.constant 0 : i32
    %dma_start3A_1093 = tpu.memref_slice %arg13[%dma_start3A_1086, %dma_start3A_1092] : memref<4x128xi32, #tpu.memory_space<vmem>> -> memref<1x128xi32, #tpu.memory_space<vmem>>
    %dma_start3A_1094 = tpu.memref_squeeze %dma_start3A_1093 : memref<1x128xi32, #tpu.memory_space<vmem>> -> memref<128xi32, #tpu.memory_space<vmem>>
    %dma_start3A_1095 = arith.constant 0 : i32
    %dma_start3A_1096 = arith.constant 0 : i32
    %dma_start3A_1097 = tpu.memref_slice %arg6[%dma_start3A_1095, %dma_start3A_1096] : memref<1000000x16xf32, #tpu.memory_space<hbm>> -> memref<1000000x16xf32, #tpu.memory_space<hbm>>
    tpu.enqueue_indirect_dma source(%dma_start3A_1097 : memref<1000000x16xf32, #tpu.memory_space<hbm>>) target(%dma_start3A_1091 : memref<128x16xf32, #tpu.memory_space<vmem>>) offsets(%dma_start3A_1094 : memref<128xi32, #tpu.memory_space<vmem>>) semaphore(%arg27 : memref<!tpu.dma_semaphore, #tpu.memory_space<semaphore_mem>>)
    %dma_start3A_1098 = arith.constant 0 : i32
    %dma_start3A_1099 = arith.constant 0 : i32
    %dma_start3A_1100 = arith.constant 0 : i32
    %dma_start3A_1101 = arith.constant 0 : i32
    %dma_start3A_1102 = tpu.memref_slice %arg20[%dma_start3A_1099, %dma_start3A_1100, %dma_start3A_1101] : memref<4x128x16xf32, #tpu.memory_space<vmem>> -> memref<1x128x16xf32, #tpu.memory_space<vmem>>
    %dma_start3A_1103 = tpu.memref_squeeze %dma_start3A_1102 : memref<1x128x16xf32, #tpu.memory_space<vmem>> -> memref<128x16xf32, #tpu.memory_space<vmem>>
    %dma_start3A_1104 = arith.constant 0 : i32
    %dma_start3A_1105 = tpu.memref_slice %arg14[%dma_start3A_1098, %dma_start3A_1104] : memref<4x128xi32, #tpu.memory_space<vmem>> -> memref<1x128xi32, #tpu.memory_space<vmem>>
    %dma_start3A_1106 = tpu.memref_squeeze %dma_start3A_1105 : memref<1x128xi32, #tpu.memory_space<vmem>> -> memref<128xi32, #tpu.memory_space<vmem>>
    %dma_start3A_1107 = arith.constant 0 : i32
    %dma_start3A_1108 = arith.constant 0 : i32
    %dma_start3A_1109 = tpu.memref_slice %arg6[%dma_start3A_1107, %dma_start3A_1108] : memref<1000000x16xf32, #tpu.memory_space<hbm>> -> memref<1000000x16xf32, #tpu.memory_space<hbm>>
    tpu.enqueue_indirect_dma source(%dma_start3A_1109 : memref<1000000x16xf32, #tpu.memory_space<hbm>>) target(%dma_start3A_1103 : memref<128x16xf32, #tpu.memory_space<vmem>>) offsets(%dma_start3A_1106 : memref<128xi32, #tpu.memory_space<vmem>>) semaphore(%arg27 : memref<!tpu.dma_semaphore, #tpu.memory_space<semaphore_mem>>)
    %dma_start3A_1110 = arith.constant 0 : i32
    %dma_start3A_1111 = arith.constant 0 : i32
    %dma_start3A_1112 = arith.constant 0 : i32
    %dma_start3A_1113 = arith.constant 0 : i32
    %dma_start3A_1114 = tpu.memref_slice %arg21[%dma_start3A_1111, %dma_start3A_1112, %dma_start3A_1113] : memref<4x128x16xf32, #tpu.memory_space<vmem>> -> memref<1x128x16xf32, #tpu.memory_space<vmem>>
    %dma_start3A_1115 = tpu.memref_squeeze %dma_start3A_1114 : memref<1x128x16xf32, #tpu.memory_space<vmem>> -> memref<128x16xf32, #tpu.memory_space<vmem>>
    %dma_start3A_1116 = arith.constant 0 : i32
    %dma_start3A_1117 = tpu.memref_slice %arg15[%dma_start3A_1110, %dma_start3A_1116] : memref<4x128xi32, #tpu.memory_space<vmem>> -> memref<1x128xi32, #tpu.memory_space<vmem>>
    %dma_start3A_1118 = tpu.memref_squeeze %dma_start3A_1117 : memref<1x128xi32, #tpu.memory_space<vmem>> -> memref<128xi32, #tpu.memory_space<vmem>>
    %dma_start3A_1119 = arith.constant 0 : i32
    %dma_start3A_1120 = arith.constant 0 : i32
    %dma_start3A_1121 = tpu.memref_slice %arg7[%dma_start3A_1119, %dma_start3A_1120] : memref<62500x16xf32, #tpu.memory_space<hbm>> -> memref<62500x16xf32, #tpu.memory_space<hbm>>
    tpu.enqueue_indirect_dma source(%dma_start3A_1121 : memref<62500x16xf32, #tpu.memory_space<hbm>>) target(%dma_start3A_1115 : memref<128x16xf32, #tpu.memory_space<vmem>>) offsets(%dma_start3A_1118 : memref<128xi32, #tpu.memory_space<vmem>>) semaphore(%arg27 : memref<!tpu.dma_semaphore, #tpu.memory_space<semaphore_mem>>)
    %dma_start3A_1122 = arith.constant 0 : i32
    %dma_start3A_1123 = arith.constant 0 : i32
    %dma_start3A_1124 = arith.constant 0 : i32
    %dma_start3A_1125 = arith.constant 0 : i32
    %dma_start3A_1126 = tpu.memref_slice %arg22[%dma_start3A_1123, %dma_start3A_1124, %dma_start3A_1125] : memref<4x128x16xf32, #tpu.memory_space<vmem>> -> memref<1x128x16xf32, #tpu.memory_space<vmem>>
    %dma_start3A_1127 = tpu.memref_squeeze %dma_start3A_1126 : memref<1x128x16xf32, #tpu.memory_space<vmem>> -> memref<128x16xf32, #tpu.memory_space<vmem>>
    %dma_start3A_1128 = arith.constant 0 : i32
    %dma_start3A_1129 = tpu.memref_slice %arg16[%dma_start3A_1122, %dma_start3A_1128] : memref<4x128xi32, #tpu.memory_space<vmem>> -> memref<1x128xi32, #tpu.memory_space<vmem>>
    %dma_start3A_1130 = tpu.memref_squeeze %dma_start3A_1129 : memref<1x128xi32, #tpu.memory_space<vmem>> -> memref<128xi32, #tpu.memory_space<vmem>>
    %dma_start3A_1131 = arith.constant 0 : i32
    %dma_start3A_1132 = arith.constant 0 : i32
    %dma_start3A_1133 = tpu.memref_slice %arg8[%dma_start3A_1131, %dma_start3A_1132] : memref<62500x16xf32, #tpu.memory_space<hbm>> -> memref<62500x16xf32, #tpu.memory_space<hbm>>
    tpu.enqueue_indirect_dma source(%dma_start3A_1133 : memref<62500x16xf32, #tpu.memory_space<hbm>>) target(%dma_start3A_1127 : memref<128x16xf32, #tpu.memory_space<vmem>>) offsets(%dma_start3A_1130 : memref<128xi32, #tpu.memory_space<vmem>>) semaphore(%arg27 : memref<!tpu.dma_semaphore, #tpu.memory_space<semaphore_mem>>)
    %dma_start3A_1134 = arith.constant 0 : i32
    %dma_start3A_1135 = arith.constant 0 : i32
    %dma_start3A_1136 = arith.constant 0 : i32
    %dma_start3A_1137 = arith.constant 0 : i32
    %dma_start3A_1138 = tpu.memref_slice %arg23[%dma_start3A_1135, %dma_start3A_1136, %dma_start3A_1137] : memref<4x128x16xf32, #tpu.memory_space<vmem>> -> memref<1x128x16xf32, #tpu.memory_space<vmem>>
    %dma_start3A_1139 = tpu.memref_squeeze %dma_start3A_1138 : memref<1x128x16xf32, #tpu.memory_space<vmem>> -> memref<128x16xf32, #tpu.memory_space<vmem>>
    %dma_start3A_1140 = arith.constant 0 : i32
    %dma_start3A_1141 = tpu.memref_slice %arg17[%dma_start3A_1134, %dma_start3A_1140] : memref<4x128xi32, #tpu.memory_space<vmem>> -> memref<1x128xi32, #tpu.memory_space<vmem>>
    %dma_start3A_1142 = tpu.memref_squeeze %dma_start3A_1141 : memref<1x128xi32, #tpu.memory_space<vmem>> -> memref<128xi32, #tpu.memory_space<vmem>>
    %dma_start3A_1143 = arith.constant 0 : i32
    %dma_start3A_1144 = arith.constant 0 : i32
    %dma_start3A_1145 = tpu.memref_slice %arg8[%dma_start3A_1143, %dma_start3A_1144] : memref<62500x16xf32, #tpu.memory_space<hbm>> -> memref<62500x16xf32, #tpu.memory_space<hbm>>
    tpu.enqueue_indirect_dma source(%dma_start3A_1145 : memref<62500x16xf32, #tpu.memory_space<hbm>>) target(%dma_start3A_1139 : memref<128x16xf32, #tpu.memory_space<vmem>>) offsets(%dma_start3A_1142 : memref<128xi32, #tpu.memory_space<vmem>>) semaphore(%arg27 : memref<!tpu.dma_semaphore, #tpu.memory_space<semaphore_mem>>)
    %dma_start3A_1146 = arith.constant 1 : i32
    %dma_start3A_1147 = arith.constant 1 : i32
    %dma_start3A_1148 = arith.constant 0 : i32
    %dma_start3A_1149 = arith.constant 0 : i32
    %dma_start3A_1150 = tpu.memref_slice %arg18[%dma_start3A_1147, %dma_start3A_1148, %dma_start3A_1149] : memref<4x128x16xf32, #tpu.memory_space<vmem>> -> memref<1x128x16xf32, #tpu.memory_space<vmem>>
    %dma_start3A_1151 = tpu.memref_squeeze %dma_start3A_1150 : memref<1x128x16xf32, #tpu.memory_space<vmem>> -> memref<128x16xf32, #tpu.memory_space<vmem>>
    %dma_start3A_1152 = arith.constant 0 : i32
    %dma_start3A_1153 = tpu.memref_slice %arg12[%dma_start3A_1146, %dma_start3A_1152] : memref<4x128xi32, #tpu.memory_space<vmem>> -> memref<1x128xi32, #tpu.memory_space<vmem>>
    %dma_start3A_1154 = tpu.memref_squeeze %dma_start3A_1153 : memref<1x128xi32, #tpu.memory_space<vmem>> -> memref<128xi32, #tpu.memory_space<vmem>>
    %dma_start3A_1155 = arith.constant 0 : i32
    %dma_start3A_1156 = arith.constant 0 : i32
    %dma_start3A_1157 = tpu.memref_slice %arg5[%dma_start3A_1155, %dma_start3A_1156] : memref<1000000x16xf32, #tpu.memory_space<hbm>> -> memref<1000000x16xf32, #tpu.memory_space<hbm>>
    tpu.enqueue_indirect_dma source(%dma_start3A_1157 : memref<1000000x16xf32, #tpu.memory_space<hbm>>) target(%dma_start3A_1151 : memref<128x16xf32, #tpu.memory_space<vmem>>) offsets(%dma_start3A_1154 : memref<128xi32, #tpu.memory_space<vmem>>) semaphore(%arg27 : memref<!tpu.dma_semaphore, #tpu.memory_space<semaphore_mem>>)
    %dma_start3A_1158 = arith.constant 1 : i32
    %dma_start3A_1159 = arith.constant 1 : i32
    %dma_start3A_1160 = arith.constant 0 : i32
    %dma_start3A_1161 = arith.constant 0 : i32
    %dma_start3A_1162 = tpu.memref_slice %arg19[%dma_start3A_1159, %dma_start3A_1160, %dma_start3A_1161] : memref<4x128x16xf32, #tpu.memory_space<vmem>> -> memref<1x128x16xf32, #tpu.memory_space<vmem>>
    %dma_start3A_1163 = tpu.memref_squeeze %dma_start3A_1162 : memref<1x128x16xf32, #tpu.memory_space<vmem>> -> memref<128x16xf32, #tpu.memory_space<vmem>>
    %dma_start3A_1164 = arith.constant 0 : i32
    %dma_start3A_1165 = tpu.memref_slice %arg13[%dma_start3A_1158, %dma_start3A_1164] : memref<4x128xi32, #tpu.memory_space<vmem>> -> memref<1x128xi32, #tpu.memory_space<vmem>>
    %dma_start3A_1166 = tpu.memref_squeeze %dma_start3A_1165 : memref<1x128xi32, #tpu.memory_space<vmem>> -> memref<128xi32, #tpu.memory_space<vmem>>
    %dma_start3A_1167 = arith.constant 0 : i32
    %dma_start3A_1168 = arith.constant 0 : i32
    %dma_start3A_1169 = tpu.memref_slice %arg6[%dma_start3A_1167, %dma_start3A_1168] : memref<1000000x16xf32, #tpu.memory_space<hbm>> -> memref<1000000x16xf32, #tpu.memory_space<hbm>>
    tpu.enqueue_indirect_dma source(%dma_start3A_1169 : memref<1000000x16xf32, #tpu.memory_space<hbm>>) target(%dma_start3A_1163 : memref<128x16xf32, #tpu.memory_space<vmem>>) offsets(%dma_start3A_1166 : memref<128xi32, #tpu.memory_space<vmem>>) semaphore(%arg27 : memref<!tpu.dma_semaphore, #tpu.memory_space<semaphore_mem>>)
    %dma_start3A_1170 = arith.constant 1 : i32
    %dma_start3A_1171 = arith.constant 1 : i32
    %dma_start3A_1172 = arith.constant 0 : i32
    %dma_start3A_1173 = arith.constant 0 : i32
    %dma_start3A_1174 = tpu.memref_slice %arg20[%dma_start3A_1171, %dma_start3A_1172, %dma_start3A_1173] : memref<4x128x16xf32, #tpu.memory_space<vmem>> -> memref<1x128x16xf32, #tpu.memory_space<vmem>>
    %dma_start3A_1175 = tpu.memref_squeeze %dma_start3A_1174 : memref<1x128x16xf32, #tpu.memory_space<vmem>> -> memref<128x16xf32, #tpu.memory_space<vmem>>
    %dma_start3A_1176 = arith.constant 0 : i32
    %dma_start3A_1177 = tpu.memref_slice %arg14[%dma_start3A_1170, %dma_start3A_1176] : memref<4x128xi32, #tpu.memory_space<vmem>> -> memref<1x128xi32, #tpu.memory_space<vmem>>
    %dma_start3A_1178 = tpu.memref_squeeze %dma_start3A_1177 : memref<1x128xi32, #tpu.memory_space<vmem>> -> memref<128xi32, #tpu.memory_space<vmem>>
    %dma_start3A_1179 = arith.constant 0 : i32
    %dma_start3A_1180 = arith.constant 0 : i32
    %dma_start3A_1181 = tpu.memref_slice %arg6[%dma_start3A_1179, %dma_start3A_1180] : memref<1000000x16xf32, #tpu.memory_space<hbm>> -> memref<1000000x16xf32, #tpu.memory_space<hbm>>
    tpu.enqueue_indirect_dma source(%dma_start3A_1181 : memref<1000000x16xf32, #tpu.memory_space<hbm>>) target(%dma_start3A_1175 : memref<128x16xf32, #tpu.memory_space<vmem>>) offsets(%dma_start3A_1178 : memref<128xi32, #tpu.memory_space<vmem>>) semaphore(%arg27 : memref<!tpu.dma_semaphore, #tpu.memory_space<semaphore_mem>>)
    %dma_start3A_1182 = arith.constant 1 : i32
    %dma_start3A_1183 = arith.constant 1 : i32
    %dma_start3A_1184 = arith.constant 0 : i32
    %dma_start3A_1185 = arith.constant 0 : i32
    %dma_start3A_1186 = tpu.memref_slice %arg21[%dma_start3A_1183, %dma_start3A_1184, %dma_start3A_1185] : memref<4x128x16xf32, #tpu.memory_space<vmem>> -> memref<1x128x16xf32, #tpu.memory_space<vmem>>
    %dma_start3A_1187 = tpu.memref_squeeze %dma_start3A_1186 : memref<1x128x16xf32, #tpu.memory_space<vmem>> -> memref<128x16xf32, #tpu.memory_space<vmem>>
    %dma_start3A_1188 = arith.constant 0 : i32
    %dma_start3A_1189 = tpu.memref_slice %arg15[%dma_start3A_1182, %dma_start3A_1188] : memref<4x128xi32, #tpu.memory_space<vmem>> -> memref<1x128xi32, #tpu.memory_space<vmem>>
    %dma_start3A_1190 = tpu.memref_squeeze %dma_start3A_1189 : memref<1x128xi32, #tpu.memory_space<vmem>> -> memref<128xi32, #tpu.memory_space<vmem>>
    %dma_start3A_1191 = arith.constant 0 : i32
    %dma_start3A_1192 = arith.constant 0 : i32
    %dma_start3A_1193 = tpu.memref_slice %arg7[%dma_start3A_1191, %dma_start3A_1192] : memref<62500x16xf32, #tpu.memory_space<hbm>> -> memref<62500x16xf32, #tpu.memory_space<hbm>>
    tpu.enqueue_indirect_dma source(%dma_start3A_1193 : memref<62500x16xf32, #tpu.memory_space<hbm>>) target(%dma_start3A_1187 : memref<128x16xf32, #tpu.memory_space<vmem>>) offsets(%dma_start3A_1190 : memref<128xi32, #tpu.memory_space<vmem>>) semaphore(%arg27 : memref<!tpu.dma_semaphore, #tpu.memory_space<semaphore_mem>>)
    %dma_start3A_1194 = arith.constant 1 : i32
    %dma_start3A_1195 = arith.constant 1 : i32
    %dma_start3A_1196 = arith.constant 0 : i32
    %dma_start3A_1197 = arith.constant 0 : i32
    %dma_start3A_1198 = tpu.memref_slice %arg22[%dma_start3A_1195, %dma_start3A_1196, %dma_start3A_1197] : memref<4x128x16xf32, #tpu.memory_space<vmem>> -> memref<1x128x16xf32, #tpu.memory_space<vmem>>
    %dma_start3A_1199 = tpu.memref_squeeze %dma_start3A_1198 : memref<1x128x16xf32, #tpu.memory_space<vmem>> -> memref<128x16xf32, #tpu.memory_space<vmem>>
    %dma_start3A_1200 = arith.constant 0 : i32
    %dma_start3A_1201 = tpu.memref_slice %arg16[%dma_start3A_1194, %dma_start3A_1200] : memref<4x128xi32, #tpu.memory_space<vmem>> -> memref<1x128xi32, #tpu.memory_space<vmem>>
    %dma_start3A_1202 = tpu.memref_squeeze %dma_start3A_1201 : memref<1x128xi32, #tpu.memory_space<vmem>> -> memref<128xi32, #tpu.memory_space<vmem>>
    %dma_start3A_1203 = arith.constant 0 : i32
    %dma_start3A_1204 = arith.constant 0 : i32
    %dma_start3A_1205 = tpu.memref_slice %arg8[%dma_start3A_1203, %dma_start3A_1204] : memref<62500x16xf32, #tpu.memory_space<hbm>> -> memref<62500x16xf32, #tpu.memory_space<hbm>>
    tpu.enqueue_indirect_dma source(%dma_start3A_1205 : memref<62500x16xf32, #tpu.memory_space<hbm>>) target(%dma_start3A_1199 : memref<128x16xf32, #tpu.memory_space<vmem>>) offsets(%dma_start3A_1202 : memref<128xi32, #tpu.memory_space<vmem>>) semaphore(%arg27 : memref<!tpu.dma_semaphore, #tpu.memory_space<semaphore_mem>>)
    %dma_start3A_1206 = arith.constant 1 : i32
    %dma_start3A_1207 = arith.constant 1 : i32
    %dma_start3A_1208 = arith.constant 0 : i32
    %dma_start3A_1209 = arith.constant 0 : i32
    %dma_start3A_1210 = tpu.memref_slice %arg23[%dma_start3A_1207, %dma_start3A_1208, %dma_start3A_1209] : memref<4x128x16xf32, #tpu.memory_space<vmem>> -> memref<1x128x16xf32, #tpu.memory_space<vmem>>
    %dma_start3A_1211 = tpu.memref_squeeze %dma_start3A_1210 : memref<1x128x16xf32, #tpu.memory_space<vmem>> -> memref<128x16xf32, #tpu.memory_space<vmem>>
    %dma_start3A_1212 = arith.constant 0 : i32
    %dma_start3A_1213 = tpu.memref_slice %arg17[%dma_start3A_1206, %dma_start3A_1212] : memref<4x128xi32, #tpu.memory_space<vmem>> -> memref<1x128xi32, #tpu.memory_space<vmem>>
    %dma_start3A_1214 = tpu.memref_squeeze %dma_start3A_1213 : memref<1x128xi32, #tpu.memory_space<vmem>> -> memref<128xi32, #tpu.memory_space<vmem>>
    %dma_start3A_1215 = arith.constant 0 : i32
    %dma_start3A_1216 = arith.constant 0 : i32
    %dma_start3A_1217 = tpu.memref_slice %arg8[%dma_start3A_1215, %dma_start3A_1216] : memref<62500x16xf32, #tpu.memory_space<hbm>> -> memref<62500x16xf32, #tpu.memory_space<hbm>>
    tpu.enqueue_indirect_dma source(%dma_start3A_1217 : memref<62500x16xf32, #tpu.memory_space<hbm>>) target(%dma_start3A_1211 : memref<128x16xf32, #tpu.memory_space<vmem>>) offsets(%dma_start3A_1214 : memref<128xi32, #tpu.memory_space<vmem>>) semaphore(%arg27 : memref<!tpu.dma_semaphore, #tpu.memory_space<semaphore_mem>>)
    %dma_start3A_1218 = arith.constant 2 : i32
    %dma_start3A_1219 = arith.constant 2 : i32
    %dma_start3A_1220 = arith.constant 0 : i32
    %dma_start3A_1221 = arith.constant 0 : i32
    %dma_start3A_1222 = tpu.memref_slice %arg18[%dma_start3A_1219, %dma_start3A_1220, %dma_start3A_1221] : memref<4x128x16xf32, #tpu.memory_space<vmem>> -> memref<1x128x16xf32, #tpu.memory_space<vmem>>
    %dma_start3A_1223 = tpu.memref_squeeze %dma_start3A_1222 : memref<1x128x16xf32, #tpu.memory_space<vmem>> -> memref<128x16xf32, #tpu.memory_space<vmem>>
    %dma_start3A_1224 = arith.constant 0 : i32
    %dma_start3A_1225 = tpu.memref_slice %arg12[%dma_start3A_1218, %dma_start3A_1224] : memref<4x128xi32, #tpu.memory_space<vmem>> -> memref<1x128xi32, #tpu.memory_space<vmem>>
    %dma_start3A_1226 = tpu.memref_squeeze %dma_start3A_1225 : memref<1x128xi32, #tpu.memory_space<vmem>> -> memref<128xi32, #tpu.memory_space<vmem>>
    %dma_start3A_1227 = arith.constant 0 : i32
    %dma_start3A_1228 = arith.constant 0 : i32
    %dma_start3A_1229 = tpu.memref_slice %arg5[%dma_start3A_1227, %dma_start3A_1228] : memref<1000000x16xf32, #tpu.memory_space<hbm>> -> memref<1000000x16xf32, #tpu.memory_space<hbm>>
    tpu.enqueue_indirect_dma source(%dma_start3A_1229 : memref<1000000x16xf32, #tpu.memory_space<hbm>>) target(%dma_start3A_1223 : memref<128x16xf32, #tpu.memory_space<vmem>>) offsets(%dma_start3A_1226 : memref<128xi32, #tpu.memory_space<vmem>>) semaphore(%arg27 : memref<!tpu.dma_semaphore, #tpu.memory_space<semaphore_mem>>)
    %dma_start3A_1230 = arith.constant 2 : i32
    %dma_start3A_1231 = arith.constant 2 : i32
    %dma_start3A_1232 = arith.constant 0 : i32
    %dma_start3A_1233 = arith.constant 0 : i32
    %dma_start3A_1234 = tpu.memref_slice %arg19[%dma_start3A_1231, %dma_start3A_1232, %dma_start3A_1233] : memref<4x128x16xf32, #tpu.memory_space<vmem>> -> memref<1x128x16xf32, #tpu.memory_space<vmem>>
    %dma_start3A_1235 = tpu.memref_squeeze %dma_start3A_1234 : memref<1x128x16xf32, #tpu.memory_space<vmem>> -> memref<128x16xf32, #tpu.memory_space<vmem>>
    %dma_start3A_1236 = arith.constant 0 : i32
    %dma_start3A_1237 = tpu.memref_slice %arg13[%dma_start3A_1230, %dma_start3A_1236] : memref<4x128xi32, #tpu.memory_space<vmem>> -> memref<1x128xi32, #tpu.memory_space<vmem>>
    %dma_start3A_1238 = tpu.memref_squeeze %dma_start3A_1237 : memref<1x128xi32, #tpu.memory_space<vmem>> -> memref<128xi32, #tpu.memory_space<vmem>>
    %dma_start3A_1239 = arith.constant 0 : i32
    %dma_start3A_1240 = arith.constant 0 : i32
    %dma_start3A_1241 = tpu.memref_slice %arg6[%dma_start3A_1239, %dma_start3A_1240] : memref<1000000x16xf32, #tpu.memory_space<hbm>> -> memref<1000000x16xf32, #tpu.memory_space<hbm>>
    tpu.enqueue_indirect_dma source(%dma_start3A_1241 : memref<1000000x16xf32, #tpu.memory_space<hbm>>) target(%dma_start3A_1235 : memref<128x16xf32, #tpu.memory_space<vmem>>) offsets(%dma_start3A_1238 : memref<128xi32, #tpu.memory_space<vmem>>) semaphore(%arg27 : memref<!tpu.dma_semaphore, #tpu.memory_space<semaphore_mem>>)
    %dma_start3A_1242 = arith.constant 2 : i32
    %dma_start3A_1243 = arith.constant 2 : i32
    %dma_start3A_1244 = arith.constant 0 : i32
    %dma_start3A_1245 = arith.constant 0 : i32
    %dma_start3A_1246 = tpu.memref_slice %arg20[%dma_start3A_1243, %dma_start3A_1244, %dma_start3A_1245] : memref<4x128x16xf32, #tpu.memory_space<vmem>> -> memref<1x128x16xf32, #tpu.memory_space<vmem>>
    %dma_start3A_1247 = tpu.memref_squeeze %dma_start3A_1246 : memref<1x128x16xf32, #tpu.memory_space<vmem>> -> memref<128x16xf32, #tpu.memory_space<vmem>>
    %dma_start3A_1248 = arith.constant 0 : i32
    %dma_start3A_1249 = tpu.memref_slice %arg14[%dma_start3A_1242, %dma_start3A_1248] : memref<4x128xi32, #tpu.memory_space<vmem>> -> memref<1x128xi32, #tpu.memory_space<vmem>>
    %dma_start3A_1250 = tpu.memref_squeeze %dma_start3A_1249 : memref<1x128xi32, #tpu.memory_space<vmem>> -> memref<128xi32, #tpu.memory_space<vmem>>
    %dma_start3A_1251 = arith.constant 0 : i32
    %dma_start3A_1252 = arith.constant 0 : i32
    %dma_start3A_1253 = tpu.memref_slice %arg6[%dma_start3A_1251, %dma_start3A_1252] : memref<1000000x16xf32, #tpu.memory_space<hbm>> -> memref<1000000x16xf32, #tpu.memory_space<hbm>>
    tpu.enqueue_indirect_dma source(%dma_start3A_1253 : memref<1000000x16xf32, #tpu.memory_space<hbm>>) target(%dma_start3A_1247 : memref<128x16xf32, #tpu.memory_space<vmem>>) offsets(%dma_start3A_1250 : memref<128xi32, #tpu.memory_space<vmem>>) semaphore(%arg27 : memref<!tpu.dma_semaphore, #tpu.memory_space<semaphore_mem>>)
    %dma_start3A_1254 = arith.constant 2 : i32
    %dma_start3A_1255 = arith.constant 2 : i32
    %dma_start3A_1256 = arith.constant 0 : i32
    %dma_start3A_1257 = arith.constant 0 : i32
    %dma_start3A_1258 = tpu.memref_slice %arg21[%dma_start3A_1255, %dma_start3A_1256, %dma_start3A_1257] : memref<4x128x16xf32, #tpu.memory_space<vmem>> -> memref<1x128x16xf32, #tpu.memory_space<vmem>>
    %dma_start3A_1259 = tpu.memref_squeeze %dma_start3A_1258 : memref<1x128x16xf32, #tpu.memory_space<vmem>> -> memref<128x16xf32, #tpu.memory_space<vmem>>
    %dma_start3A_1260 = arith.constant 0 : i32
    %dma_start3A_1261 = tpu.memref_slice %arg15[%dma_start3A_1254, %dma_start3A_1260] : memref<4x128xi32, #tpu.memory_space<vmem>> -> memref<1x128xi32, #tpu.memory_space<vmem>>
    %dma_start3A_1262 = tpu.memref_squeeze %dma_start3A_1261 : memref<1x128xi32, #tpu.memory_space<vmem>> -> memref<128xi32, #tpu.memory_space<vmem>>
    %dma_start3A_1263 = arith.constant 0 : i32
    %dma_start3A_1264 = arith.constant 0 : i32
    %dma_start3A_1265 = tpu.memref_slice %arg7[%dma_start3A_1263, %dma_start3A_1264] : memref<62500x16xf32, #tpu.memory_space<hbm>> -> memref<62500x16xf32, #tpu.memory_space<hbm>>
    tpu.enqueue_indirect_dma source(%dma_start3A_1265 : memref<62500x16xf32, #tpu.memory_space<hbm>>) target(%dma_start3A_1259 : memref<128x16xf32, #tpu.memory_space<vmem>>) offsets(%dma_start3A_1262 : memref<128xi32, #tpu.memory_space<vmem>>) semaphore(%arg27 : memref<!tpu.dma_semaphore, #tpu.memory_space<semaphore_mem>>)
    %dma_start3A_1266 = arith.constant 2 : i32
    %dma_start3A_1267 = arith.constant 2 : i32
    %dma_start3A_1268 = arith.constant 0 : i32
    %dma_start3A_1269 = arith.constant 0 : i32
    %dma_start3A_1270 = tpu.memref_slice %arg22[%dma_start3A_1267, %dma_start3A_1268, %dma_start3A_1269] : memref<4x128x16xf32, #tpu.memory_space<vmem>> -> memref<1x128x16xf32, #tpu.memory_space<vmem>>
    %dma_start3A_1271 = tpu.memref_squeeze %dma_start3A_1270 : memref<1x128x16xf32, #tpu.memory_space<vmem>> -> memref<128x16xf32, #tpu.memory_space<vmem>>
    %dma_start3A_1272 = arith.constant 0 : i32
    %dma_start3A_1273 = tpu.memref_slice %arg16[%dma_start3A_1266, %dma_start3A_1272] : memref<4x128xi32, #tpu.memory_space<vmem>> -> memref<1x128xi32, #tpu.memory_space<vmem>>
    %dma_start3A_1274 = tpu.memref_squeeze %dma_start3A_1273 : memref<1x128xi32, #tpu.memory_space<vmem>> -> memref<128xi32, #tpu.memory_space<vmem>>
    %dma_start3A_1275 = arith.constant 0 : i32
    %dma_start3A_1276 = arith.constant 0 : i32
    %dma_start3A_1277 = tpu.memref_slice %arg8[%dma_start3A_1275, %dma_start3A_1276] : memref<62500x16xf32, #tpu.memory_space<hbm>> -> memref<62500x16xf32, #tpu.memory_space<hbm>>
    tpu.enqueue_indirect_dma source(%dma_start3A_1277 : memref<62500x16xf32, #tpu.memory_space<hbm>>) target(%dma_start3A_1271 : memref<128x16xf32, #tpu.memory_space<vmem>>) offsets(%dma_start3A_1274 : memref<128xi32, #tpu.memory_space<vmem>>) semaphore(%arg27 : memref<!tpu.dma_semaphore, #tpu.memory_space<semaphore_mem>>)
    %dma_start3A_1278 = arith.constant 2 : i32
    %dma_start3A_1279 = arith.constant 2 : i32
    %dma_start3A_1280 = arith.constant 0 : i32
    %dma_start3A_1281 = arith.constant 0 : i32
    %dma_start3A_1282 = tpu.memref_slice %arg23[%dma_start3A_1279, %dma_start3A_1280, %dma_start3A_1281] : memref<4x128x16xf32, #tpu.memory_space<vmem>> -> memref<1x128x16xf32, #tpu.memory_space<vmem>>
    %dma_start3A_1283 = tpu.memref_squeeze %dma_start3A_1282 : memref<1x128x16xf32, #tpu.memory_space<vmem>> -> memref<128x16xf32, #tpu.memory_space<vmem>>
    %dma_start3A_1284 = arith.constant 0 : i32
    %dma_start3A_1285 = tpu.memref_slice %arg17[%dma_start3A_1278, %dma_start3A_1284] : memref<4x128xi32, #tpu.memory_space<vmem>> -> memref<1x128xi32, #tpu.memory_space<vmem>>
    %dma_start3A_1286 = tpu.memref_squeeze %dma_start3A_1285 : memref<1x128xi32, #tpu.memory_space<vmem>> -> memref<128xi32, #tpu.memory_space<vmem>>
    %dma_start3A_1287 = arith.constant 0 : i32
    %dma_start3A_1288 = arith.constant 0 : i32
    %dma_start3A_1289 = tpu.memref_slice %arg8[%dma_start3A_1287, %dma_start3A_1288] : memref<62500x16xf32, #tpu.memory_space<hbm>> -> memref<62500x16xf32, #tpu.memory_space<hbm>>
    tpu.enqueue_indirect_dma source(%dma_start3A_1289 : memref<62500x16xf32, #tpu.memory_space<hbm>>) target(%dma_start3A_1283 : memref<128x16xf32, #tpu.memory_space<vmem>>) offsets(%dma_start3A_1286 : memref<128xi32, #tpu.memory_space<vmem>>) semaphore(%arg27 : memref<!tpu.dma_semaphore, #tpu.memory_space<semaphore_mem>>)
    %dma_start3A_1290 = arith.constant 3 : i32
    %dma_start3A_1291 = arith.constant 3 : i32
    %dma_start3A_1292 = arith.constant 0 : i32
    %dma_start3A_1293 = arith.constant 0 : i32
    %dma_start3A_1294 = tpu.memref_slice %arg18[%dma_start3A_1291, %dma_start3A_1292, %dma_start3A_1293] : memref<4x128x16xf32, #tpu.memory_space<vmem>> -> memref<1x128x16xf32, #tpu.memory_space<vmem>>
    %dma_start3A_1295 = tpu.memref_squeeze %dma_start3A_1294 : memref<1x128x16xf32, #tpu.memory_space<vmem>> -> memref<128x16xf32, #tpu.memory_space<vmem>>
    %dma_start3A_1296 = arith.constant 0 : i32
    %dma_start3A_1297 = tpu.memref_slice %arg12[%dma_start3A_1290, %dma_start3A_1296] : memref<4x128xi32, #tpu.memory_space<vmem>> -> memref<1x128xi32, #tpu.memory_space<vmem>>
    %dma_start3A_1298 = tpu.memref_squeeze %dma_start3A_1297 : memref<1x128xi32, #tpu.memory_space<vmem>> -> memref<128xi32, #tpu.memory_space<vmem>>
    %dma_start3A_1299 = arith.constant 0 : i32
    %dma_start3A_1300 = arith.constant 0 : i32
    %dma_start3A_1301 = tpu.memref_slice %arg5[%dma_start3A_1299, %dma_start3A_1300] : memref<1000000x16xf32, #tpu.memory_space<hbm>> -> memref<1000000x16xf32, #tpu.memory_space<hbm>>
    tpu.enqueue_indirect_dma source(%dma_start3A_1301 : memref<1000000x16xf32, #tpu.memory_space<hbm>>) target(%dma_start3A_1295 : memref<128x16xf32, #tpu.memory_space<vmem>>) offsets(%dma_start3A_1298 : memref<128xi32, #tpu.memory_space<vmem>>) semaphore(%arg27 : memref<!tpu.dma_semaphore, #tpu.memory_space<semaphore_mem>>)
    %dma_start3A_1302 = arith.constant 3 : i32
    %dma_start3A_1303 = arith.constant 3 : i32
    %dma_start3A_1304 = arith.constant 0 : i32
    %dma_start3A_1305 = arith.constant 0 : i32
    %dma_start3A_1306 = tpu.memref_slice %arg19[%dma_start3A_1303, %dma_start3A_1304, %dma_start3A_1305] : memref<4x128x16xf32, #tpu.memory_space<vmem>> -> memref<1x128x16xf32, #tpu.memory_space<vmem>>
    %dma_start3A_1307 = tpu.memref_squeeze %dma_start3A_1306 : memref<1x128x16xf32, #tpu.memory_space<vmem>> -> memref<128x16xf32, #tpu.memory_space<vmem>>
    %dma_start3A_1308 = arith.constant 0 : i32
    %dma_start3A_1309 = tpu.memref_slice %arg13[%dma_start3A_1302, %dma_start3A_1308] : memref<4x128xi32, #tpu.memory_space<vmem>> -> memref<1x128xi32, #tpu.memory_space<vmem>>
    %dma_start3A_1310 = tpu.memref_squeeze %dma_start3A_1309 : memref<1x128xi32, #tpu.memory_space<vmem>> -> memref<128xi32, #tpu.memory_space<vmem>>
    %dma_start3A_1311 = arith.constant 0 : i32
    %dma_start3A_1312 = arith.constant 0 : i32
    %dma_start3A_1313 = tpu.memref_slice %arg6[%dma_start3A_1311, %dma_start3A_1312] : memref<1000000x16xf32, #tpu.memory_space<hbm>> -> memref<1000000x16xf32, #tpu.memory_space<hbm>>
    tpu.enqueue_indirect_dma source(%dma_start3A_1313 : memref<1000000x16xf32, #tpu.memory_space<hbm>>) target(%dma_start3A_1307 : memref<128x16xf32, #tpu.memory_space<vmem>>) offsets(%dma_start3A_1310 : memref<128xi32, #tpu.memory_space<vmem>>) semaphore(%arg27 : memref<!tpu.dma_semaphore, #tpu.memory_space<semaphore_mem>>)
    %dma_start3A_1314 = arith.constant 3 : i32
    %dma_start3A_1315 = arith.constant 3 : i32
    %dma_start3A_1316 = arith.constant 0 : i32
    %dma_start3A_1317 = arith.constant 0 : i32
    %dma_start3A_1318 = tpu.memref_slice %arg20[%dma_start3A_1315, %dma_start3A_1316, %dma_start3A_1317] : memref<4x128x16xf32, #tpu.memory_space<vmem>> -> memref<1x128x16xf32, #tpu.memory_space<vmem>>
    %dma_start3A_1319 = tpu.memref_squeeze %dma_start3A_1318 : memref<1x128x16xf32, #tpu.memory_space<vmem>> -> memref<128x16xf32, #tpu.memory_space<vmem>>
    %dma_start3A_1320 = arith.constant 0 : i32
    %dma_start3A_1321 = tpu.memref_slice %arg14[%dma_start3A_1314, %dma_start3A_1320] : memref<4x128xi32, #tpu.memory_space<vmem>> -> memref<1x128xi32, #tpu.memory_space<vmem>>
    %dma_start3A_1322 = tpu.memref_squeeze %dma_start3A_1321 : memref<1x128xi32, #tpu.memory_space<vmem>> -> memref<128xi32, #tpu.memory_space<vmem>>
    %dma_start3A_1323 = arith.constant 0 : i32
    %dma_start3A_1324 = arith.constant 0 : i32
    %dma_start3A_1325 = tpu.memref_slice %arg6[%dma_start3A_1323, %dma_start3A_1324] : memref<1000000x16xf32, #tpu.memory_space<hbm>> -> memref<1000000x16xf32, #tpu.memory_space<hbm>>
    tpu.enqueue_indirect_dma source(%dma_start3A_1325 : memref<1000000x16xf32, #tpu.memory_space<hbm>>) target(%dma_start3A_1319 : memref<128x16xf32, #tpu.memory_space<vmem>>) offsets(%dma_start3A_1322 : memref<128xi32, #tpu.memory_space<vmem>>) semaphore(%arg27 : memref<!tpu.dma_semaphore, #tpu.memory_space<semaphore_mem>>)
    %dma_start3A_1326 = arith.constant 3 : i32
    %dma_start3A_1327 = arith.constant 3 : i32
    %dma_start3A_1328 = arith.constant 0 : i32
    %dma_start3A_1329 = arith.constant 0 : i32
    %dma_start3A_1330 = tpu.memref_slice %arg21[%dma_start3A_1327, %dma_start3A_1328, %dma_start3A_1329] : memref<4x128x16xf32, #tpu.memory_space<vmem>> -> memref<1x128x16xf32, #tpu.memory_space<vmem>>
    %dma_start3A_1331 = tpu.memref_squeeze %dma_start3A_1330 : memref<1x128x16xf32, #tpu.memory_space<vmem>> -> memref<128x16xf32, #tpu.memory_space<vmem>>
    %dma_start3A_1332 = arith.constant 0 : i32
    %dma_start3A_1333 = tpu.memref_slice %arg15[%dma_start3A_1326, %dma_start3A_1332] : memref<4x128xi32, #tpu.memory_space<vmem>> -> memref<1x128xi32, #tpu.memory_space<vmem>>
    %dma_start3A_1334 = tpu.memref_squeeze %dma_start3A_1333 : memref<1x128xi32, #tpu.memory_space<vmem>> -> memref<128xi32, #tpu.memory_space<vmem>>
    %dma_start3A_1335 = arith.constant 0 : i32
    %dma_start3A_1336 = arith.constant 0 : i32
    %dma_start3A_1337 = tpu.memref_slice %arg7[%dma_start3A_1335, %dma_start3A_1336] : memref<62500x16xf32, #tpu.memory_space<hbm>> -> memref<62500x16xf32, #tpu.memory_space<hbm>>
    tpu.enqueue_indirect_dma source(%dma_start3A_1337 : memref<62500x16xf32, #tpu.memory_space<hbm>>) target(%dma_start3A_1331 : memref<128x16xf32, #tpu.memory_space<vmem>>) offsets(%dma_start3A_1334 : memref<128xi32, #tpu.memory_space<vmem>>) semaphore(%arg27 : memref<!tpu.dma_semaphore, #tpu.memory_space<semaphore_mem>>)
    %dma_start3A_1338 = arith.constant 3 : i32
    %dma_start3A_1339 = arith.constant 3 : i32
    %dma_start3A_1340 = arith.constant 0 : i32
    %dma_start3A_1341 = arith.constant 0 : i32
    %dma_start3A_1342 = tpu.memref_slice %arg22[%dma_start3A_1339, %dma_start3A_1340, %dma_start3A_1341] : memref<4x128x16xf32, #tpu.memory_space<vmem>> -> memref<1x128x16xf32, #tpu.memory_space<vmem>>
    %dma_start3A_1343 = tpu.memref_squeeze %dma_start3A_1342 : memref<1x128x16xf32, #tpu.memory_space<vmem>> -> memref<128x16xf32, #tpu.memory_space<vmem>>
    %dma_start3A_1344 = arith.constant 0 : i32
    %dma_start3A_1345 = tpu.memref_slice %arg16[%dma_start3A_1338, %dma_start3A_1344] : memref<4x128xi32, #tpu.memory_space<vmem>> -> memref<1x128xi32, #tpu.memory_space<vmem>>
    %dma_start3A_1346 = tpu.memref_squeeze %dma_start3A_1345 : memref<1x128xi32, #tpu.memory_space<vmem>> -> memref<128xi32, #tpu.memory_space<vmem>>
    %dma_start3A_1347 = arith.constant 0 : i32
    %dma_start3A_1348 = arith.constant 0 : i32
    %dma_start3A_1349 = tpu.memref_slice %arg8[%dma_start3A_1347, %dma_start3A_1348] : memref<62500x16xf32, #tpu.memory_space<hbm>> -> memref<62500x16xf32, #tpu.memory_space<hbm>>
    tpu.enqueue_indirect_dma source(%dma_start3A_1349 : memref<62500x16xf32, #tpu.memory_space<hbm>>) target(%dma_start3A_1343 : memref<128x16xf32, #tpu.memory_space<vmem>>) offsets(%dma_start3A_1346 : memref<128xi32, #tpu.memory_space<vmem>>) semaphore(%arg27 : memref<!tpu.dma_semaphore, #tpu.memory_space<semaphore_mem>>)
    %dma_start3A_1350 = arith.constant 3 : i32
    %dma_start3A_1351 = arith.constant 3 : i32
    %dma_start3A_1352 = arith.constant 0 : i32
    %dma_start3A_1353 = arith.constant 0 : i32
    %dma_start3A_1354 = tpu.memref_slice %arg23[%dma_start3A_1351, %dma_start3A_1352, %dma_start3A_1353] : memref<4x128x16xf32, #tpu.memory_space<vmem>> -> memref<1x128x16xf32, #tpu.memory_space<vmem>>
    %dma_start3A_1355 = tpu.memref_squeeze %dma_start3A_1354 : memref<1x128x16xf32, #tpu.memory_space<vmem>> -> memref<128x16xf32, #tpu.memory_space<vmem>>
    %dma_start3A_1356 = arith.constant 0 : i32
    %dma_start3A_1357 = tpu.memref_slice %arg17[%dma_start3A_1350, %dma_start3A_1356] : memref<4x128xi32, #tpu.memory_space<vmem>> -> memref<1x128xi32, #tpu.memory_space<vmem>>
    %dma_start3A_1358 = tpu.memref_squeeze %dma_start3A_1357 : memref<1x128xi32, #tpu.memory_space<vmem>> -> memref<128xi32, #tpu.memory_space<vmem>>
    %dma_start3A_1359 = arith.constant 0 : i32
    %dma_start3A_1360 = arith.constant 0 : i32
    %dma_start3A_1361 = tpu.memref_slice %arg8[%dma_start3A_1359, %dma_start3A_1360] : memref<62500x16xf32, #tpu.memory_space<hbm>> -> memref<62500x16xf32, #tpu.memory_space<hbm>>
    tpu.enqueue_indirect_dma source(%dma_start3A_1361 : memref<62500x16xf32, #tpu.memory_space<hbm>>) target(%dma_start3A_1355 : memref<128x16xf32, #tpu.memory_space<vmem>>) offsets(%dma_start3A_1358 : memref<128xi32, #tpu.memory_space<vmem>>) semaphore(%arg27 : memref<!tpu.dma_semaphore, #tpu.memory_space<semaphore_mem>>)
    %dma_wait3A = arith.constant 0 : i32
    %dma_wait3A_1362 = arith.constant 0 : i32
    %dma_wait3A_1363 = arith.constant 0 : i32
    %dma_wait3A_1364 = arith.constant 0 : i32
    %dma_wait3A_1365 = tpu.memref_slice %arg18[%dma_wait3A_1362, %dma_wait3A_1363, %dma_wait3A_1364] : memref<4x128x16xf32, #tpu.memory_space<vmem>> -> memref<1x128x16xf32, #tpu.memory_space<vmem>>
    %dma_wait3A_1366 = tpu.memref_squeeze %dma_wait3A_1365 : memref<1x128x16xf32, #tpu.memory_space<vmem>> -> memref<128x16xf32, #tpu.memory_space<vmem>>
    %dma_wait3A_1367 = arith.constant 0 : i32
    %dma_wait3A_1368 = tpu.memref_slice %arg12[%dma_wait3A, %dma_wait3A_1367] : memref<4x128xi32, #tpu.memory_space<vmem>> -> memref<1x128xi32, #tpu.memory_space<vmem>>
    %dma_wait3A_1369 = tpu.memref_squeeze %dma_wait3A_1368 : memref<1x128xi32, #tpu.memory_space<vmem>> -> memref<128xi32, #tpu.memory_space<vmem>>
    %dma_wait3A_1370 = arith.constant 0 : i32
    %dma_wait3A_1371 = arith.constant 0 : i32
    %dma_wait3A_1372 = tpu.memref_slice %arg5[%dma_wait3A_1370, %dma_wait3A_1371] : memref<1000000x16xf32, #tpu.memory_space<hbm>> -> memref<1000000x16xf32, #tpu.memory_space<hbm>>
    tpu.wait_indirect_dma semaphore(%arg27 : memref<!tpu.dma_semaphore, #tpu.memory_space<semaphore_mem>>) src(%dma_wait3A_1372 : memref<1000000x16xf32, #tpu.memory_space<hbm>>) dst(%dma_wait3A_1366 : memref<128x16xf32, #tpu.memory_space<vmem>>)
    %dma_wait3A_1373 = arith.constant 0 : i32
    %dma_wait3A_1374 = arith.constant 0 : i32
    %dma_wait3A_1375 = arith.constant 0 : i32
    %dma_wait3A_1376 = arith.constant 0 : i32
    %dma_wait3A_1377 = tpu.memref_slice %arg19[%dma_wait3A_1374, %dma_wait3A_1375, %dma_wait3A_1376] : memref<4x128x16xf32, #tpu.memory_space<vmem>> -> memref<1x128x16xf32, #tpu.memory_space<vmem>>
    %dma_wait3A_1378 = tpu.memref_squeeze %dma_wait3A_1377 : memref<1x128x16xf32, #tpu.memory_space<vmem>> -> memref<128x16xf32, #tpu.memory_space<vmem>>
    %dma_wait3A_1379 = arith.constant 0 : i32
    %dma_wait3A_1380 = tpu.memref_slice %arg13[%dma_wait3A_1373, %dma_wait3A_1379] : memref<4x128xi32, #tpu.memory_space<vmem>> -> memref<1x128xi32, #tpu.memory_space<vmem>>
    %dma_wait3A_1381 = tpu.memref_squeeze %dma_wait3A_1380 : memref<1x128xi32, #tpu.memory_space<vmem>> -> memref<128xi32, #tpu.memory_space<vmem>>
    %dma_wait3A_1382 = arith.constant 0 : i32
    %dma_wait3A_1383 = arith.constant 0 : i32
    %dma_wait3A_1384 = tpu.memref_slice %arg6[%dma_wait3A_1382, %dma_wait3A_1383] : memref<1000000x16xf32, #tpu.memory_space<hbm>> -> memref<1000000x16xf32, #tpu.memory_space<hbm>>
    tpu.wait_indirect_dma semaphore(%arg27 : memref<!tpu.dma_semaphore, #tpu.memory_space<semaphore_mem>>) src(%dma_wait3A_1384 : memref<1000000x16xf32, #tpu.memory_space<hbm>>) dst(%dma_wait3A_1378 : memref<128x16xf32, #tpu.memory_space<vmem>>)
    %dma_wait3A_1385 = arith.constant 0 : i32
    %dma_wait3A_1386 = arith.constant 0 : i32
    %dma_wait3A_1387 = arith.constant 0 : i32
    %dma_wait3A_1388 = arith.constant 0 : i32
    %dma_wait3A_1389 = tpu.memref_slice %arg20[%dma_wait3A_1386, %dma_wait3A_1387, %dma_wait3A_1388] : memref<4x128x16xf32, #tpu.memory_space<vmem>> -> memref<1x128x16xf32, #tpu.memory_space<vmem>>
    %dma_wait3A_1390 = tpu.memref_squeeze %dma_wait3A_1389 : memref<1x128x16xf32, #tpu.memory_space<vmem>> -> memref<128x16xf32, #tpu.memory_space<vmem>>
    %dma_wait3A_1391 = arith.constant 0 : i32
    %dma_wait3A_1392 = tpu.memref_slice %arg14[%dma_wait3A_1385, %dma_wait3A_1391] : memref<4x128xi32, #tpu.memory_space<vmem>> -> memref<1x128xi32, #tpu.memory_space<vmem>>
    %dma_wait3A_1393 = tpu.memref_squeeze %dma_wait3A_1392 : memref<1x128xi32, #tpu.memory_space<vmem>> -> memref<128xi32, #tpu.memory_space<vmem>>
    %dma_wait3A_1394 = arith.constant 0 : i32
    %dma_wait3A_1395 = arith.constant 0 : i32
    %dma_wait3A_1396 = tpu.memref_slice %arg6[%dma_wait3A_1394, %dma_wait3A_1395] : memref<1000000x16xf32, #tpu.memory_space<hbm>> -> memref<1000000x16xf32, #tpu.memory_space<hbm>>
    tpu.wait_indirect_dma semaphore(%arg27 : memref<!tpu.dma_semaphore, #tpu.memory_space<semaphore_mem>>) src(%dma_wait3A_1396 : memref<1000000x16xf32, #tpu.memory_space<hbm>>) dst(%dma_wait3A_1390 : memref<128x16xf32, #tpu.memory_space<vmem>>)
    %dma_wait3A_1397 = arith.constant 0 : i32
    %dma_wait3A_1398 = arith.constant 0 : i32
    %dma_wait3A_1399 = arith.constant 0 : i32
    %dma_wait3A_1400 = arith.constant 0 : i32
    %dma_wait3A_1401 = tpu.memref_slice %arg21[%dma_wait3A_1398, %dma_wait3A_1399, %dma_wait3A_1400] : memref<4x128x16xf32, #tpu.memory_space<vmem>> -> memref<1x128x16xf32, #tpu.memory_space<vmem>>
    %dma_wait3A_1402 = tpu.memref_squeeze %dma_wait3A_1401 : memref<1x128x16xf32, #tpu.memory_space<vmem>> -> memref<128x16xf32, #tpu.memory_space<vmem>>
    %dma_wait3A_1403 = arith.constant 0 : i32
    %dma_wait3A_1404 = tpu.memref_slice %arg15[%dma_wait3A_1397, %dma_wait3A_1403] : memref<4x128xi32, #tpu.memory_space<vmem>> -> memref<1x128xi32, #tpu.memory_space<vmem>>
    %dma_wait3A_1405 = tpu.memref_squeeze %dma_wait3A_1404 : memref<1x128xi32, #tpu.memory_space<vmem>> -> memref<128xi32, #tpu.memory_space<vmem>>
    %dma_wait3A_1406 = arith.constant 0 : i32
    %dma_wait3A_1407 = arith.constant 0 : i32
    %dma_wait3A_1408 = tpu.memref_slice %arg7[%dma_wait3A_1406, %dma_wait3A_1407] : memref<62500x16xf32, #tpu.memory_space<hbm>> -> memref<62500x16xf32, #tpu.memory_space<hbm>>
    tpu.wait_indirect_dma semaphore(%arg27 : memref<!tpu.dma_semaphore, #tpu.memory_space<semaphore_mem>>) src(%dma_wait3A_1408 : memref<62500x16xf32, #tpu.memory_space<hbm>>) dst(%dma_wait3A_1402 : memref<128x16xf32, #tpu.memory_space<vmem>>)
    %dma_wait3A_1409 = arith.constant 0 : i32
    %dma_wait3A_1410 = arith.constant 0 : i32
    %dma_wait3A_1411 = arith.constant 0 : i32
    %dma_wait3A_1412 = arith.constant 0 : i32
    %dma_wait3A_1413 = tpu.memref_slice %arg22[%dma_wait3A_1410, %dma_wait3A_1411, %dma_wait3A_1412] : memref<4x128x16xf32, #tpu.memory_space<vmem>> -> memref<1x128x16xf32, #tpu.memory_space<vmem>>
    %dma_wait3A_1414 = tpu.memref_squeeze %dma_wait3A_1413 : memref<1x128x16xf32, #tpu.memory_space<vmem>> -> memref<128x16xf32, #tpu.memory_space<vmem>>
    %dma_wait3A_1415 = arith.constant 0 : i32
    %dma_wait3A_1416 = tpu.memref_slice %arg16[%dma_wait3A_1409, %dma_wait3A_1415] : memref<4x128xi32, #tpu.memory_space<vmem>> -> memref<1x128xi32, #tpu.memory_space<vmem>>
    %dma_wait3A_1417 = tpu.memref_squeeze %dma_wait3A_1416 : memref<1x128xi32, #tpu.memory_space<vmem>> -> memref<128xi32, #tpu.memory_space<vmem>>
    %dma_wait3A_1418 = arith.constant 0 : i32
    %dma_wait3A_1419 = arith.constant 0 : i32
    %dma_wait3A_1420 = tpu.memref_slice %arg8[%dma_wait3A_1418, %dma_wait3A_1419] : memref<62500x16xf32, #tpu.memory_space<hbm>> -> memref<62500x16xf32, #tpu.memory_space<hbm>>
    tpu.wait_indirect_dma semaphore(%arg27 : memref<!tpu.dma_semaphore, #tpu.memory_space<semaphore_mem>>) src(%dma_wait3A_1420 : memref<62500x16xf32, #tpu.memory_space<hbm>>) dst(%dma_wait3A_1414 : memref<128x16xf32, #tpu.memory_space<vmem>>)
    %dma_wait3A_1421 = arith.constant 0 : i32
    %dma_wait3A_1422 = arith.constant 0 : i32
    %dma_wait3A_1423 = arith.constant 0 : i32
    %dma_wait3A_1424 = arith.constant 0 : i32
    %dma_wait3A_1425 = tpu.memref_slice %arg23[%dma_wait3A_1422, %dma_wait3A_1423, %dma_wait3A_1424] : memref<4x128x16xf32, #tpu.memory_space<vmem>> -> memref<1x128x16xf32, #tpu.memory_space<vmem>>
    %dma_wait3A_1426 = tpu.memref_squeeze %dma_wait3A_1425 : memref<1x128x16xf32, #tpu.memory_space<vmem>> -> memref<128x16xf32, #tpu.memory_space<vmem>>
    %dma_wait3A_1427 = arith.constant 0 : i32
    %dma_wait3A_1428 = tpu.memref_slice %arg17[%dma_wait3A_1421, %dma_wait3A_1427] : memref<4x128xi32, #tpu.memory_space<vmem>> -> memref<1x128xi32, #tpu.memory_space<vmem>>
    %dma_wait3A_1429 = tpu.memref_squeeze %dma_wait3A_1428 : memref<1x128xi32, #tpu.memory_space<vmem>> -> memref<128xi32, #tpu.memory_space<vmem>>
    %dma_wait3A_1430 = arith.constant 0 : i32
    %dma_wait3A_1431 = arith.constant 0 : i32
    %dma_wait3A_1432 = tpu.memref_slice %arg8[%dma_wait3A_1430, %dma_wait3A_1431] : memref<62500x16xf32, #tpu.memory_space<hbm>> -> memref<62500x16xf32, #tpu.memory_space<hbm>>
    tpu.wait_indirect_dma semaphore(%arg27 : memref<!tpu.dma_semaphore, #tpu.memory_space<semaphore_mem>>) src(%dma_wait3A_1432 : memref<62500x16xf32, #tpu.memory_space<hbm>>) dst(%dma_wait3A_1426 : memref<128x16xf32, #tpu.memory_space<vmem>>)
    %dma_wait3A_1433 = arith.constant 1 : i32
    %dma_wait3A_1434 = arith.constant 1 : i32
    %dma_wait3A_1435 = arith.constant 0 : i32
    %dma_wait3A_1436 = arith.constant 0 : i32
    %dma_wait3A_1437 = tpu.memref_slice %arg18[%dma_wait3A_1434, %dma_wait3A_1435, %dma_wait3A_1436] : memref<4x128x16xf32, #tpu.memory_space<vmem>> -> memref<1x128x16xf32, #tpu.memory_space<vmem>>
    %dma_wait3A_1438 = tpu.memref_squeeze %dma_wait3A_1437 : memref<1x128x16xf32, #tpu.memory_space<vmem>> -> memref<128x16xf32, #tpu.memory_space<vmem>>
    %dma_wait3A_1439 = arith.constant 0 : i32
    %dma_wait3A_1440 = tpu.memref_slice %arg12[%dma_wait3A_1433, %dma_wait3A_1439] : memref<4x128xi32, #tpu.memory_space<vmem>> -> memref<1x128xi32, #tpu.memory_space<vmem>>
    %dma_wait3A_1441 = tpu.memref_squeeze %dma_wait3A_1440 : memref<1x128xi32, #tpu.memory_space<vmem>> -> memref<128xi32, #tpu.memory_space<vmem>>
    %dma_wait3A_1442 = arith.constant 0 : i32
    %dma_wait3A_1443 = arith.constant 0 : i32
    %dma_wait3A_1444 = tpu.memref_slice %arg5[%dma_wait3A_1442, %dma_wait3A_1443] : memref<1000000x16xf32, #tpu.memory_space<hbm>> -> memref<1000000x16xf32, #tpu.memory_space<hbm>>
    tpu.wait_indirect_dma semaphore(%arg27 : memref<!tpu.dma_semaphore, #tpu.memory_space<semaphore_mem>>) src(%dma_wait3A_1444 : memref<1000000x16xf32, #tpu.memory_space<hbm>>) dst(%dma_wait3A_1438 : memref<128x16xf32, #tpu.memory_space<vmem>>)
    %dma_wait3A_1445 = arith.constant 1 : i32
    %dma_wait3A_1446 = arith.constant 1 : i32
    %dma_wait3A_1447 = arith.constant 0 : i32
    %dma_wait3A_1448 = arith.constant 0 : i32
    %dma_wait3A_1449 = tpu.memref_slice %arg19[%dma_wait3A_1446, %dma_wait3A_1447, %dma_wait3A_1448] : memref<4x128x16xf32, #tpu.memory_space<vmem>> -> memref<1x128x16xf32, #tpu.memory_space<vmem>>
    %dma_wait3A_1450 = tpu.memref_squeeze %dma_wait3A_1449 : memref<1x128x16xf32, #tpu.memory_space<vmem>> -> memref<128x16xf32, #tpu.memory_space<vmem>>
    %dma_wait3A_1451 = arith.constant 0 : i32
    %dma_wait3A_1452 = tpu.memref_slice %arg13[%dma_wait3A_1445, %dma_wait3A_1451] : memref<4x128xi32, #tpu.memory_space<vmem>> -> memref<1x128xi32, #tpu.memory_space<vmem>>
    %dma_wait3A_1453 = tpu.memref_squeeze %dma_wait3A_1452 : memref<1x128xi32, #tpu.memory_space<vmem>> -> memref<128xi32, #tpu.memory_space<vmem>>
    %dma_wait3A_1454 = arith.constant 0 : i32
    %dma_wait3A_1455 = arith.constant 0 : i32
    %dma_wait3A_1456 = tpu.memref_slice %arg6[%dma_wait3A_1454, %dma_wait3A_1455] : memref<1000000x16xf32, #tpu.memory_space<hbm>> -> memref<1000000x16xf32, #tpu.memory_space<hbm>>
    tpu.wait_indirect_dma semaphore(%arg27 : memref<!tpu.dma_semaphore, #tpu.memory_space<semaphore_mem>>) src(%dma_wait3A_1456 : memref<1000000x16xf32, #tpu.memory_space<hbm>>) dst(%dma_wait3A_1450 : memref<128x16xf32, #tpu.memory_space<vmem>>)
    %dma_wait3A_1457 = arith.constant 1 : i32
    %dma_wait3A_1458 = arith.constant 1 : i32
    %dma_wait3A_1459 = arith.constant 0 : i32
    %dma_wait3A_1460 = arith.constant 0 : i32
    %dma_wait3A_1461 = tpu.memref_slice %arg20[%dma_wait3A_1458, %dma_wait3A_1459, %dma_wait3A_1460] : memref<4x128x16xf32, #tpu.memory_space<vmem>> -> memref<1x128x16xf32, #tpu.memory_space<vmem>>
    %dma_wait3A_1462 = tpu.memref_squeeze %dma_wait3A_1461 : memref<1x128x16xf32, #tpu.memory_space<vmem>> -> memref<128x16xf32, #tpu.memory_space<vmem>>
    %dma_wait3A_1463 = arith.constant 0 : i32
    %dma_wait3A_1464 = tpu.memref_slice %arg14[%dma_wait3A_1457, %dma_wait3A_1463] : memref<4x128xi32, #tpu.memory_space<vmem>> -> memref<1x128xi32, #tpu.memory_space<vmem>>
    %dma_wait3A_1465 = tpu.memref_squeeze %dma_wait3A_1464 : memref<1x128xi32, #tpu.memory_space<vmem>> -> memref<128xi32, #tpu.memory_space<vmem>>
    %dma_wait3A_1466 = arith.constant 0 : i32
    %dma_wait3A_1467 = arith.constant 0 : i32
    %dma_wait3A_1468 = tpu.memref_slice %arg6[%dma_wait3A_1466, %dma_wait3A_1467] : memref<1000000x16xf32, #tpu.memory_space<hbm>> -> memref<1000000x16xf32, #tpu.memory_space<hbm>>
    tpu.wait_indirect_dma semaphore(%arg27 : memref<!tpu.dma_semaphore, #tpu.memory_space<semaphore_mem>>) src(%dma_wait3A_1468 : memref<1000000x16xf32, #tpu.memory_space<hbm>>) dst(%dma_wait3A_1462 : memref<128x16xf32, #tpu.memory_space<vmem>>)
    %dma_wait3A_1469 = arith.constant 1 : i32
    %dma_wait3A_1470 = arith.constant 1 : i32
    %dma_wait3A_1471 = arith.constant 0 : i32
    %dma_wait3A_1472 = arith.constant 0 : i32
    %dma_wait3A_1473 = tpu.memref_slice %arg21[%dma_wait3A_1470, %dma_wait3A_1471, %dma_wait3A_1472] : memref<4x128x16xf32, #tpu.memory_space<vmem>> -> memref<1x128x16xf32, #tpu.memory_space<vmem>>
    %dma_wait3A_1474 = tpu.memref_squeeze %dma_wait3A_1473 : memref<1x128x16xf32, #tpu.memory_space<vmem>> -> memref<128x16xf32, #tpu.memory_space<vmem>>
    %dma_wait3A_1475 = arith.constant 0 : i32
    %dma_wait3A_1476 = tpu.memref_slice %arg15[%dma_wait3A_1469, %dma_wait3A_1475] : memref<4x128xi32, #tpu.memory_space<vmem>> -> memref<1x128xi32, #tpu.memory_space<vmem>>
    %dma_wait3A_1477 = tpu.memref_squeeze %dma_wait3A_1476 : memref<1x128xi32, #tpu.memory_space<vmem>> -> memref<128xi32, #tpu.memory_space<vmem>>
    %dma_wait3A_1478 = arith.constant 0 : i32
    %dma_wait3A_1479 = arith.constant 0 : i32
    %dma_wait3A_1480 = tpu.memref_slice %arg7[%dma_wait3A_1478, %dma_wait3A_1479] : memref<62500x16xf32, #tpu.memory_space<hbm>> -> memref<62500x16xf32, #tpu.memory_space<hbm>>
    tpu.wait_indirect_dma semaphore(%arg27 : memref<!tpu.dma_semaphore, #tpu.memory_space<semaphore_mem>>) src(%dma_wait3A_1480 : memref<62500x16xf32, #tpu.memory_space<hbm>>) dst(%dma_wait3A_1474 : memref<128x16xf32, #tpu.memory_space<vmem>>)
    %dma_wait3A_1481 = arith.constant 1 : i32
    %dma_wait3A_1482 = arith.constant 1 : i32
    %dma_wait3A_1483 = arith.constant 0 : i32
    %dma_wait3A_1484 = arith.constant 0 : i32
    %dma_wait3A_1485 = tpu.memref_slice %arg22[%dma_wait3A_1482, %dma_wait3A_1483, %dma_wait3A_1484] : memref<4x128x16xf32, #tpu.memory_space<vmem>> -> memref<1x128x16xf32, #tpu.memory_space<vmem>>
    %dma_wait3A_1486 = tpu.memref_squeeze %dma_wait3A_1485 : memref<1x128x16xf32, #tpu.memory_space<vmem>> -> memref<128x16xf32, #tpu.memory_space<vmem>>
    %dma_wait3A_1487 = arith.constant 0 : i32
    %dma_wait3A_1488 = tpu.memref_slice %arg16[%dma_wait3A_1481, %dma_wait3A_1487] : memref<4x128xi32, #tpu.memory_space<vmem>> -> memref<1x128xi32, #tpu.memory_space<vmem>>
    %dma_wait3A_1489 = tpu.memref_squeeze %dma_wait3A_1488 : memref<1x128xi32, #tpu.memory_space<vmem>> -> memref<128xi32, #tpu.memory_space<vmem>>
    %dma_wait3A_1490 = arith.constant 0 : i32
    %dma_wait3A_1491 = arith.constant 0 : i32
    %dma_wait3A_1492 = tpu.memref_slice %arg8[%dma_wait3A_1490, %dma_wait3A_1491] : memref<62500x16xf32, #tpu.memory_space<hbm>> -> memref<62500x16xf32, #tpu.memory_space<hbm>>
    tpu.wait_indirect_dma semaphore(%arg27 : memref<!tpu.dma_semaphore, #tpu.memory_space<semaphore_mem>>) src(%dma_wait3A_1492 : memref<62500x16xf32, #tpu.memory_space<hbm>>) dst(%dma_wait3A_1486 : memref<128x16xf32, #tpu.memory_space<vmem>>)
    %dma_wait3A_1493 = arith.constant 1 : i32
    %dma_wait3A_1494 = arith.constant 1 : i32
    %dma_wait3A_1495 = arith.constant 0 : i32
    %dma_wait3A_1496 = arith.constant 0 : i32
    %dma_wait3A_1497 = tpu.memref_slice %arg23[%dma_wait3A_1494, %dma_wait3A_1495, %dma_wait3A_1496] : memref<4x128x16xf32, #tpu.memory_space<vmem>> -> memref<1x128x16xf32, #tpu.memory_space<vmem>>
    %dma_wait3A_1498 = tpu.memref_squeeze %dma_wait3A_1497 : memref<1x128x16xf32, #tpu.memory_space<vmem>> -> memref<128x16xf32, #tpu.memory_space<vmem>>
    %dma_wait3A_1499 = arith.constant 0 : i32
    %dma_wait3A_1500 = tpu.memref_slice %arg17[%dma_wait3A_1493, %dma_wait3A_1499] : memref<4x128xi32, #tpu.memory_space<vmem>> -> memref<1x128xi32, #tpu.memory_space<vmem>>
    %dma_wait3A_1501 = tpu.memref_squeeze %dma_wait3A_1500 : memref<1x128xi32, #tpu.memory_space<vmem>> -> memref<128xi32, #tpu.memory_space<vmem>>
    %dma_wait3A_1502 = arith.constant 0 : i32
    %dma_wait3A_1503 = arith.constant 0 : i32
    %dma_wait3A_1504 = tpu.memref_slice %arg8[%dma_wait3A_1502, %dma_wait3A_1503] : memref<62500x16xf32, #tpu.memory_space<hbm>> -> memref<62500x16xf32, #tpu.memory_space<hbm>>
    tpu.wait_indirect_dma semaphore(%arg27 : memref<!tpu.dma_semaphore, #tpu.memory_space<semaphore_mem>>) src(%dma_wait3A_1504 : memref<62500x16xf32, #tpu.memory_space<hbm>>) dst(%dma_wait3A_1498 : memref<128x16xf32, #tpu.memory_space<vmem>>)
    %dma_wait3A_1505 = arith.constant 2 : i32
    %dma_wait3A_1506 = arith.constant 2 : i32
    %dma_wait3A_1507 = arith.constant 0 : i32
    %dma_wait3A_1508 = arith.constant 0 : i32
    %dma_wait3A_1509 = tpu.memref_slice %arg18[%dma_wait3A_1506, %dma_wait3A_1507, %dma_wait3A_1508] : memref<4x128x16xf32, #tpu.memory_space<vmem>> -> memref<1x128x16xf32, #tpu.memory_space<vmem>>
    %dma_wait3A_1510 = tpu.memref_squeeze %dma_wait3A_1509 : memref<1x128x16xf32, #tpu.memory_space<vmem>> -> memref<128x16xf32, #tpu.memory_space<vmem>>
    %dma_wait3A_1511 = arith.constant 0 : i32
    %dma_wait3A_1512 = tpu.memref_slice %arg12[%dma_wait3A_1505, %dma_wait3A_1511] : memref<4x128xi32, #tpu.memory_space<vmem>> -> memref<1x128xi32, #tpu.memory_space<vmem>>
    %dma_wait3A_1513 = tpu.memref_squeeze %dma_wait3A_1512 : memref<1x128xi32, #tpu.memory_space<vmem>> -> memref<128xi32, #tpu.memory_space<vmem>>
    %dma_wait3A_1514 = arith.constant 0 : i32
    %dma_wait3A_1515 = arith.constant 0 : i32
    %dma_wait3A_1516 = tpu.memref_slice %arg5[%dma_wait3A_1514, %dma_wait3A_1515] : memref<1000000x16xf32, #tpu.memory_space<hbm>> -> memref<1000000x16xf32, #tpu.memory_space<hbm>>
    tpu.wait_indirect_dma semaphore(%arg27 : memref<!tpu.dma_semaphore, #tpu.memory_space<semaphore_mem>>) src(%dma_wait3A_1516 : memref<1000000x16xf32, #tpu.memory_space<hbm>>) dst(%dma_wait3A_1510 : memref<128x16xf32, #tpu.memory_space<vmem>>)
    %dma_wait3A_1517 = arith.constant 2 : i32
    %dma_wait3A_1518 = arith.constant 2 : i32
    %dma_wait3A_1519 = arith.constant 0 : i32
    %dma_wait3A_1520 = arith.constant 0 : i32
    %dma_wait3A_1521 = tpu.memref_slice %arg19[%dma_wait3A_1518, %dma_wait3A_1519, %dma_wait3A_1520] : memref<4x128x16xf32, #tpu.memory_space<vmem>> -> memref<1x128x16xf32, #tpu.memory_space<vmem>>
    %dma_wait3A_1522 = tpu.memref_squeeze %dma_wait3A_1521 : memref<1x128x16xf32, #tpu.memory_space<vmem>> -> memref<128x16xf32, #tpu.memory_space<vmem>>
    %dma_wait3A_1523 = arith.constant 0 : i32
    %dma_wait3A_1524 = tpu.memref_slice %arg13[%dma_wait3A_1517, %dma_wait3A_1523] : memref<4x128xi32, #tpu.memory_space<vmem>> -> memref<1x128xi32, #tpu.memory_space<vmem>>
    %dma_wait3A_1525 = tpu.memref_squeeze %dma_wait3A_1524 : memref<1x128xi32, #tpu.memory_space<vmem>> -> memref<128xi32, #tpu.memory_space<vmem>>
    %dma_wait3A_1526 = arith.constant 0 : i32
    %dma_wait3A_1527 = arith.constant 0 : i32
    %dma_wait3A_1528 = tpu.memref_slice %arg6[%dma_wait3A_1526, %dma_wait3A_1527] : memref<1000000x16xf32, #tpu.memory_space<hbm>> -> memref<1000000x16xf32, #tpu.memory_space<hbm>>
    tpu.wait_indirect_dma semaphore(%arg27 : memref<!tpu.dma_semaphore, #tpu.memory_space<semaphore_mem>>) src(%dma_wait3A_1528 : memref<1000000x16xf32, #tpu.memory_space<hbm>>) dst(%dma_wait3A_1522 : memref<128x16xf32, #tpu.memory_space<vmem>>)
    %dma_wait3A_1529 = arith.constant 2 : i32
    %dma_wait3A_1530 = arith.constant 2 : i32
    %dma_wait3A_1531 = arith.constant 0 : i32
    %dma_wait3A_1532 = arith.constant 0 : i32
    %dma_wait3A_1533 = tpu.memref_slice %arg20[%dma_wait3A_1530, %dma_wait3A_1531, %dma_wait3A_1532] : memref<4x128x16xf32, #tpu.memory_space<vmem>> -> memref<1x128x16xf32, #tpu.memory_space<vmem>>
    %dma_wait3A_1534 = tpu.memref_squeeze %dma_wait3A_1533 : memref<1x128x16xf32, #tpu.memory_space<vmem>> -> memref<128x16xf32, #tpu.memory_space<vmem>>
    %dma_wait3A_1535 = arith.constant 0 : i32
    %dma_wait3A_1536 = tpu.memref_slice %arg14[%dma_wait3A_1529, %dma_wait3A_1535] : memref<4x128xi32, #tpu.memory_space<vmem>> -> memref<1x128xi32, #tpu.memory_space<vmem>>
    %dma_wait3A_1537 = tpu.memref_squeeze %dma_wait3A_1536 : memref<1x128xi32, #tpu.memory_space<vmem>> -> memref<128xi32, #tpu.memory_space<vmem>>
    %dma_wait3A_1538 = arith.constant 0 : i32
    %dma_wait3A_1539 = arith.constant 0 : i32
    %dma_wait3A_1540 = tpu.memref_slice %arg6[%dma_wait3A_1538, %dma_wait3A_1539] : memref<1000000x16xf32, #tpu.memory_space<hbm>> -> memref<1000000x16xf32, #tpu.memory_space<hbm>>
    tpu.wait_indirect_dma semaphore(%arg27 : memref<!tpu.dma_semaphore, #tpu.memory_space<semaphore_mem>>) src(%dma_wait3A_1540 : memref<1000000x16xf32, #tpu.memory_space<hbm>>) dst(%dma_wait3A_1534 : memref<128x16xf32, #tpu.memory_space<vmem>>)
    %dma_wait3A_1541 = arith.constant 2 : i32
    %dma_wait3A_1542 = arith.constant 2 : i32
    %dma_wait3A_1543 = arith.constant 0 : i32
    %dma_wait3A_1544 = arith.constant 0 : i32
    %dma_wait3A_1545 = tpu.memref_slice %arg21[%dma_wait3A_1542, %dma_wait3A_1543, %dma_wait3A_1544] : memref<4x128x16xf32, #tpu.memory_space<vmem>> -> memref<1x128x16xf32, #tpu.memory_space<vmem>>
    %dma_wait3A_1546 = tpu.memref_squeeze %dma_wait3A_1545 : memref<1x128x16xf32, #tpu.memory_space<vmem>> -> memref<128x16xf32, #tpu.memory_space<vmem>>
    %dma_wait3A_1547 = arith.constant 0 : i32
    %dma_wait3A_1548 = tpu.memref_slice %arg15[%dma_wait3A_1541, %dma_wait3A_1547] : memref<4x128xi32, #tpu.memory_space<vmem>> -> memref<1x128xi32, #tpu.memory_space<vmem>>
    %dma_wait3A_1549 = tpu.memref_squeeze %dma_wait3A_1548 : memref<1x128xi32, #tpu.memory_space<vmem>> -> memref<128xi32, #tpu.memory_space<vmem>>
    %dma_wait3A_1550 = arith.constant 0 : i32
    %dma_wait3A_1551 = arith.constant 0 : i32
    %dma_wait3A_1552 = tpu.memref_slice %arg7[%dma_wait3A_1550, %dma_wait3A_1551] : memref<62500x16xf32, #tpu.memory_space<hbm>> -> memref<62500x16xf32, #tpu.memory_space<hbm>>
    tpu.wait_indirect_dma semaphore(%arg27 : memref<!tpu.dma_semaphore, #tpu.memory_space<semaphore_mem>>) src(%dma_wait3A_1552 : memref<62500x16xf32, #tpu.memory_space<hbm>>) dst(%dma_wait3A_1546 : memref<128x16xf32, #tpu.memory_space<vmem>>)
    %dma_wait3A_1553 = arith.constant 2 : i32
    %dma_wait3A_1554 = arith.constant 2 : i32
    %dma_wait3A_1555 = arith.constant 0 : i32
    %dma_wait3A_1556 = arith.constant 0 : i32
    %dma_wait3A_1557 = tpu.memref_slice %arg22[%dma_wait3A_1554, %dma_wait3A_1555, %dma_wait3A_1556] : memref<4x128x16xf32, #tpu.memory_space<vmem>> -> memref<1x128x16xf32, #tpu.memory_space<vmem>>
    %dma_wait3A_1558 = tpu.memref_squeeze %dma_wait3A_1557 : memref<1x128x16xf32, #tpu.memory_space<vmem>> -> memref<128x16xf32, #tpu.memory_space<vmem>>
    %dma_wait3A_1559 = arith.constant 0 : i32
    %dma_wait3A_1560 = tpu.memref_slice %arg16[%dma_wait3A_1553, %dma_wait3A_1559] : memref<4x128xi32, #tpu.memory_space<vmem>> -> memref<1x128xi32, #tpu.memory_space<vmem>>
    %dma_wait3A_1561 = tpu.memref_squeeze %dma_wait3A_1560 : memref<1x128xi32, #tpu.memory_space<vmem>> -> memref<128xi32, #tpu.memory_space<vmem>>
    %dma_wait3A_1562 = arith.constant 0 : i32
    %dma_wait3A_1563 = arith.constant 0 : i32
    %dma_wait3A_1564 = tpu.memref_slice %arg8[%dma_wait3A_1562, %dma_wait3A_1563] : memref<62500x16xf32, #tpu.memory_space<hbm>> -> memref<62500x16xf32, #tpu.memory_space<hbm>>
    tpu.wait_indirect_dma semaphore(%arg27 : memref<!tpu.dma_semaphore, #tpu.memory_space<semaphore_mem>>) src(%dma_wait3A_1564 : memref<62500x16xf32, #tpu.memory_space<hbm>>) dst(%dma_wait3A_1558 : memref<128x16xf32, #tpu.memory_space<vmem>>)
    %dma_wait3A_1565 = arith.constant 2 : i32
    %dma_wait3A_1566 = arith.constant 2 : i32
    %dma_wait3A_1567 = arith.constant 0 : i32
    %dma_wait3A_1568 = arith.constant 0 : i32
    %dma_wait3A_1569 = tpu.memref_slice %arg23[%dma_wait3A_1566, %dma_wait3A_1567, %dma_wait3A_1568] : memref<4x128x16xf32, #tpu.memory_space<vmem>> -> memref<1x128x16xf32, #tpu.memory_space<vmem>>
    %dma_wait3A_1570 = tpu.memref_squeeze %dma_wait3A_1569 : memref<1x128x16xf32, #tpu.memory_space<vmem>> -> memref<128x16xf32, #tpu.memory_space<vmem>>
    %dma_wait3A_1571 = arith.constant 0 : i32
    %dma_wait3A_1572 = tpu.memref_slice %arg17[%dma_wait3A_1565, %dma_wait3A_1571] : memref<4x128xi32, #tpu.memory_space<vmem>> -> memref<1x128xi32, #tpu.memory_space<vmem>>
    %dma_wait3A_1573 = tpu.memref_squeeze %dma_wait3A_1572 : memref<1x128xi32, #tpu.memory_space<vmem>> -> memref<128xi32, #tpu.memory_space<vmem>>
    %dma_wait3A_1574 = arith.constant 0 : i32
    %dma_wait3A_1575 = arith.constant 0 : i32
    %dma_wait3A_1576 = tpu.memref_slice %arg8[%dma_wait3A_1574, %dma_wait3A_1575] : memref<62500x16xf32, #tpu.memory_space<hbm>> -> memref<62500x16xf32, #tpu.memory_space<hbm>>
    tpu.wait_indirect_dma semaphore(%arg27 : memref<!tpu.dma_semaphore, #tpu.memory_space<semaphore_mem>>) src(%dma_wait3A_1576 : memref<62500x16xf32, #tpu.memory_space<hbm>>) dst(%dma_wait3A_1570 : memref<128x16xf32, #tpu.memory_space<vmem>>)
    %dma_wait3A_1577 = arith.constant 3 : i32
    %dma_wait3A_1578 = arith.constant 3 : i32
    %dma_wait3A_1579 = arith.constant 0 : i32
    %dma_wait3A_1580 = arith.constant 0 : i32
    %dma_wait3A_1581 = tpu.memref_slice %arg18[%dma_wait3A_1578, %dma_wait3A_1579, %dma_wait3A_1580] : memref<4x128x16xf32, #tpu.memory_space<vmem>> -> memref<1x128x16xf32, #tpu.memory_space<vmem>>
    %dma_wait3A_1582 = tpu.memref_squeeze %dma_wait3A_1581 : memref<1x128x16xf32, #tpu.memory_space<vmem>> -> memref<128x16xf32, #tpu.memory_space<vmem>>
    %dma_wait3A_1583 = arith.constant 0 : i32
    %dma_wait3A_1584 = tpu.memref_slice %arg12[%dma_wait3A_1577, %dma_wait3A_1583] : memref<4x128xi32, #tpu.memory_space<vmem>> -> memref<1x128xi32, #tpu.memory_space<vmem>>
    %dma_wait3A_1585 = tpu.memref_squeeze %dma_wait3A_1584 : memref<1x128xi32, #tpu.memory_space<vmem>> -> memref<128xi32, #tpu.memory_space<vmem>>
    %dma_wait3A_1586 = arith.constant 0 : i32
    %dma_wait3A_1587 = arith.constant 0 : i32
    %dma_wait3A_1588 = tpu.memref_slice %arg5[%dma_wait3A_1586, %dma_wait3A_1587] : memref<1000000x16xf32, #tpu.memory_space<hbm>> -> memref<1000000x16xf32, #tpu.memory_space<hbm>>
    tpu.wait_indirect_dma semaphore(%arg27 : memref<!tpu.dma_semaphore, #tpu.memory_space<semaphore_mem>>) src(%dma_wait3A_1588 : memref<1000000x16xf32, #tpu.memory_space<hbm>>) dst(%dma_wait3A_1582 : memref<128x16xf32, #tpu.memory_space<vmem>>)
    %dma_wait3A_1589 = arith.constant 3 : i32
    %dma_wait3A_1590 = arith.constant 3 : i32
    %dma_wait3A_1591 = arith.constant 0 : i32
    %dma_wait3A_1592 = arith.constant 0 : i32
    %dma_wait3A_1593 = tpu.memref_slice %arg19[%dma_wait3A_1590, %dma_wait3A_1591, %dma_wait3A_1592] : memref<4x128x16xf32, #tpu.memory_space<vmem>> -> memref<1x128x16xf32, #tpu.memory_space<vmem>>
    %dma_wait3A_1594 = tpu.memref_squeeze %dma_wait3A_1593 : memref<1x128x16xf32, #tpu.memory_space<vmem>> -> memref<128x16xf32, #tpu.memory_space<vmem>>
    %dma_wait3A_1595 = arith.constant 0 : i32
    %dma_wait3A_1596 = tpu.memref_slice %arg13[%dma_wait3A_1589, %dma_wait3A_1595] : memref<4x128xi32, #tpu.memory_space<vmem>> -> memref<1x128xi32, #tpu.memory_space<vmem>>
    %dma_wait3A_1597 = tpu.memref_squeeze %dma_wait3A_1596 : memref<1x128xi32, #tpu.memory_space<vmem>> -> memref<128xi32, #tpu.memory_space<vmem>>
    %dma_wait3A_1598 = arith.constant 0 : i32
    %dma_wait3A_1599 = arith.constant 0 : i32
    %dma_wait3A_1600 = tpu.memref_slice %arg6[%dma_wait3A_1598, %dma_wait3A_1599] : memref<1000000x16xf32, #tpu.memory_space<hbm>> -> memref<1000000x16xf32, #tpu.memory_space<hbm>>
    tpu.wait_indirect_dma semaphore(%arg27 : memref<!tpu.dma_semaphore, #tpu.memory_space<semaphore_mem>>) src(%dma_wait3A_1600 : memref<1000000x16xf32, #tpu.memory_space<hbm>>) dst(%dma_wait3A_1594 : memref<128x16xf32, #tpu.memory_space<vmem>>)
    %dma_wait3A_1601 = arith.constant 3 : i32
    %dma_wait3A_1602 = arith.constant 3 : i32
    %dma_wait3A_1603 = arith.constant 0 : i32
    %dma_wait3A_1604 = arith.constant 0 : i32
    %dma_wait3A_1605 = tpu.memref_slice %arg20[%dma_wait3A_1602, %dma_wait3A_1603, %dma_wait3A_1604] : memref<4x128x16xf32, #tpu.memory_space<vmem>> -> memref<1x128x16xf32, #tpu.memory_space<vmem>>
    %dma_wait3A_1606 = tpu.memref_squeeze %dma_wait3A_1605 : memref<1x128x16xf32, #tpu.memory_space<vmem>> -> memref<128x16xf32, #tpu.memory_space<vmem>>
    %dma_wait3A_1607 = arith.constant 0 : i32
    %dma_wait3A_1608 = tpu.memref_slice %arg14[%dma_wait3A_1601, %dma_wait3A_1607] : memref<4x128xi32, #tpu.memory_space<vmem>> -> memref<1x128xi32, #tpu.memory_space<vmem>>
    %dma_wait3A_1609 = tpu.memref_squeeze %dma_wait3A_1608 : memref<1x128xi32, #tpu.memory_space<vmem>> -> memref<128xi32, #tpu.memory_space<vmem>>
    %dma_wait3A_1610 = arith.constant 0 : i32
    %dma_wait3A_1611 = arith.constant 0 : i32
    %dma_wait3A_1612 = tpu.memref_slice %arg6[%dma_wait3A_1610, %dma_wait3A_1611] : memref<1000000x16xf32, #tpu.memory_space<hbm>> -> memref<1000000x16xf32, #tpu.memory_space<hbm>>
    tpu.wait_indirect_dma semaphore(%arg27 : memref<!tpu.dma_semaphore, #tpu.memory_space<semaphore_mem>>) src(%dma_wait3A_1612 : memref<1000000x16xf32, #tpu.memory_space<hbm>>) dst(%dma_wait3A_1606 : memref<128x16xf32, #tpu.memory_space<vmem>>)
    %dma_wait3A_1613 = arith.constant 3 : i32
    %dma_wait3A_1614 = arith.constant 3 : i32
    %dma_wait3A_1615 = arith.constant 0 : i32
    %dma_wait3A_1616 = arith.constant 0 : i32
    %dma_wait3A_1617 = tpu.memref_slice %arg21[%dma_wait3A_1614, %dma_wait3A_1615, %dma_wait3A_1616] : memref<4x128x16xf32, #tpu.memory_space<vmem>> -> memref<1x128x16xf32, #tpu.memory_space<vmem>>
    %dma_wait3A_1618 = tpu.memref_squeeze %dma_wait3A_1617 : memref<1x128x16xf32, #tpu.memory_space<vmem>> -> memref<128x16xf32, #tpu.memory_space<vmem>>
    %dma_wait3A_1619 = arith.constant 0 : i32
    %dma_wait3A_1620 = tpu.memref_slice %arg15[%dma_wait3A_1613, %dma_wait3A_1619] : memref<4x128xi32, #tpu.memory_space<vmem>> -> memref<1x128xi32, #tpu.memory_space<vmem>>
    %dma_wait3A_1621 = tpu.memref_squeeze %dma_wait3A_1620 : memref<1x128xi32, #tpu.memory_space<vmem>> -> memref<128xi32, #tpu.memory_space<vmem>>
    %dma_wait3A_1622 = arith.constant 0 : i32
    %dma_wait3A_1623 = arith.constant 0 : i32
    %dma_wait3A_1624 = tpu.memref_slice %arg7[%dma_wait3A_1622, %dma_wait3A_1623] : memref<62500x16xf32, #tpu.memory_space<hbm>> -> memref<62500x16xf32, #tpu.memory_space<hbm>>
    tpu.wait_indirect_dma semaphore(%arg27 : memref<!tpu.dma_semaphore, #tpu.memory_space<semaphore_mem>>) src(%dma_wait3A_1624 : memref<62500x16xf32, #tpu.memory_space<hbm>>) dst(%dma_wait3A_1618 : memref<128x16xf32, #tpu.memory_space<vmem>>)
    %dma_wait3A_1625 = arith.constant 3 : i32
    %dma_wait3A_1626 = arith.constant 3 : i32
    %dma_wait3A_1627 = arith.constant 0 : i32
    %dma_wait3A_1628 = arith.constant 0 : i32
    %dma_wait3A_1629 = tpu.memref_slice %arg22[%dma_wait3A_1626, %dma_wait3A_1627, %dma_wait3A_1628] : memref<4x128x16xf32, #tpu.memory_space<vmem>> -> memref<1x128x16xf32, #tpu.memory_space<vmem>>
    %dma_wait3A_1630 = tpu.memref_squeeze %dma_wait3A_1629 : memref<1x128x16xf32, #tpu.memory_space<vmem>> -> memref<128x16xf32, #tpu.memory_space<vmem>>
    %dma_wait3A_1631 = arith.constant 0 : i32
    %dma_wait3A_1632 = tpu.memref_slice %arg16[%dma_wait3A_1625, %dma_wait3A_1631] : memref<4x128xi32, #tpu.memory_space<vmem>> -> memref<1x128xi32, #tpu.memory_space<vmem>>
    %dma_wait3A_1633 = tpu.memref_squeeze %dma_wait3A_1632 : memref<1x128xi32, #tpu.memory_space<vmem>> -> memref<128xi32, #tpu.memory_space<vmem>>
    %dma_wait3A_1634 = arith.constant 0 : i32
    %dma_wait3A_1635 = arith.constant 0 : i32
    %dma_wait3A_1636 = tpu.memref_slice %arg8[%dma_wait3A_1634, %dma_wait3A_1635] : memref<62500x16xf32, #tpu.memory_space<hbm>> -> memref<62500x16xf32, #tpu.memory_space<hbm>>
    tpu.wait_indirect_dma semaphore(%arg27 : memref<!tpu.dma_semaphore, #tpu.memory_space<semaphore_mem>>) src(%dma_wait3A_1636 : memref<62500x16xf32, #tpu.memory_space<hbm>>) dst(%dma_wait3A_1630 : memref<128x16xf32, #tpu.memory_space<vmem>>)
    %dma_wait3A_1637 = arith.constant 3 : i32
    %dma_wait3A_1638 = arith.constant 3 : i32
    %dma_wait3A_1639 = arith.constant 0 : i32
    %dma_wait3A_1640 = arith.constant 0 : i32
    %dma_wait3A_1641 = tpu.memref_slice %arg23[%dma_wait3A_1638, %dma_wait3A_1639, %dma_wait3A_1640] : memref<4x128x16xf32, #tpu.memory_space<vmem>> -> memref<1x128x16xf32, #tpu.memory_space<vmem>>
    %dma_wait3A_1642 = tpu.memref_squeeze %dma_wait3A_1641 : memref<1x128x16xf32, #tpu.memory_space<vmem>> -> memref<128x16xf32, #tpu.memory_space<vmem>>
    %dma_wait3A_1643 = arith.constant 0 : i32
    %dma_wait3A_1644 = tpu.memref_slice %arg17[%dma_wait3A_1637, %dma_wait3A_1643] : memref<4x128xi32, #tpu.memory_space<vmem>> -> memref<1x128xi32, #tpu.memory_space<vmem>>
    %dma_wait3A_1645 = tpu.memref_squeeze %dma_wait3A_1644 : memref<1x128xi32, #tpu.memory_space<vmem>> -> memref<128xi32, #tpu.memory_space<vmem>>
    %dma_wait3A_1646 = arith.constant 0 : i32
    %dma_wait3A_1647 = arith.constant 0 : i32
    %dma_wait3A_1648 = tpu.memref_slice %arg8[%dma_wait3A_1646, %dma_wait3A_1647] : memref<62500x16xf32, #tpu.memory_space<hbm>> -> memref<62500x16xf32, #tpu.memory_space<hbm>>
    tpu.wait_indirect_dma semaphore(%arg27 : memref<!tpu.dma_semaphore, #tpu.memory_space<semaphore_mem>>) src(%dma_wait3A_1648 : memref<62500x16xf32, #tpu.memory_space<hbm>>) dst(%dma_wait3A_1642 : memref<128x16xf32, #tpu.memory_space<vmem>>)
    %iota3A = tpu.iota {dimensions = array<i32: 0>} : vector<16xi32>
    %broadcast_in_dim3A = arith.constant 0.000000e+00 : f32
    %broadcast_in_dim3A_1649 = vector.broadcast %broadcast_in_dim3A : f32 to vector<16xf32>
    %scan3A = arith.constant 0 : i32
    %scan3A_1650 = arith.constant 32 : i32
    %scan3A_1651 = arith.addi %scan3A, %scan3A_1650 : i32
    %scan3A_1652 = arith.constant 1 : i32
    %scan3A_1653 = scf.for %scan3A_1664 = %scan3A to %scan3A_1651 step %scan3A_1652 iter_args(%scan3A_1665 = %broadcast_in_dim3A_1649) -> (vector<16xf32>)  : i32 {
      %shift_right_logical3A_1666 = arith.constant 3 : i32
      %shift_right_logical3A_1667 = arith.shrui %scan3A_1664, %shift_right_logical3A_1666 : i32
      %and3A = arith.constant 7 : i32
      %and3A_1668 = arith.andi %scan3A_1664, %and3A : i32
      %mul3A_1669 = arith.constant 16 : i32
      %mul3A_1670 = arith.muli %and3A_1668, %mul3A_1669 : i32
      %add3A_1671 = vector.broadcast %mul3A_1670 : i32 to vector<16xi32>
      %add3A_1672 = arith.addi %add3A_1671, %iota3A : vector<16xi32>
      %broadcast_in_dim3A_1673 = arith.constant 0 : i32
      %broadcast_in_dim3A_1674 = vector.broadcast %broadcast_in_dim3A_1673 : i32 to vector<16xi32>
      %add3A_1675 = vector.broadcast %shift_right_logical3A_1667 : i32 to vector<16xi32>
      %add3A_1676 = arith.addi %broadcast_in_dim3A_1674, %add3A_1675 : vector<16xi32>
      %broadcast_in_dim3A_1677 = arith.constant 0.000000e+00 : f32
      %broadcast_in_dim3A_1678 = vector.broadcast %broadcast_in_dim3A_1677 : f32 to vector<16xf32>
      %broadcast_in_dim3A_1679 = arith.constant 0.000000e+00 : f32
      %broadcast_in_dim3A_1680 = vector.broadcast %broadcast_in_dim3A_1679 : f32 to vector<16xf32>
      %broadcast_in_dim3A_1681 = arith.constant 0 : i32
      %broadcast_in_dim3A_1682 = vector.broadcast %broadcast_in_dim3A_1681 : i32 to vector<16xi32>
      %gather3A = tpu.vector_load_idx %arg18[%add3A_1676, %add3A_1672, %broadcast_in_dim3A_1682] : memref<4x128x16xf32, #tpu.memory_space<vmem>>[vector<16xi32>, vector<16xi32>, vector<16xi32>], vector<16xf32>,
      %gather3A_1683 = tpu.vector_load_idx %arg19[%add3A_1676, %add3A_1672, %broadcast_in_dim3A_1682] : memref<4x128x16xf32, #tpu.memory_space<vmem>>[vector<16xi32>, vector<16xi32>, vector<16xi32>], vector<16xf32>,
      %gather3A_1684 = tpu.vector_load_idx %arg20[%add3A_1676, %add3A_1672, %broadcast_in_dim3A_1682] : memref<4x128x16xf32, #tpu.memory_space<vmem>>[vector<16xi32>, vector<16xi32>, vector<16xi32>], vector<16xf32>,
      %sub3A = arith.subf %gather3A, %gather3A_1683 : vector<16xf32>
      %sub3A_1685 = arith.subf %gather3A, %gather3A_1684 : vector<16xf32>
      %mul3A_1686 = arith.mulf %sub3A, %sub3A : vector<16xf32>
      %add3A_1687 = arith.addf %broadcast_in_dim3A_1678, %mul3A_1686 : vector<16xf32>
      %mul3A_1688 = arith.mulf %sub3A_1685, %sub3A_1685 : vector<16xf32>
      %add3A_1689 = arith.addf %broadcast_in_dim3A_1680, %mul3A_1688 : vector<16xf32>
      %broadcast_in_dim3A_1690 = arith.constant 1 : i32
      %broadcast_in_dim3A_1691 = vector.broadcast %broadcast_in_dim3A_1690 : i32 to vector<16xi32>
      %gather3A_1692 = tpu.vector_load_idx %arg18[%add3A_1676, %add3A_1672, %broadcast_in_dim3A_1691] : memref<4x128x16xf32, #tpu.memory_space<vmem>>[vector<16xi32>, vector<16xi32>, vector<16xi32>], vector<16xf32>,
      %gather3A_1693 = tpu.vector_load_idx %arg19[%add3A_1676, %add3A_1672, %broadcast_in_dim3A_1691] : memref<4x128x16xf32, #tpu.memory_space<vmem>>[vector<16xi32>, vector<16xi32>, vector<16xi32>], vector<16xf32>,
      %gather3A_1694 = tpu.vector_load_idx %arg20[%add3A_1676, %add3A_1672, %broadcast_in_dim3A_1691] : memref<4x128x16xf32, #tpu.memory_space<vmem>>[vector<16xi32>, vector<16xi32>, vector<16xi32>], vector<16xf32>,
      %sub3A_1695 = arith.subf %gather3A_1692, %gather3A_1693 : vector<16xf32>
      %sub3A_1696 = arith.subf %gather3A_1692, %gather3A_1694 : vector<16xf32>
      %mul3A_1697 = arith.mulf %sub3A_1695, %sub3A_1695 : vector<16xf32>
      %add3A_1698 = arith.addf %add3A_1687, %mul3A_1697 : vector<16xf32>
      %mul3A_1699 = arith.mulf %sub3A_1696, %sub3A_1696 : vector<16xf32>
      %add3A_1700 = arith.addf %add3A_1689, %mul3A_1699 : vector<16xf32>
      %broadcast_in_dim3A_1701 = arith.constant 2 : i32
      %broadcast_in_dim3A_1702 = vector.broadcast %broadcast_in_dim3A_1701 : i32 to vector<16xi32>
      %gather3A_1703 = tpu.vector_load_idx %arg18[%add3A_1676, %add3A_1672, %broadcast_in_dim3A_1702] : memref<4x128x16xf32, #tpu.memory_space<vmem>>[vector<16xi32>, vector<16xi32>, vector<16xi32>], vector<16xf32>,
      %gather3A_1704 = tpu.vector_load_idx %arg19[%add3A_1676, %add3A_1672, %broadcast_in_dim3A_1702] : memref<4x128x16xf32, #tpu.memory_space<vmem>>[vector<16xi32>, vector<16xi32>, vector<16xi32>], vector<16xf32>,
      %gather3A_1705 = tpu.vector_load_idx %arg20[%add3A_1676, %add3A_1672, %broadcast_in_dim3A_1702] : memref<4x128x16xf32, #tpu.memory_space<vmem>>[vector<16xi32>, vector<16xi32>, vector<16xi32>], vector<16xf32>,
      %sub3A_1706 = arith.subf %gather3A_1703, %gather3A_1704 : vector<16xf32>
      %sub3A_1707 = arith.subf %gather3A_1703, %gather3A_1705 : vector<16xf32>
      %mul3A_1708 = arith.mulf %sub3A_1706, %sub3A_1706 : vector<16xf32>
      %add3A_1709 = arith.addf %add3A_1698, %mul3A_1708 : vector<16xf32>
      %mul3A_1710 = arith.mulf %sub3A_1707, %sub3A_1707 : vector<16xf32>
      %add3A_1711 = arith.addf %add3A_1700, %mul3A_1710 : vector<16xf32>
      %broadcast_in_dim3A_1712 = arith.constant 3 : i32
      %broadcast_in_dim3A_1713 = vector.broadcast %broadcast_in_dim3A_1712 : i32 to vector<16xi32>
      %gather3A_1714 = tpu.vector_load_idx %arg18[%add3A_1676, %add3A_1672, %broadcast_in_dim3A_1713] : memref<4x128x16xf32, #tpu.memory_space<vmem>>[vector<16xi32>, vector<16xi32>, vector<16xi32>], vector<16xf32>,
      %gather3A_1715 = tpu.vector_load_idx %arg19[%add3A_1676, %add3A_1672, %broadcast_in_dim3A_1713] : memref<4x128x16xf32, #tpu.memory_space<vmem>>[vector<16xi32>, vector<16xi32>, vector<16xi32>], vector<16xf32>,
      %gather3A_1716 = tpu.vector_load_idx %arg20[%add3A_1676, %add3A_1672, %broadcast_in_dim3A_1713] : memref<4x128x16xf32, #tpu.memory_space<vmem>>[vector<16xi32>, vector<16xi32>, vector<16xi32>], vector<16xf32>,
      %sub3A_1717 = arith.subf %gather3A_1714, %gather3A_1715 : vector<16xf32>
      %sub3A_1718 = arith.subf %gather3A_1714, %gather3A_1716 : vector<16xf32>
      %mul3A_1719 = arith.mulf %sub3A_1717, %sub3A_1717 : vector<16xf32>
      %add3A_1720 = arith.addf %add3A_1709, %mul3A_1719 : vector<16xf32>
      %mul3A_1721 = arith.mulf %sub3A_1718, %sub3A_1718 : vector<16xf32>
      %add3A_1722 = arith.addf %add3A_1711, %mul3A_1721 : vector<16xf32>
      %broadcast_in_dim3A_1723 = arith.constant 4 : i32
      %broadcast_in_dim3A_1724 = vector.broadcast %broadcast_in_dim3A_1723 : i32 to vector<16xi32>
      %gather3A_1725 = tpu.vector_load_idx %arg18[%add3A_1676, %add3A_1672, %broadcast_in_dim3A_1724] : memref<4x128x16xf32, #tpu.memory_space<vmem>>[vector<16xi32>, vector<16xi32>, vector<16xi32>], vector<16xf32>,
      %gather3A_1726 = tpu.vector_load_idx %arg19[%add3A_1676, %add3A_1672, %broadcast_in_dim3A_1724] : memref<4x128x16xf32, #tpu.memory_space<vmem>>[vector<16xi32>, vector<16xi32>, vector<16xi32>], vector<16xf32>,
      %gather3A_1727 = tpu.vector_load_idx %arg20[%add3A_1676, %add3A_1672, %broadcast_in_dim3A_1724] : memref<4x128x16xf32, #tpu.memory_space<vmem>>[vector<16xi32>, vector<16xi32>, vector<16xi32>], vector<16xf32>,
      %sub3A_1728 = arith.subf %gather3A_1725, %gather3A_1726 : vector<16xf32>
      %sub3A_1729 = arith.subf %gather3A_1725, %gather3A_1727 : vector<16xf32>
      %mul3A_1730 = arith.mulf %sub3A_1728, %sub3A_1728 : vector<16xf32>
      %add3A_1731 = arith.addf %add3A_1720, %mul3A_1730 : vector<16xf32>
      %mul3A_1732 = arith.mulf %sub3A_1729, %sub3A_1729 : vector<16xf32>
      %add3A_1733 = arith.addf %add3A_1722, %mul3A_1732 : vector<16xf32>
      %broadcast_in_dim3A_1734 = arith.constant 5 : i32
      %broadcast_in_dim3A_1735 = vector.broadcast %broadcast_in_dim3A_1734 : i32 to vector<16xi32>
      %gather3A_1736 = tpu.vector_load_idx %arg18[%add3A_1676, %add3A_1672, %broadcast_in_dim3A_1735] : memref<4x128x16xf32, #tpu.memory_space<vmem>>[vector<16xi32>, vector<16xi32>, vector<16xi32>], vector<16xf32>,
      %gather3A_1737 = tpu.vector_load_idx %arg19[%add3A_1676, %add3A_1672, %broadcast_in_dim3A_1735] : memref<4x128x16xf32, #tpu.memory_space<vmem>>[vector<16xi32>, vector<16xi32>, vector<16xi32>], vector<16xf32>,
      %gather3A_1738 = tpu.vector_load_idx %arg20[%add3A_1676, %add3A_1672, %broadcast_in_dim3A_1735] : memref<4x128x16xf32, #tpu.memory_space<vmem>>[vector<16xi32>, vector<16xi32>, vector<16xi32>], vector<16xf32>,
      %sub3A_1739 = arith.subf %gather3A_1736, %gather3A_1737 : vector<16xf32>
      %sub3A_1740 = arith.subf %gather3A_1736, %gather3A_1738 : vector<16xf32>
      %mul3A_1741 = arith.mulf %sub3A_1739, %sub3A_1739 : vector<16xf32>
      %add3A_1742 = arith.addf %add3A_1731, %mul3A_1741 : vector<16xf32>
      %mul3A_1743 = arith.mulf %sub3A_1740, %sub3A_1740 : vector<16xf32>
      %add3A_1744 = arith.addf %add3A_1733, %mul3A_1743 : vector<16xf32>
      %broadcast_in_dim3A_1745 = arith.constant 6 : i32
      %broadcast_in_dim3A_1746 = vector.broadcast %broadcast_in_dim3A_1745 : i32 to vector<16xi32>
      %gather3A_1747 = tpu.vector_load_idx %arg18[%add3A_1676, %add3A_1672, %broadcast_in_dim3A_1746] : memref<4x128x16xf32, #tpu.memory_space<vmem>>[vector<16xi32>, vector<16xi32>, vector<16xi32>], vector<16xf32>,
      %gather3A_1748 = tpu.vector_load_idx %arg19[%add3A_1676, %add3A_1672, %broadcast_in_dim3A_1746] : memref<4x128x16xf32, #tpu.memory_space<vmem>>[vector<16xi32>, vector<16xi32>, vector<16xi32>], vector<16xf32>,
      %gather3A_1749 = tpu.vector_load_idx %arg20[%add3A_1676, %add3A_1672, %broadcast_in_dim3A_1746] : memref<4x128x16xf32, #tpu.memory_space<vmem>>[vector<16xi32>, vector<16xi32>, vector<16xi32>], vector<16xf32>,
      %sub3A_1750 = arith.subf %gather3A_1747, %gather3A_1748 : vector<16xf32>
      %sub3A_1751 = arith.subf %gather3A_1747, %gather3A_1749 : vector<16xf32>
      %mul3A_1752 = arith.mulf %sub3A_1750, %sub3A_1750 : vector<16xf32>
      %add3A_1753 = arith.addf %add3A_1742, %mul3A_1752 : vector<16xf32>
      %mul3A_1754 = arith.mulf %sub3A_1751, %sub3A_1751 : vector<16xf32>
      %add3A_1755 = arith.addf %add3A_1744, %mul3A_1754 : vector<16xf32>
      %broadcast_in_dim3A_1756 = arith.constant 7 : i32
      %broadcast_in_dim3A_1757 = vector.broadcast %broadcast_in_dim3A_1756 : i32 to vector<16xi32>
      %gather3A_1758 = tpu.vector_load_idx %arg18[%add3A_1676, %add3A_1672, %broadcast_in_dim3A_1757] : memref<4x128x16xf32, #tpu.memory_space<vmem>>[vector<16xi32>, vector<16xi32>, vector<16xi32>], vector<16xf32>,
      %gather3A_1759 = tpu.vector_load_idx %arg19[%add3A_1676, %add3A_1672, %broadcast_in_dim3A_1757] : memref<4x128x16xf32, #tpu.memory_space<vmem>>[vector<16xi32>, vector<16xi32>, vector<16xi32>], vector<16xf32>,
      %gather3A_1760 = tpu.vector_load_idx %arg20[%add3A_1676, %add3A_1672, %broadcast_in_dim3A_1757] : memref<4x128x16xf32, #tpu.memory_space<vmem>>[vector<16xi32>, vector<16xi32>, vector<16xi32>], vector<16xf32>,
      %sub3A_1761 = arith.subf %gather3A_1758, %gather3A_1759 : vector<16xf32>
      %sub3A_1762 = arith.subf %gather3A_1758, %gather3A_1760 : vector<16xf32>
      %mul3A_1763 = arith.mulf %sub3A_1761, %sub3A_1761 : vector<16xf32>
      %add3A_1764 = arith.addf %add3A_1753, %mul3A_1763 : vector<16xf32>
      %mul3A_1765 = arith.mulf %sub3A_1762, %sub3A_1762 : vector<16xf32>
      %add3A_1766 = arith.addf %add3A_1755, %mul3A_1765 : vector<16xf32>
      %broadcast_in_dim3A_1767 = arith.constant 8 : i32
      %broadcast_in_dim3A_1768 = vector.broadcast %broadcast_in_dim3A_1767 : i32 to vector<16xi32>
      %gather3A_1769 = tpu.vector_load_idx %arg18[%add3A_1676, %add3A_1672, %broadcast_in_dim3A_1768] : memref<4x128x16xf32, #tpu.memory_space<vmem>>[vector<16xi32>, vector<16xi32>, vector<16xi32>], vector<16xf32>,
      %gather3A_1770 = tpu.vector_load_idx %arg19[%add3A_1676, %add3A_1672, %broadcast_in_dim3A_1768] : memref<4x128x16xf32, #tpu.memory_space<vmem>>[vector<16xi32>, vector<16xi32>, vector<16xi32>], vector<16xf32>,
      %gather3A_1771 = tpu.vector_load_idx %arg20[%add3A_1676, %add3A_1672, %broadcast_in_dim3A_1768] : memref<4x128x16xf32, #tpu.memory_space<vmem>>[vector<16xi32>, vector<16xi32>, vector<16xi32>], vector<16xf32>,
      %sub3A_1772 = arith.subf %gather3A_1769, %gather3A_1770 : vector<16xf32>
      %sub3A_1773 = arith.subf %gather3A_1769, %gather3A_1771 : vector<16xf32>
      %mul3A_1774 = arith.mulf %sub3A_1772, %sub3A_1772 : vector<16xf32>
      %add3A_1775 = arith.addf %add3A_1764, %mul3A_1774 : vector<16xf32>
      %mul3A_1776 = arith.mulf %sub3A_1773, %sub3A_1773 : vector<16xf32>
      %add3A_1777 = arith.addf %add3A_1766, %mul3A_1776 : vector<16xf32>
      %broadcast_in_dim3A_1778 = arith.constant 9 : i32
      %broadcast_in_dim3A_1779 = vector.broadcast %broadcast_in_dim3A_1778 : i32 to vector<16xi32>
      %gather3A_1780 = tpu.vector_load_idx %arg18[%add3A_1676, %add3A_1672, %broadcast_in_dim3A_1779] : memref<4x128x16xf32, #tpu.memory_space<vmem>>[vector<16xi32>, vector<16xi32>, vector<16xi32>], vector<16xf32>,
      %gather3A_1781 = tpu.vector_load_idx %arg19[%add3A_1676, %add3A_1672, %broadcast_in_dim3A_1779] : memref<4x128x16xf32, #tpu.memory_space<vmem>>[vector<16xi32>, vector<16xi32>, vector<16xi32>], vector<16xf32>,
      %gather3A_1782 = tpu.vector_load_idx %arg20[%add3A_1676, %add3A_1672, %broadcast_in_dim3A_1779] : memref<4x128x16xf32, #tpu.memory_space<vmem>>[vector<16xi32>, vector<16xi32>, vector<16xi32>], vector<16xf32>,
      %sub3A_1783 = arith.subf %gather3A_1780, %gather3A_1781 : vector<16xf32>
      %sub3A_1784 = arith.subf %gather3A_1780, %gather3A_1782 : vector<16xf32>
      %mul3A_1785 = arith.mulf %sub3A_1783, %sub3A_1783 : vector<16xf32>
      %add3A_1786 = arith.addf %add3A_1775, %mul3A_1785 : vector<16xf32>
      %mul3A_1787 = arith.mulf %sub3A_1784, %sub3A_1784 : vector<16xf32>
      %add3A_1788 = arith.addf %add3A_1777, %mul3A_1787 : vector<16xf32>
      %broadcast_in_dim3A_1789 = arith.constant 10 : i32
      %broadcast_in_dim3A_1790 = vector.broadcast %broadcast_in_dim3A_1789 : i32 to vector<16xi32>
      %gather3A_1791 = tpu.vector_load_idx %arg18[%add3A_1676, %add3A_1672, %broadcast_in_dim3A_1790] : memref<4x128x16xf32, #tpu.memory_space<vmem>>[vector<16xi32>, vector<16xi32>, vector<16xi32>], vector<16xf32>,
      %gather3A_1792 = tpu.vector_load_idx %arg19[%add3A_1676, %add3A_1672, %broadcast_in_dim3A_1790] : memref<4x128x16xf32, #tpu.memory_space<vmem>>[vector<16xi32>, vector<16xi32>, vector<16xi32>], vector<16xf32>,
      %gather3A_1793 = tpu.vector_load_idx %arg20[%add3A_1676, %add3A_1672, %broadcast_in_dim3A_1790] : memref<4x128x16xf32, #tpu.memory_space<vmem>>[vector<16xi32>, vector<16xi32>, vector<16xi32>], vector<16xf32>,
      %sub3A_1794 = arith.subf %gather3A_1791, %gather3A_1792 : vector<16xf32>
      %sub3A_1795 = arith.subf %gather3A_1791, %gather3A_1793 : vector<16xf32>
      %mul3A_1796 = arith.mulf %sub3A_1794, %sub3A_1794 : vector<16xf32>
      %add3A_1797 = arith.addf %add3A_1786, %mul3A_1796 : vector<16xf32>
      %mul3A_1798 = arith.mulf %sub3A_1795, %sub3A_1795 : vector<16xf32>
      %add3A_1799 = arith.addf %add3A_1788, %mul3A_1798 : vector<16xf32>
      %broadcast_in_dim3A_1800 = arith.constant 11 : i32
      %broadcast_in_dim3A_1801 = vector.broadcast %broadcast_in_dim3A_1800 : i32 to vector<16xi32>
      %gather3A_1802 = tpu.vector_load_idx %arg18[%add3A_1676, %add3A_1672, %broadcast_in_dim3A_1801] : memref<4x128x16xf32, #tpu.memory_space<vmem>>[vector<16xi32>, vector<16xi32>, vector<16xi32>], vector<16xf32>,
      %gather3A_1803 = tpu.vector_load_idx %arg19[%add3A_1676, %add3A_1672, %broadcast_in_dim3A_1801] : memref<4x128x16xf32, #tpu.memory_space<vmem>>[vector<16xi32>, vector<16xi32>, vector<16xi32>], vector<16xf32>,
      %gather3A_1804 = tpu.vector_load_idx %arg20[%add3A_1676, %add3A_1672, %broadcast_in_dim3A_1801] : memref<4x128x16xf32, #tpu.memory_space<vmem>>[vector<16xi32>, vector<16xi32>, vector<16xi32>], vector<16xf32>,
      %sub3A_1805 = arith.subf %gather3A_1802, %gather3A_1803 : vector<16xf32>
      %sub3A_1806 = arith.subf %gather3A_1802, %gather3A_1804 : vector<16xf32>
      %mul3A_1807 = arith.mulf %sub3A_1805, %sub3A_1805 : vector<16xf32>
      %add3A_1808 = arith.addf %add3A_1797, %mul3A_1807 : vector<16xf32>
      %mul3A_1809 = arith.mulf %sub3A_1806, %sub3A_1806 : vector<16xf32>
      %add3A_1810 = arith.addf %add3A_1799, %mul3A_1809 : vector<16xf32>
      %broadcast_in_dim3A_1811 = arith.constant 12 : i32
      %broadcast_in_dim3A_1812 = vector.broadcast %broadcast_in_dim3A_1811 : i32 to vector<16xi32>
      %gather3A_1813 = tpu.vector_load_idx %arg18[%add3A_1676, %add3A_1672, %broadcast_in_dim3A_1812] : memref<4x128x16xf32, #tpu.memory_space<vmem>>[vector<16xi32>, vector<16xi32>, vector<16xi32>], vector<16xf32>,
      %gather3A_1814 = tpu.vector_load_idx %arg19[%add3A_1676, %add3A_1672, %broadcast_in_dim3A_1812] : memref<4x128x16xf32, #tpu.memory_space<vmem>>[vector<16xi32>, vector<16xi32>, vector<16xi32>], vector<16xf32>,
      %gather3A_1815 = tpu.vector_load_idx %arg20[%add3A_1676, %add3A_1672, %broadcast_in_dim3A_1812] : memref<4x128x16xf32, #tpu.memory_space<vmem>>[vector<16xi32>, vector<16xi32>, vector<16xi32>], vector<16xf32>,
      %sub3A_1816 = arith.subf %gather3A_1813, %gather3A_1814 : vector<16xf32>
      %sub3A_1817 = arith.subf %gather3A_1813, %gather3A_1815 : vector<16xf32>
      %mul3A_1818 = arith.mulf %sub3A_1816, %sub3A_1816 : vector<16xf32>
      %add3A_1819 = arith.addf %add3A_1808, %mul3A_1818 : vector<16xf32>
      %mul3A_1820 = arith.mulf %sub3A_1817, %sub3A_1817 : vector<16xf32>
      %add3A_1821 = arith.addf %add3A_1810, %mul3A_1820 : vector<16xf32>
      %broadcast_in_dim3A_1822 = arith.constant 13 : i32
      %broadcast_in_dim3A_1823 = vector.broadcast %broadcast_in_dim3A_1822 : i32 to vector<16xi32>
      %gather3A_1824 = tpu.vector_load_idx %arg18[%add3A_1676, %add3A_1672, %broadcast_in_dim3A_1823] : memref<4x128x16xf32, #tpu.memory_space<vmem>>[vector<16xi32>, vector<16xi32>, vector<16xi32>], vector<16xf32>,
      %gather3A_1825 = tpu.vector_load_idx %arg19[%add3A_1676, %add3A_1672, %broadcast_in_dim3A_1823] : memref<4x128x16xf32, #tpu.memory_space<vmem>>[vector<16xi32>, vector<16xi32>, vector<16xi32>], vector<16xf32>,
      %gather3A_1826 = tpu.vector_load_idx %arg20[%add3A_1676, %add3A_1672, %broadcast_in_dim3A_1823] : memref<4x128x16xf32, #tpu.memory_space<vmem>>[vector<16xi32>, vector<16xi32>, vector<16xi32>], vector<16xf32>,
      %sub3A_1827 = arith.subf %gather3A_1824, %gather3A_1825 : vector<16xf32>
      %sub3A_1828 = arith.subf %gather3A_1824, %gather3A_1826 : vector<16xf32>
      %mul3A_1829 = arith.mulf %sub3A_1827, %sub3A_1827 : vector<16xf32>
      %add3A_1830 = arith.addf %add3A_1819, %mul3A_1829 : vector<16xf32>
      %mul3A_1831 = arith.mulf %sub3A_1828, %sub3A_1828 : vector<16xf32>
      %add3A_1832 = arith.addf %add3A_1821, %mul3A_1831 : vector<16xf32>
      %broadcast_in_dim3A_1833 = arith.constant 14 : i32
      %broadcast_in_dim3A_1834 = vector.broadcast %broadcast_in_dim3A_1833 : i32 to vector<16xi32>
      %gather3A_1835 = tpu.vector_load_idx %arg18[%add3A_1676, %add3A_1672, %broadcast_in_dim3A_1834] : memref<4x128x16xf32, #tpu.memory_space<vmem>>[vector<16xi32>, vector<16xi32>, vector<16xi32>], vector<16xf32>,
      %gather3A_1836 = tpu.vector_load_idx %arg19[%add3A_1676, %add3A_1672, %broadcast_in_dim3A_1834] : memref<4x128x16xf32, #tpu.memory_space<vmem>>[vector<16xi32>, vector<16xi32>, vector<16xi32>], vector<16xf32>,
      %gather3A_1837 = tpu.vector_load_idx %arg20[%add3A_1676, %add3A_1672, %broadcast_in_dim3A_1834] : memref<4x128x16xf32, #tpu.memory_space<vmem>>[vector<16xi32>, vector<16xi32>, vector<16xi32>], vector<16xf32>,
      %sub3A_1838 = arith.subf %gather3A_1835, %gather3A_1836 : vector<16xf32>
      %sub3A_1839 = arith.subf %gather3A_1835, %gather3A_1837 : vector<16xf32>
      %mul3A_1840 = arith.mulf %sub3A_1838, %sub3A_1838 : vector<16xf32>
      %add3A_1841 = arith.addf %add3A_1830, %mul3A_1840 : vector<16xf32>
      %mul3A_1842 = arith.mulf %sub3A_1839, %sub3A_1839 : vector<16xf32>
      %add3A_1843 = arith.addf %add3A_1832, %mul3A_1842 : vector<16xf32>
      %broadcast_in_dim3A_1844 = arith.constant 15 : i32
      %broadcast_in_dim3A_1845 = vector.broadcast %broadcast_in_dim3A_1844 : i32 to vector<16xi32>
      %gather3A_1846 = tpu.vector_load_idx %arg18[%add3A_1676, %add3A_1672, %broadcast_in_dim3A_1845] : memref<4x128x16xf32, #tpu.memory_space<vmem>>[vector<16xi32>, vector<16xi32>, vector<16xi32>], vector<16xf32>,
      %gather3A_1847 = tpu.vector_load_idx %arg19[%add3A_1676, %add3A_1672, %broadcast_in_dim3A_1845] : memref<4x128x16xf32, #tpu.memory_space<vmem>>[vector<16xi32>, vector<16xi32>, vector<16xi32>], vector<16xf32>,
      %gather3A_1848 = tpu.vector_load_idx %arg20[%add3A_1676, %add3A_1672, %broadcast_in_dim3A_1845] : memref<4x128x16xf32, #tpu.memory_space<vmem>>[vector<16xi32>, vector<16xi32>, vector<16xi32>], vector<16xf32>,
      %sub3A_1849 = arith.subf %gather3A_1846, %gather3A_1847 : vector<16xf32>
      %sub3A_1850 = arith.subf %gather3A_1846, %gather3A_1848 : vector<16xf32>
      %mul3A_1851 = arith.mulf %sub3A_1849, %sub3A_1849 : vector<16xf32>
      %add3A_1852 = arith.addf %add3A_1841, %mul3A_1851 : vector<16xf32>
      %mul3A_1853 = arith.mulf %sub3A_1850, %sub3A_1850 : vector<16xf32>
      %add3A_1854 = arith.addf %add3A_1843, %mul3A_1853 : vector<16xf32>
      %gather3A_1855 = tpu.vector_load_idx %arg12[%add3A_1676, %add3A_1672] : memref<4x128xi32, #tpu.memory_space<vmem>>[vector<16xi32>, vector<16xi32>], vector<16xi32>,
      %gather3A_1856 = tpu.vector_load_idx %arg13[%add3A_1676, %add3A_1672] : memref<4x128xi32, #tpu.memory_space<vmem>>[vector<16xi32>, vector<16xi32>], vector<16xi32>,
      %gather3A_1857 = tpu.vector_load_idx %arg14[%add3A_1676, %add3A_1672] : memref<4x128xi32, #tpu.memory_space<vmem>>[vector<16xi32>, vector<16xi32>], vector<16xi32>,
      %and3A_1858 = arith.constant 15 : i32
      %and3A_1859 = vector.broadcast %and3A_1858 : i32 to vector<16xi32>
      %and3A_1860 = arith.andi %gather3A_1855, %and3A_1859 : vector<16xi32>
      %gather3A_1861 = tpu.vector_load_idx %arg21[%add3A_1676, %add3A_1672, %and3A_1860] : memref<4x128x16xf32, #tpu.memory_space<vmem>>[vector<16xi32>, vector<16xi32>, vector<16xi32>], vector<16xf32>,
      %and3A_1862 = arith.constant 15 : i32
      %and3A_1863 = vector.broadcast %and3A_1862 : i32 to vector<16xi32>
      %and3A_1864 = arith.andi %gather3A_1856, %and3A_1863 : vector<16xi32>
      %gather3A_1865 = tpu.vector_load_idx %arg22[%add3A_1676, %add3A_1672, %and3A_1864] : memref<4x128x16xf32, #tpu.memory_space<vmem>>[vector<16xi32>, vector<16xi32>, vector<16xi32>], vector<16xf32>,
      %and3A_1866 = arith.constant 15 : i32
      %and3A_1867 = vector.broadcast %and3A_1866 : i32 to vector<16xi32>
      %and3A_1868 = arith.andi %gather3A_1857, %and3A_1867 : vector<16xi32>
      %gather3A_1869 = tpu.vector_load_idx %arg23[%add3A_1676, %add3A_1672, %and3A_1868] : memref<4x128x16xf32, #tpu.memory_space<vmem>>[vector<16xi32>, vector<16xi32>, vector<16xi32>], vector<16xf32>,
      %max3A = arith.constant 0.000000e+00 : f32
      %max3A_1870 = vector.broadcast %max3A : f32 to vector<16xf32>
      %max3A_1871 = arith.maximumf %gather3A_1861, %max3A_1870 : vector<16xf32>
      %add3A_1872 = arith.constant 1.000000e+00 : f32
      %add3A_1873 = vector.broadcast %add3A_1872 : f32 to vector<16xf32>
      %add3A_1874 = arith.addf %max3A_1871, %add3A_1873 : vector<16xf32>
      %bitcast_convert_type3A = tpu.bitcast %add3A_1874 : vector<16xf32> -> vector<16xi32>
      %shift_right_arithmetic3A = arith.constant 23 : i32
      %shift_right_arithmetic3A_1875 = vector.broadcast %shift_right_arithmetic3A : i32 to vector<16xi32>
      %shift_right_arithmetic3A_1876 = arith.shrsi %bitcast_convert_type3A, %shift_right_arithmetic3A_1875 : vector<16xi32>
      %sub3A_1877 = arith.constant 127 : i32
      %sub3A_1878 = vector.broadcast %sub3A_1877 : i32 to vector<16xi32>
      %sub3A_1879 = arith.subi %shift_right_arithmetic3A_1876, %sub3A_1878 : vector<16xi32>
      %and3A_1880 = arith.constant 8388607 : i32
      %and3A_1881 = vector.broadcast %and3A_1880 : i32 to vector<16xi32>
      %and3A_1882 = arith.andi %bitcast_convert_type3A, %and3A_1881 : vector<16xi32>
      %or3A = arith.constant 1065353216 : i32
      %or3A_1883 = vector.broadcast %or3A : i32 to vector<16xi32>
      %or3A_1884 = arith.ori %and3A_1882, %or3A_1883 : vector<16xi32>
      %bitcast_convert_type3A_1885 = tpu.bitcast %or3A_1884 : vector<16xi32> -> vector<16xf32>
      %gt3A = arith.constant 1.41421354 : f32
      %gt3A_1886 = vector.broadcast %gt3A : f32 to vector<16xf32>
      %gt3A_1887 = arith.cmpf ogt, %bitcast_convert_type3A_1885, %gt3A_1886 : vector<16xf32>
      %mul3A_1888 = arith.constant 5.000000e-01 : f32
      %mul3A_1889 = vector.broadcast %mul3A_1888 : f32 to vector<16xf32>
      %mul3A_1890 = arith.mulf %bitcast_convert_type3A_1885, %mul3A_1889 : vector<16xf32>
      %select_n3A = arith.select %gt3A_1887, %mul3A_1890, %bitcast_convert_type3A_1885 : vector<16xi1>, vector<16xf32>
      %add3A_1891 = arith.constant 1 : i32
      %add3A_1892 = vector.broadcast %add3A_1891 : i32 to vector<16xi32>
      %add3A_1893 = arith.addi %sub3A_1879, %add3A_1892 : vector<16xi32>
      %select_n3A_1894 = arith.select %gt3A_1887, %add3A_1893, %sub3A_1879 : vector<16xi1>, vector<16xi32>
      %convert_element_type3A = arith.sitofp %select_n3A_1894 : vector<16xi32> to vector<16xf32>
      %sub3A_1895 = arith.constant 1.000000e+00 : f32
      %sub3A_1896 = vector.broadcast %sub3A_1895 : f32 to vector<16xf32>
      %sub3A_1897 = arith.subf %select_n3A, %sub3A_1896 : vector<16xf32>
      %add3A_1898 = arith.constant 1.000000e+00 : f32
      %add3A_1899 = vector.broadcast %add3A_1898 : f32 to vector<16xf32>
      %add3A_1900 = arith.addf %select_n3A, %add3A_1899 : vector<16xf32>
      %div3A = arith.divf %sub3A_1897, %add3A_1900 : vector<16xf32>
      %mul3A_1901 = arith.mulf %div3A, %div3A : vector<16xf32>
      %mul3A_1902 = arith.constant 2.000000e+00 : f32
      %mul3A_1903 = vector.broadcast %mul3A_1902 : f32 to vector<16xf32>
      %mul3A_1904 = arith.mulf %mul3A_1903, %div3A : vector<16xf32>
      %mul3A_1905 = arith.constant 0.111111112 : f32
      %mul3A_1906 = vector.broadcast %mul3A_1905 : f32 to vector<16xf32>
      %mul3A_1907 = arith.mulf %mul3A_1901, %mul3A_1906 : vector<16xf32>
      %add3A_1908 = arith.constant 0.142857149 : f32
      %add3A_1909 = vector.broadcast %add3A_1908 : f32 to vector<16xf32>
      %add3A_1910 = arith.addf %add3A_1909, %mul3A_1907 : vector<16xf32>
      %mul3A_1911 = arith.mulf %mul3A_1901, %add3A_1910 : vector<16xf32>
      %add3A_1912 = arith.constant 2.000000e-01 : f32
      %add3A_1913 = vector.broadcast %add3A_1912 : f32 to vector<16xf32>
      %add3A_1914 = arith.addf %add3A_1913, %mul3A_1911 : vector<16xf32>
      %mul3A_1915 = arith.mulf %mul3A_1901, %add3A_1914 : vector<16xf32>
      %add3A_1916 = arith.constant 0.333333343 : f32
      %add3A_1917 = vector.broadcast %add3A_1916 : f32 to vector<16xf32>
      %add3A_1918 = arith.addf %add3A_1917, %mul3A_1915 : vector<16xf32>
      %mul3A_1919 = arith.mulf %mul3A_1901, %add3A_1918 : vector<16xf32>
      %add3A_1920 = arith.constant 1.000000e+00 : f32
      %add3A_1921 = vector.broadcast %add3A_1920 : f32 to vector<16xf32>
      %add3A_1922 = arith.addf %add3A_1921, %mul3A_1919 : vector<16xf32>
      %mul3A_1923 = arith.mulf %mul3A_1904, %add3A_1922 : vector<16xf32>
      %mul3A_1924 = arith.constant 0.693147182 : f32
      %mul3A_1925 = vector.broadcast %mul3A_1924 : f32 to vector<16xf32>
      %mul3A_1926 = arith.mulf %convert_element_type3A, %mul3A_1925 : vector<16xf32>
      %add3A_1927 = arith.addf %mul3A_1926, %mul3A_1923 : vector<16xf32>
      %max3A_1928 = arith.constant 0.000000e+00 : f32
      %max3A_1929 = vector.broadcast %max3A_1928 : f32 to vector<16xf32>
      %max3A_1930 = arith.maximumf %gather3A_1865, %max3A_1929 : vector<16xf32>
      %add3A_1931 = arith.constant 1.000000e+00 : f32
      %add3A_1932 = vector.broadcast %add3A_1931 : f32 to vector<16xf32>
      %add3A_1933 = arith.addf %max3A_1930, %add3A_1932 : vector<16xf32>
      %bitcast_convert_type3A_1934 = tpu.bitcast %add3A_1933 : vector<16xf32> -> vector<16xi32>
      %shift_right_arithmetic3A_1935 = arith.constant 23 : i32
      %shift_right_arithmetic3A_1936 = vector.broadcast %shift_right_arithmetic3A_1935 : i32 to vector<16xi32>
      %shift_right_arithmetic3A_1937 = arith.shrsi %bitcast_convert_type3A_1934, %shift_right_arithmetic3A_1936 : vector<16xi32>
      %sub3A_1938 = arith.constant 127 : i32
      %sub3A_1939 = vector.broadcast %sub3A_1938 : i32 to vector<16xi32>
      %sub3A_1940 = arith.subi %shift_right_arithmetic3A_1937, %sub3A_1939 : vector<16xi32>
      %and3A_1941 = arith.constant 8388607 : i32
      %and3A_1942 = vector.broadcast %and3A_1941 : i32 to vector<16xi32>
      %and3A_1943 = arith.andi %bitcast_convert_type3A_1934, %and3A_1942 : vector<16xi32>
      %or3A_1944 = arith.constant 1065353216 : i32
      %or3A_1945 = vector.broadcast %or3A_1944 : i32 to vector<16xi32>
      %or3A_1946 = arith.ori %and3A_1943, %or3A_1945 : vector<16xi32>
      %bitcast_convert_type3A_1947 = tpu.bitcast %or3A_1946 : vector<16xi32> -> vector<16xf32>
      %gt3A_1948 = arith.constant 1.41421354 : f32
      %gt3A_1949 = vector.broadcast %gt3A_1948 : f32 to vector<16xf32>
      %gt3A_1950 = arith.cmpf ogt, %bitcast_convert_type3A_1947, %gt3A_1949 : vector<16xf32>
      %mul3A_1951 = arith.constant 5.000000e-01 : f32
      %mul3A_1952 = vector.broadcast %mul3A_1951 : f32 to vector<16xf32>
      %mul3A_1953 = arith.mulf %bitcast_convert_type3A_1947, %mul3A_1952 : vector<16xf32>
      %select_n3A_1954 = arith.select %gt3A_1950, %mul3A_1953, %bitcast_convert_type3A_1947 : vector<16xi1>, vector<16xf32>
      %add3A_1955 = arith.constant 1 : i32
      %add3A_1956 = vector.broadcast %add3A_1955 : i32 to vector<16xi32>
      %add3A_1957 = arith.addi %sub3A_1940, %add3A_1956 : vector<16xi32>
      %select_n3A_1958 = arith.select %gt3A_1950, %add3A_1957, %sub3A_1940 : vector<16xi1>, vector<16xi32>
      %convert_element_type3A_1959 = arith.sitofp %select_n3A_1958 : vector<16xi32> to vector<16xf32>
      %sub3A_1960 = arith.constant 1.000000e+00 : f32
      %sub3A_1961 = vector.broadcast %sub3A_1960 : f32 to vector<16xf32>
      %sub3A_1962 = arith.subf %select_n3A_1954, %sub3A_1961 : vector<16xf32>
      %add3A_1963 = arith.constant 1.000000e+00 : f32
      %add3A_1964 = vector.broadcast %add3A_1963 : f32 to vector<16xf32>
      %add3A_1965 = arith.addf %select_n3A_1954, %add3A_1964 : vector<16xf32>
      %div3A_1966 = arith.divf %sub3A_1962, %add3A_1965 : vector<16xf32>
      %mul3A_1967 = arith.mulf %div3A_1966, %div3A_1966 : vector<16xf32>
      %mul3A_1968 = arith.constant 2.000000e+00 : f32
      %mul3A_1969 = vector.broadcast %mul3A_1968 : f32 to vector<16xf32>
      %mul3A_1970 = arith.mulf %mul3A_1969, %div3A_1966 : vector<16xf32>
      %mul3A_1971 = arith.constant 0.111111112 : f32
      %mul3A_1972 = vector.broadcast %mul3A_1971 : f32 to vector<16xf32>
      %mul3A_1973 = arith.mulf %mul3A_1967, %mul3A_1972 : vector<16xf32>
      %add3A_1974 = arith.constant 0.142857149 : f32
      %add3A_1975 = vector.broadcast %add3A_1974 : f32 to vector<16xf32>
      %add3A_1976 = arith.addf %add3A_1975, %mul3A_1973 : vector<16xf32>
      %mul3A_1977 = arith.mulf %mul3A_1967, %add3A_1976 : vector<16xf32>
      %add3A_1978 = arith.constant 2.000000e-01 : f32
      %add3A_1979 = vector.broadcast %add3A_1978 : f32 to vector<16xf32>
      %add3A_1980 = arith.addf %add3A_1979, %mul3A_1977 : vector<16xf32>
      %mul3A_1981 = arith.mulf %mul3A_1967, %add3A_1980 : vector<16xf32>
      %add3A_1982 = arith.constant 0.333333343 : f32
      %add3A_1983 = vector.broadcast %add3A_1982 : f32 to vector<16xf32>
      %add3A_1984 = arith.addf %add3A_1983, %mul3A_1981 : vector<16xf32>
      %mul3A_1985 = arith.mulf %mul3A_1967, %add3A_1984 : vector<16xf32>
      %add3A_1986 = arith.constant 1.000000e+00 : f32
      %add3A_1987 = vector.broadcast %add3A_1986 : f32 to vector<16xf32>
      %add3A_1988 = arith.addf %add3A_1987, %mul3A_1985 : vector<16xf32>
      %mul3A_1989 = arith.mulf %mul3A_1970, %add3A_1988 : vector<16xf32>
      %mul3A_1990 = arith.constant 0.693147182 : f32
      %mul3A_1991 = vector.broadcast %mul3A_1990 : f32 to vector<16xf32>
      %mul3A_1992 = arith.mulf %convert_element_type3A_1959, %mul3A_1991 : vector<16xf32>
      %add3A_1993 = arith.addf %mul3A_1992, %mul3A_1989 : vector<16xf32>
      %max3A_1994 = arith.constant 0.000000e+00 : f32
      %max3A_1995 = vector.broadcast %max3A_1994 : f32 to vector<16xf32>
      %max3A_1996 = arith.maximumf %gather3A_1869, %max3A_1995 : vector<16xf32>
      %add3A_1997 = arith.constant 1.000000e+00 : f32
      %add3A_1998 = vector.broadcast %add3A_1997 : f32 to vector<16xf32>
      %add3A_1999 = arith.addf %max3A_1996, %add3A_1998 : vector<16xf32>
      %bitcast_convert_type3A_2000 = tpu.bitcast %add3A_1999 : vector<16xf32> -> vector<16xi32>
      %shift_right_arithmetic3A_2001 = arith.constant 23 : i32
      %shift_right_arithmetic3A_2002 = vector.broadcast %shift_right_arithmetic3A_2001 : i32 to vector<16xi32>
      %shift_right_arithmetic3A_2003 = arith.shrsi %bitcast_convert_type3A_2000, %shift_right_arithmetic3A_2002 : vector<16xi32>
      %sub3A_2004 = arith.constant 127 : i32
      %sub3A_2005 = vector.broadcast %sub3A_2004 : i32 to vector<16xi32>
      %sub3A_2006 = arith.subi %shift_right_arithmetic3A_2003, %sub3A_2005 : vector<16xi32>
      %and3A_2007 = arith.constant 8388607 : i32
      %and3A_2008 = vector.broadcast %and3A_2007 : i32 to vector<16xi32>
      %and3A_2009 = arith.andi %bitcast_convert_type3A_2000, %and3A_2008 : vector<16xi32>
      %or3A_2010 = arith.constant 1065353216 : i32
      %or3A_2011 = vector.broadcast %or3A_2010 : i32 to vector<16xi32>
      %or3A_2012 = arith.ori %and3A_2009, %or3A_2011 : vector<16xi32>
      %bitcast_convert_type3A_2013 = tpu.bitcast %or3A_2012 : vector<16xi32> -> vector<16xf32>
      %gt3A_2014 = arith.constant 1.41421354 : f32
      %gt3A_2015 = vector.broadcast %gt3A_2014 : f32 to vector<16xf32>
      %gt3A_2016 = arith.cmpf ogt, %bitcast_convert_type3A_2013, %gt3A_2015 : vector<16xf32>
      %mul3A_2017 = arith.constant 5.000000e-01 : f32
      %mul3A_2018 = vector.broadcast %mul3A_2017 : f32 to vector<16xf32>
      %mul3A_2019 = arith.mulf %bitcast_convert_type3A_2013, %mul3A_2018 : vector<16xf32>
      %select_n3A_2020 = arith.select %gt3A_2016, %mul3A_2019, %bitcast_convert_type3A_2013 : vector<16xi1>, vector<16xf32>
      %add3A_2021 = arith.constant 1 : i32
      %add3A_2022 = vector.broadcast %add3A_2021 : i32 to vector<16xi32>
      %add3A_2023 = arith.addi %sub3A_2006, %add3A_2022 : vector<16xi32>
      %select_n3A_2024 = arith.select %gt3A_2016, %add3A_2023, %sub3A_2006 : vector<16xi1>, vector<16xi32>
      %convert_element_type3A_2025 = arith.sitofp %select_n3A_2024 : vector<16xi32> to vector<16xf32>
      %sub3A_2026 = arith.constant 1.000000e+00 : f32
      %sub3A_2027 = vector.broadcast %sub3A_2026 : f32 to vector<16xf32>
      %sub3A_2028 = arith.subf %select_n3A_2020, %sub3A_2027 : vector<16xf32>
      %add3A_2029 = arith.constant 1.000000e+00 : f32
      %add3A_2030 = vector.broadcast %add3A_2029 : f32 to vector<16xf32>
      %add3A_2031 = arith.addf %select_n3A_2020, %add3A_2030 : vector<16xf32>
      %div3A_2032 = arith.divf %sub3A_2028, %add3A_2031 : vector<16xf32>
      %mul3A_2033 = arith.mulf %div3A_2032, %div3A_2032 : vector<16xf32>
      %mul3A_2034 = arith.constant 2.000000e+00 : f32
      %mul3A_2035 = vector.broadcast %mul3A_2034 : f32 to vector<16xf32>
      %mul3A_2036 = arith.mulf %mul3A_2035, %div3A_2032 : vector<16xf32>
      %mul3A_2037 = arith.constant 0.111111112 : f32
      %mul3A_2038 = vector.broadcast %mul3A_2037 : f32 to vector<16xf32>
      %mul3A_2039 = arith.mulf %mul3A_2033, %mul3A_2038 : vector<16xf32>
      %add3A_2040 = arith.constant 0.142857149 : f32
      %add3A_2041 = vector.broadcast %add3A_2040 : f32 to vector<16xf32>
      %add3A_2042 = arith.addf %add3A_2041, %mul3A_2039 : vector<16xf32>
      %mul3A_2043 = arith.mulf %mul3A_2033, %add3A_2042 : vector<16xf32>
      %add3A_2044 = arith.constant 2.000000e-01 : f32
      %add3A_2045 = vector.broadcast %add3A_2044 : f32 to vector<16xf32>
      %add3A_2046 = arith.addf %add3A_2045, %mul3A_2043 : vector<16xf32>
      %mul3A_2047 = arith.mulf %mul3A_2033, %add3A_2046 : vector<16xf32>
      %add3A_2048 = arith.constant 0.333333343 : f32
      %add3A_2049 = vector.broadcast %add3A_2048 : f32 to vector<16xf32>
      %add3A_2050 = arith.addf %add3A_2049, %mul3A_2047 : vector<16xf32>
      %mul3A_2051 = arith.mulf %mul3A_2033, %add3A_2050 : vector<16xf32>
      %add3A_2052 = arith.constant 1.000000e+00 : f32
      %add3A_2053 = vector.broadcast %add3A_2052 : f32 to vector<16xf32>
      %add3A_2054 = arith.addf %add3A_2053, %mul3A_2051 : vector<16xf32>
      %mul3A_2055 = arith.mulf %mul3A_2036, %add3A_2054 : vector<16xf32>
      %mul3A_2056 = arith.constant 0.693147182 : f32
      %mul3A_2057 = vector.broadcast %mul3A_2056 : f32 to vector<16xf32>
      %mul3A_2058 = arith.mulf %convert_element_type3A_2025, %mul3A_2057 : vector<16xf32>
      %add3A_2059 = arith.addf %mul3A_2058, %mul3A_2055 : vector<16xf32>
      %add3A_2060 = arith.constant 0.00999999977 : f32
      %add3A_2061 = vector.broadcast %add3A_2060 : f32 to vector<16xf32>
      %add3A_2062 = arith.addf %add3A_1852, %add3A_2061 : vector<16xf32>
      %bitcast_convert_type3A_2063 = tpu.bitcast %add3A_2062 : vector<16xf32> -> vector<16xi32>
      %shift_right_arithmetic3A_2064 = arith.constant 23 : i32
      %shift_right_arithmetic3A_2065 = vector.broadcast %shift_right_arithmetic3A_2064 : i32 to vector<16xi32>
      %shift_right_arithmetic3A_2066 = arith.shrsi %bitcast_convert_type3A_2063, %shift_right_arithmetic3A_2065 : vector<16xi32>
      %sub3A_2067 = arith.constant 127 : i32
      %sub3A_2068 = vector.broadcast %sub3A_2067 : i32 to vector<16xi32>
      %sub3A_2069 = arith.subi %shift_right_arithmetic3A_2066, %sub3A_2068 : vector<16xi32>
      %and3A_2070 = arith.constant 8388607 : i32
      %and3A_2071 = vector.broadcast %and3A_2070 : i32 to vector<16xi32>
      %and3A_2072 = arith.andi %bitcast_convert_type3A_2063, %and3A_2071 : vector<16xi32>
      %or3A_2073 = arith.constant 1065353216 : i32
      %or3A_2074 = vector.broadcast %or3A_2073 : i32 to vector<16xi32>
      %or3A_2075 = arith.ori %and3A_2072, %or3A_2074 : vector<16xi32>
      %bitcast_convert_type3A_2076 = tpu.bitcast %or3A_2075 : vector<16xi32> -> vector<16xf32>
      %gt3A_2077 = arith.constant 1.41421354 : f32
      %gt3A_2078 = vector.broadcast %gt3A_2077 : f32 to vector<16xf32>
      %gt3A_2079 = arith.cmpf ogt, %bitcast_convert_type3A_2076, %gt3A_2078 : vector<16xf32>
      %mul3A_2080 = arith.constant 5.000000e-01 : f32
      %mul3A_2081 = vector.broadcast %mul3A_2080 : f32 to vector<16xf32>
      %mul3A_2082 = arith.mulf %bitcast_convert_type3A_2076, %mul3A_2081 : vector<16xf32>
      %select_n3A_2083 = arith.select %gt3A_2079, %mul3A_2082, %bitcast_convert_type3A_2076 : vector<16xi1>, vector<16xf32>
      %add3A_2084 = arith.constant 1 : i32
      %add3A_2085 = vector.broadcast %add3A_2084 : i32 to vector<16xi32>
      %add3A_2086 = arith.addi %sub3A_2069, %add3A_2085 : vector<16xi32>
      %select_n3A_2087 = arith.select %gt3A_2079, %add3A_2086, %sub3A_2069 : vector<16xi1>, vector<16xi32>
      %convert_element_type3A_2088 = arith.sitofp %select_n3A_2087 : vector<16xi32> to vector<16xf32>
      %sub3A_2089 = arith.constant 1.000000e+00 : f32
      %sub3A_2090 = vector.broadcast %sub3A_2089 : f32 to vector<16xf32>
      %sub3A_2091 = arith.subf %select_n3A_2083, %sub3A_2090 : vector<16xf32>
      %add3A_2092 = arith.constant 1.000000e+00 : f32
      %add3A_2093 = vector.broadcast %add3A_2092 : f32 to vector<16xf32>
      %add3A_2094 = arith.addf %select_n3A_2083, %add3A_2093 : vector<16xf32>
      %div3A_2095 = arith.divf %sub3A_2091, %add3A_2094 : vector<16xf32>
      %mul3A_2096 = arith.mulf %div3A_2095, %div3A_2095 : vector<16xf32>
      %mul3A_2097 = arith.constant 2.000000e+00 : f32
      %mul3A_2098 = vector.broadcast %mul3A_2097 : f32 to vector<16xf32>
      %mul3A_2099 = arith.mulf %mul3A_2098, %div3A_2095 : vector<16xf32>
      %mul3A_2100 = arith.constant 0.111111112 : f32
      %mul3A_2101 = vector.broadcast %mul3A_2100 : f32 to vector<16xf32>
      %mul3A_2102 = arith.mulf %mul3A_2096, %mul3A_2101 : vector<16xf32>
      %add3A_2103 = arith.constant 0.142857149 : f32
      %add3A_2104 = vector.broadcast %add3A_2103 : f32 to vector<16xf32>
      %add3A_2105 = arith.addf %add3A_2104, %mul3A_2102 : vector<16xf32>
      %mul3A_2106 = arith.mulf %mul3A_2096, %add3A_2105 : vector<16xf32>
      %add3A_2107 = arith.constant 2.000000e-01 : f32
      %add3A_2108 = vector.broadcast %add3A_2107 : f32 to vector<16xf32>
      %add3A_2109 = arith.addf %add3A_2108, %mul3A_2106 : vector<16xf32>
      %mul3A_2110 = arith.mulf %mul3A_2096, %add3A_2109 : vector<16xf32>
      %add3A_2111 = arith.constant 0.333333343 : f32
      %add3A_2112 = vector.broadcast %add3A_2111 : f32 to vector<16xf32>
      %add3A_2113 = arith.addf %add3A_2112, %mul3A_2110 : vector<16xf32>
      %mul3A_2114 = arith.mulf %mul3A_2096, %add3A_2113 : vector<16xf32>
      %add3A_2115 = arith.constant 1.000000e+00 : f32
      %add3A_2116 = vector.broadcast %add3A_2115 : f32 to vector<16xf32>
      %add3A_2117 = arith.addf %add3A_2116, %mul3A_2114 : vector<16xf32>
      %mul3A_2118 = arith.mulf %mul3A_2099, %add3A_2117 : vector<16xf32>
      %mul3A_2119 = arith.constant 0.693147182 : f32
      %mul3A_2120 = vector.broadcast %mul3A_2119 : f32 to vector<16xf32>
      %mul3A_2121 = arith.mulf %convert_element_type3A_2088, %mul3A_2120 : vector<16xf32>
      %add3A_2122 = arith.addf %mul3A_2121, %mul3A_2118 : vector<16xf32>
      %mul3A_2123 = arith.constant 1.000000e+00 : f32
      %mul3A_2124 = vector.broadcast %mul3A_2123 : f32 to vector<16xf32>
      %mul3A_2125 = arith.mulf %mul3A_2124, %add3A_2122 : vector<16xf32>
      %add3A_2126 = arith.constant 0.00999999977 : f32
      %add3A_2127 = vector.broadcast %add3A_2126 : f32 to vector<16xf32>
      %add3A_2128 = arith.addf %add3A_1854, %add3A_2127 : vector<16xf32>
      %bitcast_convert_type3A_2129 = tpu.bitcast %add3A_2128 : vector<16xf32> -> vector<16xi32>
      %shift_right_arithmetic3A_2130 = arith.constant 23 : i32
      %shift_right_arithmetic3A_2131 = vector.broadcast %shift_right_arithmetic3A_2130 : i32 to vector<16xi32>
      %shift_right_arithmetic3A_2132 = arith.shrsi %bitcast_convert_type3A_2129, %shift_right_arithmetic3A_2131 : vector<16xi32>
      %sub3A_2133 = arith.constant 127 : i32
      %sub3A_2134 = vector.broadcast %sub3A_2133 : i32 to vector<16xi32>
      %sub3A_2135 = arith.subi %shift_right_arithmetic3A_2132, %sub3A_2134 : vector<16xi32>
      %and3A_2136 = arith.constant 8388607 : i32
      %and3A_2137 = vector.broadcast %and3A_2136 : i32 to vector<16xi32>
      %and3A_2138 = arith.andi %bitcast_convert_type3A_2129, %and3A_2137 : vector<16xi32>
      %or3A_2139 = arith.constant 1065353216 : i32
      %or3A_2140 = vector.broadcast %or3A_2139 : i32 to vector<16xi32>
      %or3A_2141 = arith.ori %and3A_2138, %or3A_2140 : vector<16xi32>
      %bitcast_convert_type3A_2142 = tpu.bitcast %or3A_2141 : vector<16xi32> -> vector<16xf32>
      %gt3A_2143 = arith.constant 1.41421354 : f32
      %gt3A_2144 = vector.broadcast %gt3A_2143 : f32 to vector<16xf32>
      %gt3A_2145 = arith.cmpf ogt, %bitcast_convert_type3A_2142, %gt3A_2144 : vector<16xf32>
      %mul3A_2146 = arith.constant 5.000000e-01 : f32
      %mul3A_2147 = vector.broadcast %mul3A_2146 : f32 to vector<16xf32>
      %mul3A_2148 = arith.mulf %bitcast_convert_type3A_2142, %mul3A_2147 : vector<16xf32>
      %select_n3A_2149 = arith.select %gt3A_2145, %mul3A_2148, %bitcast_convert_type3A_2142 : vector<16xi1>, vector<16xf32>
      %add3A_2150 = arith.constant 1 : i32
      %add3A_2151 = vector.broadcast %add3A_2150 : i32 to vector<16xi32>
      %add3A_2152 = arith.addi %sub3A_2135, %add3A_2151 : vector<16xi32>
      %select_n3A_2153 = arith.select %gt3A_2145, %add3A_2152, %sub3A_2135 : vector<16xi1>, vector<16xi32>
      %convert_element_type3A_2154 = arith.sitofp %select_n3A_2153 : vector<16xi32> to vector<16xf32>
      %sub3A_2155 = arith.constant 1.000000e+00 : f32
      %sub3A_2156 = vector.broadcast %sub3A_2155 : f32 to vector<16xf32>
      %sub3A_2157 = arith.subf %select_n3A_2149, %sub3A_2156 : vector<16xf32>
      %add3A_2158 = arith.constant 1.000000e+00 : f32
      %add3A_2159 = vector.broadcast %add3A_2158 : f32 to vector<16xf32>
      %add3A_2160 = arith.addf %select_n3A_2149, %add3A_2159 : vector<16xf32>
      %div3A_2161 = arith.divf %sub3A_2157, %add3A_2160 : vector<16xf32>
      %mul3A_2162 = arith.mulf %div3A_2161, %div3A_2161 : vector<16xf32>
      %mul3A_2163 = arith.constant 2.000000e+00 : f32
      %mul3A_2164 = vector.broadcast %mul3A_2163 : f32 to vector<16xf32>
      %mul3A_2165 = arith.mulf %mul3A_2164, %div3A_2161 : vector<16xf32>
      %mul3A_2166 = arith.constant 0.111111112 : f32
      %mul3A_2167 = vector.broadcast %mul3A_2166 : f32 to vector<16xf32>
      %mul3A_2168 = arith.mulf %mul3A_2162, %mul3A_2167 : vector<16xf32>
      %add3A_2169 = arith.constant 0.142857149 : f32
      %add3A_2170 = vector.broadcast %add3A_2169 : f32 to vector<16xf32>
      %add3A_2171 = arith.addf %add3A_2170, %mul3A_2168 : vector<16xf32>
      %mul3A_2172 = arith.mulf %mul3A_2162, %add3A_2171 : vector<16xf32>
      %add3A_2173 = arith.constant 2.000000e-01 : f32
      %add3A_2174 = vector.broadcast %add3A_2173 : f32 to vector<16xf32>
      %add3A_2175 = arith.addf %add3A_2174, %mul3A_2172 : vector<16xf32>
      %mul3A_2176 = arith.mulf %mul3A_2162, %add3A_2175 : vector<16xf32>
      %add3A_2177 = arith.constant 0.333333343 : f32
      %add3A_2178 = vector.broadcast %add3A_2177 : f32 to vector<16xf32>
      %add3A_2179 = arith.addf %add3A_2178, %mul3A_2176 : vector<16xf32>
      %mul3A_2180 = arith.mulf %mul3A_2162, %add3A_2179 : vector<16xf32>
      %add3A_2181 = arith.constant 1.000000e+00 : f32
      %add3A_2182 = vector.broadcast %add3A_2181 : f32 to vector<16xf32>
      %add3A_2183 = arith.addf %add3A_2182, %mul3A_2180 : vector<16xf32>
      %mul3A_2184 = arith.mulf %mul3A_2165, %add3A_2183 : vector<16xf32>
      %mul3A_2185 = arith.constant 0.693147182 : f32
      %mul3A_2186 = vector.broadcast %mul3A_2185 : f32 to vector<16xf32>
      %mul3A_2187 = arith.mulf %convert_element_type3A_2154, %mul3A_2186 : vector<16xf32>
      %add3A_2188 = arith.addf %mul3A_2187, %mul3A_2184 : vector<16xf32>
      %mul3A_2189 = arith.constant 1.000000e+00 : f32
      %mul3A_2190 = vector.broadcast %mul3A_2189 : f32 to vector<16xf32>
      %mul3A_2191 = arith.mulf %mul3A_2190, %add3A_2188 : vector<16xf32>
      %mul3A_2192 = arith.mulf %add3A_1927, %add3A_1993 : vector<16xf32>
      %sub3A_2193 = arith.subf %mul3A_2192, %mul3A_2125 : vector<16xf32>
      %neg3A = arith.constant 0.000000e+00 : f32
      %neg3A_2194 = vector.broadcast %neg3A : f32 to vector<16xf32>
      %neg3A_2195 = arith.subf %neg3A_2194, %sub3A_2193 : vector<16xf32>
      %exp3A = math.exp %neg3A_2195 : vector<16xf32>
      %add3A_2196 = arith.constant 1.000000e+00 : f32
      %add3A_2197 = vector.broadcast %add3A_2196 : f32 to vector<16xf32>
      %add3A_2198 = arith.addf %add3A_2197, %exp3A : vector<16xf32>
      %div3A_2199 = arith.constant 1.000000e+00 : f32
      %div3A_2200 = vector.broadcast %div3A_2199 : f32 to vector<16xf32>
      %div3A_2201 = arith.divf %div3A_2200, %add3A_2198 : vector<16xf32>
      %mul3A_2202 = arith.mulf %add3A_1927, %add3A_2059 : vector<16xf32>
      %sub3A_2203 = arith.subf %mul3A_2202, %mul3A_2191 : vector<16xf32>
      %neg3A_2204 = arith.constant 0.000000e+00 : f32
      %neg3A_2205 = vector.broadcast %neg3A_2204 : f32 to vector<16xf32>
      %neg3A_2206 = arith.subf %neg3A_2205, %sub3A_2203 : vector<16xf32>
      %exp3A_2207 = math.exp %neg3A_2206 : vector<16xf32>
      %add3A_2208 = arith.constant 1.000000e+00 : f32
      %add3A_2209 = vector.broadcast %add3A_2208 : f32 to vector<16xf32>
      %add3A_2210 = arith.addf %add3A_2209, %exp3A_2207 : vector<16xf32>
      %div3A_2211 = arith.constant 1.000000e+00 : f32
      %div3A_2212 = vector.broadcast %div3A_2211 : f32 to vector<16xf32>
      %div3A_2213 = arith.divf %div3A_2212, %add3A_2210 : vector<16xf32>
      %mul3A_2214 = arith.constant 16 : i32
      %mul3A_2215 = arith.muli %scan3A_1664, %mul3A_2214 : i32
      %swap3A_2216 = arith.index_cast %mul3A_2215 : i32 to index
      %swap3A_2217 = tpu.vector_load %arg24[%swap3A_2216] {strides = array<i32>} : memref<512xf32, #tpu.memory_space<vmem>>, vector<16xf32>,
      tpu.vector_store %arg24[%swap3A_2216], %div3A_2201 {strides = array<i32>} : memref<512xf32, #tpu.memory_space<vmem>>, vector<16xf32>,
      %mul3A_2218 = arith.constant 16 : i32
      %mul3A_2219 = arith.muli %scan3A_1664, %mul3A_2218 : i32
      %swap3A_2220 = arith.index_cast %mul3A_2219 : i32 to index
      %swap3A_2221 = tpu.vector_load %arg25[%swap3A_2220] {strides = array<i32>} : memref<512xf32, #tpu.memory_space<vmem>>, vector<16xf32>,
      tpu.vector_store %arg25[%swap3A_2220], %div3A_2213 {strides = array<i32>} : memref<512xf32, #tpu.memory_space<vmem>>, vector<16xf32>,
      %mul3A_2222 = arith.mulf %gather3A_1861, %gather3A_1861 : vector<16xf32>
      %add3A_2223 = arith.addf %scan3A_1665, %mul3A_2222 : vector<16xf32>
      %mul3A_2224 = arith.mulf %gather3A_1865, %gather3A_1865 : vector<16xf32>
      %add3A_2225 = arith.addf %add3A_2223, %mul3A_2224 : vector<16xf32>
      %mul3A_2226 = arith.mulf %gather3A_1869, %gather3A_1869 : vector<16xf32>
      %mul3A_2227 = arith.constant 6.10351563E-5 : f32
      %mul3A_2228 = vector.broadcast %mul3A_2227 : f32 to vector<16xf32>
      %mul3A_2229 = arith.mulf %mul3A_2226, %mul3A_2228 : vector<16xf32>
      %add3A_2230 = arith.addf %add3A_2225, %mul3A_2229 : vector<16xf32>
      scf.yield %add3A_2230 : vector<16xf32>
    }
    %scan3A_1654 = arith.constant 32 : i32
    %broadcast_in_dim3A_1655 = arith.constant 0.000000e+00 : f32
    %broadcast_in_dim3A_1656 = vector.broadcast %broadcast_in_dim3A_1655 : f32 to vector<16xf32>
    %reduce_sum3A = arith.constant true
    %reduce_sum3A_1657 = vector.broadcast %reduce_sum3A : i1 to vector<16xi1>
    %reduce_sum3A_1658 = tpu.scan <sum>, %scan3A_1653 masked %reduce_sum3A_1657 : vector<16xf32>, vector<16xi1> -> vector<16xf32>
    %reduce_sum3A_1659 = vector.extract %reduce_sum3A_1658[15] : f32 from vector<16xf32>
    %add3A_1660 = vector.broadcast %reduce_sum3A_1659 : f32 to vector<16xf32>
    %add3A_1661 = arith.addf %broadcast_in_dim3A_1656, %add3A_1660 : vector<16xf32>
    %swap3A_1662 = arith.constant 0 : index
    %swap3A_1663 = tpu.vector_load %arg26[%swap3A_1662] {strides = array<i32>} : memref<16xf32, #tpu.memory_space<vmem>>, vector<16xf32>,
    tpu.vector_store %arg26[%swap3A_1662], %add3A_1661 {strides = array<i32>} : memref<16xf32, #tpu.memory_space<vmem>>, vector<16xf32>,
    "tpu.region"() ({
      %run_scoped3A_1664 = tpu.sem_alloc : memref<!tpu.dma_semaphore, #tpu.memory_space<semaphore_mem>>
      %dma_start3A_1665 = tpu.memref_slice %arg9[%mul3A_2] : memref<16384xf32, #tpu.memory_space<hbm>> -> memref<512xf32, #tpu.memory_space<hbm>>
      %dma_start3A_1666 = tpu.memref_slice %arg9[%mul3A_2] : memref<16384xf32, #tpu.memory_space<hbm>> -> memref<512xf32, #tpu.memory_space<hbm>>
      tpu.enqueue_dma source(%arg24 : memref<512xf32, #tpu.memory_space<vmem>>) target(%dma_start3A_1666 : memref<512xf32, #tpu.memory_space<hbm>>) target_semaphore(%run_scoped3A_1664 : memref<!tpu.dma_semaphore, #tpu.memory_space<semaphore_mem>>)
      %dma_wait3A_1667 = tpu.memref_slice %arg9[%mul3A_2] : memref<16384xf32, #tpu.memory_space<hbm>> -> memref<512xf32, #tpu.memory_space<hbm>>
      %dma_wait3A_1668 = tpu.memref_slice %arg9[%mul3A_2] : memref<16384xf32, #tpu.memory_space<hbm>> -> memref<512xf32, #tpu.memory_space<hbm>>
      tpu.wait_dma2 semaphore(%run_scoped3A_1664 : memref<!tpu.dma_semaphore, #tpu.memory_space<semaphore_mem>>) src(%arg24 : memref<512xf32, #tpu.memory_space<vmem>>) dst(%dma_wait3A_1668 : memref<512xf32, #tpu.memory_space<hbm>>)
      tpu.yield
    }) : () -> ()
    "tpu.region"() ({
      %run_scoped3A_1664 = tpu.sem_alloc : memref<!tpu.dma_semaphore, #tpu.memory_space<semaphore_mem>>
      %dma_start3A_1665 = tpu.memref_slice %arg10[%mul3A_2] : memref<16384xf32, #tpu.memory_space<hbm>> -> memref<512xf32, #tpu.memory_space<hbm>>
      %dma_start3A_1666 = tpu.memref_slice %arg10[%mul3A_2] : memref<16384xf32, #tpu.memory_space<hbm>> -> memref<512xf32, #tpu.memory_space<hbm>>
      tpu.enqueue_dma source(%arg25 : memref<512xf32, #tpu.memory_space<vmem>>) target(%dma_start3A_1666 : memref<512xf32, #tpu.memory_space<hbm>>) target_semaphore(%run_scoped3A_1664 : memref<!tpu.dma_semaphore, #tpu.memory_space<semaphore_mem>>)
      %dma_wait3A_1667 = tpu.memref_slice %arg10[%mul3A_2] : memref<16384xf32, #tpu.memory_space<hbm>> -> memref<512xf32, #tpu.memory_space<hbm>>
      %dma_wait3A_1668 = tpu.memref_slice %arg10[%mul3A_2] : memref<16384xf32, #tpu.memory_space<hbm>> -> memref<512xf32, #tpu.memory_space<hbm>>
      tpu.wait_dma2 semaphore(%run_scoped3A_1664 : memref<!tpu.dma_semaphore, #tpu.memory_space<semaphore_mem>>) src(%arg25 : memref<512xf32, #tpu.memory_space<vmem>>) dst(%dma_wait3A_1668 : memref<512xf32, #tpu.memory_space<hbm>>)
      tpu.yield
    }) : () -> ()
    "tpu.region"() ({
      %run_scoped3A_1664 = tpu.sem_alloc : memref<!tpu.dma_semaphore, #tpu.memory_space<semaphore_mem>>
      %dma_start3A_1665 = arith.constant 0 : i32
      %dma_start3A_1666 = tpu.memref_slice %arg11[%add3A, %dma_start3A_1665] : memref<32x16xf32, #tpu.memory_space<hbm>> -> memref<1x16xf32, #tpu.memory_space<hbm>>
      %dma_start3A_1667 = tpu.memref_squeeze %dma_start3A_1666 : memref<1x16xf32, #tpu.memory_space<hbm>> -> memref<16xf32, #tpu.memory_space<hbm>>
      %dma_start3A_1668 = arith.constant 0 : i32
      %dma_start3A_1669 = tpu.memref_slice %arg11[%add3A, %dma_start3A_1668] : memref<32x16xf32, #tpu.memory_space<hbm>> -> memref<1x16xf32, #tpu.memory_space<hbm>>
      %dma_start3A_1670 = tpu.memref_squeeze %dma_start3A_1669 : memref<1x16xf32, #tpu.memory_space<hbm>> -> memref<16xf32, #tpu.memory_space<hbm>>
      tpu.enqueue_dma source(%arg26 : memref<16xf32, #tpu.memory_space<vmem>>) target(%dma_start3A_1670 : memref<16xf32, #tpu.memory_space<hbm>>) target_semaphore(%run_scoped3A_1664 : memref<!tpu.dma_semaphore, #tpu.memory_space<semaphore_mem>>)
      %dma_wait3A_1671 = arith.constant 0 : i32
      %dma_wait3A_1672 = tpu.memref_slice %arg11[%add3A, %dma_wait3A_1671] : memref<32x16xf32, #tpu.memory_space<hbm>> -> memref<1x16xf32, #tpu.memory_space<hbm>>
      %dma_wait3A_1673 = tpu.memref_squeeze %dma_wait3A_1672 : memref<1x16xf32, #tpu.memory_space<hbm>> -> memref<16xf32, #tpu.memory_space<hbm>>
      %dma_wait3A_1674 = arith.constant 0 : i32
      %dma_wait3A_1675 = tpu.memref_slice %arg11[%add3A, %dma_wait3A_1674] : memref<32x16xf32, #tpu.memory_space<hbm>> -> memref<1x16xf32, #tpu.memory_space<hbm>>
      %dma_wait3A_1676 = tpu.memref_squeeze %dma_wait3A_1675 : memref<1x16xf32, #tpu.memory_space<hbm>> -> memref<16xf32, #tpu.memory_space<hbm>>
      tpu.wait_dma2 semaphore(%run_scoped3A_1664 : memref<!tpu.dma_semaphore, #tpu.memory_space<semaphore_mem>>) src(%arg26 : memref<16xf32, #tpu.memory_space<vmem>>) dst(%dma_wait3A_1676 : memref<16xf32, #tpu.memory_space<hbm>>)
      tpu.yield
    }) : () -> ()
    return
  }
}

</mosaic_0001>

<sc_bundles>
// kernel: _run.3.cloned.1.call-start
scs
__scs_entry_jumppad:
0x0: {  	(pc) =	sbr.rel $0x88, $3  }
0x1: {  	(tag) =	ssettag $0x0;
	lr =	simm.s32 $0x1  }
0x2: {  	[smem:$0x3F9A] =	sst lr;
	_ =	strace $0xD0000000  }
0x3: {  	_ = 	snop  }
0x4: {  	_ = 	snop  }
0x5: {  	_ = 	snop  }
0x6: {  	_ = 	snop  }
0x7: {  	_ = 	snop  }
__scs_overlays_trampoline_lowered:
0x8: {  	[smem:$0x3FA9] =	sst s0  }
0x9: {  	[smem:$0x3FAA] =	sst s1  }
0xa: {  	[smem:$0x3FAB] =	sst s2  }
0xb: {  	[smem:$0x3FAC] =	sst s3  }
0xc: {  	[smem:$0x3FAD] =	sst s4  }
0xd: {  	[smem:$0x3FAE] =	sst s5  }
0xe: {  	[smem:$0x3FAF] =	sst s6  }
0xf: {  	[smem:$0x3FB0] =	sst s7  }
0x10: {  	[smem:$0x3FB1] =	sst s8  }
0x11: {  	[smem:$0x3FB2] =	sst s9;
	s0 =	simm.s32 @!p0 $0x0  }
0x12: {  	s1 =	sld [smem:$0x3F98];
	s0 =	simm.s32 @p0 $0x1  }
0x13: {  	[smem:$0x3FB3] =	sst s0;
	s0 =	simm.s32 @!p1 $0x0  }
0x14: {  	s2 =	sld [smem:$0x3F97];
	s0 =	simm.s32 @p1 $0x1  }
0x15: {  	[smem:$0x3FB4] =	sst s0;
	s0 =	simm.s32 @!p2 $0x0  }
0x16: {  	s3 =	sld [smem:$0x3FDB];
	s0 =	simm.s32 @p2 $0x1  }
0x17: {  	s4 =	simm.s32 $0x1BF5;
	[smem:$0x3FB6] =	sst s0  }
0x18: {  	s0 =	sld [smem:$0x3F99];
	_ =	swait.ge [sflag:s4], $0x0  }
0x19: {  	s7 =	sld [smem:$0x3F9A]  }
0x1a: {  	s8 =	sadd.s32 $0xFFFFE003, lr  }
0x1b: {  	s9 =	sadd.s32 $0xFFFFFEF7, lr;
	s5 =	simm.s32 $0xFFFFFFFF;
	p2 =	slt.u32 s8, $0xFFFFF086  }
0x1c: {  	p1 =	slt.u32 s9, $0xF7A;
	s5 =	simm.s32 @!p2 $0x0  }
0x1d: {  	s5 =	simm.s32 @p1 $0x1;
	p0 =	seq.s32 s7, s2  }
0x1e: {  	s7 =	smul.u32 @!p0 $0xF7A, s2;
	p2 =	seq.s32 @!p0 s5, $0x0  }
0x1f: {  	s9 =	smul.u32 $0xF7A, s1;
	s8 =	simm.s32 @!p0 $0x1BF5;
	p2 =	por !p2, p0  }
0x20: {  	[sflag:s8] =	ssyncset.s32 @!p0 $0xFFFFF086;
	s6 =	sadd.s32 @!p0 s3, s7;
	s7 =	simm.s32 @!p0 $0x108  }
0x21: {  	s3 =	sadd.s32 s3, s9;
	s6 =	sadd.s32 @!p0 $0x88, s6;
	s7 =	simm.s32 @p2 $0x1082  }
0x22: {  	[simem:s7], [sflag:s8] =	dma.local @!p0 [hbm:s6], $0xF7A  }
0x23: {  	s9 =	sor.u32 $0xD0000000, s2;
	s6 =	simm.s32 $0x108;
	_ =	swait.ge @!p0 [sflag:s8], $0x0  }
0x24: {  	s3 =	sadd.s32 $0x88, s3;
	s6 =	simm.s32 @!p1 $0x1082;
	[sflag:s4] =	ssyncset.s32 $0xFFFFF086  }
0x25: {  	[simem:s6], [sflag:s4] =	dma.local [hbm:s3], $0xF7A  }
0x26: {  	[smem:$0x3F9A] =	sst s1;
	(tag) =	ssettag s2;
	_ =	strace s9  }
0x27: {  	s1 =	sld [smem:$0x3FAA]  }
0x28: {  	s2 =	sld [smem:$0x3FAB]  }
0x29: {  	s4 =	sld [smem:$0x3FAD]  }
0x2a: {  	p0 =	seq.s32 s5, $0x0;
	s5 =	sld [smem:$0x3FAE]  }
0x2b: {  	s6 =	sld [smem:$0x3FAF]  }
0x2c: {  	s7 =	sld [smem:$0x3FB0]  }
0x2d: {  	s3 =	simm.s32 $0x108;
	s8 =	sld [smem:$0x3FB1]  }
0x2e: {  	s3 =	simm.s32 @!p0 $0x1082;
	s9 =	sld [smem:$0x3FB2]  }
0x2f: {  	lr =	sadd.s32 s0, s3;
	s0 =	sld [smem:$0x3FA9]  }
0x30: {  	s3 =	sld [smem:$0x3FAC]  }
0x31: {  	[smem:$0x3FB5] =	sst s10  }
0x32: {  	s10 =	sld [smem:$0x3FB3];
	_ =	sdelay $0x3  }
0x33: {  	p0 =	seq.s32 s10, $0x1;
	s10 =	sld [smem:$0x3FB5];
	_ =	sdelay $0x3  }
0x34: {  	[smem:$0x3FB5] =	sst s10  }
0x35: {  	s10 =	sld [smem:$0x3FB4];
	_ =	sdelay $0x3  }
0x36: {  	p1 =	seq.s32 s10, $0x1;
	s10 =	sld [smem:$0x3FB5];
	_ =	sdelay $0x3  }
0x37: {  	[smem:$0x3FB5] =	sst s10  }
0x38: {  	s10 =	sld [smem:$0x3FB6]  }
0x39: {  	_ = 	snop;
	(pc) =	sbr.ind lr, $3  }
0x3a: {  	_ = 	snop  }
0x3b: {  	_ = 	snop  }
0x3c: {  	p2 =	seq.s32 s10, $0x1;
	s10 =	sld [smem:$0x3FB5]  }
0x3d: {  	_ =	shalt  }
0x3e: {  	_ =	shalt  }
0x3f: {  	_ =	shalt  }
0x40: {  	_ =	shalt  }
0x41: {  	_ =	shalt  }
0x42: {  	_ =	shalt  }
0x43: {  	_ =	shalt  }
0x44: {  	_ =	shalt  }
0x45: {  	_ =	shalt  }
0x46: {  	_ =	shalt  }
0x47: {  	_ =	shalt  }
0x48: {  	_ =	shalt  }
0x49: {  	_ =	shalt  }
0x4a: {  	_ =	shalt  }
0x4b: {  	_ =	shalt  }
0x4c: {  	_ =	shalt  }
0x4d: {  	_ =	shalt  }
0x4e: {  	_ =	shalt  }
0x4f: {  	_ =	shalt  }
0x50: {  	_ =	shalt  }
0x51: {  	_ =	shalt  }
0x52: {  	_ =	shalt  }
0x53: {  	_ =	shalt  }
0x54: {  	_ =	shalt  }
0x55: {  	_ =	shalt  }
0x56: {  	_ =	shalt  }
0x57: {  	_ =	shalt  }
0x58: {  	_ =	shalt  }
0x59: {  	_ =	shalt  }
0x5a: {  	_ =	shalt  }
0x5b: {  	_ =	shalt  }
0x5c: {  	_ =	shalt  }
0x5d: {  	_ =	shalt  }
0x5e: {  	_ =	shalt  }
0x5f: {  	_ =	shalt  }
0x60: {  	_ =	shalt  }
0x61: {  	_ =	shalt  }
0x62: {  	_ =	shalt  }
0x63: {  	_ =	shalt  }
0x64: {  	_ =	shalt  }
0x65: {  	_ =	shalt  }
0x66: {  	_ =	shalt  }
0x67: {  	_ =	shalt  }
0x68: {  	_ =	shalt  }
0x69: {  	_ =	shalt  }
0x6a: {  	_ =	shalt  }
0x6b: {  	_ =	shalt  }
0x6c: {  	_ =	shalt  }
0x6d: {  	_ =	shalt  }
0x6e: {  	_ =	shalt  }
0x6f: {  	_ =	shalt  }
0x70: {  	_ =	shalt  }
0x71: {  	_ =	shalt  }
0x72: {  	_ =	shalt  }
0x73: {  	_ =	shalt  }
0x74: {  	_ =	shalt  }
0x75: {  	_ =	shalt  }
0x76: {  	_ =	shalt  }
0x77: {  	_ =	shalt  }
0x78: {  	_ =	shalt  }
0x79: {  	_ =	shalt  }
0x7a: {  	_ =	shalt  }
0x7b: {  	_ =	shalt  }
0x7c: {  	_ =	shalt  }
0x7d: {  	_ =	shalt  }
0x7e: {  	_ =	shalt  }
0x7f: {  	_ =	shalt  }
0x80: {  	_ =	shalt  }
0x81: {  	_ =	shalt  }
0x82: {  	_ =	shalt  }
0x83: {  	_ =	shalt  }
0x84: {  	_ =	shalt  }
0x85: {  	_ =	shalt  }
0x86: {  	_ =	shalt  }
0x87: {  	_ =	shalt  }
.Lfunc_end0:
.L_simem_size_0:
called_computation_lowered:
.L_overlay_start_0:
0x88: {  	s2 =	sld [smem:$0x3FD9]  }
0x89: {  	s3 =	sld [smem:$0x3FFE];
	_ =	sdelay $0x1  }
0x8a: {  	s1 =	srdreg.scid  }
0x8b: {  	s0 =	sand.u32 $0x1, s1  }
0x8c: {  	s14 =	sshll.u32 s0, $0xA;
	s2 =	sadd.s32 s3, s2  }
0x8d: {  	s2 =	sadd.s32 s2, s14  }
0x8e: {  	[smem:$0x3FC1] =	sst s2  }
0x8f: {  	_ = 	snop  }
0x90: {  	s2 =	sld [smem:$0x3FD0]  }
0x91: {  	s15 =	sld [smem:$0x3FC9]  }
0x92: {  	s4 =	sld [smem:$0x3FC8]  }
0x93: {  	s6 =	simm.s32 $0xA;
	s7 =	simm.s32 $0x10;
	s5 =	sld [smem:$0x3FC7]  }
0x94: {  	[smem:s7], [sflag:s6] =	dma.local [hbm:s2], $0x1  }
0x95: {  	_ =	swait.eq [sflag:s6], $0x1  }
0x96: {  	[sflag:s6] =	ssyncset.done $0x0  }
0x97: {  	s16 =	sld [smem:$0x10];
	[sflag:s6] =	ssyncadd.s32 $0xFFFFFFFF  }
0x98: {  	s17 =	sld [smem:$0x11];
	(tm) =	ssettm $0x1  }
0x99: {  	s18 =	sld [smem:$0x3FFB];
	_ =	sdelay $0x3  }
0x9a: {  	_ =	strace s18  }
0x9b: {  	s7 =	sld [smem:$0x3FFC];
	_ =	sdelay $0x3  }
0x9c: {  	_ =	strace s7  }
0x9d: {  	s7 =	sld [smem:$0x3FFD];
	_ =	sdelay $0x3  }
0x9e: {  	_ =	strace s7  }
0x9f: {  	_ =	strace $0x8FFFFFFF  }
0xa0: {  	s19 =	sld [smem:$0x3FDB];
	_ =	sdelay $0x1  }
0xa1: {  	s8 =	simm.s32 $_scs_section_size  }
0xa2: {  	s9 =	simm.s32 $_size__tile_overlayer_lowered;
	s10 =	simm.s32 $_tile_overlayer_lowered  }
0xa3: {  	s22 =	simm.s32 $0x1BFF;
	s21 =	sshll.u32 s10, $0x1;
	s7 =	sadd.s32 s8, s19  }
0xa4: {  	s11 =	simm.s32 $0x0;
	s20 =	sshll.u32 s9, $0x1;
	s9 =	sadd.s32 s21, s7  }
0xa5: {  	[timem:s11], [sflag:s22] =	dma.local [hbm:s9], s20  }
0xa6: {  	_ =	swait.ge [sflag:s22], s20  }
0xa7: {  	s8 =	ssub.s32 $0x0, s20;
	[sflag:s22] =	ssyncset.done $0x0  }
0xa8: {  	[sflag:s22] =	ssyncadd.s32 s8;
	_ =	sdelay $0x1  }
0xa9: {  	s23 =	simm.s32 $0x1B8B  }
0xaa: {  	_ =	swait.ge [sflag:s23], $0x1  }
0xab: {  	[sflag:s23] =	ssyncset.done $0x0  }
0xac: {  	s25 =	simm.s32 $0x1B8E;
	s24 =	sld [smem:$0x3FFE];
	[sflag:s23] =	ssyncadd.s32 $0xFFFFFFFF  }
0xad: {  	s26 =	simm.s32 $execute0_lowered;
	[smem:$0x3FD2] =	sst s25  }
0xae: {  	s9 =	sshll.u32 s26, $0x1;
	_ =	strace $0x80000046;
	[dreg:$0x1] =	wrdreg $0xFFFFFFFF  }
0xaf: {  	s28 =	simm.s32 $_size_execute0_lowered;
	s7 =	sadd.s32 s7, s9;
	[dreg:$0x0] =	wrdreg $0x0  }
0xb0: {  	s9 =	sshll.u32 s28, $0x1;
	[dreg:$0x2] =	wrdreg s7  }
0xb1: {  	[dreg:$0x3] =	wrdreg s9  }
0xb2: {  	[dreg:$0x4] =	wrdreg $0xC0  }
0xb3: {  	_ =	task [dreg:s11], $0x5FFFF  }
0xb4: {  	[dreg:$0x1] =	wrdreg $0xFFFFFFFF  }
0xb5: {  	[dreg:$0x0] =	wrdreg $0x60  }
0xb6: {  	[dreg:$0x2] =	wrdreg s15  }
0xb7: {  	[dreg:$0x3] =	wrdreg s4  }
0xb8: {  	[dreg:$0x4] =	wrdreg s5  }
0xb9: {  	[dreg:$0x5] =	wrdreg s24  }
0xba: {  	[dreg:$0x6] =	wrdreg s16  }
0xbb: {  	[dreg:$0x7] =	wrdreg s17  }
0xbc: {  	[dreg:$0x8] =	wrdreg $0x9  }
0xbd: {  	_ =	task.clear_ibuf [dreg:s11], $0x9FFFF;
	_ =	strace $0x90000046  }
0xbe: {  	s29 =	simm.s32 $0x9;
	_ =	strace $0x80000048  }
0xbf: {  	_ =	swait.ge [sflag:s29], $0x1  }
0xc0: {  	[sflag:s29] =	ssyncadd.s32 $0xFFFFFFFF  }
0xc1: {  	_ =	strace $0x90000048  }
0xc2: {  	_ =	sfence  }
0xc3: {  	s30 =	sld [smem:$0x0];
	_ =	sdelay $0x2  }
0xc4: {  	s31 =	sshll.u32 s1, $0xD;
	s1 =	sshrl.u32 s1, $0x2  }
0xc5: {  	s3 =	sand.u32 $0x4000, s31;
	s1 =	sadd.s32 s1, s30  }
0xc6: {  	s0 =	sor.u32 s3, s0;
	s1 =	sshll.u32 s1, $0x11  }
0xc7: {  	s0 =	sor.u32 s1, s0  }
0xc8: {  	s0 =	sadd.s32 $0x8F2B, s0  }
0xc9: {  	[sflag:s0] =	ssyncadd.remote.s32 $0x1  }
0xca: {  	_ =	sfence.sel $0xFFFF  }
0xcb: {  	[dreg:$0x0] =	wrdreg $0xFFFFFFFF;
	(pc) =	sbr.abs _section_cstart, $3  }
0xcc: {  	[dreg:$0x1] =	wrdreg $0xFFFFFFFF  }
0xcd: {  	_ =	task.clear_ibuf [dreg:s11], $0x2FFFF;
	_ =	strace $0x9FFFFFFF  }
0xce: {  	(tm) =	ssettm $0x7FFFFFFF  }
0xcf: {  	_ =	shalt  }
tec
execute0_lowered:
.L_overlay_start_1:
0x0: {  	(tag) =	ssettag $0x1  }
0x1: {  	s0 =	rddreg [dreg:$0x0]  }
0x2: {  	s2 =	rddreg [dreg:$0x1]  }
0x3: {  	s7 =	rddreg [dreg:$0x2]  }
0x4: {  	s1 =	rddreg [dreg:$0x3]  }
0x5: {  	s8 =	rddreg [dreg:$0x4]  }
0x6: {  	s9 =	rddreg [dreg:$0x5]  }
0x7: {  	s3 =	simm.s32 $0x0;
	s5 =	srdreg.scid;
	s10 =	stileid.u32  }
0x8: {  	s30 =	simm.s32 $0xC00;
	s31 =	simm.s32 $0x2C00;
	s28 =	simm.s32 $0x1  }
0x9: {  	s29 =	simm.s32 $0xCE00;
	s6 =	sand.u32 $0x1, s5;
	s10 =	sshll.u32 s10, $0x1  }
0xa: {  	[smem:$0x7FF] =	sst s3;
	s4 =	sadd.s32 $0x112AA00, s1;
	s10 =	sor.u32 s6, s10  }
0xb: {  	s5 =	sadd.s32 $0xF42400, s1;
	s12 =	sshll.u32 s10, $0x1;
	s10 =	sshll.u32 s10, $0x6  }
0xc: {  	_ =	strace $0x80000047;
	s11 =	ssub.s32 $0x2, s6;
	s15 =	sadd.s32 s0, s10  }
0xd: {  	s6 =	sadd.s32 $0x1EA00, s1;
	s16 =	sadd.s32 s2, s10;
	[dreg:$0x7] =	wrdreg s15  }
0xe: {  	s13 =	sshrl.u32 s11, $0x1;
	s14 =	sadd.s32 s7, s10;
	[dreg:$0x8] =	wrdreg s16  }
0xf: {  	s17 =	sor.u32 $0x10, s10;
	s26 =	sadd.s32 s8, s10;
	[dreg:$0x9] =	wrdreg s14  }
0x10: {  	s12 =	sadd.s32 s12, s1;
	s18 =	sadd.s32 s0, s17;
	[dreg:$0x13] =	wrdreg s26  }
0x11: {  	s11 =	ssub.s32 s11, s13;
	s15 =	sadd.s32 s2, s17;
	[dreg:$0xa] =	wrdreg s18  }
0x12: {  	s19 =	sor.u32 $0x20, s10;
	s13 =	sadd.s32 s7, s17;
	[dreg:$0xb] =	wrdreg s15  }
0x13: {  	s23 =	sor.u32 $0x30, s10;
	s20 =	sadd.s32 s0, s19;
	[dreg:$0xc] =	wrdreg s13  }
0x14: {  	s8 =	simm.s32 $0x8C00;
	s21 =	sadd.s32 s2, s19;
	[dreg:$0xd] =	wrdreg s20  }
0x15: {  	s22 =	sadd.s32 s7, s19;
	s0 =	sadd.s32 s0, s23;
	[dreg:$0xe] =	wrdreg s21  }
0x16: {  	s24 =	sadd.s32 s2, s23;
	s25 =	sadd.s32 s7, s23;
	[dreg:$0xf] =	wrdreg s22  }
0x17: {  	s23 =	simm.s32 $0x2;
	s26 =	simm.s32 $0x80;
	[dreg:$0x10] =	wrdreg s0  }
0x18: {  	s7 =	simm.s32 $0x4C00;
	s2 =	simm.s32 $0xAC00;
	[dreg:$0x11] =	wrdreg s24  }
0x19: {  	s17 =	simm.s32 $0x180;
	s19 =	simm.s32 $0x580;
	[dreg:$0x12] =	wrdreg s25  }
0x1a: {  	s20 =	sadd.s32 s9, s10;
	s21 =	sadd.s32 $0x3D400, s12;
	s22 =	smax.u32 s11, $0x1  }
0x1b: {  	v0 =	vlaneseq.u32;
	s24 =	simm.s32 $0x200;
	s25 =	simm.s32 $0x400;
	s0 =	simm.s32 $0x6C00  }
0x1c: {  	v2 =	vimm.s32 $0xFFFFFF81;
	v1 =	vand.u32 $0x7, v0;
	s9 =	simm.s32 $0xCC00;
	s10 =	simm.s32 $0x0;
	s18 =	simm.s32 $0x380  }
.LBB2_1:
0x1d: {  	s11 =	rddreg [dreg:$0x7]  }
0x1e: {  	[tilespmem:s3], [sflag:$0x2] =	stream.linear.gather [hbm4b:s11+s3], $0x80, $0x38;
	[tilespmem:$0xD010] =	vst v63  }
0x1f: {  	_ =	swait.ge [sflag:s23], $0x80  }
0x20: {  	[sflag:s23] =	ssyncset.done $0x0  }
0x21: {  	s15 =	rddreg [dreg:$0x8];
	[sflag:s23] =	ssyncadd.s32 $0xFFFFFF80  }
0x22: {  	[tilespmem:s24], [sflag:$0x2] =	stream.linear.gather [hbm4b:s15+s3], $0x80, $0x38;
	[tilespmem:$0xD010] =	vst v63  }
0x23: {  	_ =	swait.ge [sflag:s23], $0x80  }
0x24: {  	[sflag:s23] =	ssyncset.done $0x0  }
0x25: {  	s16 =	rddreg [dreg:$0x9];
	[sflag:s23] =	ssyncadd.s32 $0xFFFFFF80  }
0x26: {  	[tilespmem:s25], [sflag:$0x2] =	stream.linear.gather [hbm4b:s16+s3], $0x80, $0x38;
	[tilespmem:$0xD010] =	vst v63  }
0x27: {  	_ =	swait.ge [sflag:s23], $0x80  }
0x28: {  	[sflag:s23] =	ssyncset.done $0x0  }
0x29: {  	s12 =	rddreg [dreg:$0xa];
	[sflag:s23] =	ssyncadd.s32 $0xFFFFFF80  }
0x2a: {  	[tilespmem:s26], [sflag:$0x2] =	stream.linear.gather [hbm4b:s12+s3], $0x80, $0x38;
	[tilespmem:$0xD010] =	vst v63  }
0x2b: {  	_ =	swait.ge [sflag:s23], $0x80  }
0x2c: {  	[sflag:s23] =	ssyncset.done $0x0  }
0x2d: {  	s12 =	simm.s32 $0x280;
	s13 =	rddreg [dreg:$0xb];
	[sflag:s23] =	ssyncadd.s32 $0xFFFFFF80  }
0x2e: {  	[tilespmem:s12], [sflag:$0x2] =	stream.linear.gather [hbm4b:s13+s3], $0x80, $0x38;
	[tilespmem:$0xD010] =	vst v63  }
0x2f: {  	_ =	swait.ge [sflag:s23], $0x80  }
0x30: {  	[sflag:s23] =	ssyncset.done $0x0  }
0x31: {  	s13 =	simm.s32 $0x480;
	s14 =	rddreg [dreg:$0xc];
	[sflag:s23] =	ssyncadd.s32 $0xFFFFFF80  }
0x32: {  	[tilespmem:s13], [sflag:$0x2] =	stream.linear.gather [hbm4b:s14+s3], $0x80, $0x38;
	[tilespmem:$0xD010] =	vst v63  }
0x33: {  	_ =	swait.ge [sflag:s23], $0x80  }
0x34: {  	[sflag:s23] =	ssyncset.done $0x0  }
0x35: {  	s14 =	simm.s32 $0x100;
	s15 =	rddreg [dreg:$0xd];
	[sflag:s23] =	ssyncadd.s32 $0xFFFFFF80  }
0x36: {  	[tilespmem:s14], [sflag:$0x2] =	stream.linear.gather [hbm4b:s15+s3], $0x80, $0x38;
	[tilespmem:$0xD010] =	vst v63  }
0x37: {  	_ =	swait.ge [sflag:s23], $0x80  }
0x38: {  	[sflag:s23] =	ssyncset.done $0x0  }
0x39: {  	s15 =	simm.s32 $0x300;
	s16 =	rddreg [dreg:$0xe];
	[sflag:s23] =	ssyncadd.s32 $0xFFFFFF80  }
0x3a: {  	[tilespmem:s15], [sflag:$0x2] =	stream.linear.gather [hbm4b:s16+s3], $0x80, $0x38;
	[tilespmem:$0xD010] =	vst v63  }
0x3b: {  	_ =	swait.ge [sflag:s23], $0x80  }
0x3c: {  	[sflag:s23] =	ssyncset.done $0x0  }
0x3d: {  	s16 =	simm.s32 $0x500;
	s11 =	rddreg [dreg:$0xf];
	[sflag:s23] =	ssyncadd.s32 $0xFFFFFF80  }
0x3e: {  	[tilespmem:s16], [sflag:$0x2] =	stream.linear.gather [hbm4b:s11+s3], $0x80, $0x38;
	[tilespmem:$0xD010] =	vst v63  }
0x3f: {  	_ =	swait.ge [sflag:s23], $0x80  }
0x40: {  	[sflag:s23] =	ssyncset.done $0x0  }
0x41: {  	s11 =	rddreg [dreg:$0x10];
	[sflag:s23] =	ssyncadd.s32 $0xFFFFFF80  }
0x42: {  	[tilespmem:s17], [sflag:$0x2] =	stream.linear.gather [hbm4b:s11+s3], $0x80, $0x38;
	[tilespmem:$0xD010] =	vst v63  }
0x43: {  	_ =	swait.ge [sflag:s23], $0x80  }
0x44: {  	[sflag:s23] =	ssyncset.done $0x0  }
0x45: {  	s11 =	rddreg [dreg:$0x11];
	[sflag:s23] =	ssyncadd.s32 $0xFFFFFF80  }
0x46: {  	[tilespmem:s18], [sflag:$0x2] =	stream.linear.gather [hbm4b:s11+s3], $0x80, $0x38;
	[tilespmem:$0xD010] =	vst v63  }
0x47: {  	_ =	swait.ge [sflag:s23], $0x80  }
0x48: {  	[sflag:s23] =	ssyncset.done $0x0  }
0x49: {  	s11 =	rddreg [dreg:$0x12];
	[sflag:s23] =	ssyncadd.s32 $0xFFFFFF80  }
0x4a: {  	[tilespmem:s19], [sflag:$0x2] =	stream.linear.gather [hbm4b:s11+s3], $0x80, $0x38;
	[tilespmem:$0xD010] =	vst v63  }
0x4b: {  	_ =	swait.ge [sflag:s23], $0x80  }
0x4c: {  	[sflag:s23] =	ssyncset.done $0x0  }
0x4d: {  	[sflag:s23] =	ssyncadd.s32 $0xFFFFFF80  }
0x4e: {  	v3 =	vld [tilespmem:$0x0]  }
0x4f: {  	v4 =	vld [tilespmem:$0x200]  }
0x50: {  	v5 =	vld [tilespmem:$0x400]  }
0x51: {  	v6 =	vld [tilespmem:$0x10]  }
0x52: {  	v7 =	vld [tilespmem:$0x210]  }
0x53: {  	v8 =	vld [tilespmem:$0x410];
	v3 =	vshrl.u32 v3, $0x4  }
0x54: {  	[tilespmem:$0x600] =	vst v3;
	v3 =	vshrl.u32 v4, $0x4;
	v4 =	vld [tilespmem:$0x20]  }
0x55: {  	[tilespmem:$0x800] =	vst v3;
	v3 =	vshrl.u32 v5, $0x4;
	v5 =	vld [tilespmem:$0x220]  }
0x56: {  	[tilespmem:$0xA00] =	vst v3;
	v3 =	vshrl.u32 v6, $0x4;
	v6 =	vld [tilespmem:$0x420]  }
0x57: {  	[tilespmem:$0x610] =	vst v3;
	v3 =	vshrl.u32 v7, $0x4;
	v7 =	vld [tilespmem:$0x30]  }
0x58: {  	[tilespmem:$0x810] =	vst v3;
	v3 =	vshrl.u32 v8, $0x4;
	v8 =	vld [tilespmem:$0x230]  }
0x59: {  	[tilespmem:$0xA10] =	vst v3;
	v3 =	vshrl.u32 v4, $0x4;
	v4 =	vld [tilespmem:$0x430]  }
0x5a: {  	[tilespmem:$0x620] =	vst v3;
	v3 =	vshrl.u32 v5, $0x4;
	v5 =	vld [tilespmem:$0x40]  }
0x5b: {  	[tilespmem:$0x820] =	vst v3;
	v3 =	vshrl.u32 v6, $0x4;
	v6 =	vld [tilespmem:$0x240]  }
0x5c: {  	[tilespmem:$0xA20] =	vst v3;
	v3 =	vshrl.u32 v7, $0x4;
	v7 =	vld [tilespmem:$0x440]  }
0x5d: {  	[tilespmem:$0x630] =	vst v3;
	v3 =	vshrl.u32 v8, $0x4;
	v8 =	vld [tilespmem:$0x50]  }
0x5e: {  	[tilespmem:$0x830] =	vst v3;
	v3 =	vshrl.u32 v4, $0x4;
	v4 =	vld [tilespmem:$0x250]  }
0x5f: {  	[tilespmem:$0xA30] =	vst v3;
	v3 =	vshrl.u32 v5, $0x4;
	v5 =	vld [tilespmem:$0x450]  }
0x60: {  	[tilespmem:$0x640] =	vst v3;
	v3 =	vshrl.u32 v6, $0x4;
	v6 =	vld [tilespmem:$0x60]  }
0x61: {  	[tilespmem:$0x840] =	vst v3;
	v3 =	vshrl.u32 v7, $0x4;
	v7 =	vld [tilespmem:$0x260]  }
0x62: {  	[tilespmem:$0xA40] =	vst v3;
	v3 =	vshrl.u32 v8, $0x4;
	v8 =	vld [tilespmem:$0x460]  }
0x63: {  	[tilespmem:$0x650] =	vst v3;
	v3 =	vshrl.u32 v4, $0x4;
	v4 =	vld [tilespmem:$0x70]  }
0x64: {  	[tilespmem:$0x850] =	vst v3;
	v3 =	vshrl.u32 v5, $0x4;
	v5 =	vld [tilespmem:$0x270]  }
0x65: {  	[tilespmem:$0xA50] =	vst v3;
	v3 =	vshrl.u32 v6, $0x4;
	v6 =	vld [tilespmem:$0x470]  }
0x66: {  	[tilespmem:$0x660] =	vst v3;
	v3 =	vshrl.u32 v7, $0x4;
	v7 =	vld [tilespmem:$0x80]  }
0x67: {  	[tilespmem:$0x860] =	vst v3;
	v3 =	vshrl.u32 v8, $0x4;
	v8 =	vld [tilespmem:$0x280]  }
0x68: {  	[tilespmem:$0xA60] =	vst v3;
	v3 =	vshrl.u32 v4, $0x4;
	v4 =	vld [tilespmem:$0x480]  }
0x69: {  	[tilespmem:$0x670] =	vst v3;
	v3 =	vshrl.u32 v5, $0x4;
	v5 =	vld [tilespmem:$0x90]  }
0x6a: {  	[tilespmem:$0x870] =	vst v3;
	v3 =	vshrl.u32 v6, $0x4;
	v6 =	vld [tilespmem:$0x290]  }
0x6b: {  	[tilespmem:$0xA70] =	vst v3;
	v3 =	vshrl.u32 v7, $0x4;
	v7 =	vld [tilespmem:$0x490]  }
0x6c: {  	[tilespmem:$0x680] =	vst v3;
	v3 =	vshrl.u32 v8, $0x4;
	v8 =	vld [tilespmem:$0xA0]  }
0x6d: {  	[tilespmem:$0x880] =	vst v3;
	v3 =	vshrl.u32 v4, $0x4;
	v4 =	vld [tilespmem:$0x2A0]  }
0x6e: {  	[tilespmem:$0xA80] =	vst v3;
	v3 =	vshrl.u32 v5, $0x4;
	v5 =	vld [tilespmem:$0x4A0]  }
0x6f: {  	[tilespmem:$0x690] =	vst v3;
	v3 =	vshrl.u32 v6, $0x4;
	v6 =	vld [tilespmem:$0xB0]  }
0x70: {  	[tilespmem:$0x890] =	vst v3;
	v3 =	vshrl.u32 v7, $0x4;
	v7 =	vld [tilespmem:$0x2B0]  }
0x71: {  	[tilespmem:$0xA90] =	vst v3;
	v3 =	vshrl.u32 v8, $0x4;
	v8 =	vld [tilespmem:$0x4B0]  }
0x72: {  	[tilespmem:$0x6A0] =	vst v3;
	v3 =	vshrl.u32 v4, $0x4;
	v4 =	vld [tilespmem:$0xC0]  }
0x73: {  	[tilespmem:$0x8A0] =	vst v3;
	v3 =	vshrl.u32 v5, $0x4;
	v5 =	vld [tilespmem:$0x2C0]  }
0x74: {  	[tilespmem:$0xAA0] =	vst v3;
	v3 =	vshrl.u32 v6, $0x4;
	v6 =	vld [tilespmem:$0x4C0]  }
0x75: {  	[tilespmem:$0x6B0] =	vst v3;
	v3 =	vshrl.u32 v7, $0x4;
	v7 =	vld [tilespmem:$0xD0]  }
0x76: {  	[tilespmem:$0x8B0] =	vst v3;
	v3 =	vshrl.u32 v8, $0x4;
	v8 =	vld [tilespmem:$0x2D0]  }
0x77: {  	[tilespmem:$0xAB0] =	vst v3;
	v3 =	vshrl.u32 v4, $0x4;
	v4 =	vld [tilespmem:$0x4D0]  }
0x78: {  	[tilespmem:$0x6C0] =	vst v3;
	v3 =	vshrl.u32 v5, $0x4;
	v5 =	vld [tilespmem:$0xE0]  }
0x79: {  	[tilespmem:$0x8C0] =	vst v3;
	v3 =	vshrl.u32 v6, $0x4;
	v6 =	vld [tilespmem:$0x2E0]  }
0x7a: {  	[tilespmem:$0xAC0] =	vst v3;
	v3 =	vshrl.u32 v7, $0x4;
	v7 =	vld [tilespmem:$0x4E0]  }
0x7b: {  	[tilespmem:$0x6D0] =	vst v3;
	v3 =	vshrl.u32 v8, $0x4;
	v8 =	vld [tilespmem:$0xF0]  }
0x7c: {  	[tilespmem:$0x8D0] =	vst v3;
	v3 =	vshrl.u32 v4, $0x4;
	v4 =	vld [tilespmem:$0x2F0]  }
0x7d: {  	[tilespmem:$0xAD0] =	vst v3;
	v3 =	vshrl.u32 v5, $0x4;
	v5 =	vld [tilespmem:$0x4F0]  }
0x7e: {  	[tilespmem:$0x6E0] =	vst v3;
	v3 =	vshrl.u32 v6, $0x4;
	v6 =	vld [tilespmem:$0x100]  }
0x7f: {  	[tilespmem:$0x8E0] =	vst v3;
	v3 =	vshrl.u32 v7, $0x4;
	v7 =	vld [tilespmem:$0x300]  }
0x80: {  	[tilespmem:$0xAE0] =	vst v3;
	v3 =	vshrl.u32 v8, $0x4;
	v8 =	vld [tilespmem:$0x500]  }
0x81: {  	[tilespmem:$0x6F0] =	vst v3;
	v3 =	vshrl.u32 v4, $0x4;
	v4 =	vld [tilespmem:$0x110]  }
0x82: {  	[tilespmem:$0x8F0] =	vst v3;
	v3 =	vshrl.u32 v5, $0x4;
	v5 =	vld [tilespmem:$0x310]  }
0x83: {  	[tilespmem:$0xAF0] =	vst v3;
	v3 =	vshrl.u32 v6, $0x4;
	v6 =	vld [tilespmem:$0x510]  }
0x84: {  	[tilespmem:$0x700] =	vst v3;
	v3 =	vshrl.u32 v7, $0x4;
	v7 =	vld [tilespmem:$0x120]  }
0x85: {  	[tilespmem:$0x900] =	vst v3;
	v3 =	vshrl.u32 v8, $0x4;
	v8 =	vld [tilespmem:$0x320]  }
0x86: {  	[tilespmem:$0xB00] =	vst v3;
	v3 =	vshrl.u32 v4, $0x4;
	v4 =	vld [tilespmem:$0x520]  }
0x87: {  	[tilespmem:$0x710] =	vst v3;
	v3 =	vshrl.u32 v5, $0x4;
	v5 =	vld [tilespmem:$0x130]  }
0x88: {  	[tilespmem:$0x910] =	vst v3;
	v3 =	vshrl.u32 v6, $0x4;
	v6 =	vld [tilespmem:$0x330]  }
0x89: {  	[tilespmem:$0xB10] =	vst v3;
	v3 =	vshrl.u32 v7, $0x4;
	v7 =	vld [tilespmem:$0x530]  }
0x8a: {  	[tilespmem:$0x720] =	vst v3;
	v3 =	vshrl.u32 v8, $0x4;
	v8 =	vld [tilespmem:$0x140]  }
0x8b: {  	[tilespmem:$0x920] =	vst v3;
	v3 =	vshrl.u32 v4, $0x4;
	v4 =	vld [tilespmem:$0x340]  }
0x8c: {  	[tilespmem:$0xB20] =	vst v3;
	v3 =	vshrl.u32 v5, $0x4;
	v5 =	vld [tilespmem:$0x540]  }
0x8d: {  	[tilespmem:$0x730] =	vst v3;
	v3 =	vshrl.u32 v6, $0x4;
	v6 =	vld [tilespmem:$0x150]  }
0x8e: {  	[tilespmem:$0x930] =	vst v3;
	v3 =	vshrl.u32 v7, $0x4;
	v7 =	vld [tilespmem:$0x350]  }
0x8f: {  	[tilespmem:$0xB30] =	vst v3;
	v3 =	vshrl.u32 v8, $0x4;
	v8 =	vld [tilespmem:$0x550]  }
0x90: {  	[tilespmem:$0x740] =	vst v3;
	v3 =	vshrl.u32 v4, $0x4;
	v4 =	vld [tilespmem:$0x160]  }
0x91: {  	[tilespmem:$0x940] =	vst v3;
	v3 =	vshrl.u32 v5, $0x4;
	v5 =	vld [tilespmem:$0x360]  }
0x92: {  	[tilespmem:$0xB40] =	vst v3;
	v3 =	vshrl.u32 v6, $0x4;
	v6 =	vld [tilespmem:$0x560]  }
0x93: {  	[tilespmem:$0x750] =	vst v3;
	v3 =	vshrl.u32 v7, $0x4;
	v7 =	vld [tilespmem:$0x170]  }
0x94: {  	[tilespmem:$0x950] =	vst v3;
	v3 =	vshrl.u32 v8, $0x4;
	v8 =	vld [tilespmem:$0x370]  }
0x95: {  	[tilespmem:$0xB50] =	vst v3;
	v3 =	vshrl.u32 v4, $0x4;
	v4 =	vld [tilespmem:$0x570]  }
0x96: {  	[tilespmem:$0x760] =	vst v3;
	v3 =	vshrl.u32 v5, $0x4;
	v5 =	vld [tilespmem:$0x180]  }
0x97: {  	[tilespmem:$0x960] =	vst v3;
	v3 =	vshrl.u32 v6, $0x4;
	v6 =	vld [tilespmem:$0x380]  }
0x98: {  	[tilespmem:$0xB60] =	vst v3;
	v3 =	vshrl.u32 v7, $0x4;
	v7 =	vld [tilespmem:$0x580]  }
0x99: {  	[tilespmem:$0x770] =	vst v3;
	v3 =	vshrl.u32 v8, $0x4;
	v8 =	vld [tilespmem:$0x190]  }
0x9a: {  	[tilespmem:$0x970] =	vst v3;
	v3 =	vshrl.u32 v4, $0x4;
	v4 =	vld [tilespmem:$0x390]  }
0x9b: {  	[tilespmem:$0xB70] =	vst v3;
	v3 =	vshrl.u32 v5, $0x4;
	v5 =	vld [tilespmem:$0x590]  }
0x9c: {  	[tilespmem:$0x780] =	vst v3;
	v3 =	vshrl.u32 v6, $0x4;
	v6 =	vld [tilespmem:$0x1A0]  }
0x9d: {  	[tilespmem:$0x980] =	vst v3;
	v3 =	vshrl.u32 v7, $0x4;
	v7 =	vld [tilespmem:$0x3A0]  }
0x9e: {  	[tilespmem:$0xB80] =	vst v3;
	v3 =	vshrl.u32 v8, $0x4;
	v8 =	vld [tilespmem:$0x5A0]  }
0x9f: {  	[tilespmem:$0x790] =	vst v3;
	v3 =	vshrl.u32 v4, $0x4;
	v4 =	vld [tilespmem:$0x1B0]  }
0xa0: {  	[tilespmem:$0x990] =	vst v3;
	v3 =	vshrl.u32 v5, $0x4;
	v5 =	vld [tilespmem:$0x3B0]  }
0xa1: {  	[tilespmem:$0xB90] =	vst v3;
	v3 =	vshrl.u32 v6, $0x4;
	v6 =	vld [tilespmem:$0x5B0]  }
0xa2: {  	[tilespmem:$0x7A0] =	vst v3;
	v3 =	vshrl.u32 v7, $0x4;
	v7 =	vld [tilespmem:$0x1C0]  }
0xa3: {  	[tilespmem:$0x9A0] =	vst v3;
	v3 =	vshrl.u32 v8, $0x4;
	v8 =	vld [tilespmem:$0x3C0]  }
0xa4: {  	[tilespmem:$0xBA0] =	vst v3;
	v3 =	vshrl.u32 v4, $0x4;
	v4 =	vld [tilespmem:$0x5C0]  }
0xa5: {  	[tilespmem:$0x7B0] =	vst v3;
	v3 =	vshrl.u32 v5, $0x4;
	v5 =	vld [tilespmem:$0x1D0]  }
0xa6: {  	[tilespmem:$0x9B0] =	vst v3;
	v3 =	vshrl.u32 v6, $0x4;
	v6 =	vld [tilespmem:$0x3D0]  }
0xa7: {  	[tilespmem:$0xBB0] =	vst v3;
	v3 =	vshrl.u32 v7, $0x4;
	v7 =	vld [tilespmem:$0x5D0]  }
0xa8: {  	[tilespmem:$0x7C0] =	vst v3;
	v3 =	vshrl.u32 v8, $0x4;
	v8 =	vld [tilespmem:$0x1E0]  }
0xa9: {  	[tilespmem:$0x9C0] =	vst v3;
	v3 =	vshrl.u32 v4, $0x4;
	v4 =	vld [tilespmem:$0x3E0]  }
0xaa: {  	[tilespmem:$0xBC0] =	vst v3;
	v3 =	vshrl.u32 v5, $0x4;
	v5 =	vld [tilespmem:$0x5E0]  }
0xab: {  	[tilespmem:$0x7D0] =	vst v3;
	v3 =	vshrl.u32 v6, $0x4;
	v6 =	vld [tilespmem:$0x1F0]  }
0xac: {  	[tilespmem:$0x9D0] =	vst v3;
	v3 =	vshrl.u32 v7, $0x4;
	v7 =	vld [tilespmem:$0x3F0]  }
0xad: {  	[tilespmem:$0xBD0] =	vst v3;
	v3 =	vshrl.u32 v8, $0x4;
	v8 =	vld [tilespmem:$0x5F0]  }
0xae: {  	[tilespmem:$0x7E0] =	vst v3;
	v3 =	vshrl.u32 v4, $0x4  }
0xaf: {  	[tilespmem:$0x9E0] =	vst v3;
	v3 =	vshrl.u32 v5, $0x4  }
0xb0: {  	[tilespmem:$0xBE0] =	vst v3;
	v3 =	vshrl.u32 v6, $0x4  }
0xb1: {  	[tilespmem:$0x7F0] =	vst v3;
	v3 =	vshrl.u32 v7, $0x4  }
0xb2: {  	[tilespmem:$0x9F0] =	vst v3;
	v3 =	vshrl.u32 v8, $0x4  }
0xb3: {  	[tilespmem:$0xBF0] =	vst v3  }
0xb4: {  	[tilespmem:s30], [sflag:$0x1] =	stream.indirect.gather [hbm4b:s4+s26], $0x10, s3, s26, $0xb8;
	[tilespmem:$0xD010] =	vst v63  }
0xb5: {  	_ = 	snop  }
0xb6: {  	[tilespmem:s31], [sflag:$0x1] =	stream.indirect.gather [hbm4b:s5+s26], $0x10, s24, s26, $0xb8;
	[tilespmem:$0xD010] =	vst v63  }
0xb7: {  	_ = 	snop  }
0xb8: {  	[tilespmem:s7], [sflag:$0x1] =	stream.indirect.gather [hbm4b:s5+s26], $0x10, s25, s26, $0xb8;
	[tilespmem:$0xD010] =	vst v63  }
0xb9: {  	s11 =	simm.s32 $0x600  }
0xba: {  	[tilespmem:s0], [sflag:$0x1] =	stream.indirect.gather [hbm4b:s6+s26], $0x10, s11, s26, $0xb8;
	[tilespmem:$0xD010] =	vst v63  }
0xbb: {  	s11 =	simm.s32 $0x800  }
0xbc: {  	[tilespmem:s8], [sflag:$0x1] =	stream.indirect.gather [hbm4b:s1+s26], $0x10, s11, s26, $0xb8;
	[tilespmem:$0xD010] =	vst v63  }
0xbd: {  	s11 =	simm.s32 $0xA00  }
0xbe: {  	[tilespmem:s2], [sflag:$0x1] =	stream.indirect.gather [hbm4b:s1+s26], $0x10, s11, s26, $0xb8;
	[tilespmem:$0xD010] =	vst v63  }
0xbf: {  	s11 =	simm.s32 $0x1400  }
0xc0: {  	[tilespmem:s11], [sflag:$0x1] =	stream.indirect.gather [hbm4b:s4+s26], $0x10, s26, s26, $0xb8;
	[tilespmem:$0xD010] =	vst v63  }
0xc1: {  	s11 =	simm.s32 $0x3400  }
0xc2: {  	[tilespmem:s11], [sflag:$0x1] =	stream.indirect.gather [hbm4b:s5+s26], $0x10, s12, s26, $0xb8;
	[tilespmem:$0xD010] =	vst v63  }
0xc3: {  	s12 =	simm.s32 $0x5400  }
0xc4: {  	[tilespmem:s12], [sflag:$0x1] =	stream.indirect.gather [hbm4b:s5+s26], $0x10, s13, s26, $0xb8;
	[tilespmem:$0xD010] =	vst v63  }
0xc5: {  	s12 =	simm.s32 $0x680;
	s13 =	simm.s32 $0x7400  }
0xc6: {  	[tilespmem:s13], [sflag:$0x1] =	stream.indirect.gather [hbm4b:s6+s26], $0x10, s12, s26, $0xb8;
	[tilespmem:$0xD010] =	vst v63  }
0xc7: {  	s12 =	simm.s32 $0x880;
	s13 =	simm.s32 $0x9400  }
0xc8: {  	[tilespmem:s13], [sflag:$0x1] =	stream.indirect.gather [hbm4b:s1+s26], $0x10, s12, s26, $0xb8;
	[tilespmem:$0xD010] =	vst v63  }
0xc9: {  	s12 =	simm.s32 $0xA80;
	s13 =	simm.s32 $0xB400  }
0xca: {  	[tilespmem:s13], [sflag:$0x1] =	stream.indirect.gather [hbm4b:s1+s26], $0x10, s12, s26, $0xb8;
	[tilespmem:$0xD010] =	vst v63  }
0xcb: {  	s12 =	simm.s32 $0x1C00  }
0xcc: {  	[tilespmem:s12], [sflag:$0x1] =	stream.indirect.gather [hbm4b:s4+s26], $0x10, s14, s26, $0xb8;
	[tilespmem:$0xD010] =	vst v63  }
0xcd: {  	s13 =	simm.s32 $0x3C00  }
0xce: {  	[tilespmem:s13], [sflag:$0x1] =	stream.indirect.gather [hbm4b:s5+s26], $0x10, s15, s26, $0xb8;
	[tilespmem:$0xD010] =	vst v63  }
0xcf: {  	s14 =	simm.s32 $0x5C00  }
0xd0: {  	[tilespmem:s14], [sflag:$0x1] =	stream.indirect.gather [hbm4b:s5+s26], $0x10, s16, s26, $0xb8;
	[tilespmem:$0xD010] =	vst v63  }
0xd1: {  	s15 =	simm.s32 $0x700;
	s16 =	simm.s32 $0x7C00  }
0xd2: {  	[tilespmem:s16], [sflag:$0x1] =	stream.indirect.gather [hbm4b:s6+s26], $0x10, s15, s26, $0xb8;
	[tilespmem:$0xD010] =	vst v63  }
0xd3: {  	s13 =	simm.s32 $0x900;
	s14 =	simm.s32 $0x9C00  }
0xd4: {  	[tilespmem:s14], [sflag:$0x1] =	stream.indirect.gather [hbm4b:s1+s26], $0x10, s13, s26, $0xb8;
	[tilespmem:$0xD010] =	vst v63  }
0xd5: {  	s15 =	simm.s32 $0xB00;
	s16 =	simm.s32 $0xBC00  }
0xd6: {  	[tilespmem:s16], [sflag:$0x1] =	stream.indirect.gather [hbm4b:s1+s26], $0x10, s15, s26, $0xb8;
	[tilespmem:$0xD010] =	vst v63  }
0xd7: {  	s12 =	simm.s32 $0x2400  }
0xd8: {  	[tilespmem:s12], [sflag:$0x1] =	stream.indirect.gather [hbm4b:s4+s26], $0x10, s17, s26, $0xb8;
	[tilespmem:$0xD010] =	vst v63  }
0xd9: {  	s13 =	simm.s32 $0x4400  }
0xda: {  	[tilespmem:s13], [sflag:$0x1] =	stream.indirect.gather [hbm4b:s5+s26], $0x10, s18, s26, $0xb8;
	[tilespmem:$0xD010] =	vst v63  }
0xdb: {  	s14 =	simm.s32 $0x6400  }
0xdc: {  	[tilespmem:s14], [sflag:$0x1] =	stream.indirect.gather [hbm4b:s5+s26], $0x10, s19, s26, $0xb8;
	[tilespmem:$0xD010] =	vst v63  }
0xdd: {  	s15 =	simm.s32 $0x780;
	s16 =	simm.s32 $0x8400  }
0xde: {  	[tilespmem:s16], [sflag:$0x1] =	stream.indirect.gather [hbm4b:s6+s26], $0x10, s15, s26, $0xb8;
	[tilespmem:$0xD010] =	vst v63  }
0xdf: {  	s13 =	simm.s32 $0x980;
	s14 =	simm.s32 $0xA400  }
0xe0: {  	[tilespmem:s14], [sflag:$0x1] =	stream.indirect.gather [hbm4b:s1+s26], $0x10, s13, s26, $0xb8;
	[tilespmem:$0xD010] =	vst v63  }
0xe1: {  	s15 =	simm.s32 $0xB80;
	s16 =	simm.s32 $0xC400  }
0xe2: {  	[tilespmem:s16], [sflag:$0x1] =	stream.indirect.gather [hbm4b:s1+s26], $0x10, s15, s26, $0xb8;
	[tilespmem:$0xD010] =	vst v63  }
0xe3: {  	_ =	swait.ge [sflag:s28], $0x800  }
0xe4: {  	[sflag:s28] =	ssyncset.done $0x0  }
0xe5: {  	[sflag:s28] =	ssyncadd.s32 $0xFFFFF800  }
0xe6: {  	_ =	swait.ge [sflag:s28], $0x800  }
0xe7: {  	[sflag:s28] =	ssyncset.done $0x0  }
0xe8: {  	[sflag:s28] =	ssyncadd.s32 $0xFFFFF800  }
0xe9: {  	_ =	swait.ge [sflag:s28], $0x800  }
0xea: {  	[sflag:s28] =	ssyncset.done $0x0  }
0xeb: {  	[sflag:s28] =	ssyncadd.s32 $0xFFFFF800  }
0xec: {  	_ =	swait.ge [sflag:s28], $0x800  }
0xed: {  	[sflag:s28] =	ssyncset.done $0x0  }
0xee: {  	[sflag:s28] =	ssyncadd.s32 $0xFFFFF800  }
0xef: {  	_ =	swait.ge [sflag:s28], $0x800  }
0xf0: {  	[sflag:s28] =	ssyncset.done $0x0  }
0xf1: {  	[sflag:s28] =	ssyncadd.s32 $0xFFFFF800  }
0xf2: {  	_ =	swait.ge [sflag:s28], $0x800  }
0xf3: {  	[sflag:s28] =	ssyncset.done $0x0  }
0xf4: {  	[sflag:s28] =	ssyncadd.s32 $0xFFFFF800  }
0xf5: {  	_ =	swait.ge [sflag:s28], $0x800  }
0xf6: {  	[sflag:s28] =	ssyncset.done $0x0  }
0xf7: {  	[sflag:s28] =	ssyncadd.s32 $0xFFFFF800  }
0xf8: {  	_ =	swait.ge [sflag:s28], $0x800  }
0xf9: {  	[sflag:s28] =	ssyncset.done $0x0  }
0xfa: {  	[sflag:s28] =	ssyncadd.s32 $0xFFFFF800  }
0xfb: {  	_ =	swait.ge [sflag:s28], $0x800  }
0xfc: {  	[sflag:s28] =	ssyncset.done $0x0  }
0xfd: {  	[sflag:s28] =	ssyncadd.s32 $0xFFFFF800  }
0xfe: {  	_ =	swait.ge [sflag:s28], $0x800  }
0xff: {  	[sflag:s28] =	ssyncset.done $0x0  }
0x100: {  	[sflag:s28] =	ssyncadd.s32 $0xFFFFF800  }
0x101: {  	_ =	swait.ge [sflag:s28], $0x800  }
0x102: {  	[sflag:s28] =	ssyncset.done $0x0  }
0x103: {  	[sflag:s28] =	ssyncadd.s32 $0xFFFFF800  }
0x104: {  	_ =	swait.ge [sflag:s28], $0x800  }
0x105: {  	[sflag:s28] =	ssyncset.done $0x0  }
0x106: {  	[sflag:s28] =	ssyncadd.s32 $0xFFFFF800  }
0x107: {  	_ =	swait.ge [sflag:s28], $0x800  }
0x108: {  	[sflag:s28] =	ssyncset.done $0x0  }
0x109: {  	[sflag:s28] =	ssyncadd.s32 $0xFFFFF800  }
0x10a: {  	_ =	swait.ge [sflag:s28], $0x800  }
0x10b: {  	[sflag:s28] =	ssyncset.done $0x0  }
0x10c: {  	[sflag:s28] =	ssyncadd.s32 $0xFFFFF800  }
0x10d: {  	_ =	swait.ge [sflag:s28], $0x800  }
0x10e: {  	[sflag:s28] =	ssyncset.done $0x0  }
0x10f: {  	[sflag:s28] =	ssyncadd.s32 $0xFFFFF800  }
0x110: {  	_ =	swait.ge [sflag:s28], $0x800  }
0x111: {  	[sflag:s28] =	ssyncset.done $0x0  }
0x112: {  	[sflag:s28] =	ssyncadd.s32 $0xFFFFF800  }
0x113: {  	_ =	swait.ge [sflag:s28], $0x800  }
0x114: {  	[sflag:s28] =	ssyncset.done $0x0  }
0x115: {  	[sflag:s28] =	ssyncadd.s32 $0xFFFFF800  }
0x116: {  	_ =	swait.ge [sflag:s28], $0x800  }
0x117: {  	[sflag:s28] =	ssyncset.done $0x0  }
0x118: {  	[sflag:s28] =	ssyncadd.s32 $0xFFFFF800  }
0x119: {  	_ =	swait.ge [sflag:s28], $0x800  }
0x11a: {  	[sflag:s28] =	ssyncset.done $0x0  }
0x11b: {  	[sflag:s28] =	ssyncadd.s32 $0xFFFFF800  }
0x11c: {  	_ =	swait.ge [sflag:s28], $0x800  }
0x11d: {  	[sflag:s28] =	ssyncset.done $0x0  }
0x11e: {  	[sflag:s28] =	ssyncadd.s32 $0xFFFFF800  }
0x11f: {  	_ =	swait.ge [sflag:s28], $0x800  }
0x120: {  	[sflag:s28] =	ssyncset.done $0x0  }
0x121: {  	[sflag:s28] =	ssyncadd.s32 $0xFFFFF800  }
0x122: {  	s13 =	simm.s32 $0x0;
	s14 =	sand.u32 $0x70, s3;
	_ =	swait.ge [sflag:s28], $0x800  }
0x123: {  	v3 =	vor.u32 s14, v0;
	v4 =	vmov s13;
	[sflag:s28] =	ssyncset.done $0x0  }
0x124: {  	v5 =	vand.u32 $0x78, v3;
	v6 =	vshll.u32 v4, $0x7;
	[sflag:s28] =	ssyncadd.s32 $0xFFFFF800  }
0x125: {  	v5 =	vor.u32 v6, v5;
	_ =	swait.ge [sflag:s28], $0x800  }
0x126: {  	v5 =	vor.u32 v1, v5;
	[sflag:s28] =	ssyncset.done $0x0  }
0x127: {  	v4 =	vshll.u32 v4, $0xB;
	v3 =	vshll.u32 v3, $0x4;
	[sflag:s28] =	ssyncadd.s32 $0xFFFFF800  }
0x128: {  	v4 =	vor.u32 v4, v3;
	_ =	swait.ge [sflag:s28], $0x800  }
0x129: {  	v18 =	vor.u32 $0xA, v4;
	[sflag:s28] =	ssyncset.done $0x0  }
0x12a: {  	v15 =	vor.u32 $0x1, v4;
	[sflag:s28] =	ssyncadd.s32 $0xFFFFF800  }
0x12b: {  	v6 =	vld.idx.msk [tilespmem:v5+s24+$0x0], $0xffff  }
0x12c: {  	v19 =	vor.u32 $0x9, v4;
	v10 =	vld.idx.msk [tilespmem:v5+s3+$0x0], $0xffff  }
0x12d: {  	v23 =	vor.u32 $0x8, v4;
	v5 =	vld.idx.msk [tilespmem:v5+s25+$0x0], $0xffff  }
0x12e: {  	v25 =	vor.u32 $0x7, v4;
	v21 =	vld.idx.msk [tilespmem:v18+s31+$0x0], $0xffff  }
0x12f: {  	v26 =	vor.u32 $0x6, v4;
	v22 =	vld.idx.msk [tilespmem:v15+s31+$0x0], $0xffff  }
0x130: {  	v27 =	vor.u32 $0x5, v4;
	v24 =	vld.idx.msk [tilespmem:v4+s31+$0x0], $0xffff  }
0x131: {  	v29 =	vor.u32 $0x4, v4;
	v28 =	vld.idx.msk [tilespmem:v19+s31+$0x0], $0xffff  }
0x132: {  	v30 =	vor.u32 $0x3, v4;
	v31 =	vld.idx.msk [tilespmem:v23+s31+$0x0], $0xffff  }
0x133: {  	v32 =	vor.u32 $0x2, v4;
	v33 =	vld.idx.msk [tilespmem:v25+s31+$0x0], $0xffff  }
0x134: {  	v34 =	vld.idx.msk [tilespmem:v26+s31+$0x0], $0xffff  }
0x135: {  	v35 =	vld.idx.msk [tilespmem:v27+s31+$0x0], $0xffff  }
0x136: {  	v36 =	vld.idx.msk [tilespmem:v29+s31+$0x0], $0xffff  }
0x137: {  	v37 =	vld.idx.msk [tilespmem:v30+s31+$0x0], $0xffff  }
0x138: {  	v38 =	vld.idx.msk [tilespmem:v32+s31+$0x0], $0xffff  }
0x139: {  	v40 =	vld.idx.msk [tilespmem:v15+s30+$0x0], $0xffff  }
0x13a: {  	v41 =	vld.idx.msk [tilespmem:v4+s30+$0x0], $0xffff  }
0x13b: {  	v44 =	vld.idx.msk [tilespmem:v4+s7+$0x0], $0xffff  }
0x13c: {  	v52 =	vld.idx.msk [tilespmem:v15+s7+$0x0], $0xffff  }
0x13d: {  	v45 =	vld.idx.msk [tilespmem:v32+s30+$0x0], $0xffff  }
0x13e: {  	v32 =	vld.idx.msk [tilespmem:v32+s7+$0x0], $0xffff  }
0x13f: {  	v46 =	vld.idx.msk [tilespmem:v30+s30+$0x0], $0xffff  }
0x140: {  	v30 =	vld.idx.msk [tilespmem:v30+s7+$0x0], $0xffff  }
0x141: {  	v54 =	vld.idx.msk [tilespmem:v29+s30+$0x0], $0xffff  }
0x142: {  	v29 =	vld.idx.msk [tilespmem:v29+s7+$0x0], $0xffff  }
0x143: {  	v57 =	vld.idx.msk [tilespmem:v27+s30+$0x0], $0xffff  }
0x144: {  	v27 =	vld.idx.msk [tilespmem:v27+s7+$0x0], $0xffff  }
0x145: {  	v58 =	vld.idx.msk [tilespmem:v26+s30+$0x0], $0xffff  }
0x146: {  	v26 =	vld.idx.msk [tilespmem:v26+s7+$0x0], $0xffff  }
0x147: {  	v59 =	vld.idx.msk [tilespmem:v25+s30+$0x0], $0xffff  }
0x148: {  	v25 =	vld.idx.msk [tilespmem:v25+s7+$0x0], $0xffff  }
0x149: {  	v60 =	vld.idx.msk [tilespmem:v23+s30+$0x0], $0xffff  }
0x14a: {  	v7 =	vor.u32 $0xF, v4;
	v23 =	vld.idx.msk [tilespmem:v23+s7+$0x0], $0xffff;
	v24 =	vsub.f32 v41, v24;
	v22 =	vsub.f32 v40, v22  }
0x14b: {  	v9 =	vor.u32 $0xE, v4;
	v62 =	vld.idx.msk [tilespmem:v19+s30+$0x0], $0xffff;
	v41 =	vsub.f32 v41, v44;
	v40 =	vsub.f32 v40, v52  }
0x14c: {  	v12 =	vor.u32 $0xD, v4;
	v19 =	vld.idx.msk [tilespmem:v19+s7+$0x0], $0xffff;
	v38 =	vsub.f32 v45, v38;
	v32 =	vsub.f32 v45, v32  }
0x14d: {  	v16 =	vor.u32 $0xC, v4;
	v63 =	vld.idx.msk [tilespmem:v18+s30+$0x0], $0xffff;
	v37 =	vsub.f32 v46, v37;
	v30 =	vsub.f32 v46, v30  }
0x14e: {  	v17 =	vor.u32 $0xB, v4;
	v18 =	vld.idx.msk [tilespmem:v18+s7+$0x0], $0xffff;
	v36 =	vsub.f32 v54, v36;
	v29 =	vsub.f32 v54, v29  }
0x14f: {  	v3 =	vand.u32 $0xF, v6;
	v35 =	vsub.f32 v57, v35;
	v27 =	vsub.f32 v57, v27  }
0x150: {  	v10 =	vand.u32 $0xF, v10;
	v61 =	vsub.f32 v58, v34;
	v26 =	vsub.f32 v58, v26  }
0x151: {  	v5 =	vand.u32 $0xF, v5;
	v25 =	vsub.f32 v59, v25;
	v23 =	vsub.f32 v60, v23  }
0x152: {  	v19 =	vsub.f32 v62, v19;
	v21 =	vsub.f32 v63, v21;
	v3 =	vor.u32 v4, v3  }
0x153: {  	v18 =	vsub.f32 v63, v18;
	v24 =	vmul.f32 v24, v24;
	v22 =	vmul.f32 v22, v22  }
0x154: {  	v10 =	vor.u32 v4, v10;
	v41 =	vmul.f32 v41, v41;
	v40 =	vmul.f32 v40, v40  }
0x155: {  	v5 =	vor.u32 v4, v5;
	v22 =	vadd.f32 v22, v24;
	v24 =	vmul.f32 v38, v38  }
0x156: {  	v32 =	vmul.f32 v32, v32;
	v30 =	vmul.f32 v30, v30;
	v40 =	vadd.f32 v40, v41  }
0x157: {  	v29 =	vmul.f32 v29, v29;
	v3 =	vld.idx.msk [tilespmem:v3+s8+$0x0], $0xffff;
	v22 =	vadd.f32 v24, v22;
	v24 =	vmul.f32 v37, v37  }
0x158: {  	v27 =	vmul.f32 v27, v27;
	v26 =	vmul.f32 v26, v26;
	v32 =	vadd.f32 v32, v40  }
0x159: {  	v25 =	vmul.f32 v25, v25;
	v13 =	vld.idx.msk [tilespmem:v10+s0+$0x0], $0xffff;
	v22 =	vadd.f32 v24, v22;
	v24 =	vmul.f32 v36, v36  }
0x15a: {  	v23 =	vmul.f32 v23, v23;
	v19 =	vmul.f32 v19, v19;
	v30 =	vadd.f32 v30, v32  }
0x15b: {  	v8 =	vld.idx.msk [tilespmem:v9+s31+$0x0], $0xffff;
	v21 =	vmul.f32 v21, v21;
	v22 =	vadd.f32 v24, v22;
	v24 =	vmul.f32 v35, v35  }
0x15c: {  	v18 =	vmul.f32 v18, v18;
	v10 =	vld.idx.msk [tilespmem:v5+s2+$0x0], $0xffff;
	v29 =	vadd.f32 v29, v30;
	v5 =	vmax.f32 v3, $0.0e+00  }
0x15d: {  	v11 =	vld.idx.msk [tilespmem:v12+s31+$0x0], $0xffff;
	v5 =	vadd.f32 $1.000000000e+00, v5;
	v22 =	vadd.f32 v24, v22;
	v24 =	vmul.f32 v61, v61  }
0x15e: {  	v14 =	vld.idx.msk [tilespmem:v16+s31+$0x0], $0xffff;
	v30 =	vsub.f32 v59, v33;
	v42 =	vmax.f32 v13, $0.0e+00;
	v27 =	vadd.f32 v27, v29  }
0x15f: {  	v20 =	vld.idx.msk [tilespmem:v17+s31+$0x0], $0xffff;
	v29 =	vsub.f32 v60, v31;
	v39 =	vand.u32 $0x7FFFFF, v5;
	v22 =	vadd.f32 v24, v22  }
0x160: {  	v24 =	vmul.f32 v30, v30;
	v30 =	vld.idx.msk [tilespmem:v17+s30+$0x0], $0xffff;
	v26 =	vadd.f32 v26, v27;
	v39 =	vor.u32 $0x3F800000, v39  }
0x161: {  	v17 =	vld.idx.msk [tilespmem:v17+s7+$0x0], $0xffff;
	v27 =	vsub.f32 v62, v28;
	v43 =	vmul.f32 $5.000000000e-01, v39;
	vm1 =	vgt.f32 v39, $1.414213540e+00  }
0x162: {  	v28 =	vld.idx.msk [tilespmem:v16+s30+$0x0], $0xffff;
	v22 =	vadd.f32 v24, v22;
	v24 =	vmul.f32 v29, v29;
	v25 =	vadd.f32 v25, v26  }
0x163: {  	v56 =	vmax.f32 v10, $0.0e+00;
	v4 =	vadd.f32 $1.000000000e+00, v42;
	v16 =	vld.idx.msk [tilespmem:v16+s7+$0x0], $0xffff;
	v15 =	vsel vm1, v43, v39  }
0x164: {  	v6 =	vld.idx.msk [tilespmem:v7+s31+$0x0], $0xffff;
	v22 =	vadd.f32 v24, v22;
	v24 =	vmul.f32 v27, v27;
	v23 =	vadd.f32 v23, v25  }
0x165: {  	v53 =	vand.u32 $0x7FFFFF, v4;
	v26 =	vld.idx.msk [tilespmem:v12+s30+$0x0], $0xffff;
	v43 =	vadd.f32 $1.000000000e+00, v15;
	v20 =	vsub.f32 v30, v20  }
0x166: {  	v12 =	vld.idx.msk [tilespmem:v12+s7+$0x0], $0xffff;
	v39 =	vor.u32 $0x3F800000, v53;
	v17 =	vsub.f32 v30, v17;
	v22 =	vadd.f32 v24, v22  }
0x167: {  	vm0 =	vgt.f32 v39, $1.414213540e+00;
	v14 =	vsub.f32 v28, v14;
	v24 =	vld.idx.msk [tilespmem:v9+s30+$0x0], $0xffff;
	v19 =	vadd.f32 v19, v23  }
0x168: {  	v16 =	vsub.f32 v28, v16;
	v9 =	vld.idx.msk [tilespmem:v9+s7+$0x0], $0xffff;
	v20 =	vmul.f32 v20, v20;
	v21 =	vadd.f32 v21, v22  }
0x169: {  	(erf) = vrcp.f32 v43;
	v17 =	vmul.f32 v17, v17;
	v22 =	vld.idx.msk [tilespmem:v7+s30+$0x0], $0xffff;
	v18 =	vadd.f32 v18, v19  }
0x16a: {  	v14 =	vmul.f32 v14, v14;
	v11 =	vsub.f32 v26, v11;
	v19 =	vadd.f32 v20, v21  }
0x16b: {  	v16 =	vmul.f32 v16, v16;
	v12 =	vsub.f32 v26, v12;
	v7 =	vld.idx.msk [tilespmem:v7+s7+$0x0], $0xffff;
	v17 =	vadd.f32 v17, v18  }
0x16c: {  	v11 =	vmul.f32 v11, v11;
	v8 =	vsub.f32 v24, v8;
	v14 =	vadd.f32 v14, v19  }
0x16d: {  	v12 =	vmul.f32 v12, v12;
	v9 =	vsub.f32 v24, v9;
	v16 =	vadd.f32 v16, v17  }
0x16e: {  	v8 =	vmul.f32 v8, v8;
	v6 =	vsub.f32 v22, v6;
	v11 =	vadd.f32 v11, v14  }
0x16f: {  	v55 =	vmul.f32 $5.000000000e-01, v39;
	v9 =	vmul.f32 v9, v9;
	v12 =	vadd.f32 v12, v16  }
0x170: {  	v7 =	vsub.f32 v22, v7;
	v6 =	vmul.f32 v6, v6;
	v8 =	vadd.f32 v8, v11  }
0x171: {  	v11 =	vadd.f32 $1.000000000e+00, v56;
	v9 =	vadd.f32 v9, v12;
	v12 =	vsel vm0, v55, v39  }
0x172: {  	v7 =	vmul.f32 v7, v7;
	v6 =	vadd.f32 v6, v8;
	v8 =	vadd.f32 $1.000000000e+00, v12  }
0x173: {  	v14 =	vand.u32 $0x7FFFFF, v11  }
0x174: {  	v7 =	vadd.f32 v7, v9;
	v9 =	vadd.f32 $-1.000000000e+00, v15;
	v14 =	vor.u32 $0x3F800000, v14  }
0x175: {  	v15 =	vmul.f32 $5.000000000e-01, v14;
	v6 =	vadd.f32 $9.999999770e-03, v6;
	(erf) = vrcp.f32 v8  }
0x176: {  	vm3 =	vgt.f32 v14, $1.414213540e+00;
	v7 =	vadd.f32 $9.999999770e-03, v7;
	v8 =	vpop (erf)  }
0x177: {  	v8 =	vmul.f32 v8, v9;
	v9 =	vsel vm3, v15, v14;
	v14 =	vand.u32 $0x7FFFFF, v6  }
0x178: {  	v16 =	vand.u32 $0x7FFFFF, v7;
	v15 =	vadd.f32 $1.000000000e+00, v9;
	v14 =	vor.u32 $0x3F800000, v14  }
0x179: {  	v16 =	vor.u32 $0x3F800000, v16;
	v18 =	vmul.f32 $5.000000000e-01, v14  }
0x17a: {  	v19 =	vmul.f32 $5.000000000e-01, v16;
	vm4 =	vgt.f32 v14, $1.414213540e+00;
	(erf) = vrcp.f32 v15  }
0x17b: {  	vm2 =	vgt.f32 v16, $1.414213540e+00;
	v17 =	vmul.f32 v8, v8;
	v14 =	vsel vm4, v18, v14  }
0x17c: {  	v16 =	vsel vm2, v19, v16;
	v18 =	vadd.f32 $1.000000000e+00, v14  }
0x17d: {  	v12 =	vadd.f32 $-1.000000000e+00, v12;
	v15 =	vmul.f32 $1.111111120e-01, v17;
	v19 =	vadd.f32 $1.000000000e+00, v16  }
0x17e: {  	v20 =	vpop (erf);
	(erf) = vrcp.f32 v18  }
0x17f: {  	v15 =	vadd.f32 $1.428571490e-01, v15;
	v12 =	vmul.f32 v20, v12;
	(erf) = vrcp.f32 v19  }
0x180: {  	v5 =	vshra.s32 v5, $0x17;
	v4 =	vshra.s32 v4, $0x17  }
0x181: {  	v24 =	vsel vm0, $0xFFFFFF82, v2;
	v15 =	vmul.f32 v15, v17;
	v19 =	vmul.f32 v12, v12  }
0x182: {  	v4 =	vadd.s32 v4, v24;
	v9 =	vadd.f32 $-1.000000000e+00, v9;
	v18 =	vsel vm1, $0xFFFFFF82, v2  }
0x183: {  	v5 =	vadd.s32 v5, v18;
	v15 =	vadd.f32 $2.000000030e-01, v15;
	v18 =	vmul.f32 $1.111111120e-01, v19;
	v20 =	vpop (erf)  }
0x184: {  	v4 =	vcvt.s32.f32 v4;
	v21 =	vsel vm4, $0xFFFFFF82, v2;
	v9 =	vmul.f32 v20, v9  }
0x185: {  	v6 =	vshra.s32 v6, $0x17;
	v15 =	vmul.f32 v15, v17;
	v18 =	vadd.f32 $1.428571490e-01, v18  }
0x186: {  	v6 =	vadd.s32 v6, v21;
	v14 =	vadd.f32 $-1.000000000e+00, v14;
	v20 =	vmul.f32 v9, v9  }
0x187: {  	v16 =	vadd.f32 $-1.000000000e+00, v16;
	v15 =	vadd.f32 $3.333333430e-01, v15;
	v18 =	vmul.f32 v18, v19;
	v21 =	vpop (erf)  }
0x188: {  	v22 =	vmul.f32 $1.111111120e-01, v20;
	v14 =	vmul.f32 v21, v14;
	v21 =	vpop (erf)  }
0x189: {  	v15 =	vmul.f32 v15, v17;
	v18 =	vadd.f32 $2.000000030e-01, v18;
	v16 =	vmul.f32 v21, v16  }
0x18a: {  	v8 =	vadd.f32 v8, v8;
	v17 =	vadd.f32 $1.428571490e-01, v22;
	v21 =	vmul.f32 v14, v14  }
0x18b: {  	v15 =	vadd.f32 $1.000000000e+00, v15;
	v18 =	vmul.f32 v18, v19;
	v22 =	vmul.f32 v16, v16  }
0x18c: {  	v17 =	vmul.f32 v17, v20;
	v23 =	vmul.f32 $1.111111120e-01, v21  }
0x18d: {  	v8 =	vmul.f32 v15, v8;
	v18 =	vadd.f32 $3.333333430e-01, v18;
	v15 =	vmul.f32 $1.111111120e-01, v22  }
0x18e: {  	v4 =	vmul.f32 $6.931471820e-01, v4;
	v17 =	vadd.f32 $2.000000030e-01, v17;
	v23 =	vadd.f32 $1.428571490e-01, v23  }
0x18f: {  	v6 =	vcvt.s32.f32 v6;
	v18 =	vmul.f32 v18, v19;
	v15 =	vadd.f32 $1.428571490e-01, v15  }
0x190: {  	v17 =	vmul.f32 v17, v20;
	v19 =	vmul.f32 v23, v21  }
0x191: {  	v11 =	vshra.s32 v11, $0x17;
	v5 =	vcvt.s32.f32 v5;
	v15 =	vmul.f32 v15, v22  }
0x192: {  	v7 =	vshra.s32 v7, $0x17;
	v17 =	vadd.f32 $3.333333430e-01, v17;
	v19 =	vadd.f32 $2.000000030e-01, v19  }
0x193: {  	v6 =	vmul.f32 $6.931471820e-01, v6;
	v5 =	vmul.f32 $6.931471820e-01, v5;
	v15 =	vadd.f32 $2.000000030e-01, v15  }
0x194: {  	v12 =	vadd.f32 v12, v12;
	v17 =	vmul.f32 v17, v20;
	v19 =	vmul.f32 v19, v21  }
0x195: {  	v9 =	vadd.f32 v9, v9;
	v23 =	vsel vm3, $0xFFFFFF82, v2;
	v15 =	vmul.f32 v15, v22  }
0x196: {  	v11 =	vadd.s32 v11, v23;
	v17 =	vadd.f32 $1.000000000e+00, v17;
	v19 =	vadd.f32 $3.333333430e-01, v19  }
0x197: {  	v18 =	vadd.f32 $1.000000000e+00, v18;
	v11 =	vcvt.s32.f32 v11;
	v15 =	vadd.f32 $3.333333430e-01, v15  }
0x198: {  	v14 =	vadd.f32 v14, v14;
	v9 =	vmul.f32 v17, v9;
	v17 =	vmul.f32 v19, v21  }
0x199: {  	v12 =	vmul.f32 v18, v12;
	v18 =	vsel vm2, $0xFFFFFF82, v2;
	v15 =	vmul.f32 v15, v22  }
0x19a: {  	v16 =	vadd.f32 v16, v16;
	v7 =	vadd.s32 v7, v18;
	v17 =	vadd.f32 $1.000000000e+00, v17  }
0x19b: {  	v11 =	vmul.f32 $6.931471820e-01, v11;
	v7 =	vcvt.s32.f32 v7;
	v15 =	vadd.f32 $1.000000000e+00, v15  }
0x19c: {  	v5 =	vadd.f32 v8, v5;
	v4 =	vadd.f32 v12, v4;
	v8 =	vmul.f32 v17, v14  }
0x19d: {  	v7 =	vmul.f32 $6.931471820e-01, v7;
	v9 =	vadd.f32 v9, v11;
	v11 =	vmul.f32 v15, v16  }
0x19e: {  	v5 =	vmul.f32 v5, v4;
	v6 =	vadd.f32 v8, v6  }
0x19f: {  	v4 =	vmul.f32 v9, v4;
	v7 =	vadd.f32 v11, v7  }
0x1a0: {  	v5 =	vsub.f32 v6, v5  }
0x1a1: {  	v4 =	vsub.f32 v7, v4  }
0x1a2: {  	v5 =	vadd.f32 $0.0e+00, v5  }
0x1a3: {  	v4 =	vadd.f32 $0.0e+00, v4  }
0x1a4: {  	v5 =	vmul.f32 $1.442695020e+00, v5  }
0x1a5: {  	v4 =	vmul.f32 $1.442695020e+00, v4  }
0x1a6: {  	(erf) = vpow2.f32 v5  }
0x1a7: {  	(erf) = vpow2.f32 v4;
	_ =	sdelay $0x7  }
0x1a8: {  	v4 =	vpop (erf)  }
0x1a9: {  	v4 =	vadd.f32 $1.000000000e+00, v4;
	v5 =	vpop (erf)  }
0x1aa: {  	v5 =	vadd.f32 $1.000000000e+00, v5  }
0x1ab: {  	(erf) = vrcp.f32 v4  }
0x1ac: {  	(erf) = vrcp.f32 v5  }
0x1ad: {  	s13 =	simm.s32 $0x10  }
0x1ae: {  	s15 =	simm.s32 $0x0;
	s16 =	sand.u32 $0x70, s13  }
0x1af: {  	v4 =	vor.u32 s16, v0;
	v5 =	vmov s15  }
0x1b0: {  	v6 =	vand.u32 $0x78, v4;
	v7 =	vshll.u32 v5, $0x7  }
0x1b1: {  	v6 =	vor.u32 v7, v6  }
0x1b2: {  	v6 =	vor.u32 v1, v6  }
0x1b3: {  	v4 =	vshll.u32 v4, $0x4;
	v5 =	vshll.u32 v5, $0xB  }
0x1b4: {  	v28 =	vor.u32 v5, v4;
	v7 =	vpop (erf)  }
0x1b5: {  	v8 =	vor.u32 $0xE, v28;
	[tilespmem:s9+$0x0] =	vst v7;
	v7 =	vpop (erf)  }
0x1b6: {  	v11 =	vor.u32 $0xD, v28;
	[tilespmem:s29+$0x0] =	vst v7  }
0x1b7: {  	v33 =	vor.u32 $0x1, v28;
	v7 =	vld.idx.msk [tilespmem:v6+s24+$0x0], $0xffff  }
0x1b8: {  	v13 =	vmul.f32 v13, v13;
	v12 =	vld.idx.msk [tilespmem:v6+s3+$0x0], $0xffff  }
0x1b9: {  	v3 =	vmul.f32 v3, v3;
	v22 =	vimm.f32 $0.0e+00;
	v23 =	vor.u32 $0x8, v28;
	v17 =	vld.idx.msk [tilespmem:v6+s25+$0x0], $0xffff  }
0x1ba: {  	v10 =	vmul.f32 v10, v10;
	v22 =	vadd.f32 v13, v22;
	v25 =	vor.u32 $0x7, v28;
	v6 =	vld.idx.msk [tilespmem:v8+s31+$0x0], $0xffff  }
0x1bb: {  	v14 =	vor.u32 $0xC, v28;
	v9 =	vld.idx.msk [tilespmem:v11+s31+$0x0], $0xffff  }
0x1bc: {  	v3 =	vadd.f32 v3, v22;
	v22 =	vmul.f32 $6.103515630e-05, v10;
	v18 =	vor.u32 $0xA, v28;
	v30 =	vld.idx.msk [tilespmem:v33+s31+$0x0], $0xffff  }
0x1bd: {  	v16 =	vor.u32 $0xB, v28;
	v31 =	vld.idx.msk [tilespmem:v28+s31+$0x0], $0xffff;
	v4 =	vand.u32 $0xF, v7  }
0x1be: {  	v3 =	vadd.f32 v22, v3;
	v22 =	vld.idx.msk [tilespmem:v23+s31+$0x0], $0xffff;
	v15 =	vand.u32 $0xF, v12;
	v4 =	vor.u32 v28, v4  }
0x1bf: {  	v24 =	vld.idx.msk [tilespmem:v25+s31+$0x0], $0xffff;
	v19 =	vor.u32 v28, v15  }
0x1c0: {  	v5 =	vor.u32 $0xF, v28;
	v12 =	vld.idx.msk [tilespmem:v14+s31+$0x0], $0xffff;
	v21 =	vand.u32 $0xF, v17  }
0x1c1: {  	v17 =	vld.idx.msk [tilespmem:v18+s31+$0x0], $0xffff;
	v21 =	vor.u32 v28, v21  }
0x1c2: {  	v20 =	vor.u32 $0x9, v28;
	v15 =	vld.idx.msk [tilespmem:v16+s31+$0x0], $0xffff  }
0x1c3: {  	v27 =	vor.u32 $0x6, v28;
	v7 =	vld.idx.msk [tilespmem:v4+s8+$0x0], $0xffff  }
0x1c4: {  	v29 =	vor.u32 $0x5, v28;
	v13 =	vld.idx.msk [tilespmem:v19+s0+$0x0], $0xffff  }
0x1c5: {  	v32 =	vor.u32 $0x4, v28;
	v4 =	vld.idx.msk [tilespmem:v5+s31+$0x0], $0xffff  }
0x1c6: {  	v34 =	vor.u32 $0x3, v28;
	v10 =	vld.idx.msk [tilespmem:v21+s2+$0x0], $0xffff  }
0x1c7: {  	s11 =	simm.s32 $0xCE00;
	s12 =	simm.s32 $0xCC00;
	s14 =	simm.s32 $0x2;
	v35 =	vor.u32 $0x2, v28;
	v19 =	vld.idx.msk [tilespmem:v20+s31+$0x0], $0xffff  }
.LBB2_2:
0x1c8: {  	p0 =	sne.s32 s14, $0x1F;
	v36 =	vld.idx.msk [tilespmem:v27+s31+$0x0], $0xffff  }
0x1c9: {  	v26 =	vmul.f32 v13, v13;
	v37 =	vld.idx.msk [tilespmem:v29+s31+$0x0], $0xffff  }
0x1ca: {  	v21 =	vmax.f32 v7, $0.0e+00;
	v7 =	vmul.f32 v7, v7;
	v38 =	vld.idx.msk [tilespmem:v32+s31+$0x0], $0xffff  }
0x1cb: {  	v21 =	vadd.f32 $1.000000000e+00, v21;
	v3 =	vadd.f32 v26, v3;
	v26 =	vmul.f32 v10, v10;
	v39 =	vld.idx.msk [tilespmem:v34+s31+$0x0], $0xffff  }
0x1cc: {  	v40 =	vld.idx.msk [tilespmem:v35+s31+$0x0], $0xffff  }
0x1cd: {  	v42 =	vand.u32 $0x7FFFFF, v21;
	v3 =	vadd.f32 v7, v3;
	v7 =	vmul.f32 $6.103515630e-05, v26;
	v41 =	vld.idx.msk [tilespmem:v33+s7+$0x0], $0xffff  }
0x1ce: {  	v26 =	vor.u32 $0x3F800000, v42;
	v33 =	vld.idx.msk [tilespmem:v33+s30+$0x0], $0xffff  }
0x1cf: {  	v13 =	vmax.f32 v13, $0.0e+00;
	v43 =	vmul.f32 $5.000000000e-01, v26;
	v3 =	vadd.f32 v7, v3;
	v42 =	vld.idx.msk [tilespmem:v28+s30+$0x0], $0xffff  }
0x1d0: {  	vm1 =	vgt.f32 v26, $1.414213540e+00;
	v7 =	vadd.f32 $1.000000000e+00, v13;
	v44 =	vld.idx.msk [tilespmem:v28+s7+$0x0], $0xffff  }
0x1d1: {  	v13 =	vsel vm1, v43, v26;
	v45 =	vld.idx.msk [tilespmem:v35+s30+$0x0], $0xffff  }
0x1d2: {  	v26 =	vand.u32 $0x7FFFFF, v7;
	v28 =	vadd.f32 $1.000000000e+00, v13;
	v35 =	vld.idx.msk [tilespmem:v35+s7+$0x0], $0xffff  }
0x1d3: {  	v26 =	vor.u32 $0x3F800000, v26;
	v43 =	vld.idx.msk [tilespmem:v34+s30+$0x0], $0xffff  }
0x1d4: {  	vm0 =	vgt.f32 v26, $1.414213540e+00;
	v34 =	vld.idx.msk [tilespmem:v34+s7+$0x0], $0xffff;
	(erf) = vrcp.f32 v28  }
0x1d5: {  	v30 =	vsub.f32 v33, v30;
	v31 =	vsub.f32 v42, v31;
	v28 =	vmul.f32 $5.000000000e-01, v26;
	v46 =	vld.idx.msk [tilespmem:v32+s30+$0x0], $0xffff  }
0x1d6: {  	v10 =	vmax.f32 v10, $0.0e+00;
	v33 =	vsub.f32 v33, v41;
	v42 =	vsub.f32 v42, v44;
	v32 =	vld.idx.msk [tilespmem:v32+s7+$0x0], $0xffff  }
0x1d7: {  	v30 =	vmul.f32 v30, v30;
	v31 =	vmul.f32 v31, v31;
	v40 =	vsub.f32 v45, v40;
	v41 =	vld.idx.msk [tilespmem:v29+s30+$0x0], $0xffff  }
0x1d8: {  	v33 =	vmul.f32 v33, v33;
	v42 =	vmul.f32 v42, v42;
	v35 =	vsub.f32 v45, v35;
	v29 =	vld.idx.msk [tilespmem:v29+s7+$0x0], $0xffff  }
0x1d9: {  	v30 =	vadd.f32 v30, v31;
	v31 =	vmul.f32 v40, v40;
	v39 =	vsub.f32 v43, v39;
	v40 =	vld.idx.msk [tilespmem:v27+s30+$0x0], $0xffff  }
0x1da: {  	v33 =	vadd.f32 v33, v42;
	v35 =	vmul.f32 v35, v35;
	v34 =	vsub.f32 v43, v34;
	v27 =	vld.idx.msk [tilespmem:v27+s7+$0x0], $0xffff  }
0x1db: {  	v30 =	vadd.f32 v31, v30;
	v31 =	vmul.f32 v39, v39;
	v42 =	vsub.f32 v46, v38;
	v39 =	vld.idx.msk [tilespmem:v25+s30+$0x0], $0xffff  }
0x1dc: {  	v33 =	vadd.f32 v35, v33;
	v34 =	vmul.f32 v34, v34;
	v32 =	vsub.f32 v46, v32;
	v25 =	vld.idx.msk [tilespmem:v25+s7+$0x0], $0xffff  }
0x1dd: {  	v30 =	vadd.f32 v31, v30;
	v31 =	vmul.f32 v42, v42;
	v35 =	vsub.f32 v41, v37;
	v37 =	vld.idx.msk [tilespmem:v23+s30+$0x0], $0xffff;
	v38 =	vpop (erf)  }
0x1de: {  	v33 =	vadd.f32 v34, v33;
	v32 =	vmul.f32 v32, v32;
	v29 =	vsub.f32 v41, v29;
	v23 =	vld.idx.msk [tilespmem:v23+s7+$0x0], $0xffff  }
0x1df: {  	v30 =	vadd.f32 v31, v30;
	v31 =	vmul.f32 v35, v35;
	v34 =	vsub.f32 v40, v36;
	v35 =	vld.idx.msk [tilespmem:v20+s30+$0x0], $0xffff  }
0x1e0: {  	v32 =	vadd.f32 v32, v33;
	v29 =	vmul.f32 v29, v29;
	v27 =	vsub.f32 v40, v27;
	v20 =	vld.idx.msk [tilespmem:v20+s7+$0x0], $0xffff  }
0x1e1: {  	v30 =	vadd.f32 v31, v30;
	v31 =	vmul.f32 v34, v34;
	v24 =	vsub.f32 v39, v24;
	v33 =	vld.idx.msk [tilespmem:v18+s30+$0x0], $0xffff  }
0x1e2: {  	v29 =	vadd.f32 v29, v32;
	v27 =	vmul.f32 v27, v27;
	v25 =	vsub.f32 v39, v25;
	v18 =	vld.idx.msk [tilespmem:v18+s7+$0x0], $0xffff  }
0x1e3: {  	v30 =	vadd.f32 v31, v30;
	v24 =	vmul.f32 v24, v24;
	v22 =	vsub.f32 v37, v22;
	v31 =	vld.idx.msk [tilespmem:v16+s30+$0x0], $0xffff  }
0x1e4: {  	v27 =	vadd.f32 v27, v29;
	v25 =	vmul.f32 v25, v25;
	v23 =	vsub.f32 v37, v23;
	v16 =	vld.idx.msk [tilespmem:v16+s7+$0x0], $0xffff  }
0x1e5: {  	v24 =	vadd.f32 v24, v30;
	v22 =	vmul.f32 v22, v22;
	v19 =	vsub.f32 v35, v19;
	v29 =	vld.idx.msk [tilespmem:v14+s30+$0x0], $0xffff  }
0x1e6: {  	v25 =	vadd.f32 v25, v27;
	v23 =	vmul.f32 v23, v23;
	v20 =	vsub.f32 v35, v20;
	v14 =	vld.idx.msk [tilespmem:v14+s7+$0x0], $0xffff  }
0x1e7: {  	v22 =	vadd.f32 v22, v24;
	v19 =	vmul.f32 v19, v19;
	v17 =	vsub.f32 v33, v17;
	v24 =	vld.idx.msk [tilespmem:v11+s30+$0x0], $0xffff  }
0x1e8: {  	v23 =	vadd.f32 v23, v25;
	v20 =	vmul.f32 v20, v20;
	v18 =	vsub.f32 v33, v18;
	v11 =	vld.idx.msk [tilespmem:v11+s7+$0x0], $0xffff  }
0x1e9: {  	v19 =	vadd.f32 v19, v22;
	v17 =	vmul.f32 v17, v17;
	v15 =	vsub.f32 v31, v15;
	v22 =	vld.idx.msk [tilespmem:v8+s30+$0x0], $0xffff  }
0x1ea: {  	v20 =	vadd.f32 v20, v23;
	v18 =	vmul.f32 v18, v18;
	v16 =	vsub.f32 v31, v16;
	v8 =	vld.idx.msk [tilespmem:v8+s7+$0x0], $0xffff  }
0x1eb: {  	v17 =	vadd.f32 v17, v19;
	v15 =	vmul.f32 v15, v15;
	v12 =	vsub.f32 v29, v12;
	v19 =	vld.idx.msk [tilespmem:v5+s30+$0x0], $0xffff  }
0x1ec: {  	v18 =	vadd.f32 v18, v20;
	v16 =	vmul.f32 v16, v16;
	v14 =	vsub.f32 v29, v14;
	v5 =	vld.idx.msk [tilespmem:v5+s7+$0x0], $0xffff  }
0x1ed: {  	v15 =	vadd.f32 v15, v17;
	v12 =	vmul.f32 v12, v12;
	v9 =	vsub.f32 v24, v9  }
0x1ee: {  	v16 =	vadd.f32 v16, v18;
	v14 =	vmul.f32 v14, v14;
	v11 =	vsub.f32 v24, v11  }
0x1ef: {  	v12 =	vadd.f32 v12, v15;
	v9 =	vmul.f32 v9, v9;
	v6 =	vsub.f32 v22, v6  }
0x1f0: {  	v14 =	vadd.f32 v14, v16;
	v11 =	vmul.f32 v11, v11;
	v8 =	vsub.f32 v22, v8  }
0x1f1: {  	v9 =	vadd.f32 v9, v12;
	v6 =	vmul.f32 v6, v6;
	v4 =	vsub.f32 v19, v4  }
0x1f2: {  	v11 =	vadd.f32 v11, v14;
	v8 =	vmul.f32 v8, v8;
	v12 =	vsub.f32 v19, v5  }
0x1f3: {  	v5 =	vadd.f32 $1.000000000e+00, v10;
	v6 =	vadd.f32 v6, v9;
	v4 =	vmul.f32 v4, v4  }
0x1f4: {  	v10 =	vsel vm0, v28, v26;
	v8 =	vadd.f32 v8, v11;
	v9 =	vmul.f32 v12, v12  }
0x1f5: {  	v11 =	vand.u32 $0x7FFFFF, v5;
	v4 =	vadd.f32 v4, v6;
	v6 =	vadd.f32 $1.000000000e+00, v10  }
0x1f6: {  	v11 =	vor.u32 $0x3F800000, v11;
	v8 =	vadd.f32 v9, v8;
	v9 =	vadd.f32 $-1.000000000e+00, v13  }
0x1f7: {  	v12 =	vmul.f32 $5.000000000e-01, v11;
	v13 =	vadd.f32 $9.999999770e-03, v4;
	(erf) = vrcp.f32 v6  }
0x1f8: {  	vm3 =	vgt.f32 v11, $1.414213540e+00;
	v6 =	vmul.f32 v38, v9;
	v4 =	vadd.f32 $9.999999770e-03, v8  }
0x1f9: {  	v8 =	vsel vm3, v12, v11;
	v9 =	vshra.s32 v13, $0x17;
	v11 =	vand.u32 $0x7FFFFF, v13  }
0x1fa: {  	v12 =	vadd.f32 $1.000000000e+00, v8;
	v11 =	vor.u32 $0x3F800000, v11;
	v13 =	vand.u32 $0x7FFFFF, v4  }
0x1fb: {  	v14 =	vmul.f32 v6, v6;
	v15 =	vmul.f32 $5.000000000e-01, v11;
	v13 =	vor.u32 $0x3F800000, v13  }
0x1fc: {  	vm2 =	vgt.f32 v11, $1.414213540e+00;
	v16 =	vmul.f32 $5.000000000e-01, v13;
	(erf) = vrcp.f32 v12  }
0x1fd: {  	v11 =	vsel vm2, v15, v11;
	v12 =	vsel vm2, $0xFFFFFF82, v2;
	vm2 =	vgt.f32 v13, $1.414213540e+00  }
0x1fe: {  	v15 =	vmul.f32 $1.111111120e-01, v14;
	v17 =	vadd.f32 $1.000000000e+00, v11;
	v13 =	vsel vm2, v16, v13  }
0x1ff: {  	v10 =	vadd.f32 $-1.000000000e+00, v10;
	v16 =	vadd.f32 $1.000000000e+00, v13  }
0x200: {  	v15 =	vadd.f32 $1.428571490e-01, v15;
	v18 =	vpop (erf);
	(erf) = vrcp.f32 v17  }
0x201: {  	v10 =	vmul.f32 v18, v10;
	(erf) = vrcp.f32 v16  }
0x202: {  	v15 =	vmul.f32 v15, v14  }
0x203: {  	v17 =	vshra.s32 v21, $0x17;
	v18 =	vsel vm1, $0xFFFFFF82, v2;
	v16 =	vmul.f32 v10, v10  }
0x204: {  	v8 =	vadd.f32 $-1.000000000e+00, v8;
	v17 =	vadd.s32 v17, v18;
	v15 =	vadd.f32 $2.000000030e-01, v15  }
0x205: {  	v17 =	vcvt.s32.f32 v17;
	v18 =	vmul.f32 $1.111111120e-01, v16;
	v19 =	vpop (erf)  }
0x206: {  	v15 =	vmul.f32 v15, v14;
	v8 =	vmul.f32 v19, v8  }
0x207: {  	v9 =	vadd.s32 v9, v12;
	v17 =	vmul.f32 $6.931471820e-01, v17;
	v18 =	vadd.f32 $1.428571490e-01, v18  }
0x208: {  	v11 =	vadd.f32 $-1.000000000e+00, v11;
	v12 =	vadd.f32 $3.333333430e-01, v15;
	v15 =	vmul.f32 v8, v8  }
0x209: {  	v9 =	vcvt.s32.f32 v9;
	v13 =	vadd.f32 $-1.000000000e+00, v13;
	v18 =	vmul.f32 v18, v16;
	v19 =	vpop (erf)  }
0x20a: {  	v6 =	vadd.f32 v6, v6;
	v20 =	vmul.f32 $1.111111120e-01, v15;
	v11 =	vmul.f32 v19, v11;
	v19 =	vpop (erf)  }
0x20b: {  	v12 =	vmul.f32 v12, v14;
	v18 =	vadd.f32 $2.000000030e-01, v18;
	v13 =	vmul.f32 v19, v13  }
0x20c: {  	v9 =	vmul.f32 $6.931471820e-01, v9;
	v14 =	vadd.f32 $1.428571490e-01, v20;
	v19 =	vmul.f32 v11, v11  }
0x20d: {  	v12 =	vadd.f32 $1.000000000e+00, v12;
	v18 =	vmul.f32 v18, v16;
	v20 =	vmul.f32 v13, v13  }
0x20e: {  	v14 =	vmul.f32 v14, v15;
	v21 =	vmul.f32 $1.111111120e-01, v19  }
0x20f: {  	v6 =	vmul.f32 v12, v6;
	v18 =	vadd.f32 $3.333333430e-01, v18;
	v12 =	vmul.f32 $1.111111120e-01, v20  }
0x210: {  	v7 =	vshra.s32 v7, $0x17;
	v14 =	vadd.f32 $2.000000030e-01, v14;
	v21 =	vadd.f32 $1.428571490e-01, v21  }
0x211: {  	v22 =	vsel vm0, $0xFFFFFF82, v2;
	v16 =	vmul.f32 v18, v16;
	v12 =	vadd.f32 $1.428571490e-01, v12  }
0x212: {  	v7 =	vadd.s32 v7, v22;
	v14 =	vmul.f32 v14, v15;
	v18 =	vmul.f32 v21, v19  }
0x213: {  	v10 =	vadd.f32 v10, v10;
	v16 =	vadd.f32 $1.000000000e+00, v16;
	v12 =	vmul.f32 v12, v20  }
0x214: {  	v7 =	vcvt.s32.f32 v7;
	v14 =	vadd.f32 $3.333333430e-01, v14;
	v18 =	vadd.f32 $2.000000030e-01, v18  }
0x215: {  	v5 =	vshra.s32 v5, $0x17;
	v21 =	vsel vm3, $0xFFFFFF82, v2;
	v12 =	vadd.f32 $2.000000030e-01, v12  }
0x216: {  	v5 =	vadd.s32 v5, v21;
	v14 =	vmul.f32 v14, v15;
	v15 =	vmul.f32 v18, v19  }
0x217: {  	v8 =	vadd.f32 v8, v8;
	v5 =	vcvt.s32.f32 v5;
	v12 =	vmul.f32 v12, v20  }
0x218: {  	v7 =	vmul.f32 $6.931471820e-01, v7;
	v14 =	vadd.f32 $1.000000000e+00, v14;
	v15 =	vadd.f32 $3.333333430e-01, v15  }
0x219: {  	v10 =	vmul.f32 v16, v10;
	v5 =	vmul.f32 $6.931471820e-01, v5;
	v12 =	vadd.f32 $3.333333430e-01, v12  }
0x21a: {  	v8 =	vmul.f32 v14, v8;
	v14 =	vmul.f32 v15, v19  }
0x21b: {  	v4 =	vshra.s32 v4, $0x17;
	v15 =	vsel vm2, $0xFFFFFF82, v2;
	v12 =	vmul.f32 v12, v20  }
0x21c: {  	v11 =	vadd.f32 v11, v11;
	v4 =	vadd.s32 v4, v15;
	v14 =	vadd.f32 $1.000000000e+00, v14  }
0x21d: {  	v13 =	vadd.f32 v13, v13;
	v4 =	vcvt.s32.f32 v4;
	v12 =	vadd.f32 $1.000000000e+00, v12  }
0x21e: {  	v6 =	vadd.f32 v6, v17;
	v7 =	vadd.f32 v10, v7;
	v10 =	vmul.f32 v14, v11  }
0x21f: {  	v5 =	vadd.f32 v8, v5;
	v4 =	vmul.f32 $6.931471820e-01, v4;
	v8 =	vmul.f32 v12, v13  }
0x220: {  	v6 =	vmul.f32 v6, v7;
	v9 =	vadd.f32 v10, v9  }
0x221: {  	v5 =	vmul.f32 v5, v7;
	v4 =	vadd.f32 v8, v4  }
0x222: {  	v6 =	vsub.f32 v9, v6  }
0x223: {  	v4 =	vsub.f32 v4, v5  }
0x224: {  	v5 =	vadd.f32 $0.0e+00, v6  }
0x225: {  	v4 =	vadd.f32 $0.0e+00, v4  }
0x226: {  	v5 =	vmul.f32 $1.442695020e+00, v5  }
0x227: {  	v4 =	vmul.f32 $1.442695020e+00, v4  }
0x228: {  	(erf) = vpow2.f32 v5  }
0x229: {  	(erf) = vpow2.f32 v4;
	_ =	sdelay $0x7  }
0x22a: {  	v4 =	vpop (erf)  }
0x22b: {  	v4 =	vadd.f32 $1.000000000e+00, v4;
	v5 =	vpop (erf)  }
0x22c: {  	v5 =	vadd.f32 $1.000000000e+00, v5  }
0x22d: {  	(erf) = vrcp.f32 v4  }
0x22e: {  	(erf) = vrcp.f32 v5  }
0x22f: {  	s13 =	sadd.s32 $0x10, s13  }
0x230: {  	s15 =	sshrl.u32 s14, $0x3;
	s16 =	sand.u32 $0x70, s13  }
0x231: {  	v4 =	vor.u32 s16, v0;
	v5 =	vmov s15  }
0x232: {  	v6 =	vand.u32 $0x78, v4;
	v7 =	vshll.u32 v5, $0x7  }
0x233: {  	v6 =	vor.u32 v7, v6  }
0x234: {  	v6 =	vor.u32 v1, v6;
	_ =	sdelay $0x1  }
0x235: {  	s12 =	sadd.s32 $0x10, s12;
	v7 =	vpop (erf)  }
0x236: {  	s11 =	sadd.s32 $0x10, s11;
	[tilespmem:s12+$0x0] =	vst v7;
	v7 =	vpop (erf)  }
0x237: {  	[tilespmem:s11+$0x0] =	vst v7  }
0x238: {  	v7 =	vld.idx.msk [tilespmem:v6+s24+$0x0], $0xffff;
	_ =	sdelay $0x4  }
0x239: {  	v4 =	vshll.u32 v4, $0x4;
	v5 =	vshll.u32 v5, $0xB  }
0x23a: {  	v28 =	vor.u32 v5, v4;
	v4 =	vand.u32 $0xF, v7  }
0x23b: {  	v4 =	vor.u32 v28, v4  }
0x23c: {  	v5 =	vor.u32 $0xF, v28  }
0x23d: {  	v8 =	vor.u32 $0xE, v28;
	v10 =	vld.idx.msk [tilespmem:v6+s3+$0x0], $0xffff  }
0x23e: {  	v11 =	vor.u32 $0xD, v28  }
0x23f: {  	v14 =	vor.u32 $0xC, v28;
	v13 =	vld.idx.msk [tilespmem:v6+s25+$0x0], $0xffff  }
0x240: {  	v16 =	vor.u32 $0xB, v28;
	v7 =	vld.idx.msk [tilespmem:v4+s8+$0x0], $0xffff  }
0x241: {  	v18 =	vor.u32 $0xA, v28;
	v4 =	vld.idx.msk [tilespmem:v5+s31+$0x0], $0xffff  }
0x242: {  	v33 =	vor.u32 $0x1, v28;
	v6 =	vld.idx.msk [tilespmem:v8+s31+$0x0], $0xffff  }
0x243: {  	v10 =	vand.u32 $0xF, v10;
	v9 =	vld.idx.msk [tilespmem:v11+s31+$0x0], $0xffff  }
0x244: {  	v10 =	vor.u32 v28, v10;
	v12 =	vld.idx.msk [tilespmem:v14+s31+$0x0], $0xffff  }
0x245: {  	v20 =	vor.u32 $0x9, v28;
	v13 =	vand.u32 $0xF, v13;
	v15 =	vld.idx.msk [tilespmem:v16+s31+$0x0], $0xffff  }
0x246: {  	v21 =	vor.u32 v28, v13;
	v17 =	vld.idx.msk [tilespmem:v18+s31+$0x0], $0xffff  }
0x247: {  	v23 =	vor.u32 $0x8, v28;
	v30 =	vld.idx.msk [tilespmem:v33+s31+$0x0], $0xffff  }
0x248: {  	v25 =	vor.u32 $0x7, v28;
	v31 =	vld.idx.msk [tilespmem:v28+s31+$0x0], $0xffff  }
.Ltmp0:
0x249: {  	v27 =	vor.u32 $0x6, v28;
	v13 =	vld.idx.msk [tilespmem:v10+s0+$0x0], $0xffff;
	(pc) =	sbr.rel @p0 .LBB2_2-.Ltmp0, $4  }
0x24a: {  	v29 =	vor.u32 $0x5, v28;
	v19 =	vld.idx.msk [tilespmem:v20+s31+$0x0], $0xffff  }
0x24b: {  	v32 =	vor.u32 $0x4, v28;
	v10 =	vld.idx.msk [tilespmem:v21+s2+$0x0], $0xffff  }
0x24c: {  	v34 =	vor.u32 $0x3, v28;
	v22 =	vld.idx.msk [tilespmem:v23+s31+$0x0], $0xffff  }
0x24d: {  	s14 =	sadd.s32 $0x1, s14;
	v35 =	vor.u32 $0x2, v28;
	v24 =	vld.idx.msk [tilespmem:v25+s31+$0x0], $0xffff  }
0x24e: {  	_ =	sdelay $0x3  }
0x24f: {  	v37 =	vld.idx.msk [tilespmem:v29+s31+$0x0], $0xffff  }
0x250: {  	v38 =	vld.idx.msk [tilespmem:v32+s31+$0x0], $0xffff  }
0x251: {  	v39 =	vld.idx.msk [tilespmem:v35+s31+$0x0], $0xffff  }
0x252: {  	v40 =	vld.idx.msk [tilespmem:v33+s7+$0x0], $0xffff  }
0x253: {  	v63 =	vld.idx.msk [tilespmem:v33+s30+$0x0], $0xffff  }
0x254: {  	v42 =	vld.idx.msk [tilespmem:v28+s30+$0x0], $0xffff  }
0x255: {  	v44 =	vld.idx.msk [tilespmem:v28+s7+$0x0], $0xffff  }
0x256: {  	v45 =	vld.idx.msk [tilespmem:v35+s30+$0x0], $0xffff  }
0x257: {  	v49 =	vld.idx.msk [tilespmem:v35+s7+$0x0], $0xffff  }
0x258: {  	v47 =	vld.idx.msk [tilespmem:v34+s30+$0x0], $0xffff  }
0x259: {  	v52 =	vld.idx.msk [tilespmem:v34+s7+$0x0], $0xffff  }
0x25a: {  	v21 =	vmax.f32 v7, $0.0e+00;
	v53 =	vld.idx.msk [tilespmem:v32+s30+$0x0], $0xffff  }
0x25b: {  	v54 =	vld.idx.msk [tilespmem:v32+s7+$0x0], $0xffff;
	v26 =	vadd.f32 $1.000000000e+00, v21  }
0x25c: {  	v55 =	vld.idx.msk [tilespmem:v29+s30+$0x0], $0xffff  }
0x25d: {  	v48 =	vmax.f32 v13, $0.0e+00;
	v56 =	vld.idx.msk [tilespmem:v29+s7+$0x0], $0xffff;
	v21 =	vand.u32 $0x7FFFFF, v26  }
0x25e: {  	v57 =	vld.idx.msk [tilespmem:v27+s30+$0x0], $0xffff;
	v41 =	vor.u32 $0x3F800000, v21;
	v21 =	vadd.f32 $1.000000000e+00, v48  }
0x25f: {  	v58 =	vld.idx.msk [tilespmem:v27+s7+$0x0], $0xffff;
	v31 =	vsub.f32 v42, v31;
	v30 =	vsub.f32 v63, v30  }
0x260: {  	v60 =	vld.idx.msk [tilespmem:v25+s30+$0x0], $0xffff;
	v42 =	vsub.f32 v42, v44;
	v33 =	vsub.f32 v63, v40  }
0x261: {  	v39 =	vsub.f32 v45, v39;
	v35 =	vsub.f32 v45, v49  }
0x262: {  	v50 =	vld.idx.msk [tilespmem:v34+s31+$0x0], $0xffff;
	v34 =	vsub.f32 v47, v52;
	v38 =	vsub.f32 v53, v38  }
0x263: {  	v61 =	vld.idx.msk [tilespmem:v25+s7+$0x0], $0xffff;
	v43 =	vmul.f32 $5.000000000e-01, v41;
	v32 =	vsub.f32 v53, v54;
	v37 =	vsub.f32 v55, v37  }
0x264: {  	v36 =	vld.idx.msk [tilespmem:v27+s31+$0x0], $0xffff;
	vm1 =	vgt.f32 v41, $1.414213540e+00;
	v29 =	vsub.f32 v55, v56;
	v27 =	vsub.f32 v57, v58  }
0x265: {  	v24 =	vsub.f32 v60, v24;
	v31 =	vmul.f32 v31, v31;
	v30 =	vmul.f32 v30, v30  }
0x266: {  	v28 =	vsel vm1, v43, v41;
	v42 =	vmul.f32 v42, v42;
	v33 =	vmul.f32 v33, v33  }
0x267: {  	v39 =	vmul.f32 v39, v39;
	v41 =	vsub.f32 v47, v50;
	v30 =	vadd.f32 v30, v31  }
0x268: {  	v25 =	vsub.f32 v60, v61;
	v35 =	vmul.f32 v35, v35;
	v33 =	vadd.f32 v33, v42  }
0x269: {  	v51 =	vand.u32 $0x7FFFFF, v21;
	v59 =	vmul.f32 v41, v41;
	v30 =	vadd.f32 v39, v30  }
0x26a: {  	v43 =	vor.u32 $0x3F800000, v51;
	v34 =	vmul.f32 v34, v34;
	v33 =	vadd.f32 v35, v33  }
0x26b: {  	v62 =	vmul.f32 v38, v38;
	v46 =	vadd.f32 $1.000000000e+00, v28;
	v30 =	vadd.f32 v59, v30  }
0x26c: {  	v63 =	vld.idx.msk [tilespmem:v23+s30+$0x0], $0xffff;
	v32 =	vmul.f32 v32, v32;
	v45 =	vmul.f32 v37, v37;
	v33 =	vadd.f32 v34, v33  }
0x26d: {  	v44 =	vld.idx.msk [tilespmem:v23+s7+$0x0], $0xffff;
	(erf) = vrcp.f32 v46;
	v46 =	vsub.f32 v57, v36;
	v30 =	vadd.f32 v62, v30  }
0x26e: {  	v47 =	vld.idx.msk [tilespmem:v20+s30+$0x0], $0xffff;
	v29 =	vmul.f32 v29, v29;
	v27 =	vmul.f32 v27, v27;
	v32 =	vadd.f32 v32, v33  }
0x26f: {  	v48 =	vld.idx.msk [tilespmem:v20+s7+$0x0], $0xffff;
	v24 =	vmul.f32 v24, v24;
	v49 =	vmul.f32 v46, v46;
	v30 =	vadd.f32 v45, v30  }
0x270: {  	v50 =	vld.idx.msk [tilespmem:v18+s30+$0x0], $0xffff;
	v25 =	vmul.f32 v25, v25;
	vm0 =	vgt.f32 v43, $1.414213540e+00;
	v29 =	vadd.f32 v29, v32  }
0x271: {  	v51 =	vld.idx.msk [tilespmem:v18+s7+$0x0], $0xffff;
	v40 =	vmul.f32 $5.000000000e-01, v43;
	v22 =	vsub.f32 v63, v22;
	v30 =	vadd.f32 v49, v30  }
0x272: {  	v52 =	vld.idx.msk [tilespmem:v16+s30+$0x0], $0xffff;
	v31 =	vmax.f32 v10, $0.0e+00;
	v23 =	vsub.f32 v63, v44;
	v27 =	vadd.f32 v27, v29  }
0x273: {  	v53 =	vld.idx.msk [tilespmem:v16+s7+$0x0], $0xffff;
	v22 =	vmul.f32 v22, v22;
	v19 =	vsub.f32 v47, v19;
	v24 =	vadd.f32 v24, v30  }
0x274: {  	v54 =	vld.idx.msk [tilespmem:v14+s30+$0x0], $0xffff;
	v23 =	vmul.f32 v23, v23;
	v20 =	vsub.f32 v47, v48;
	v25 =	vadd.f32 v25, v27  }
0x275: {  	v55 =	vld.idx.msk [tilespmem:v14+s7+$0x0], $0xffff;
	v17 =	vsub.f32 v50, v17;
	v19 =	vmul.f32 v19, v19;
	v22 =	vadd.f32 v22, v24  }
0x276: {  	v56 =	vld.idx.msk [tilespmem:v11+s30+$0x0], $0xffff;
	v18 =	vsub.f32 v50, v51;
	v20 =	vmul.f32 v20, v20;
	v23 =	vadd.f32 v23, v25  }
0x277: {  	v57 =	vld.idx.msk [tilespmem:v11+s7+$0x0], $0xffff;
	v15 =	vsub.f32 v52, v15;
	v17 =	vmul.f32 v17, v17;
	v19 =	vadd.f32 v19, v22  }
0x278: {  	v58 =	vld.idx.msk [tilespmem:v8+s30+$0x0], $0xffff;
	v16 =	vsub.f32 v52, v53;
	v18 =	vmul.f32 v18, v18;
	v20 =	vadd.f32 v20, v23  }
0x279: {  	v12 =	vsub.f32 v54, v12;
	v15 =	vmul.f32 v15, v15;
	v59 =	vld.idx.msk [tilespmem:v8+s7+$0x0], $0xffff;
	v17 =	vadd.f32 v17, v19  }
0x27a: {  	v60 =	vld.idx.msk [tilespmem:v5+s30+$0x0], $0xffff;
	v14 =	vsub.f32 v54, v55;
	v16 =	vmul.f32 v16, v16;
	v18 =	vadd.f32 v18, v20  }
0x27b: {  	v61 =	vld.idx.msk [tilespmem:v5+s7+$0x0], $0xffff;
	v9 =	vsub.f32 v56, v9;
	v12 =	vmul.f32 v12, v12;
	v15 =	vadd.f32 v15, v17  }
0x27c: {  	v14 =	vmul.f32 v14, v14;
	v11 =	vsub.f32 v56, v57;
	v16 =	vadd.f32 v16, v18  }
0x27d: {  	v6 =	vsub.f32 v58, v6;
	v9 =	vmul.f32 v9, v9;
	v12 =	vadd.f32 v12, v15  }
0x27e: {  	v11 =	vmul.f32 v11, v11;
	v8 =	vsub.f32 v58, v59;
	v14 =	vadd.f32 v14, v16  }
0x27f: {  	v4 =	vsub.f32 v60, v4;
	v6 =	vmul.f32 v6, v6;
	v9 =	vadd.f32 v9, v12  }
0x280: {  	v5 =	vsub.f32 v60, v61;
	v8 =	vmul.f32 v8, v8;
	v11 =	vadd.f32 v11, v14  }
0x281: {  	v63 =	vsel vm0, v40, v43;
	v4 =	vmul.f32 v4, v4;
	v6 =	vadd.f32 v6, v9  }
0x282: {  	v5 =	vmul.f32 v5, v5;
	v62 =	vadd.f32 $1.000000000e+00, v31;
	v8 =	vadd.f32 v8, v11  }
0x283: {  	v20 =	vadd.f32 $1.000000000e+00, v63;
	v4 =	vadd.f32 v4, v6  }
0x284: {  	v22 =	vand.u32 $0x7FFFFF, v62;
	v5 =	vadd.f32 v5, v8  }
0x285: {  	(erf) = vrcp.f32 v20;
	v12 =	vor.u32 $0x3F800000, v22;
	v4 =	vadd.f32 $9.999999770e-03, v4  }
0x286: {  	v24 =	vmul.f32 $5.000000000e-01, v12;
	v5 =	vadd.f32 $9.999999770e-03, v5  }
0x287: {  	v23 =	vadd.f32 $-1.000000000e+00, v28;
	vm3 =	vgt.f32 v12, $1.414213540e+00;
	v28 =	vand.u32 $0x7FFFFF, v4  }
0x288: {  	v27 =	vsel vm3, v24, v12;
	v29 =	vand.u32 $0x7FFFFF, v5;
	v12 =	vor.u32 $0x3F800000, v28  }
0x289: {  	v15 =	vor.u32 $0x3F800000, v29;
	v31 =	vmul.f32 $5.000000000e-01, v12  }
0x28a: {  	v25 =	vpop (erf);
	v14 =	vadd.f32 $1.000000000e+00, v27;
	vm4 =	vgt.f32 v12, $1.414213540e+00;
	v32 =	vmul.f32 $5.000000000e-01, v15  }
0x28b: {  	v6 =	vmul.f32 v25, v23;
	vm2 =	vgt.f32 v15, $1.414213540e+00;
	v12 =	vsel vm4, v31, v12  }
0x28c: {  	(erf) = vrcp.f32 v14;
	v15 =	vsel vm2, v32, v15;
	v17 =	vadd.f32 $1.000000000e+00, v12  }
0x28d: {  	v30 =	vmul.f32 v6, v6;
	v18 =	vadd.f32 $1.000000000e+00, v15  }
0x28e: {  	v34 =	vpop (erf);
	(erf) = vrcp.f32 v17  }
0x28f: {  	v33 =	vmul.f32 $1.111111120e-01, v30;
	(erf) = vrcp.f32 v18  }
0x290: {  	v21 =	vshra.s32 v21, $0x17;
	v9 =	vshra.s32 v62, $0x17;
	v52 =	vsel vm3, $0xFFFFFF82, v2  }
0x291: {  	v11 =	vadd.f32 $-1.000000000e+00, v63;
	v9 =	vadd.s32 v9, v52;
	v14 =	vadd.f32 $1.428571490e-01, v33  }
0x292: {  	v37 =	vshra.s32 v26, $0x17;
	v35 =	vsel vm1, $0xFFFFFF82, v2;
	v9 =	vcvt.s32.f32 v9  }
0x293: {  	v49 =	vsel vm0, $0xFFFFFF82, v2;
	v11 =	vmul.f32 v34, v11;
	v14 =	vmul.f32 v14, v30  }
0x294: {  	v50 =	vadd.s32 v21, v49;
	v8 =	vadd.f32 $-1.000000000e+00, v27;
	v6 =	vadd.f32 v6, v6  }
0x295: {  	v9 =	vmul.f32 $6.931471820e-01, v9;
	v36 =	vmul.f32 v11, v11;
	v14 =	vadd.f32 $2.000000030e-01, v14;
	v39 =	vpop (erf)  }
0x296: {  	v4 =	vshra.s32 v4, $0x17;
	v12 =	vadd.f32 $-1.000000000e+00, v12;
	v8 =	vmul.f32 v39, v8  }
0x297: {  	v11 =	vadd.f32 v11, v11;
	v15 =	vadd.f32 $-1.000000000e+00, v15;
	v14 =	vmul.f32 v14, v30;
	v41 =	vpop (erf)  }
0x298: {  	v5 =	vshra.s32 v5, $0x17;
	v20 =	vmul.f32 v8, v8;
	v12 =	vmul.f32 v41, v12;
	v43 =	vpop (erf)  }
0x299: {  	v38 =	vmul.f32 $1.111111120e-01, v36;
	v14 =	vadd.f32 $3.333333430e-01, v14;
	v15 =	vmul.f32 v43, v15  }
0x29a: {  	v40 =	vsel vm4, $0xFFFFFF82, v2;
	v42 =	vmul.f32 $1.111111120e-01, v20;
	v45 =	vmul.f32 v12, v12  }
0x29b: {  	v19 =	vadd.f32 $1.428571490e-01, v38;
	v14 =	vmul.f32 v14, v30;
	v46 =	vmul.f32 v15, v15  }
0x29c: {  	v55 =	vsel vm2, $0xFFFFFF82, v2;
	v44 =	vadd.f32 $1.428571490e-01, v42;
	v47 =	vmul.f32 $1.111111120e-01, v45  }
0x29d: {  	v19 =	vmul.f32 v19, v36;
	v14 =	vadd.f32 $1.000000000e+00, v14;
	v48 =	vmul.f32 $1.111111120e-01, v46  }
0x29e: {  	v4 =	vadd.s32 v4, v40;
	v16 =	vmul.f32 v44, v20;
	v24 =	vadd.f32 $1.428571490e-01, v47  }
0x29f: {  	v19 =	vadd.f32 $2.000000030e-01, v19;
	v6 =	vmul.f32 v14, v6;
	v14 =	vadd.f32 $1.428571490e-01, v48  }
0x2a0: {  	v4 =	vcvt.s32.f32 v4;
	v16 =	vadd.f32 $2.000000030e-01, v16;
	v51 =	vmul.f32 v24, v45  }
0x2a1: {  	v5 =	vadd.s32 v5, v55;
	v19 =	vmul.f32 v19, v36;
	v14 =	vmul.f32 v14, v46  }
0x2a2: {  	v5 =	vcvt.s32.f32 v5;
	v16 =	vmul.f32 v16, v20;
	v21 =	vadd.f32 $2.000000030e-01, v51  }
0x2a3: {  	v17 =	vadd.s32 v37, v35;
	v19 =	vadd.f32 $3.333333430e-01, v19;
	v14 =	vadd.f32 $2.000000030e-01, v14  }
0x2a4: {  	v17 =	vcvt.s32.f32 v17;
	v16 =	vadd.f32 $3.333333430e-01, v16;
	v53 =	vmul.f32 v21, v45  }
0x2a5: {  	v8 =	vadd.f32 v8, v8;
	v18 =	vmul.f32 v19, v36;
	v14 =	vmul.f32 v14, v46  }
0x2a6: {  	v19 =	vcvt.s32.f32 v50;
	v16 =	vmul.f32 v16, v20;
	v20 =	vadd.f32 $3.333333430e-01, v53  }
0x2a7: {  	v17 =	vmul.f32 $6.931471820e-01, v17;
	v18 =	vadd.f32 $1.000000000e+00, v18;
	v14 =	vadd.f32 $3.333333430e-01, v14  }
0x2a8: {  	v19 =	vmul.f32 $6.931471820e-01, v19;
	v16 =	vadd.f32 $1.000000000e+00, v16;
	v54 =	vmul.f32 v20, v45  }
0x2a9: {  	v11 =	vmul.f32 v18, v11;
	v14 =	vmul.f32 v14, v46  }
0x2aa: {  	v12 =	vadd.f32 v12, v12;
	v8 =	vmul.f32 v16, v8;
	v16 =	vadd.f32 $1.000000000e+00, v54  }
0x2ab: {  	v4 =	vmul.f32 $6.931471820e-01, v4;
	v15 =	vadd.f32 v15, v15;
	v14 =	vadd.f32 $1.000000000e+00, v14  }
0x2ac: {  	v6 =	vadd.f32 v6, v17;
	v11 =	vadd.f32 v11, v19;
	v12 =	vmul.f32 v16, v12  }
0x2ad: {  	v5 =	vmul.f32 $6.931471820e-01, v5;
	v8 =	vadd.f32 v8, v9;
	v56 =	vmul.f32 v14, v15  }
0x2ae: {  	v6 =	vmul.f32 v6, v11;
	v4 =	vadd.f32 v12, v4  }
0x2af: {  	v8 =	vmul.f32 v8, v11;
	v5 =	vadd.f32 v56, v5  }
0x2b0: {  	v4 =	vsub.f32 v4, v6  }
0x2b1: {  	v5 =	vsub.f32 v5, v8  }
0x2b2: {  	v4 =	vadd.f32 $0.0e+00, v4  }
0x2b3: {  	v5 =	vadd.f32 $0.0e+00, v5  }
0x2b4: {  	v4 =	vmul.f32 $1.442695020e+00, v4  }
0x2b5: {  	v5 =	vmul.f32 $1.442695020e+00, v5  }
0x2b6: {  	(erf) = vpow2.f32 v4  }
0x2b7: {  	v57 =	vmul.f32 v13, v13;
	(erf) = vpow2.f32 v5;
	_ =	sdelay $0x1  }
0x2b8: {  	v3 =	vadd.f32 v57, v3;
	v58 =	vmul.f32 v7, v7;
	v59 =	vmul.f32 v10, v10;
	_ =	sdelay $0x1  }
0x2b9: {  	v3 =	vadd.f32 v58, v3;
	v4 =	vmul.f32 $6.103515630e-05, v59;
	_ =	sdelay $0x1  }
0x2ba: {  	v3 =	vadd.f32 v4, v3;
	_ =	sdelay $0x1  }
0x2bb: {  	(xrf2) =	vadd.scan.msk.f32 $0xffff, v3;
	v60 =	vpop (erf)  }
0x2bc: {  	v3 =	vadd.f32 $1.000000000e+00, v60;
	v61 =	vpop (erf)  }
0x2bd: {  	v4 =	vadd.f32 $1.000000000e+00, v61  }
0x2be: {  	(erf) = vrcp.f32 v3  }
0x2bf: {  	(erf) = vrcp.f32 v4;
	_ =	sdelay $0x5  }
0x2c0: {  	v3, _, _ =	vpop (xrf2)  }
0x2c1: {  	v3 =	vadd.f32 $0.0e+00, v3  }
0x2c2: {  	s12 =	sadd.s32 $0x10, s12;
	v62 =	vpop (erf)  }
0x2c3: {  	s11 =	sadd.s32 $0x10, s11;
	v3 =	vbroadcast v3, $0xF;
	[tilespmem:s12+$0x0] =	vst v62;
	v63 =	vpop (erf)  }
0x2c4: {  	[tilespmem:s11+$0x0] =	vst v63  }
0x2c5: {  	s15 =	rddreg [dreg:$0x13];
	[tilespmem:$0xD000] =	vst v3  }
0x2c6: {  	[hbm4b:s15+s3] =	stream.linear.scatter [tilespmem:s9], [sflag:$0x2], $0x200, $0x38;
	[tilespmem:$0xD010] =	vst v63  }
0x2c7: {  	_ =	swait.ge [sflag:s23], $0x200  }
0x2c8: {  	[sflag:s23] =	ssyncset.done $0x0  }
0x2c9: {  	[sflag:s23] =	ssyncadd.s32 $0xFFFFFE00  }
0x2ca: {  	[hbm4b:s20+s3] =	stream.linear.scatter [tilespmem:s29], [sflag:$0x2], $0x200, $0x38;
	[tilespmem:$0xD010] =	vst v63  }
0x2cb: {  	s10 =	sadd.s32 $0x1, s10;
	_ =	swait.ge [sflag:s23], $0x200  }
0x2cc: {  	p0 =	sne.s32 s10, s22;
	[sflag:s23] =	ssyncset.done $0x0  }
.Ltmp1:
0x2cd: {  	s16 =	simm.s32 $0xD000;
	[sflag:s23] =	ssyncadd.s32 $0xFFFFFE00;
	(pc) =	sbr.rel @p0 .LBB2_1-.Ltmp1, $4  }
0x2ce: {  	[hbm4b:s21+s3] =	stream.linear.scatter [tilespmem:s16], [sflag:$0x2], $0x10, $0x38;
	[tilespmem:$0xD010] =	vst v63  }
0x2cf: {  	_ =	swait.ge [sflag:s23], $0x10  }
0x2d0: {  	[sflag:s23] =	ssyncset.done $0x0  }
0x2d1: {  	[sflag:s23] =	ssyncadd.s32 $0xFFFFFFF0  }
0x2d2: {  	_ =	sfence.sel $0x180000  }
0x2d3: {  	[bflag:$0x0] =	sbarrier.arrive $0xFFFF  }
0x2d4: {  	_ =	strace $0x90000047  }
0x2d5: {  	s0 =	stileid.u32;
	[bflag:$0x2] =	sbarrier.arrive $0xFFFF  }
0x2d6: {  	p0 =	sne.s32 s0, $0x0;
	s0 =	rddreg [dreg:$0x6]  }
0x2d7: {  	s0 =	sadd.s32 @!p0 $0x100000, s0  }
0x2d8: {  	[sflag:s0] =	ssyncadd.tile.s32 @!p0 $0x1;
	_ =	shalt  }
.Lfunc_end2:
_tile_overlayer_lowered:
.L_overlay_start_2:
0x2d9: {  	(tag) =	ssettag $0x2  }
0x2da: {  	s0 =	rddreg [dreg:$0x0];
	s2 =	stileid.u32  }
0x2db: {  	s1 =	rddreg [dreg:$0x1];
	p0 =	sne.s32 s2, $0x0  }
0x2dc: {  	s3 =	rddreg [dreg:$0x2];
	[bflag:$0x3] =	sbarrier.arrive $0xFFFF;
	s2 =	simm.s32 @!p0 $0x1C02  }
0x2dd: {  	[timem:s3], [sflag:s2] =	dma.local @!p0 [hbm:s0], s1  }
0x2de: {  	s0 =	simm.s32 @!p0 $0x2  }
0x2df: {  	_ =	swait.ge @!p0 [sflag:s0], s1  }
0x2e0: {  	s1 =	ssub.s32 @!p0 $0x0, s1;
	[sflag:s0] =	ssyncset.done @!p0 $0x0  }
0x2e1: {  	[sflag:s0] =	ssyncadd.s32 @!p0 s1  }
0x2e2: {  	[bflag:$0x3] =	sbarrier.arrive $0xFFFF  }
0x2e3: {  	_ =	shalt  }

</sc_bundles>
